<compile_context>
chip_gen: v7x
topology: tpu7x:2x2x1
jax: 0.10.2.dev20260603
libtpu: 0.0.44.dev20260713+nightly
codegen_flags: <defaults>
</compile_context>

<pallas_src>
import functools

import jax
import jax.numpy as jnp
from jax import lax
from jax.experimental import pallas as pl
from jax.experimental.pallas import tpu as pltpu
from jax.experimental.pallas import tpu_sc as plsc

E = 64
TOP_K = 8
D_MODEL = 1024
D_FF = 512
N_TOKENS = 32768
P = N_TOKENS * TOP_K
BLK = 1024
NB = P // BLK + E
PP = NB * BLK

NUM_WORKERS = 32

_G = 2048
_g = P // _G


def _routing_tables(expert_indices, batch_size_per_expert):
    flat_idx = expert_indices.reshape(-1).astype(jnp.int32)
    counts = batch_size_per_expert.astype(jnp.int32)

    blocks_per_e = (counts + BLK - 1) // BLK
    bcum = jnp.cumsum(blocks_per_e)
    padded_start = (bcum - blocks_per_e) * BLK

    block_expert = jnp.sum(
        jnp.arange(NB, dtype=jnp.int32)[:, None] >= bcum[None, :],
        axis=1, dtype=jnp.int32)
    block_expert = jnp.minimum(block_expert, E - 1)

    eg = flat_idx.reshape(_G, _g)
    ohg = (eg[:, :, None] == jnp.arange(E, dtype=jnp.int32)).astype(
        jnp.bfloat16)
    lg = (jnp.arange(_g)[:, None] > jnp.arange(_g)[None, :]).astype(
        jnp.bfloat16)
    intra = jnp.einsum("ij,gje->gie", lg, ohg,
                       preferred_element_type=jnp.float32)
    gsum = jnp.sum(ohg, axis=1, dtype=jnp.float32)
    lG = (jnp.arange(_G)[:, None] > jnp.arange(_G)[None, :]).astype(
        jnp.bfloat16)
    gbase = jnp.dot(lG, gsum.astype(jnp.bfloat16),
                    preferred_element_type=jnp.float32)

    t = padded_start.astype(jnp.float32)[None, :] + gbase
    dest = jnp.sum((t[:, None, :] + intra) * ohg.astype(jnp.float32),
                   axis=-1)
    dest = jnp.round(dest).astype(jnp.int32).reshape(-1)
    return block_expert, dest



_P_CT = 32
_P_TOK_PER_W = N_TOKENS // NUM_WORKERS
_P_NCHUNK = _P_TOK_PER_W // _P_CT


def _make_permute():
    mesh = plsc.VectorSubcoreMesh(core_axis_name="c", subcore_axis_name="s")

    @functools.partial(
        pl.kernel, mesh=mesh,
        out_type=jax.ShapeDtypeStruct((PP, D_MODEL), jnp.float32),
        scratch_types=[
            pltpu.VMEM((TOP_K, _P_TOK_PER_W), jnp.int32),
            pltpu.VMEM((2, _P_CT, D_MODEL), jnp.float32),
            pltpu.SemaphoreType.DMA,
            pltpu.SemaphoreType.DMA,
            pltpu.SemaphoreType.DMA,
            pltpu.SemaphoreType.DMA,
        ],
    )
    def permute_k(x_hbm, destT_hbm, out_hbm, idx_v, rows_v,
                  gs0, gs1, ws0, ws1):
        wid = lax.axis_index("s") * 2 + lax.axis_index("c")
        tok_base = wid * _P_TOK_PER_W
        gs = (gs0, gs1)
        ws = (ws0, ws1)

        pltpu.sync_copy(
            destT_hbm.at[:, pl.ds(tok_base, _P_TOK_PER_W)], idx_v)

        def in_copy(c, b):
            return pltpu.make_async_copy(
                x_hbm.at[pl.ds(tok_base + c * _P_CT, _P_CT)],
                rows_v.at[b], gs[b])

        def out_copy(c, b, k):
            return pltpu.make_async_copy(
                rows_v.at[b],
                out_hbm.at[idx_v.at[k, pl.ds(c * _P_CT, _P_CT)]], ws[b])

        in_copy(0, 0).start()

        def grp(g2, carry):
            for b in range(2):
                c = g2 * 2 + b
                in_copy(c, b).wait()

                @pl.when(c >= 1)
                def _():
                    for k in range(TOP_K):
                        out_copy(0, 1 - b, 0).wait()

                @pl.when(c + 1 < _P_NCHUNK)
                def _():
                    in_copy(c + 1, 1 - b).start()

                for k in range(TOP_K):
                    out_copy(c, b, k).start()
            return carry

        lax.fori_loop(0, _P_NCHUNK // 2, grp, 0)
        for k in range(TOP_K):
            out_copy(0, (_P_NCHUNK - 1) % 2, 0).wait()

    return permute_k



def _mlp_block(be_ref, xb_ref, w1_ref, w2_ref, ob_ref):
    del be_ref
    xb = xb_ref[...].astype(jnp.bfloat16)
    h = jax.nn.gelu(jnp.dot(xb, w1_ref[0],
                            preferred_element_type=jnp.float32))
    ob_ref[...] = jnp.dot(h.astype(jnp.bfloat16), w2_ref[0],
                          preferred_element_type=jnp.float32)


def _grouped_mlp(block_expert, x_perm, w1, w2):
    grid_spec = pltpu.PrefetchScalarGridSpec(
        num_scalar_prefetch=1,
        grid=(NB,),
        in_specs=[
            pl.BlockSpec((BLK, D_MODEL), lambda b, be: (b, 0)),
            pl.BlockSpec((1, D_MODEL, D_FF), lambda b, be: (be[b], 0, 0)),
            pl.BlockSpec((1, D_FF, D_MODEL), lambda b, be: (be[b], 0, 0)),
        ],
        out_specs=pl.BlockSpec((BLK, D_MODEL), lambda b, be: (b, 0)),
    )
    return pl.pallas_call(
        _mlp_block,
        grid_spec=grid_spec,
        out_shape=jax.ShapeDtypeStruct((PP, D_MODEL), jnp.float32),
    )(block_expert, x_perm, w1, w2)



_U_TOK = 4
_U_TOK_PER_W = N_TOKENS // NUM_WORKERS
_U_NCHUNK = _U_TOK_PER_W // _U_TOK
_U_NGRP = _U_NCHUNK // 2
_NV = D_MODEL // 16
_U_IDX_PER_W = _U_TOK_PER_W * TOP_K


def _make_unpermute():
    mesh = plsc.VectorSubcoreMesh(core_axis_name="c", subcore_axis_name="s")

    @functools.partial(
        pl.kernel, mesh=mesh,
        out_type=jax.ShapeDtypeStruct((N_TOKENS, D_MODEL), jnp.float32),
        scratch_types=[
            pltpu.VMEM((_U_IDX_PER_W,), jnp.int32),
            pltpu.VMEM((_U_IDX_PER_W,), jnp.float32),
            pltpu.VMEM((2, _U_TOK * TOP_K, D_MODEL), jnp.float32),
            pltpu.VMEM((2, _U_TOK, D_MODEL), jnp.float32),
            pltpu.SemaphoreType.DMA,
            pltpu.SemaphoreType.DMA,
            pltpu.SemaphoreType.DMA,
            pltpu.SemaphoreType.DMA,
        ],
    )
    def unperm_k(outp_hbm, sidx_hbm, w_hbm, y_hbm, idx_all, w_all,
                 rows_v, y_v, gs0, gs1, ys0, ys1):
        wid = lax.axis_index("s") * 2 + lax.axis_index("c")
        tok_base = wid * _U_TOK_PER_W
        gs = (gs0, gs1)
        ys = (ys0, ys1)

        pltpu.sync_copy(sidx_hbm.at[pl.ds(tok_base * TOP_K, _U_IDX_PER_W)],
                        idx_all)
        pltpu.sync_copy(w_hbm.at[pl.ds(tok_base * TOP_K, _U_IDX_PER_W)],
                        w_all)

        def g_copy(c, b):
            return pltpu.make_async_copy(
                outp_hbm.at[idx_all.at[pl.ds(c * _U_TOK * TOP_K,
                                             _U_TOK * TOP_K)]],
                rows_v.at[b], gs[b])

        def y_copy(c, b):
            return pltpu.make_async_copy(
                y_v.at[b],
                y_hbm.at[pl.ds(tok_base + c * _U_TOK, _U_TOK)], ys[b])

        g_copy(0, 0).start()

        def grp(g, carry):
            for b in range(2):
                c = g * 2 + b
                g_copy(c, b).wait()

                @pl.when(c + 1 < _U_NCHUNK)
                def _():
                    g_copy(c + 1, 1 - b).start()

                @pl.when(g > 0)
                def _():
                    y_copy(c - 2, b).wait()

                wv = [w_all[pl.ds(c * _U_TOK * TOP_K + 16 * h, 16)]
                      for h in range(2)]
                dnums = lax.GatherDimensionNumbers(
                    offset_dims=(), collapsed_slice_dims=(0,),
                    start_index_map=(0,))
                wsp = []
                for j in range(_U_TOK):
                    for r in range(TOP_K):
                        lane = (j % 2) * TOP_K + r
                        wsp.append(lax.gather(
                            wv[j // 2],
                            jnp.full((16, 1), lane, jnp.int32),
                            dnums, (1,),
                            mode=lax.GatherScatterMode.PROMISE_IN_BOUNDS))

                def col_body(v, carry2):
                    for h in range(4):
                        sl = pl.ds(v * 64 + h * 16, 16)
                        for j in range(_U_TOK):
                            acc = rows_v[b, j * TOP_K, sl] * wsp[j * TOP_K]
                            for r in range(1, TOP_K):
                                acc = acc + (rows_v[b, j * TOP_K + r, sl]
                                             * wsp[j * TOP_K + r])
                            y_v[b, j, sl] = acc
                    return carry2

                lax.fori_loop(0, D_MODEL // 64, col_body, 0)
                y_copy(c, b).start()
            return carry

        lax.fori_loop(0, _U_NGRP, grp, 0)
        y_copy(0, 0).wait()
        y_copy(0, 1).wait()

    return unperm_k


def kernel(x, expert_weights, expert_indices, batch_size_per_expert, w1, w2):
    block_expert, dest = _routing_tables(expert_indices,
                                         batch_size_per_expert)
    dest_t = dest.reshape(N_TOKENS, TOP_K).T
    flat_w = expert_weights.reshape(-1).astype(jnp.float32)

    x_perm = _make_permute()(x, dest_t)
    out_perm = _grouped_mlp(block_expert, x_perm,
                            w1.astype(jnp.bfloat16),
                            w2.astype(jnp.bfloat16))
    y = _make_unpermute()(out_perm, dest, flat_w)
    return y

# --- scband reference (transcript-rebuilt; emitter-appended) ---
"""Pipeline reference for scband-parallel-dropless-mlp-11793980195163 (READ-ONLY COPY).

The authoritative reference and input builder live on the scoring server;
editing this copy changes nothing except your own understanding.
"""

import jax, jax.numpy as jnp
import numpy as np

E = 64
TOP_K = 8
D_MODEL = 1024
D_FF = 512
N_TOKENS = 32768


def setup_inputs(seed: int = 0) -> dict:
    key = jax.random.key(seed)
    k1, k2, k3, k4, k5 = jax.random.split(key, 5)
    x = jax.random.normal(k1, (N_TOKENS, D_MODEL), dtype=jnp.float32)
    expert_weights = jax.nn.softmax(jax.random.normal(k2, (N_TOKENS, TOP_K), dtype=jnp.float32), axis=-1)
    expert_indices = jax.random.randint(k3, (N_TOKENS, TOP_K), 0, E, dtype=jnp.int32)
    # batch_size_per_expert must be consistent with expert_indices (dropless routing)
    batch_size_per_expert = jnp.bincount(expert_indices.reshape(-1), length=E)
    w1 = jax.random.normal(k4, (E, D_MODEL, D_FF), dtype=jnp.float32) * 0.02
    w2 = jax.random.normal(k5, (E, D_FF, D_MODEL), dtype=jnp.float32) * 0.02
    return {"x": x, "expert_weights": expert_weights, "expert_indices": expert_indices, "batch_size_per_expert": batch_size_per_expert, "w1": w1, "w2": w2}


def reference(x, expert_weights, expert_indices, batch_size_per_expert, w1, w2):
    n_tokens, d_model = x.shape
    top_k = expert_indices.shape[-1]
    flat_idx = expert_indices.reshape(-1)
    flat_w = expert_weights.reshape(-1)
    # indices_and_bins: stable sort of expert assignments, bins = cumsum of per-expert counts
    indices = jnp.argsort(flat_idx)
    bins = jnp.cumsum(batch_size_per_expert)
    token_idx = indices // top_k
    # permute: gather token rows so rows routed to the same expert are contiguous
    x_perm = jnp.take(x, token_idx, axis=0)
    starts = jnp.concatenate([jnp.zeros((1,), dtype=bins.dtype), bins[:-1]])
    ends = bins
    positions = jnp.arange(x_perm.shape[0], dtype=bins.dtype)

    def body(carry, inp):
        w1_e, w2_e, s, t = inp
        h = jax.nn.gelu(x_perm @ w1_e)
        o = h @ w2_e
        m = ((positions >= s) & (positions < t))[:, None]
        return jnp.where(m, o, carry), None

    init = jnp.zeros((x_perm.shape[0], d_model), dtype=x.dtype)
    out_perm, _ = jax.lax.scan(body, init, (w1, w2, starts, ends))
    # unpermute: weighted scatter-add back into original token order
    scaled = out_perm * flat_w[indices][:, None]
    y = jnp.zeros((n_tokens, d_model), dtype=x.dtype).at[token_idx].add(scaled)
    return y

if __name__ == "__main__":
    import jax
    _d = setup_inputs()
    print(jax.jit(kernel)(*tuple(_d.values())))

</pallas_src>

<mosaic_0001>
#map = affine_map<(d0, d1) -> (0, 0)>
#map1 = affine_map<(d0, d1) -> (0)>
module attributes {stable_mosaic.version = 14 : i64} {
  func.func @unperm_k(%arg0: i32, %arg1: i32, %arg2: memref<327680x1024xf32, #tpu.memory_space<hbm>>, %arg3: memref<262144xi32, #tpu.memory_space<hbm>>, %arg4: memref<262144xf32, #tpu.memory_space<hbm>>, %arg5: memref<32768x1024xf32, #tpu.memory_space<hbm>>, %arg6: memref<8192xi32, #tpu.memory_space<vmem>>, %arg7: memref<8192xf32, #tpu.memory_space<vmem>>, %arg8: memref<2x32x1024xf32, #tpu.memory_space<vmem>>, %arg9: memref<2x4x1024xf32, #tpu.memory_space<vmem>>, %arg10: memref<!tpu.dma_semaphore, #tpu.memory_space<semaphore_mem>>, %arg11: memref<!tpu.dma_semaphore, #tpu.memory_space<semaphore_mem>>, %arg12: memref<!tpu.dma_semaphore, #tpu.memory_space<semaphore_mem>>, %arg13: memref<!tpu.dma_semaphore, #tpu.memory_space<semaphore_mem>>) attributes {dimension_semantics = [#tpu.dimension_semantics<core_parallel>, #tpu.dimension_semantics<subcore_parallel>], iteration_bounds = array<i64: 2, 16>, scalar_prefetch = 0 : i64, scratch_operands = 8 : i64, tpu.core_type = #tpu.core_type<sc_vector_subcore>, window_params = [{transform_indices = #map}, {transform_indices = #map1}, {transform_indices = #map1}, {transform_indices = #map}]} {
    %mul3A = arith.constant 2 : i32
    %mul3A_0 = arith.muli %arg1, %mul3A : i32
    %add3A = arith.addi %mul3A_0, %arg0 : i32
    %mul3A_1 = arith.constant 1024 : i32
    %mul3A_2 = arith.muli %add3A, %mul3A_1 : i32
    %mul3A_3 = arith.constant 8 : i32
    %mul3A_4 = arith.muli %mul3A_2, %mul3A_3 : i32
    "tpu.region"() ({
      %run_scoped3A = tpu.sem_alloc : memref<!tpu.dma_semaphore, #tpu.memory_space<semaphore_mem>>
      %dma_start3A_50 = tpu.memref_slice %arg3[%mul3A_4] : memref<262144xi32, #tpu.memory_space<hbm>> -> memref<8192xi32, #tpu.memory_space<hbm>>
      %dma_start3A_51 = tpu.memref_slice %arg3[%mul3A_4] : memref<262144xi32, #tpu.memory_space<hbm>> -> memref<8192xi32, #tpu.memory_space<hbm>>
      tpu.enqueue_dma source(%dma_start3A_51 : memref<8192xi32, #tpu.memory_space<hbm>>) target(%arg6 : memref<8192xi32, #tpu.memory_space<vmem>>) target_semaphore(%run_scoped3A : memref<!tpu.dma_semaphore, #tpu.memory_space<semaphore_mem>>)
      %dma_wait3A_52 = tpu.memref_slice %arg3[%mul3A_4] : memref<262144xi32, #tpu.memory_space<hbm>> -> memref<8192xi32, #tpu.memory_space<hbm>>
      %dma_wait3A_53 = tpu.memref_slice %arg3[%mul3A_4] : memref<262144xi32, #tpu.memory_space<hbm>> -> memref<8192xi32, #tpu.memory_space<hbm>>
      tpu.wait_dma2 semaphore(%run_scoped3A : memref<!tpu.dma_semaphore, #tpu.memory_space<semaphore_mem>>) src(%dma_wait3A_53 : memref<8192xi32, #tpu.memory_space<hbm>>) dst(%arg6 : memref<8192xi32, #tpu.memory_space<vmem>>)
      tpu.yield
    }) : () -> ()
    %mul3A_5 = arith.constant 8 : i32
    %mul3A_6 = arith.muli %mul3A_2, %mul3A_5 : i32
    "tpu.region"() ({
      %run_scoped3A = tpu.sem_alloc : memref<!tpu.dma_semaphore, #tpu.memory_space<semaphore_mem>>
      %dma_start3A_50 = tpu.memref_slice %arg4[%mul3A_6] : memref<262144xf32, #tpu.memory_space<hbm>> -> memref<8192xf32, #tpu.memory_space<hbm>>
      %dma_start3A_51 = tpu.memref_slice %arg4[%mul3A_6] : memref<262144xf32, #tpu.memory_space<hbm>> -> memref<8192xf32, #tpu.memory_space<hbm>>
      tpu.enqueue_dma source(%dma_start3A_51 : memref<8192xf32, #tpu.memory_space<hbm>>) target(%arg7 : memref<8192xf32, #tpu.memory_space<vmem>>) target_semaphore(%run_scoped3A : memref<!tpu.dma_semaphore, #tpu.memory_space<semaphore_mem>>)
      %dma_wait3A_52 = tpu.memref_slice %arg4[%mul3A_6] : memref<262144xf32, #tpu.memory_space<hbm>> -> memref<8192xf32, #tpu.memory_space<hbm>>
      %dma_wait3A_53 = tpu.memref_slice %arg4[%mul3A_6] : memref<262144xf32, #tpu.memory_space<hbm>> -> memref<8192xf32, #tpu.memory_space<hbm>>
      tpu.wait_dma2 semaphore(%run_scoped3A : memref<!tpu.dma_semaphore, #tpu.memory_space<semaphore_mem>>) src(%dma_wait3A_53 : memref<8192xf32, #tpu.memory_space<hbm>>) dst(%arg7 : memref<8192xf32, #tpu.memory_space<vmem>>)
      tpu.yield
    }) : () -> ()
    %dma_start3A = arith.constant 0 : i32
    %dma_start3A_7 = arith.constant 0 : i32
    %dma_start3A_8 = arith.constant 0 : i32
    %dma_start3A_9 = tpu.memref_slice %arg8[%dma_start3A, %dma_start3A_7, %dma_start3A_8] : memref<2x32x1024xf32, #tpu.memory_space<vmem>> -> memref<1x32x1024xf32, #tpu.memory_space<vmem>>
    %dma_start3A_10 = tpu.memref_squeeze %dma_start3A_9 : memref<1x32x1024xf32, #tpu.memory_space<vmem>> -> memref<32x1024xf32, #tpu.memory_space<vmem>>
    %dma_start3A_11 = arith.constant 0 : i32
    %dma_start3A_12 = tpu.memref_slice %arg6[%dma_start3A_11] : memref<8192xi32, #tpu.memory_space<vmem>> -> memref<32xi32, #tpu.memory_space<vmem>>
    %dma_start3A_13 = arith.constant 0 : i32
    %dma_start3A_14 = arith.constant 0 : i32
    %dma_start3A_15 = tpu.memref_slice %arg2[%dma_start3A_13, %dma_start3A_14] : memref<327680x1024xf32, #tpu.memory_space<hbm>> -> memref<327680x1024xf32, #tpu.memory_space<hbm>>
    tpu.enqueue_indirect_dma source(%dma_start3A_15 : memref<327680x1024xf32, #tpu.memory_space<hbm>>) target(%dma_start3A_10 : memref<32x1024xf32, #tpu.memory_space<vmem>>) offsets(%dma_start3A_12 : memref<32xi32, #tpu.memory_space<vmem>>) semaphore(%arg10 : memref<!tpu.dma_semaphore, #tpu.memory_space<semaphore_mem>>)
    %scan3A = arith.constant 0 : i32
    %scan3A_16 = arith.constant 0 : i32
    %scan3A_17 = arith.constant 128 : i32
    %scan3A_18 = arith.addi %scan3A_16, %scan3A_17 : i32
    %scan3A_19 = arith.constant 1 : i32
    scf.for %scan3A_50 = %scan3A_16 to %scan3A_18 step %scan3A_19  : i32 {
      %mul3A_51 = arith.constant 2 : i32
      %mul3A_52 = arith.muli %scan3A_50, %mul3A_51 : i32
      %add3A_53 = arith.constant 0 : i32
      %add3A_54 = arith.addi %mul3A_52, %add3A_53 : i32
      %mul3A_55 = arith.constant 4 : i32
      %mul3A_56 = arith.muli %add3A_54, %mul3A_55 : i32
      %mul3A_57 = arith.constant 8 : i32
      %mul3A_58 = arith.muli %mul3A_56, %mul3A_57 : i32
      %dma_wait3A_59 = arith.constant 0 : i32
      %dma_wait3A_60 = arith.constant 0 : i32
      %dma_wait3A_61 = arith.constant 0 : i32
      %dma_wait3A_62 = tpu.memref_slice %arg8[%dma_wait3A_59, %dma_wait3A_60, %dma_wait3A_61] : memref<2x32x1024xf32, #tpu.memory_space<vmem>> -> memref<1x32x1024xf32, #tpu.memory_space<vmem>>
      %dma_wait3A_63 = tpu.memref_squeeze %dma_wait3A_62 : memref<1x32x1024xf32, #tpu.memory_space<vmem>> -> memref<32x1024xf32, #tpu.memory_space<vmem>>
      %dma_wait3A_64 = tpu.memref_slice %arg6[%mul3A_58] : memref<8192xi32, #tpu.memory_space<vmem>> -> memref<32xi32, #tpu.memory_space<vmem>>
      %dma_wait3A_65 = arith.constant 0 : i32
      %dma_wait3A_66 = arith.constant 0 : i32
      %dma_wait3A_67 = tpu.memref_slice %arg2[%dma_wait3A_65, %dma_wait3A_66] : memref<327680x1024xf32, #tpu.memory_space<hbm>> -> memref<327680x1024xf32, #tpu.memory_space<hbm>>
      tpu.wait_indirect_dma semaphore(%arg10 : memref<!tpu.dma_semaphore, #tpu.memory_space<semaphore_mem>>) src(%dma_wait3A_67 : memref<327680x1024xf32, #tpu.memory_space<hbm>>) dst(%dma_wait3A_63 : memref<32x1024xf32, #tpu.memory_space<vmem>>)
      %add3A_68 = arith.constant 1 : i32
      %add3A_69 = arith.addi %add3A_54, %add3A_68 : i32
      %lt3A = arith.constant 256 : i32
      %lt3A_70 = arith.cmpi slt, %add3A_69, %lt3A : i32
      %convert_element_type3A = arith.extui %lt3A_70 : i1 to i32
      %cond3A = arith.constant 0 : i32
      %cond3A_71 = arith.cmpi ne, %convert_element_type3A, %cond3A : i32
      scf.if %cond3A_71 {
        %add3A_438 = arith.constant 1 : i32
        %add3A_439 = arith.addi %add3A_54, %add3A_438 : i32
        %mul3A_440 = arith.constant 4 : i32
        %mul3A_441 = arith.muli %add3A_439, %mul3A_440 : i32
        %mul3A_442 = arith.constant 8 : i32
        %mul3A_443 = arith.muli %mul3A_441, %mul3A_442 : i32
        %dma_start3A_444 = arith.constant 1 : i32
        %dma_start3A_445 = arith.constant 0 : i32
        %dma_start3A_446 = arith.constant 0 : i32
        %dma_start3A_447 = tpu.memref_slice %arg8[%dma_start3A_444, %dma_start3A_445, %dma_start3A_446] : memref<2x32x1024xf32, #tpu.memory_space<vmem>> -> memref<1x32x1024xf32, #tpu.memory_space<vmem>>
        %dma_start3A_448 = tpu.memref_squeeze %dma_start3A_447 : memref<1x32x1024xf32, #tpu.memory_space<vmem>> -> memref<32x1024xf32, #tpu.memory_space<vmem>>
        %dma_start3A_449 = tpu.memref_slice %arg6[%mul3A_443] : memref<8192xi32, #tpu.memory_space<vmem>> -> memref<32xi32, #tpu.memory_space<vmem>>
        %dma_start3A_450 = arith.constant 0 : i32
        %dma_start3A_451 = arith.constant 0 : i32
        %dma_start3A_452 = tpu.memref_slice %arg2[%dma_start3A_450, %dma_start3A_451] : memref<327680x1024xf32, #tpu.memory_space<hbm>> -> memref<327680x1024xf32, #tpu.memory_space<hbm>>
        tpu.enqueue_indirect_dma source(%dma_start3A_452 : memref<327680x1024xf32, #tpu.memory_space<hbm>>) target(%dma_start3A_448 : memref<32x1024xf32, #tpu.memory_space<vmem>>) offsets(%dma_start3A_449 : memref<32xi32, #tpu.memory_space<vmem>>) semaphore(%arg11 : memref<!tpu.dma_semaphore, #tpu.memory_space<semaphore_mem>>)
      } else {
      }
      %gt3A = arith.constant 0 : i32
      %gt3A_72 = arith.cmpi sgt, %scan3A_50, %gt3A : i32
      %convert_element_type3A_73 = arith.extui %gt3A_72 : i1 to i32
      %cond3A_74 = arith.constant 0 : i32
      %cond3A_75 = arith.cmpi ne, %convert_element_type3A_73, %cond3A_74 : i32
      scf.if %cond3A_75 {
        %sub3A = arith.constant 2 : i32
        %sub3A_438 = arith.subi %add3A_54, %sub3A : i32
        %mul3A_439 = arith.constant 4 : i32
        %mul3A_440 = arith.muli %sub3A_438, %mul3A_439 : i32
        %add3A_441 = arith.addi %mul3A_2, %mul3A_440 : i32
        %dma_wait3A_442 = arith.constant 0 : i32
        %dma_wait3A_443 = arith.constant 0 : i32
        %dma_wait3A_444 = arith.constant 0 : i32
        %dma_wait3A_445 = tpu.memref_slice %arg9[%dma_wait3A_442, %dma_wait3A_443, %dma_wait3A_444] : memref<2x4x1024xf32, #tpu.memory_space<vmem>> -> memref<1x4x1024xf32, #tpu.memory_space<vmem>>
        %dma_wait3A_446 = tpu.memref_squeeze %dma_wait3A_445 : memref<1x4x1024xf32, #tpu.memory_space<vmem>> -> memref<4x1024xf32, #tpu.memory_space<vmem>>
        %dma_wait3A_447 = arith.constant 0 : i32
        %dma_wait3A_448 = tpu.memref_slice %arg5[%add3A_441, %dma_wait3A_447] : memref<32768x1024xf32, #tpu.memory_space<hbm>> -> memref<4x1024xf32, #tpu.memory_space<hbm>>
        %dma_wait3A_449 = arith.constant 0 : i32
        %dma_wait3A_450 = tpu.memref_slice %arg5[%add3A_441, %dma_wait3A_449] : memref<32768x1024xf32, #tpu.memory_space<hbm>> -> memref<4x1024xf32, #tpu.memory_space<hbm>>
        %dma_wait3A_451 = arith.constant 0 : i32
        %dma_wait3A_452 = arith.constant 0 : i32
        %dma_wait3A_453 = tpu.memref_slice %arg9[%dma_wait3A_442, %dma_wait3A_451, %dma_wait3A_452] : memref<2x4x1024xf32, #tpu.memory_space<vmem>> -> memref<1x4x1024xf32, #tpu.memory_space<vmem>>
        %dma_wait3A_454 = tpu.memref_squeeze %dma_wait3A_453 : memref<1x4x1024xf32, #tpu.memory_space<vmem>> -> memref<4x1024xf32, #tpu.memory_space<vmem>>
        tpu.wait_dma2 semaphore(%arg12 : memref<!tpu.dma_semaphore, #tpu.memory_space<semaphore_mem>>) src(%dma_wait3A_454 : memref<4x1024xf32, #tpu.memory_space<vmem>>) dst(%dma_wait3A_450 : memref<4x1024xf32, #tpu.memory_space<hbm>>)
      } else {
      }
      %mul3A_76 = arith.constant 4 : i32
      %mul3A_77 = arith.muli %add3A_54, %mul3A_76 : i32
      %mul3A_78 = arith.constant 8 : i32
      %mul3A_79 = arith.muli %mul3A_77, %mul3A_78 : i32
      %add3A_80 = arith.constant 0 : i32
      %add3A_81 = arith.addi %mul3A_79, %add3A_80 : i32
      %get3A = arith.index_cast %add3A_81 : i32 to index
      %get3A_82 = tpu.vector_load %arg7[%get3A] {strides = array<i32>} : memref<8192xf32, #tpu.memory_space<vmem>>, vector<16xf32>,
      %get3A_83 = vector.shape_cast %get3A_82 : vector<16xf32> to vector<16xf32>
      %mul3A_84 = arith.constant 4 : i32
      %mul3A_85 = arith.muli %add3A_54, %mul3A_84 : i32
      %mul3A_86 = arith.constant 8 : i32
      %mul3A_87 = arith.muli %mul3A_85, %mul3A_86 : i32
      %add3A_88 = arith.constant 16 : i32
      %add3A_89 = arith.addi %mul3A_87, %add3A_88 : i32
      %get3A_90 = arith.index_cast %add3A_89 : i32 to index
      %get3A_91 = tpu.vector_load %arg7[%get3A_90] {strides = array<i32>} : memref<8192xf32, #tpu.memory_space<vmem>>, vector<16xf32>,
      %get3A_92 = vector.shape_cast %get3A_91 : vector<16xf32> to vector<16xf32>
      %broadcast_in_dim3A = arith.constant 0 : i32
      %broadcast_in_dim3A_93 = vector.broadcast %broadcast_in_dim3A : i32 to vector<16x1xi32>
      %gather3A = vector.shape_cast %broadcast_in_dim3A_93 : vector<16x1xi32> to vector<16xi32>
      %gather3A_94 = tpu.dynamic_gather %get3A_83[%gather3A] in [0] : vector<16xf32>, vector<16xi32> -> vector<16xf32>
      %broadcast_in_dim3A_95 = arith.constant 1 : i32
      %broadcast_in_dim3A_96 = vector.broadcast %broadcast_in_dim3A_95 : i32 to vector<16x1xi32>
      %gather3A_97 = vector.shape_cast %broadcast_in_dim3A_96 : vector<16x1xi32> to vector<16xi32>
      %gather3A_98 = tpu.dynamic_gather %get3A_83[%gather3A_97] in [0] : vector<16xf32>, vector<16xi32> -> vector<16xf32>
      %broadcast_in_dim3A_99 = arith.constant 2 : i32
      %broadcast_in_dim3A_100 = vector.broadcast %broadcast_in_dim3A_99 : i32 to vector<16x1xi32>
      %gather3A_101 = vector.shape_cast %broadcast_in_dim3A_100 : vector<16x1xi32> to vector<16xi32>
      %gather3A_102 = tpu.dynamic_gather %get3A_83[%gather3A_101] in [0] : vector<16xf32>, vector<16xi32> -> vector<16xf32>
      %broadcast_in_dim3A_103 = arith.constant 3 : i32
      %broadcast_in_dim3A_104 = vector.broadcast %broadcast_in_dim3A_103 : i32 to vector<16x1xi32>
      %gather3A_105 = vector.shape_cast %broadcast_in_dim3A_104 : vector<16x1xi32> to vector<16xi32>
      %gather3A_106 = tpu.dynamic_gather %get3A_83[%gather3A_105] in [0] : vector<16xf32>, vector<16xi32> -> vector<16xf32>
      %broadcast_in_dim3A_107 = arith.constant 4 : i32
      %broadcast_in_dim3A_108 = vector.broadcast %broadcast_in_dim3A_107 : i32 to vector<16x1xi32>
      %gather3A_109 = vector.shape_cast %broadcast_in_dim3A_108 : vector<16x1xi32> to vector<16xi32>
      %gather3A_110 = tpu.dynamic_gather %get3A_83[%gather3A_109] in [0] : vector<16xf32>, vector<16xi32> -> vector<16xf32>
      %broadcast_in_dim3A_111 = arith.constant 5 : i32
      %broadcast_in_dim3A_112 = vector.broadcast %broadcast_in_dim3A_111 : i32 to vector<16x1xi32>
      %gather3A_113 = vector.shape_cast %broadcast_in_dim3A_112 : vector<16x1xi32> to vector<16xi32>
      %gather3A_114 = tpu.dynamic_gather %get3A_83[%gather3A_113] in [0] : vector<16xf32>, vector<16xi32> -> vector<16xf32>
      %broadcast_in_dim3A_115 = arith.constant 6 : i32
      %broadcast_in_dim3A_116 = vector.broadcast %broadcast_in_dim3A_115 : i32 to vector<16x1xi32>
      %gather3A_117 = vector.shape_cast %broadcast_in_dim3A_116 : vector<16x1xi32> to vector<16xi32>
      %gather3A_118 = tpu.dynamic_gather %get3A_83[%gather3A_117] in [0] : vector<16xf32>, vector<16xi32> -> vector<16xf32>
      %broadcast_in_dim3A_119 = arith.constant 7 : i32
      %broadcast_in_dim3A_120 = vector.broadcast %broadcast_in_dim3A_119 : i32 to vector<16x1xi32>
      %gather3A_121 = vector.shape_cast %broadcast_in_dim3A_120 : vector<16x1xi32> to vector<16xi32>
      %gather3A_122 = tpu.dynamic_gather %get3A_83[%gather3A_121] in [0] : vector<16xf32>, vector<16xi32> -> vector<16xf32>
      %broadcast_in_dim3A_123 = arith.constant 8 : i32
      %broadcast_in_dim3A_124 = vector.broadcast %broadcast_in_dim3A_123 : i32 to vector<16x1xi32>
      %gather3A_125 = vector.shape_cast %broadcast_in_dim3A_124 : vector<16x1xi32> to vector<16xi32>
      %gather3A_126 = tpu.dynamic_gather %get3A_83[%gather3A_125] in [0] : vector<16xf32>, vector<16xi32> -> vector<16xf32>
      %broadcast_in_dim3A_127 = arith.constant 9 : i32
      %broadcast_in_dim3A_128 = vector.broadcast %broadcast_in_dim3A_127 : i32 to vector<16x1xi32>
      %gather3A_129 = vector.shape_cast %broadcast_in_dim3A_128 : vector<16x1xi32> to vector<16xi32>
      %gather3A_130 = tpu.dynamic_gather %get3A_83[%gather3A_129] in [0] : vector<16xf32>, vector<16xi32> -> vector<16xf32>
      %broadcast_in_dim3A_131 = arith.constant 10 : i32
      %broadcast_in_dim3A_132 = vector.broadcast %broadcast_in_dim3A_131 : i32 to vector<16x1xi32>
      %gather3A_133 = vector.shape_cast %broadcast_in_dim3A_132 : vector<16x1xi32> to vector<16xi32>
      %gather3A_134 = tpu.dynamic_gather %get3A_83[%gather3A_133] in [0] : vector<16xf32>, vector<16xi32> -> vector<16xf32>
      %broadcast_in_dim3A_135 = arith.constant 11 : i32
      %broadcast_in_dim3A_136 = vector.broadcast %broadcast_in_dim3A_135 : i32 to vector<16x1xi32>
      %gather3A_137 = vector.shape_cast %broadcast_in_dim3A_136 : vector<16x1xi32> to vector<16xi32>
      %gather3A_138 = tpu.dynamic_gather %get3A_83[%gather3A_137] in [0] : vector<16xf32>, vector<16xi32> -> vector<16xf32>
      %broadcast_in_dim3A_139 = arith.constant 12 : i32
      %broadcast_in_dim3A_140 = vector.broadcast %broadcast_in_dim3A_139 : i32 to vector<16x1xi32>
      %gather3A_141 = vector.shape_cast %broadcast_in_dim3A_140 : vector<16x1xi32> to vector<16xi32>
      %gather3A_142 = tpu.dynamic_gather %get3A_83[%gather3A_141] in [0] : vector<16xf32>, vector<16xi32> -> vector<16xf32>
      %broadcast_in_dim3A_143 = arith.constant 13 : i32
      %broadcast_in_dim3A_144 = vector.broadcast %broadcast_in_dim3A_143 : i32 to vector<16x1xi32>
      %gather3A_145 = vector.shape_cast %broadcast_in_dim3A_144 : vector<16x1xi32> to vector<16xi32>
      %gather3A_146 = tpu.dynamic_gather %get3A_83[%gather3A_145] in [0] : vector<16xf32>, vector<16xi32> -> vector<16xf32>
      %broadcast_in_dim3A_147 = arith.constant 14 : i32
      %broadcast_in_dim3A_148 = vector.broadcast %broadcast_in_dim3A_147 : i32 to vector<16x1xi32>
      %gather3A_149 = vector.shape_cast %broadcast_in_dim3A_148 : vector<16x1xi32> to vector<16xi32>
      %gather3A_150 = tpu.dynamic_gather %get3A_83[%gather3A_149] in [0] : vector<16xf32>, vector<16xi32> -> vector<16xf32>
      %broadcast_in_dim3A_151 = arith.constant 15 : i32
      %broadcast_in_dim3A_152 = vector.broadcast %broadcast_in_dim3A_151 : i32 to vector<16x1xi32>
      %gather3A_153 = vector.shape_cast %broadcast_in_dim3A_152 : vector<16x1xi32> to vector<16xi32>
      %gather3A_154 = tpu.dynamic_gather %get3A_83[%gather3A_153] in [0] : vector<16xf32>, vector<16xi32> -> vector<16xf32>
      %broadcast_in_dim3A_155 = arith.constant 0 : i32
      %broadcast_in_dim3A_156 = vector.broadcast %broadcast_in_dim3A_155 : i32 to vector<16x1xi32>
      %gather3A_157 = vector.shape_cast %broadcast_in_dim3A_156 : vector<16x1xi32> to vector<16xi32>
      %gather3A_158 = tpu.dynamic_gather %get3A_92[%gather3A_157] in [0] : vector<16xf32>, vector<16xi32> -> vector<16xf32>
      %broadcast_in_dim3A_159 = arith.constant 1 : i32
      %broadcast_in_dim3A_160 = vector.broadcast %broadcast_in_dim3A_159 : i32 to vector<16x1xi32>
      %gather3A_161 = vector.shape_cast %broadcast_in_dim3A_160 : vector<16x1xi32> to vector<16xi32>
      %gather3A_162 = tpu.dynamic_gather %get3A_92[%gather3A_161] in [0] : vector<16xf32>, vector<16xi32> -> vector<16xf32>
      %broadcast_in_dim3A_163 = arith.constant 2 : i32
      %broadcast_in_dim3A_164 = vector.broadcast %broadcast_in_dim3A_163 : i32 to vector<16x1xi32>
      %gather3A_165 = vector.shape_cast %broadcast_in_dim3A_164 : vector<16x1xi32> to vector<16xi32>
      %gather3A_166 = tpu.dynamic_gather %get3A_92[%gather3A_165] in [0] : vector<16xf32>, vector<16xi32> -> vector<16xf32>
      %broadcast_in_dim3A_167 = arith.constant 3 : i32
      %broadcast_in_dim3A_168 = vector.broadcast %broadcast_in_dim3A_167 : i32 to vector<16x1xi32>
      %gather3A_169 = vector.shape_cast %broadcast_in_dim3A_168 : vector<16x1xi32> to vector<16xi32>
      %gather3A_170 = tpu.dynamic_gather %get3A_92[%gather3A_169] in [0] : vector<16xf32>, vector<16xi32> -> vector<16xf32>
      %broadcast_in_dim3A_171 = arith.constant 4 : i32
      %broadcast_in_dim3A_172 = vector.broadcast %broadcast_in_dim3A_171 : i32 to vector<16x1xi32>
      %gather3A_173 = vector.shape_cast %broadcast_in_dim3A_172 : vector<16x1xi32> to vector<16xi32>
      %gather3A_174 = tpu.dynamic_gather %get3A_92[%gather3A_173] in [0] : vector<16xf32>, vector<16xi32> -> vector<16xf32>
      %broadcast_in_dim3A_175 = arith.constant 5 : i32
      %broadcast_in_dim3A_176 = vector.broadcast %broadcast_in_dim3A_175 : i32 to vector<16x1xi32>
      %gather3A_177 = vector.shape_cast %broadcast_in_dim3A_176 : vector<16x1xi32> to vector<16xi32>
      %gather3A_178 = tpu.dynamic_gather %get3A_92[%gather3A_177] in [0] : vector<16xf32>, vector<16xi32> -> vector<16xf32>
      %broadcast_in_dim3A_179 = arith.constant 6 : i32
      %broadcast_in_dim3A_180 = vector.broadcast %broadcast_in_dim3A_179 : i32 to vector<16x1xi32>
      %gather3A_181 = vector.shape_cast %broadcast_in_dim3A_180 : vector<16x1xi32> to vector<16xi32>
      %gather3A_182 = tpu.dynamic_gather %get3A_92[%gather3A_181] in [0] : vector<16xf32>, vector<16xi32> -> vector<16xf32>
      %broadcast_in_dim3A_183 = arith.constant 7 : i32
      %broadcast_in_dim3A_184 = vector.broadcast %broadcast_in_dim3A_183 : i32 to vector<16x1xi32>
      %gather3A_185 = vector.shape_cast %broadcast_in_dim3A_184 : vector<16x1xi32> to vector<16xi32>
      %gather3A_186 = tpu.dynamic_gather %get3A_92[%gather3A_185] in [0] : vector<16xf32>, vector<16xi32> -> vector<16xf32>
      %broadcast_in_dim3A_187 = arith.constant 8 : i32
      %broadcast_in_dim3A_188 = vector.broadcast %broadcast_in_dim3A_187 : i32 to vector<16x1xi32>
      %gather3A_189 = vector.shape_cast %broadcast_in_dim3A_188 : vector<16x1xi32> to vector<16xi32>
      %gather3A_190 = tpu.dynamic_gather %get3A_92[%gather3A_189] in [0] : vector<16xf32>, vector<16xi32> -> vector<16xf32>
      %broadcast_in_dim3A_191 = arith.constant 9 : i32
      %broadcast_in_dim3A_192 = vector.broadcast %broadcast_in_dim3A_191 : i32 to vector<16x1xi32>
      %gather3A_193 = vector.shape_cast %broadcast_in_dim3A_192 : vector<16x1xi32> to vector<16xi32>
      %gather3A_194 = tpu.dynamic_gather %get3A_92[%gather3A_193] in [0] : vector<16xf32>, vector<16xi32> -> vector<16xf32>
      %broadcast_in_dim3A_195 = arith.constant 10 : i32
      %broadcast_in_dim3A_196 = vector.broadcast %broadcast_in_dim3A_195 : i32 to vector<16x1xi32>
      %gather3A_197 = vector.shape_cast %broadcast_in_dim3A_196 : vector<16x1xi32> to vector<16xi32>
      %gather3A_198 = tpu.dynamic_gather %get3A_92[%gather3A_197] in [0] : vector<16xf32>, vector<16xi32> -> vector<16xf32>
      %broadcast_in_dim3A_199 = arith.constant 11 : i32
      %broadcast_in_dim3A_200 = vector.broadcast %broadcast_in_dim3A_199 : i32 to vector<16x1xi32>
      %gather3A_201 = vector.shape_cast %broadcast_in_dim3A_200 : vector<16x1xi32> to vector<16xi32>
      %gather3A_202 = tpu.dynamic_gather %get3A_92[%gather3A_201] in [0] : vector<16xf32>, vector<16xi32> -> vector<16xf32>
      %broadcast_in_dim3A_203 = arith.constant 12 : i32
      %broadcast_in_dim3A_204 = vector.broadcast %broadcast_in_dim3A_203 : i32 to vector<16x1xi32>
      %gather3A_205 = vector.shape_cast %broadcast_in_dim3A_204 : vector<16x1xi32> to vector<16xi32>
      %gather3A_206 = tpu.dynamic_gather %get3A_92[%gather3A_205] in [0] : vector<16xf32>, vector<16xi32> -> vector<16xf32>
      %broadcast_in_dim3A_207 = arith.constant 13 : i32
      %broadcast_in_dim3A_208 = vector.broadcast %broadcast_in_dim3A_207 : i32 to vector<16x1xi32>
      %gather3A_209 = vector.shape_cast %broadcast_in_dim3A_208 : vector<16x1xi32> to vector<16xi32>
      %gather3A_210 = tpu.dynamic_gather %get3A_92[%gather3A_209] in [0] : vector<16xf32>, vector<16xi32> -> vector<16xf32>
      %broadcast_in_dim3A_211 = arith.constant 14 : i32
      %broadcast_in_dim3A_212 = vector.broadcast %broadcast_in_dim3A_211 : i32 to vector<16x1xi32>
      %gather3A_213 = vector.shape_cast %broadcast_in_dim3A_212 : vector<16x1xi32> to vector<16xi32>
      %gather3A_214 = tpu.dynamic_gather %get3A_92[%gather3A_213] in [0] : vector<16xf32>, vector<16xi32> -> vector<16xf32>
      %broadcast_in_dim3A_215 = arith.constant 15 : i32
      %broadcast_in_dim3A_216 = vector.broadcast %broadcast_in_dim3A_215 : i32 to vector<16x1xi32>
      %gather3A_217 = vector.shape_cast %broadcast_in_dim3A_216 : vector<16x1xi32> to vector<16xi32>
      %gather3A_218 = tpu.dynamic_gather %get3A_92[%gather3A_217] in [0] : vector<16xf32>, vector<16xi32> -> vector<16xf32>
      %scan3A_219 = arith.constant 0 : i32
      %scan3A_220 = arith.constant 0 : i32
      %scan3A_221 = arith.constant 16 : i32
      %scan3A_222 = arith.addi %scan3A_220, %scan3A_221 : i32
      %scan3A_223 = arith.constant 1 : i32
      scf.for %scan3A_438 = %scan3A_220 to %scan3A_222 step %scan3A_223  : i32 {
        %mul3A_439 = arith.constant 64 : i32
        %mul3A_440 = arith.muli %scan3A_438, %mul3A_439 : i32
        %add3A_441 = arith.constant 0 : i32
        %add3A_442 = arith.addi %mul3A_440, %add3A_441 : i32
        %get3A_443 = arith.constant 0 : i32
        %get3A_444 = arith.constant 0 : i32
        %get3A_445 = arith.index_cast %get3A_443 : i32 to index
        %get3A_446 = arith.index_cast %get3A_444 : i32 to index
        %get3A_447 = arith.index_cast %add3A_442 : i32 to index
        %get3A_448 = tpu.vector_load %arg8[%get3A_445, %get3A_446, %get3A_447] {strides = array<i32>} : memref<2x32x1024xf32, #tpu.memory_space<vmem>>, vector<1x1x16xf32>,
        %get3A_449 = vector.shape_cast %get3A_448 : vector<1x1x16xf32> to vector<16xf32>
        %mul3A_450 = arith.mulf %get3A_449, %gather3A_94 : vector<16xf32>
        %get3A_451 = arith.constant 0 : i32
        %get3A_452 = arith.constant 1 : i32
        %get3A_453 = arith.index_cast %get3A_451 : i32 to index
        %get3A_454 = arith.index_cast %get3A_452 : i32 to index
        %get3A_455 = arith.index_cast %add3A_442 : i32 to index
        %get3A_456 = tpu.vector_load %arg8[%get3A_453, %get3A_454, %get3A_455] {strides = array<i32>} : memref<2x32x1024xf32, #tpu.memory_space<vmem>>, vector<1x1x16xf32>,
        %get3A_457 = vector.shape_cast %get3A_456 : vector<1x1x16xf32> to vector<16xf32>
        %mul3A_458 = arith.mulf %get3A_457, %gather3A_98 : vector<16xf32>
        %add3A_459 = arith.addf %mul3A_450, %mul3A_458 : vector<16xf32>
        %get3A_460 = arith.constant 0 : i32
        %get3A_461 = arith.constant 2 : i32
        %get3A_462 = arith.index_cast %get3A_460 : i32 to index
        %get3A_463 = arith.index_cast %get3A_461 : i32 to index
        %get3A_464 = arith.index_cast %add3A_442 : i32 to index
        %get3A_465 = tpu.vector_load %arg8[%get3A_462, %get3A_463, %get3A_464] {strides = array<i32>} : memref<2x32x1024xf32, #tpu.memory_space<vmem>>, vector<1x1x16xf32>,
        %get3A_466 = vector.shape_cast %get3A_465 : vector<1x1x16xf32> to vector<16xf32>
        %mul3A_467 = arith.mulf %get3A_466, %gather3A_102 : vector<16xf32>
        %add3A_468 = arith.addf %add3A_459, %mul3A_467 : vector<16xf32>
        %get3A_469 = arith.constant 0 : i32
        %get3A_470 = arith.constant 3 : i32
        %get3A_471 = arith.index_cast %get3A_469 : i32 to index
        %get3A_472 = arith.index_cast %get3A_470 : i32 to index
        %get3A_473 = arith.index_cast %add3A_442 : i32 to index
        %get3A_474 = tpu.vector_load %arg8[%get3A_471, %get3A_472, %get3A_473] {strides = array<i32>} : memref<2x32x1024xf32, #tpu.memory_space<vmem>>, vector<1x1x16xf32>,
        %get3A_475 = vector.shape_cast %get3A_474 : vector<1x1x16xf32> to vector<16xf32>
        %mul3A_476 = arith.mulf %get3A_475, %gather3A_106 : vector<16xf32>
        %add3A_477 = arith.addf %add3A_468, %mul3A_476 : vector<16xf32>
        %get3A_478 = arith.constant 0 : i32
        %get3A_479 = arith.constant 4 : i32
        %get3A_480 = arith.index_cast %get3A_478 : i32 to index
        %get3A_481 = arith.index_cast %get3A_479 : i32 to index
        %get3A_482 = arith.index_cast %add3A_442 : i32 to index
        %get3A_483 = tpu.vector_load %arg8[%get3A_480, %get3A_481, %get3A_482] {strides = array<i32>} : memref<2x32x1024xf32, #tpu.memory_space<vmem>>, vector<1x1x16xf32>,
        %get3A_484 = vector.shape_cast %get3A_483 : vector<1x1x16xf32> to vector<16xf32>
        %mul3A_485 = arith.mulf %get3A_484, %gather3A_110 : vector<16xf32>
        %add3A_486 = arith.addf %add3A_477, %mul3A_485 : vector<16xf32>
        %get3A_487 = arith.constant 0 : i32
        %get3A_488 = arith.constant 5 : i32
        %get3A_489 = arith.index_cast %get3A_487 : i32 to index
        %get3A_490 = arith.index_cast %get3A_488 : i32 to index
        %get3A_491 = arith.index_cast %add3A_442 : i32 to index
        %get3A_492 = tpu.vector_load %arg8[%get3A_489, %get3A_490, %get3A_491] {strides = array<i32>} : memref<2x32x1024xf32, #tpu.memory_space<vmem>>, vector<1x1x16xf32>,
        %get3A_493 = vector.shape_cast %get3A_492 : vector<1x1x16xf32> to vector<16xf32>
        %mul3A_494 = arith.mulf %get3A_493, %gather3A_114 : vector<16xf32>
        %add3A_495 = arith.addf %add3A_486, %mul3A_494 : vector<16xf32>
        %get3A_496 = arith.constant 0 : i32
        %get3A_497 = arith.constant 6 : i32
        %get3A_498 = arith.index_cast %get3A_496 : i32 to index
        %get3A_499 = arith.index_cast %get3A_497 : i32 to index
        %get3A_500 = arith.index_cast %add3A_442 : i32 to index
        %get3A_501 = tpu.vector_load %arg8[%get3A_498, %get3A_499, %get3A_500] {strides = array<i32>} : memref<2x32x1024xf32, #tpu.memory_space<vmem>>, vector<1x1x16xf32>,
        %get3A_502 = vector.shape_cast %get3A_501 : vector<1x1x16xf32> to vector<16xf32>
        %mul3A_503 = arith.mulf %get3A_502, %gather3A_118 : vector<16xf32>
        %add3A_504 = arith.addf %add3A_495, %mul3A_503 : vector<16xf32>
        %get3A_505 = arith.constant 0 : i32
        %get3A_506 = arith.constant 7 : i32
        %get3A_507 = arith.index_cast %get3A_505 : i32 to index
        %get3A_508 = arith.index_cast %get3A_506 : i32 to index
        %get3A_509 = arith.index_cast %add3A_442 : i32 to index
        %get3A_510 = tpu.vector_load %arg8[%get3A_507, %get3A_508, %get3A_509] {strides = array<i32>} : memref<2x32x1024xf32, #tpu.memory_space<vmem>>, vector<1x1x16xf32>,
        %get3A_511 = vector.shape_cast %get3A_510 : vector<1x1x16xf32> to vector<16xf32>
        %mul3A_512 = arith.mulf %get3A_511, %gather3A_122 : vector<16xf32>
        %add3A_513 = arith.addf %add3A_504, %mul3A_512 : vector<16xf32>
        %swap3A = arith.constant 0 : i32
        %swap3A_514 = arith.constant 0 : i32
        %swap3A_515 = arith.index_cast %swap3A : i32 to index
        %swap3A_516 = arith.index_cast %swap3A_514 : i32 to index
        %swap3A_517 = arith.index_cast %add3A_442 : i32 to index
        %swap3A_518 = tpu.vector_load %arg9[%swap3A_515, %swap3A_516, %swap3A_517] {strides = array<i32>} : memref<2x4x1024xf32, #tpu.memory_space<vmem>>, vector<1x1x16xf32>,
        %swap3A_519 = vector.shape_cast %swap3A_518 : vector<1x1x16xf32> to vector<16xf32>
        %swap3A_520 = vector.shape_cast %add3A_513 : vector<16xf32> to vector<1x1x16xf32>
        tpu.vector_store %arg9[%swap3A_515, %swap3A_516, %swap3A_517], %swap3A_520 {strides = array<i32>} : memref<2x4x1024xf32, #tpu.memory_space<vmem>>, vector<1x1x16xf32>,
        %get3A_521 = arith.constant 0 : i32
        %get3A_522 = arith.constant 8 : i32
        %get3A_523 = arith.index_cast %get3A_521 : i32 to index
        %get3A_524 = arith.index_cast %get3A_522 : i32 to index
        %get3A_525 = arith.index_cast %add3A_442 : i32 to index
        %get3A_526 = tpu.vector_load %arg8[%get3A_523, %get3A_524, %get3A_525] {strides = array<i32>} : memref<2x32x1024xf32, #tpu.memory_space<vmem>>, vector<1x1x16xf32>,
        %get3A_527 = vector.shape_cast %get3A_526 : vector<1x1x16xf32> to vector<16xf32>
        %mul3A_528 = arith.mulf %get3A_527, %gather3A_126 : vector<16xf32>
        %get3A_529 = arith.constant 0 : i32
        %get3A_530 = arith.constant 9 : i32
        %get3A_531 = arith.index_cast %get3A_529 : i32 to index
        %get3A_532 = arith.index_cast %get3A_530 : i32 to index
        %get3A_533 = arith.index_cast %add3A_442 : i32 to index
        %get3A_534 = tpu.vector_load %arg8[%get3A_531, %get3A_532, %get3A_533] {strides = array<i32>} : memref<2x32x1024xf32, #tpu.memory_space<vmem>>, vector<1x1x16xf32>,
        %get3A_535 = vector.shape_cast %get3A_534 : vector<1x1x16xf32> to vector<16xf32>
        %mul3A_536 = arith.mulf %get3A_535, %gather3A_130 : vector<16xf32>
        %add3A_537 = arith.addf %mul3A_528, %mul3A_536 : vector<16xf32>
        %get3A_538 = arith.constant 0 : i32
        %get3A_539 = arith.constant 10 : i32
        %get3A_540 = arith.index_cast %get3A_538 : i32 to index
        %get3A_541 = arith.index_cast %get3A_539 : i32 to index
        %get3A_542 = arith.index_cast %add3A_442 : i32 to index
        %get3A_543 = tpu.vector_load %arg8[%get3A_540, %get3A_541, %get3A_542] {strides = array<i32>} : memref<2x32x1024xf32, #tpu.memory_space<vmem>>, vector<1x1x16xf32>,
        %get3A_544 = vector.shape_cast %get3A_543 : vector<1x1x16xf32> to vector<16xf32>
        %mul3A_545 = arith.mulf %get3A_544, %gather3A_134 : vector<16xf32>
        %add3A_546 = arith.addf %add3A_537, %mul3A_545 : vector<16xf32>
        %get3A_547 = arith.constant 0 : i32
        %get3A_548 = arith.constant 11 : i32
        %get3A_549 = arith.index_cast %get3A_547 : i32 to index
        %get3A_550 = arith.index_cast %get3A_548 : i32 to index
        %get3A_551 = arith.index_cast %add3A_442 : i32 to index
        %get3A_552 = tpu.vector_load %arg8[%get3A_549, %get3A_550, %get3A_551] {strides = array<i32>} : memref<2x32x1024xf32, #tpu.memory_space<vmem>>, vector<1x1x16xf32>,
        %get3A_553 = vector.shape_cast %get3A_552 : vector<1x1x16xf32> to vector<16xf32>
        %mul3A_554 = arith.mulf %get3A_553, %gather3A_138 : vector<16xf32>
        %add3A_555 = arith.addf %add3A_546, %mul3A_554 : vector<16xf32>
        %get3A_556 = arith.constant 0 : i32
        %get3A_557 = arith.constant 12 : i32
        %get3A_558 = arith.index_cast %get3A_556 : i32 to index
        %get3A_559 = arith.index_cast %get3A_557 : i32 to index
        %get3A_560 = arith.index_cast %add3A_442 : i32 to index
        %get3A_561 = tpu.vector_load %arg8[%get3A_558, %get3A_559, %get3A_560] {strides = array<i32>} : memref<2x32x1024xf32, #tpu.memory_space<vmem>>, vector<1x1x16xf32>,
        %get3A_562 = vector.shape_cast %get3A_561 : vector<1x1x16xf32> to vector<16xf32>
        %mul3A_563 = arith.mulf %get3A_562, %gather3A_142 : vector<16xf32>
        %add3A_564 = arith.addf %add3A_555, %mul3A_563 : vector<16xf32>
        %get3A_565 = arith.constant 0 : i32
        %get3A_566 = arith.constant 13 : i32
        %get3A_567 = arith.index_cast %get3A_565 : i32 to index
        %get3A_568 = arith.index_cast %get3A_566 : i32 to index
        %get3A_569 = arith.index_cast %add3A_442 : i32 to index
        %get3A_570 = tpu.vector_load %arg8[%get3A_567, %get3A_568, %get3A_569] {strides = array<i32>} : memref<2x32x1024xf32, #tpu.memory_space<vmem>>, vector<1x1x16xf32>,
        %get3A_571 = vector.shape_cast %get3A_570 : vector<1x1x16xf32> to vector<16xf32>
        %mul3A_572 = arith.mulf %get3A_571, %gather3A_146 : vector<16xf32>
        %add3A_573 = arith.addf %add3A_564, %mul3A_572 : vector<16xf32>
        %get3A_574 = arith.constant 0 : i32
        %get3A_575 = arith.constant 14 : i32
        %get3A_576 = arith.index_cast %get3A_574 : i32 to index
        %get3A_577 = arith.index_cast %get3A_575 : i32 to index
        %get3A_578 = arith.index_cast %add3A_442 : i32 to index
        %get3A_579 = tpu.vector_load %arg8[%get3A_576, %get3A_577, %get3A_578] {strides = array<i32>} : memref<2x32x1024xf32, #tpu.memory_space<vmem>>, vector<1x1x16xf32>,
        %get3A_580 = vector.shape_cast %get3A_579 : vector<1x1x16xf32> to vector<16xf32>
        %mul3A_581 = arith.mulf %get3A_580, %gather3A_150 : vector<16xf32>
        %add3A_582 = arith.addf %add3A_573, %mul3A_581 : vector<16xf32>
        %get3A_583 = arith.constant 0 : i32
        %get3A_584 = arith.constant 15 : i32
        %get3A_585 = arith.index_cast %get3A_583 : i32 to index
        %get3A_586 = arith.index_cast %get3A_584 : i32 to index
        %get3A_587 = arith.index_cast %add3A_442 : i32 to index
        %get3A_588 = tpu.vector_load %arg8[%get3A_585, %get3A_586, %get3A_587] {strides = array<i32>} : memref<2x32x1024xf32, #tpu.memory_space<vmem>>, vector<1x1x16xf32>,
        %get3A_589 = vector.shape_cast %get3A_588 : vector<1x1x16xf32> to vector<16xf32>
        %mul3A_590 = arith.mulf %get3A_589, %gather3A_154 : vector<16xf32>
        %add3A_591 = arith.addf %add3A_582, %mul3A_590 : vector<16xf32>
        %swap3A_592 = arith.constant 0 : i32
        %swap3A_593 = arith.constant 1 : i32
        %swap3A_594 = arith.index_cast %swap3A_592 : i32 to index
        %swap3A_595 = arith.index_cast %swap3A_593 : i32 to index
        %swap3A_596 = arith.index_cast %add3A_442 : i32 to index
        %swap3A_597 = tpu.vector_load %arg9[%swap3A_594, %swap3A_595, %swap3A_596] {strides = array<i32>} : memref<2x4x1024xf32, #tpu.memory_space<vmem>>, vector<1x1x16xf32>,
        %swap3A_598 = vector.shape_cast %swap3A_597 : vector<1x1x16xf32> to vector<16xf32>
        %swap3A_599 = vector.shape_cast %add3A_591 : vector<16xf32> to vector<1x1x16xf32>
        tpu.vector_store %arg9[%swap3A_594, %swap3A_595, %swap3A_596], %swap3A_599 {strides = array<i32>} : memref<2x4x1024xf32, #tpu.memory_space<vmem>>, vector<1x1x16xf32>,
        %get3A_600 = arith.constant 0 : i32
        %get3A_601 = arith.constant 16 : i32
        %get3A_602 = arith.index_cast %get3A_600 : i32 to index
        %get3A_603 = arith.index_cast %get3A_601 : i32 to index
        %get3A_604 = arith.index_cast %add3A_442 : i32 to index
        %get3A_605 = tpu.vector_load %arg8[%get3A_602, %get3A_603, %get3A_604] {strides = array<i32>} : memref<2x32x1024xf32, #tpu.memory_space<vmem>>, vector<1x1x16xf32>,
        %get3A_606 = vector.shape_cast %get3A_605 : vector<1x1x16xf32> to vector<16xf32>
        %mul3A_607 = arith.mulf %get3A_606, %gather3A_158 : vector<16xf32>
        %get3A_608 = arith.constant 0 : i32
        %get3A_609 = arith.constant 17 : i32
        %get3A_610 = arith.index_cast %get3A_608 : i32 to index
        %get3A_611 = arith.index_cast %get3A_609 : i32 to index
        %get3A_612 = arith.index_cast %add3A_442 : i32 to index
        %get3A_613 = tpu.vector_load %arg8[%get3A_610, %get3A_611, %get3A_612] {strides = array<i32>} : memref<2x32x1024xf32, #tpu.memory_space<vmem>>, vector<1x1x16xf32>,
        %get3A_614 = vector.shape_cast %get3A_613 : vector<1x1x16xf32> to vector<16xf32>
        %mul3A_615 = arith.mulf %get3A_614, %gather3A_162 : vector<16xf32>
        %add3A_616 = arith.addf %mul3A_607, %mul3A_615 : vector<16xf32>
        %get3A_617 = arith.constant 0 : i32
        %get3A_618 = arith.constant 18 : i32
        %get3A_619 = arith.index_cast %get3A_617 : i32 to index
        %get3A_620 = arith.index_cast %get3A_618 : i32 to index
        %get3A_621 = arith.index_cast %add3A_442 : i32 to index
        %get3A_622 = tpu.vector_load %arg8[%get3A_619, %get3A_620, %get3A_621] {strides = array<i32>} : memref<2x32x1024xf32, #tpu.memory_space<vmem>>, vector<1x1x16xf32>,
        %get3A_623 = vector.shape_cast %get3A_622 : vector<1x1x16xf32> to vector<16xf32>
        %mul3A_624 = arith.mulf %get3A_623, %gather3A_166 : vector<16xf32>
        %add3A_625 = arith.addf %add3A_616, %mul3A_624 : vector<16xf32>
        %get3A_626 = arith.constant 0 : i32
        %get3A_627 = arith.constant 19 : i32
        %get3A_628 = arith.index_cast %get3A_626 : i32 to index
        %get3A_629 = arith.index_cast %get3A_627 : i32 to index
        %get3A_630 = arith.index_cast %add3A_442 : i32 to index
        %get3A_631 = tpu.vector_load %arg8[%get3A_628, %get3A_629, %get3A_630] {strides = array<i32>} : memref<2x32x1024xf32, #tpu.memory_space<vmem>>, vector<1x1x16xf32>,
        %get3A_632 = vector.shape_cast %get3A_631 : vector<1x1x16xf32> to vector<16xf32>
        %mul3A_633 = arith.mulf %get3A_632, %gather3A_170 : vector<16xf32>
        %add3A_634 = arith.addf %add3A_625, %mul3A_633 : vector<16xf32>
        %get3A_635 = arith.constant 0 : i32
        %get3A_636 = arith.constant 20 : i32
        %get3A_637 = arith.index_cast %get3A_635 : i32 to index
        %get3A_638 = arith.index_cast %get3A_636 : i32 to index
        %get3A_639 = arith.index_cast %add3A_442 : i32 to index
        %get3A_640 = tpu.vector_load %arg8[%get3A_637, %get3A_638, %get3A_639] {strides = array<i32>} : memref<2x32x1024xf32, #tpu.memory_space<vmem>>, vector<1x1x16xf32>,
        %get3A_641 = vector.shape_cast %get3A_640 : vector<1x1x16xf32> to vector<16xf32>
        %mul3A_642 = arith.mulf %get3A_641, %gather3A_174 : vector<16xf32>
        %add3A_643 = arith.addf %add3A_634, %mul3A_642 : vector<16xf32>
        %get3A_644 = arith.constant 0 : i32
        %get3A_645 = arith.constant 21 : i32
        %get3A_646 = arith.index_cast %get3A_644 : i32 to index
        %get3A_647 = arith.index_cast %get3A_645 : i32 to index
        %get3A_648 = arith.index_cast %add3A_442 : i32 to index
        %get3A_649 = tpu.vector_load %arg8[%get3A_646, %get3A_647, %get3A_648] {strides = array<i32>} : memref<2x32x1024xf32, #tpu.memory_space<vmem>>, vector<1x1x16xf32>,
        %get3A_650 = vector.shape_cast %get3A_649 : vector<1x1x16xf32> to vector<16xf32>
        %mul3A_651 = arith.mulf %get3A_650, %gather3A_178 : vector<16xf32>
        %add3A_652 = arith.addf %add3A_643, %mul3A_651 : vector<16xf32>
        %get3A_653 = arith.constant 0 : i32
        %get3A_654 = arith.constant 22 : i32
        %get3A_655 = arith.index_cast %get3A_653 : i32 to index
        %get3A_656 = arith.index_cast %get3A_654 : i32 to index
        %get3A_657 = arith.index_cast %add3A_442 : i32 to index
        %get3A_658 = tpu.vector_load %arg8[%get3A_655, %get3A_656, %get3A_657] {strides = array<i32>} : memref<2x32x1024xf32, #tpu.memory_space<vmem>>, vector<1x1x16xf32>,
        %get3A_659 = vector.shape_cast %get3A_658 : vector<1x1x16xf32> to vector<16xf32>
        %mul3A_660 = arith.mulf %get3A_659, %gather3A_182 : vector<16xf32>
        %add3A_661 = arith.addf %add3A_652, %mul3A_660 : vector<16xf32>
        %get3A_662 = arith.constant 0 : i32
        %get3A_663 = arith.constant 23 : i32
        %get3A_664 = arith.index_cast %get3A_662 : i32 to index
        %get3A_665 = arith.index_cast %get3A_663 : i32 to index
        %get3A_666 = arith.index_cast %add3A_442 : i32 to index
        %get3A_667 = tpu.vector_load %arg8[%get3A_664, %get3A_665, %get3A_666] {strides = array<i32>} : memref<2x32x1024xf32, #tpu.memory_space<vmem>>, vector<1x1x16xf32>,
        %get3A_668 = vector.shape_cast %get3A_667 : vector<1x1x16xf32> to vector<16xf32>
        %mul3A_669 = arith.mulf %get3A_668, %gather3A_186 : vector<16xf32>
        %add3A_670 = arith.addf %add3A_661, %mul3A_669 : vector<16xf32>
        %swap3A_671 = arith.constant 0 : i32
        %swap3A_672 = arith.constant 2 : i32
        %swap3A_673 = arith.index_cast %swap3A_671 : i32 to index
        %swap3A_674 = arith.index_cast %swap3A_672 : i32 to index
        %swap3A_675 = arith.index_cast %add3A_442 : i32 to index
        %swap3A_676 = tpu.vector_load %arg9[%swap3A_673, %swap3A_674, %swap3A_675] {strides = array<i32>} : memref<2x4x1024xf32, #tpu.memory_space<vmem>>, vector<1x1x16xf32>,
        %swap3A_677 = vector.shape_cast %swap3A_676 : vector<1x1x16xf32> to vector<16xf32>
        %swap3A_678 = vector.shape_cast %add3A_670 : vector<16xf32> to vector<1x1x16xf32>
        tpu.vector_store %arg9[%swap3A_673, %swap3A_674, %swap3A_675], %swap3A_678 {strides = array<i32>} : memref<2x4x1024xf32, #tpu.memory_space<vmem>>, vector<1x1x16xf32>,
        %get3A_679 = arith.constant 0 : i32
        %get3A_680 = arith.constant 24 : i32
        %get3A_681 = arith.index_cast %get3A_679 : i32 to index
        %get3A_682 = arith.index_cast %get3A_680 : i32 to index
        %get3A_683 = arith.index_cast %add3A_442 : i32 to index
        %get3A_684 = tpu.vector_load %arg8[%get3A_681, %get3A_682, %get3A_683] {strides = array<i32>} : memref<2x32x1024xf32, #tpu.memory_space<vmem>>, vector<1x1x16xf32>,
        %get3A_685 = vector.shape_cast %get3A_684 : vector<1x1x16xf32> to vector<16xf32>
        %mul3A_686 = arith.mulf %get3A_685, %gather3A_190 : vector<16xf32>
        %get3A_687 = arith.constant 0 : i32
        %get3A_688 = arith.constant 25 : i32
        %get3A_689 = arith.index_cast %get3A_687 : i32 to index
        %get3A_690 = arith.index_cast %get3A_688 : i32 to index
        %get3A_691 = arith.index_cast %add3A_442 : i32 to index
        %get3A_692 = tpu.vector_load %arg8[%get3A_689, %get3A_690, %get3A_691] {strides = array<i32>} : memref<2x32x1024xf32, #tpu.memory_space<vmem>>, vector<1x1x16xf32>,
        %get3A_693 = vector.shape_cast %get3A_692 : vector<1x1x16xf32> to vector<16xf32>
        %mul3A_694 = arith.mulf %get3A_693, %gather3A_194 : vector<16xf32>
        %add3A_695 = arith.addf %mul3A_686, %mul3A_694 : vector<16xf32>
        %get3A_696 = arith.constant 0 : i32
        %get3A_697 = arith.constant 26 : i32
        %get3A_698 = arith.index_cast %get3A_696 : i32 to index
        %get3A_699 = arith.index_cast %get3A_697 : i32 to index
        %get3A_700 = arith.index_cast %add3A_442 : i32 to index
        %get3A_701 = tpu.vector_load %arg8[%get3A_698, %get3A_699, %get3A_700] {strides = array<i32>} : memref<2x32x1024xf32, #tpu.memory_space<vmem>>, vector<1x1x16xf32>,
        %get3A_702 = vector.shape_cast %get3A_701 : vector<1x1x16xf32> to vector<16xf32>
        %mul3A_703 = arith.mulf %get3A_702, %gather3A_198 : vector<16xf32>
        %add3A_704 = arith.addf %add3A_695, %mul3A_703 : vector<16xf32>
        %get3A_705 = arith.constant 0 : i32
        %get3A_706 = arith.constant 27 : i32
        %get3A_707 = arith.index_cast %get3A_705 : i32 to index
        %get3A_708 = arith.index_cast %get3A_706 : i32 to index
        %get3A_709 = arith.index_cast %add3A_442 : i32 to index
        %get3A_710 = tpu.vector_load %arg8[%get3A_707, %get3A_708, %get3A_709] {strides = array<i32>} : memref<2x32x1024xf32, #tpu.memory_space<vmem>>, vector<1x1x16xf32>,
        %get3A_711 = vector.shape_cast %get3A_710 : vector<1x1x16xf32> to vector<16xf32>
        %mul3A_712 = arith.mulf %get3A_711, %gather3A_202 : vector<16xf32>
        %add3A_713 = arith.addf %add3A_704, %mul3A_712 : vector<16xf32>
        %get3A_714 = arith.constant 0 : i32
        %get3A_715 = arith.constant 28 : i32
        %get3A_716 = arith.index_cast %get3A_714 : i32 to index
        %get3A_717 = arith.index_cast %get3A_715 : i32 to index
        %get3A_718 = arith.index_cast %add3A_442 : i32 to index
        %get3A_719 = tpu.vector_load %arg8[%get3A_716, %get3A_717, %get3A_718] {strides = array<i32>} : memref<2x32x1024xf32, #tpu.memory_space<vmem>>, vector<1x1x16xf32>,
        %get3A_720 = vector.shape_cast %get3A_719 : vector<1x1x16xf32> to vector<16xf32>
        %mul3A_721 = arith.mulf %get3A_720, %gather3A_206 : vector<16xf32>
        %add3A_722 = arith.addf %add3A_713, %mul3A_721 : vector<16xf32>
        %get3A_723 = arith.constant 0 : i32
        %get3A_724 = arith.constant 29 : i32
        %get3A_725 = arith.index_cast %get3A_723 : i32 to index
        %get3A_726 = arith.index_cast %get3A_724 : i32 to index
        %get3A_727 = arith.index_cast %add3A_442 : i32 to index
        %get3A_728 = tpu.vector_load %arg8[%get3A_725, %get3A_726, %get3A_727] {strides = array<i32>} : memref<2x32x1024xf32, #tpu.memory_space<vmem>>, vector<1x1x16xf32>,
        %get3A_729 = vector.shape_cast %get3A_728 : vector<1x1x16xf32> to vector<16xf32>
        %mul3A_730 = arith.mulf %get3A_729, %gather3A_210 : vector<16xf32>
        %add3A_731 = arith.addf %add3A_722, %mul3A_730 : vector<16xf32>
        %get3A_732 = arith.constant 0 : i32
        %get3A_733 = arith.constant 30 : i32
        %get3A_734 = arith.index_cast %get3A_732 : i32 to index
        %get3A_735 = arith.index_cast %get3A_733 : i32 to index
        %get3A_736 = arith.index_cast %add3A_442 : i32 to index
        %get3A_737 = tpu.vector_load %arg8[%get3A_734, %get3A_735, %get3A_736] {strides = array<i32>} : memref<2x32x1024xf32, #tpu.memory_space<vmem>>, vector<1x1x16xf32>,
        %get3A_738 = vector.shape_cast %get3A_737 : vector<1x1x16xf32> to vector<16xf32>
        %mul3A_739 = arith.mulf %get3A_738, %gather3A_214 : vector<16xf32>
        %add3A_740 = arith.addf %add3A_731, %mul3A_739 : vector<16xf32>
        %get3A_741 = arith.constant 0 : i32
        %get3A_742 = arith.constant 31 : i32
        %get3A_743 = arith.index_cast %get3A_741 : i32 to index
        %get3A_744 = arith.index_cast %get3A_742 : i32 to index
        %get3A_745 = arith.index_cast %add3A_442 : i32 to index
        %get3A_746 = tpu.vector_load %arg8[%get3A_743, %get3A_744, %get3A_745] {strides = array<i32>} : memref<2x32x1024xf32, #tpu.memory_space<vmem>>, vector<1x1x16xf32>,
        %get3A_747 = vector.shape_cast %get3A_746 : vector<1x1x16xf32> to vector<16xf32>
        %mul3A_748 = arith.mulf %get3A_747, %gather3A_218 : vector<16xf32>
        %add3A_749 = arith.addf %add3A_740, %mul3A_748 : vector<16xf32>
        %swap3A_750 = arith.constant 0 : i32
        %swap3A_751 = arith.constant 3 : i32
        %swap3A_752 = arith.index_cast %swap3A_750 : i32 to index
        %swap3A_753 = arith.index_cast %swap3A_751 : i32 to index
        %swap3A_754 = arith.index_cast %add3A_442 : i32 to index
        %swap3A_755 = tpu.vector_load %arg9[%swap3A_752, %swap3A_753, %swap3A_754] {strides = array<i32>} : memref<2x4x1024xf32, #tpu.memory_space<vmem>>, vector<1x1x16xf32>,
        %swap3A_756 = vector.shape_cast %swap3A_755 : vector<1x1x16xf32> to vector<16xf32>
        %swap3A_757 = vector.shape_cast %add3A_749 : vector<16xf32> to vector<1x1x16xf32>
        tpu.vector_store %arg9[%swap3A_752, %swap3A_753, %swap3A_754], %swap3A_757 {strides = array<i32>} : memref<2x4x1024xf32, #tpu.memory_space<vmem>>, vector<1x1x16xf32>,
        %mul3A_758 = arith.constant 64 : i32
        %mul3A_759 = arith.muli %scan3A_438, %mul3A_758 : i32
        %add3A_760 = arith.constant 16 : i32
        %add3A_761 = arith.addi %mul3A_759, %add3A_760 : i32
        %get3A_762 = arith.constant 0 : i32
        %get3A_763 = arith.constant 0 : i32
        %get3A_764 = arith.index_cast %get3A_762 : i32 to index
        %get3A_765 = arith.index_cast %get3A_763 : i32 to index
        %get3A_766 = arith.index_cast %add3A_761 : i32 to index
        %get3A_767 = tpu.vector_load %arg8[%get3A_764, %get3A_765, %get3A_766] {strides = array<i32>} : memref<2x32x1024xf32, #tpu.memory_space<vmem>>, vector<1x1x16xf32>,
        %get3A_768 = vector.shape_cast %get3A_767 : vector<1x1x16xf32> to vector<16xf32>
        %mul3A_769 = arith.mulf %get3A_768, %gather3A_94 : vector<16xf32>
        %get3A_770 = arith.constant 0 : i32
        %get3A_771 = arith.constant 1 : i32
        %get3A_772 = arith.index_cast %get3A_770 : i32 to index
        %get3A_773 = arith.index_cast %get3A_771 : i32 to index
        %get3A_774 = arith.index_cast %add3A_761 : i32 to index
        %get3A_775 = tpu.vector_load %arg8[%get3A_772, %get3A_773, %get3A_774] {strides = array<i32>} : memref<2x32x1024xf32, #tpu.memory_space<vmem>>, vector<1x1x16xf32>,
        %get3A_776 = vector.shape_cast %get3A_775 : vector<1x1x16xf32> to vector<16xf32>
        %mul3A_777 = arith.mulf %get3A_776, %gather3A_98 : vector<16xf32>
        %add3A_778 = arith.addf %mul3A_769, %mul3A_777 : vector<16xf32>
        %get3A_779 = arith.constant 0 : i32
        %get3A_780 = arith.constant 2 : i32
        %get3A_781 = arith.index_cast %get3A_779 : i32 to index
        %get3A_782 = arith.index_cast %get3A_780 : i32 to index
        %get3A_783 = arith.index_cast %add3A_761 : i32 to index
        %get3A_784 = tpu.vector_load %arg8[%get3A_781, %get3A_782, %get3A_783] {strides = array<i32>} : memref<2x32x1024xf32, #tpu.memory_space<vmem>>, vector<1x1x16xf32>,
        %get3A_785 = vector.shape_cast %get3A_784 : vector<1x1x16xf32> to vector<16xf32>
        %mul3A_786 = arith.mulf %get3A_785, %gather3A_102 : vector<16xf32>
        %add3A_787 = arith.addf %add3A_778, %mul3A_786 : vector<16xf32>
        %get3A_788 = arith.constant 0 : i32
        %get3A_789 = arith.constant 3 : i32
        %get3A_790 = arith.index_cast %get3A_788 : i32 to index
        %get3A_791 = arith.index_cast %get3A_789 : i32 to index
        %get3A_792 = arith.index_cast %add3A_761 : i32 to index
        %get3A_793 = tpu.vector_load %arg8[%get3A_790, %get3A_791, %get3A_792] {strides = array<i32>} : memref<2x32x1024xf32, #tpu.memory_space<vmem>>, vector<1x1x16xf32>,
        %get3A_794 = vector.shape_cast %get3A_793 : vector<1x1x16xf32> to vector<16xf32>
        %mul3A_795 = arith.mulf %get3A_794, %gather3A_106 : vector<16xf32>
        %add3A_796 = arith.addf %add3A_787, %mul3A_795 : vector<16xf32>
        %get3A_797 = arith.constant 0 : i32
        %get3A_798 = arith.constant 4 : i32
        %get3A_799 = arith.index_cast %get3A_797 : i32 to index
        %get3A_800 = arith.index_cast %get3A_798 : i32 to index
        %get3A_801 = arith.index_cast %add3A_761 : i32 to index
        %get3A_802 = tpu.vector_load %arg8[%get3A_799, %get3A_800, %get3A_801] {strides = array<i32>} : memref<2x32x1024xf32, #tpu.memory_space<vmem>>, vector<1x1x16xf32>,
        %get3A_803 = vector.shape_cast %get3A_802 : vector<1x1x16xf32> to vector<16xf32>
        %mul3A_804 = arith.mulf %get3A_803, %gather3A_110 : vector<16xf32>
        %add3A_805 = arith.addf %add3A_796, %mul3A_804 : vector<16xf32>
        %get3A_806 = arith.constant 0 : i32
        %get3A_807 = arith.constant 5 : i32
        %get3A_808 = arith.index_cast %get3A_806 : i32 to index
        %get3A_809 = arith.index_cast %get3A_807 : i32 to index
        %get3A_810 = arith.index_cast %add3A_761 : i32 to index
        %get3A_811 = tpu.vector_load %arg8[%get3A_808, %get3A_809, %get3A_810] {strides = array<i32>} : memref<2x32x1024xf32, #tpu.memory_space<vmem>>, vector<1x1x16xf32>,
        %get3A_812 = vector.shape_cast %get3A_811 : vector<1x1x16xf32> to vector<16xf32>
        %mul3A_813 = arith.mulf %get3A_812, %gather3A_114 : vector<16xf32>
        %add3A_814 = arith.addf %add3A_805, %mul3A_813 : vector<16xf32>
        %get3A_815 = arith.constant 0 : i32
        %get3A_816 = arith.constant 6 : i32
        %get3A_817 = arith.index_cast %get3A_815 : i32 to index
        %get3A_818 = arith.index_cast %get3A_816 : i32 to index
        %get3A_819 = arith.index_cast %add3A_761 : i32 to index
        %get3A_820 = tpu.vector_load %arg8[%get3A_817, %get3A_818, %get3A_819] {strides = array<i32>} : memref<2x32x1024xf32, #tpu.memory_space<vmem>>, vector<1x1x16xf32>,
        %get3A_821 = vector.shape_cast %get3A_820 : vector<1x1x16xf32> to vector<16xf32>
        %mul3A_822 = arith.mulf %get3A_821, %gather3A_118 : vector<16xf32>
        %add3A_823 = arith.addf %add3A_814, %mul3A_822 : vector<16xf32>
        %get3A_824 = arith.constant 0 : i32
        %get3A_825 = arith.constant 7 : i32
        %get3A_826 = arith.index_cast %get3A_824 : i32 to index
        %get3A_827 = arith.index_cast %get3A_825 : i32 to index
        %get3A_828 = arith.index_cast %add3A_761 : i32 to index
        %get3A_829 = tpu.vector_load %arg8[%get3A_826, %get3A_827, %get3A_828] {strides = array<i32>} : memref<2x32x1024xf32, #tpu.memory_space<vmem>>, vector<1x1x16xf32>,
        %get3A_830 = vector.shape_cast %get3A_829 : vector<1x1x16xf32> to vector<16xf32>
        %mul3A_831 = arith.mulf %get3A_830, %gather3A_122 : vector<16xf32>
        %add3A_832 = arith.addf %add3A_823, %mul3A_831 : vector<16xf32>
        %swap3A_833 = arith.constant 0 : i32
        %swap3A_834 = arith.constant 0 : i32
        %swap3A_835 = arith.index_cast %swap3A_833 : i32 to index
        %swap3A_836 = arith.index_cast %swap3A_834 : i32 to index
        %swap3A_837 = arith.index_cast %add3A_761 : i32 to index
        %swap3A_838 = tpu.vector_load %arg9[%swap3A_835, %swap3A_836, %swap3A_837] {strides = array<i32>} : memref<2x4x1024xf32, #tpu.memory_space<vmem>>, vector<1x1x16xf32>,
        %swap3A_839 = vector.shape_cast %swap3A_838 : vector<1x1x16xf32> to vector<16xf32>
        %swap3A_840 = vector.shape_cast %add3A_832 : vector<16xf32> to vector<1x1x16xf32>
        tpu.vector_store %arg9[%swap3A_835, %swap3A_836, %swap3A_837], %swap3A_840 {strides = array<i32>} : memref<2x4x1024xf32, #tpu.memory_space<vmem>>, vector<1x1x16xf32>,
        %get3A_841 = arith.constant 0 : i32
        %get3A_842 = arith.constant 8 : i32
        %get3A_843 = arith.index_cast %get3A_841 : i32 to index
        %get3A_844 = arith.index_cast %get3A_842 : i32 to index
        %get3A_845 = arith.index_cast %add3A_761 : i32 to index
        %get3A_846 = tpu.vector_load %arg8[%get3A_843, %get3A_844, %get3A_845] {strides = array<i32>} : memref<2x32x1024xf32, #tpu.memory_space<vmem>>, vector<1x1x16xf32>,
        %get3A_847 = vector.shape_cast %get3A_846 : vector<1x1x16xf32> to vector<16xf32>
        %mul3A_848 = arith.mulf %get3A_847, %gather3A_126 : vector<16xf32>
        %get3A_849 = arith.constant 0 : i32
        %get3A_850 = arith.constant 9 : i32
        %get3A_851 = arith.index_cast %get3A_849 : i32 to index
        %get3A_852 = arith.index_cast %get3A_850 : i32 to index
        %get3A_853 = arith.index_cast %add3A_761 : i32 to index
        %get3A_854 = tpu.vector_load %arg8[%get3A_851, %get3A_852, %get3A_853] {strides = array<i32>} : memref<2x32x1024xf32, #tpu.memory_space<vmem>>, vector<1x1x16xf32>,
        %get3A_855 = vector.shape_cast %get3A_854 : vector<1x1x16xf32> to vector<16xf32>
        %mul3A_856 = arith.mulf %get3A_855, %gather3A_130 : vector<16xf32>
        %add3A_857 = arith.addf %mul3A_848, %mul3A_856 : vector<16xf32>
        %get3A_858 = arith.constant 0 : i32
        %get3A_859 = arith.constant 10 : i32
        %get3A_860 = arith.index_cast %get3A_858 : i32 to index
        %get3A_861 = arith.index_cast %get3A_859 : i32 to index
        %get3A_862 = arith.index_cast %add3A_761 : i32 to index
        %get3A_863 = tpu.vector_load %arg8[%get3A_860, %get3A_861, %get3A_862] {strides = array<i32>} : memref<2x32x1024xf32, #tpu.memory_space<vmem>>, vector<1x1x16xf32>,
        %get3A_864 = vector.shape_cast %get3A_863 : vector<1x1x16xf32> to vector<16xf32>
        %mul3A_865 = arith.mulf %get3A_864, %gather3A_134 : vector<16xf32>
        %add3A_866 = arith.addf %add3A_857, %mul3A_865 : vector<16xf32>
        %get3A_867 = arith.constant 0 : i32
        %get3A_868 = arith.constant 11 : i32
        %get3A_869 = arith.index_cast %get3A_867 : i32 to index
        %get3A_870 = arith.index_cast %get3A_868 : i32 to index
        %get3A_871 = arith.index_cast %add3A_761 : i32 to index
        %get3A_872 = tpu.vector_load %arg8[%get3A_869, %get3A_870, %get3A_871] {strides = array<i32>} : memref<2x32x1024xf32, #tpu.memory_space<vmem>>, vector<1x1x16xf32>,
        %get3A_873 = vector.shape_cast %get3A_872 : vector<1x1x16xf32> to vector<16xf32>
        %mul3A_874 = arith.mulf %get3A_873, %gather3A_138 : vector<16xf32>
        %add3A_875 = arith.addf %add3A_866, %mul3A_874 : vector<16xf32>
        %get3A_876 = arith.constant 0 : i32
        %get3A_877 = arith.constant 12 : i32
        %get3A_878 = arith.index_cast %get3A_876 : i32 to index
        %get3A_879 = arith.index_cast %get3A_877 : i32 to index
        %get3A_880 = arith.index_cast %add3A_761 : i32 to index
        %get3A_881 = tpu.vector_load %arg8[%get3A_878, %get3A_879, %get3A_880] {strides = array<i32>} : memref<2x32x1024xf32, #tpu.memory_space<vmem>>, vector<1x1x16xf32>,
        %get3A_882 = vector.shape_cast %get3A_881 : vector<1x1x16xf32> to vector<16xf32>
        %mul3A_883 = arith.mulf %get3A_882, %gather3A_142 : vector<16xf32>
        %add3A_884 = arith.addf %add3A_875, %mul3A_883 : vector<16xf32>
        %get3A_885 = arith.constant 0 : i32
        %get3A_886 = arith.constant 13 : i32
        %get3A_887 = arith.index_cast %get3A_885 : i32 to index
        %get3A_888 = arith.index_cast %get3A_886 : i32 to index
        %get3A_889 = arith.index_cast %add3A_761 : i32 to index
        %get3A_890 = tpu.vector_load %arg8[%get3A_887, %get3A_888, %get3A_889] {strides = array<i32>} : memref<2x32x1024xf32, #tpu.memory_space<vmem>>, vector<1x1x16xf32>,
        %get3A_891 = vector.shape_cast %get3A_890 : vector<1x1x16xf32> to vector<16xf32>
        %mul3A_892 = arith.mulf %get3A_891, %gather3A_146 : vector<16xf32>
        %add3A_893 = arith.addf %add3A_884, %mul3A_892 : vector<16xf32>
        %get3A_894 = arith.constant 0 : i32
        %get3A_895 = arith.constant 14 : i32
        %get3A_896 = arith.index_cast %get3A_894 : i32 to index
        %get3A_897 = arith.index_cast %get3A_895 : i32 to index
        %get3A_898 = arith.index_cast %add3A_761 : i32 to index
        %get3A_899 = tpu.vector_load %arg8[%get3A_896, %get3A_897, %get3A_898] {strides = array<i32>} : memref<2x32x1024xf32, #tpu.memory_space<vmem>>, vector<1x1x16xf32>,
        %get3A_900 = vector.shape_cast %get3A_899 : vector<1x1x16xf32> to vector<16xf32>
        %mul3A_901 = arith.mulf %get3A_900, %gather3A_150 : vector<16xf32>
        %add3A_902 = arith.addf %add3A_893, %mul3A_901 : vector<16xf32>
        %get3A_903 = arith.constant 0 : i32
        %get3A_904 = arith.constant 15 : i32
        %get3A_905 = arith.index_cast %get3A_903 : i32 to index
        %get3A_906 = arith.index_cast %get3A_904 : i32 to index
        %get3A_907 = arith.index_cast %add3A_761 : i32 to index
        %get3A_908 = tpu.vector_load %arg8[%get3A_905, %get3A_906, %get3A_907] {strides = array<i32>} : memref<2x32x1024xf32, #tpu.memory_space<vmem>>, vector<1x1x16xf32>,
        %get3A_909 = vector.shape_cast %get3A_908 : vector<1x1x16xf32> to vector<16xf32>
        %mul3A_910 = arith.mulf %get3A_909, %gather3A_154 : vector<16xf32>
        %add3A_911 = arith.addf %add3A_902, %mul3A_910 : vector<16xf32>
        %swap3A_912 = arith.constant 0 : i32
        %swap3A_913 = arith.constant 1 : i32
        %swap3A_914 = arith.index_cast %swap3A_912 : i32 to index
        %swap3A_915 = arith.index_cast %swap3A_913 : i32 to index
        %swap3A_916 = arith.index_cast %add3A_761 : i32 to index
        %swap3A_917 = tpu.vector_load %arg9[%swap3A_914, %swap3A_915, %swap3A_916] {strides = array<i32>} : memref<2x4x1024xf32, #tpu.memory_space<vmem>>, vector<1x1x16xf32>,
        %swap3A_918 = vector.shape_cast %swap3A_917 : vector<1x1x16xf32> to vector<16xf32>
        %swap3A_919 = vector.shape_cast %add3A_911 : vector<16xf32> to vector<1x1x16xf32>
        tpu.vector_store %arg9[%swap3A_914, %swap3A_915, %swap3A_916], %swap3A_919 {strides = array<i32>} : memref<2x4x1024xf32, #tpu.memory_space<vmem>>, vector<1x1x16xf32>,
        %get3A_920 = arith.constant 0 : i32
        %get3A_921 = arith.constant 16 : i32
        %get3A_922 = arith.index_cast %get3A_920 : i32 to index
        %get3A_923 = arith.index_cast %get3A_921 : i32 to index
        %get3A_924 = arith.index_cast %add3A_761 : i32 to index
        %get3A_925 = tpu.vector_load %arg8[%get3A_922, %get3A_923, %get3A_924] {strides = array<i32>} : memref<2x32x1024xf32, #tpu.memory_space<vmem>>, vector<1x1x16xf32>,
        %get3A_926 = vector.shape_cast %get3A_925 : vector<1x1x16xf32> to vector<16xf32>
        %mul3A_927 = arith.mulf %get3A_926, %gather3A_158 : vector<16xf32>
        %get3A_928 = arith.constant 0 : i32
        %get3A_929 = arith.constant 17 : i32
        %get3A_930 = arith.index_cast %get3A_928 : i32 to index
        %get3A_931 = arith.index_cast %get3A_929 : i32 to index
        %get3A_932 = arith.index_cast %add3A_761 : i32 to index
        %get3A_933 = tpu.vector_load %arg8[%get3A_930, %get3A_931, %get3A_932] {strides = array<i32>} : memref<2x32x1024xf32, #tpu.memory_space<vmem>>, vector<1x1x16xf32>,
        %get3A_934 = vector.shape_cast %get3A_933 : vector<1x1x16xf32> to vector<16xf32>
        %mul3A_935 = arith.mulf %get3A_934, %gather3A_162 : vector<16xf32>
        %add3A_936 = arith.addf %mul3A_927, %mul3A_935 : vector<16xf32>
        %get3A_937 = arith.constant 0 : i32
        %get3A_938 = arith.constant 18 : i32
        %get3A_939 = arith.index_cast %get3A_937 : i32 to index
        %get3A_940 = arith.index_cast %get3A_938 : i32 to index
        %get3A_941 = arith.index_cast %add3A_761 : i32 to index
        %get3A_942 = tpu.vector_load %arg8[%get3A_939, %get3A_940, %get3A_941] {strides = array<i32>} : memref<2x32x1024xf32, #tpu.memory_space<vmem>>, vector<1x1x16xf32>,
        %get3A_943 = vector.shape_cast %get3A_942 : vector<1x1x16xf32> to vector<16xf32>
        %mul3A_944 = arith.mulf %get3A_943, %gather3A_166 : vector<16xf32>
        %add3A_945 = arith.addf %add3A_936, %mul3A_944 : vector<16xf32>
        %get3A_946 = arith.constant 0 : i32
        %get3A_947 = arith.constant 19 : i32
        %get3A_948 = arith.index_cast %get3A_946 : i32 to index
        %get3A_949 = arith.index_cast %get3A_947 : i32 to index
        %get3A_950 = arith.index_cast %add3A_761 : i32 to index
        %get3A_951 = tpu.vector_load %arg8[%get3A_948, %get3A_949, %get3A_950] {strides = array<i32>} : memref<2x32x1024xf32, #tpu.memory_space<vmem>>, vector<1x1x16xf32>,
        %get3A_952 = vector.shape_cast %get3A_951 : vector<1x1x16xf32> to vector<16xf32>
        %mul3A_953 = arith.mulf %get3A_952, %gather3A_170 : vector<16xf32>
        %add3A_954 = arith.addf %add3A_945, %mul3A_953 : vector<16xf32>
        %get3A_955 = arith.constant 0 : i32
        %get3A_956 = arith.constant 20 : i32
        %get3A_957 = arith.index_cast %get3A_955 : i32 to index
        %get3A_958 = arith.index_cast %get3A_956 : i32 to index
        %get3A_959 = arith.index_cast %add3A_761 : i32 to index
        %get3A_960 = tpu.vector_load %arg8[%get3A_957, %get3A_958, %get3A_959] {strides = array<i32>} : memref<2x32x1024xf32, #tpu.memory_space<vmem>>, vector<1x1x16xf32>,
        %get3A_961 = vector.shape_cast %get3A_960 : vector<1x1x16xf32> to vector<16xf32>
        %mul3A_962 = arith.mulf %get3A_961, %gather3A_174 : vector<16xf32>
        %add3A_963 = arith.addf %add3A_954, %mul3A_962 : vector<16xf32>
        %get3A_964 = arith.constant 0 : i32
        %get3A_965 = arith.constant 21 : i32
        %get3A_966 = arith.index_cast %get3A_964 : i32 to index
        %get3A_967 = arith.index_cast %get3A_965 : i32 to index
        %get3A_968 = arith.index_cast %add3A_761 : i32 to index
        %get3A_969 = tpu.vector_load %arg8[%get3A_966, %get3A_967, %get3A_968] {strides = array<i32>} : memref<2x32x1024xf32, #tpu.memory_space<vmem>>, vector<1x1x16xf32>,
        %get3A_970 = vector.shape_cast %get3A_969 : vector<1x1x16xf32> to vector<16xf32>
        %mul3A_971 = arith.mulf %get3A_970, %gather3A_178 : vector<16xf32>
        %add3A_972 = arith.addf %add3A_963, %mul3A_971 : vector<16xf32>
        %get3A_973 = arith.constant 0 : i32
        %get3A_974 = arith.constant 22 : i32
        %get3A_975 = arith.index_cast %get3A_973 : i32 to index
        %get3A_976 = arith.index_cast %get3A_974 : i32 to index
        %get3A_977 = arith.index_cast %add3A_761 : i32 to index
        %get3A_978 = tpu.vector_load %arg8[%get3A_975, %get3A_976, %get3A_977] {strides = array<i32>} : memref<2x32x1024xf32, #tpu.memory_space<vmem>>, vector<1x1x16xf32>,
        %get3A_979 = vector.shape_cast %get3A_978 : vector<1x1x16xf32> to vector<16xf32>
        %mul3A_980 = arith.mulf %get3A_979, %gather3A_182 : vector<16xf32>
        %add3A_981 = arith.addf %add3A_972, %mul3A_980 : vector<16xf32>
        %get3A_982 = arith.constant 0 : i32
        %get3A_983 = arith.constant 23 : i32
        %get3A_984 = arith.index_cast %get3A_982 : i32 to index
        %get3A_985 = arith.index_cast %get3A_983 : i32 to index
        %get3A_986 = arith.index_cast %add3A_761 : i32 to index
        %get3A_987 = tpu.vector_load %arg8[%get3A_984, %get3A_985, %get3A_986] {strides = array<i32>} : memref<2x32x1024xf32, #tpu.memory_space<vmem>>, vector<1x1x16xf32>,
        %get3A_988 = vector.shape_cast %get3A_987 : vector<1x1x16xf32> to vector<16xf32>
        %mul3A_989 = arith.mulf %get3A_988, %gather3A_186 : vector<16xf32>
        %add3A_990 = arith.addf %add3A_981, %mul3A_989 : vector<16xf32>
        %swap3A_991 = arith.constant 0 : i32
        %swap3A_992 = arith.constant 2 : i32
        %swap3A_993 = arith.index_cast %swap3A_991 : i32 to index
        %swap3A_994 = arith.index_cast %swap3A_992 : i32 to index
        %swap3A_995 = arith.index_cast %add3A_761 : i32 to index
        %swap3A_996 = tpu.vector_load %arg9[%swap3A_993, %swap3A_994, %swap3A_995] {strides = array<i32>} : memref<2x4x1024xf32, #tpu.memory_space<vmem>>, vector<1x1x16xf32>,
        %swap3A_997 = vector.shape_cast %swap3A_996 : vector<1x1x16xf32> to vector<16xf32>
        %swap3A_998 = vector.shape_cast %add3A_990 : vector<16xf32> to vector<1x1x16xf32>
        tpu.vector_store %arg9[%swap3A_993, %swap3A_994, %swap3A_995], %swap3A_998 {strides = array<i32>} : memref<2x4x1024xf32, #tpu.memory_space<vmem>>, vector<1x1x16xf32>,
        %get3A_999 = arith.constant 0 : i32
        %get3A_1000 = arith.constant 24 : i32
        %get3A_1001 = arith.index_cast %get3A_999 : i32 to index
        %get3A_1002 = arith.index_cast %get3A_1000 : i32 to index
        %get3A_1003 = arith.index_cast %add3A_761 : i32 to index
        %get3A_1004 = tpu.vector_load %arg8[%get3A_1001, %get3A_1002, %get3A_1003] {strides = array<i32>} : memref<2x32x1024xf32, #tpu.memory_space<vmem>>, vector<1x1x16xf32>,
        %get3A_1005 = vector.shape_cast %get3A_1004 : vector<1x1x16xf32> to vector<16xf32>
        %mul3A_1006 = arith.mulf %get3A_1005, %gather3A_190 : vector<16xf32>
        %get3A_1007 = arith.constant 0 : i32
        %get3A_1008 = arith.constant 25 : i32
        %get3A_1009 = arith.index_cast %get3A_1007 : i32 to index
        %get3A_1010 = arith.index_cast %get3A_1008 : i32 to index
        %get3A_1011 = arith.index_cast %add3A_761 : i32 to index
        %get3A_1012 = tpu.vector_load %arg8[%get3A_1009, %get3A_1010, %get3A_1011] {strides = array<i32>} : memref<2x32x1024xf32, #tpu.memory_space<vmem>>, vector<1x1x16xf32>,
        %get3A_1013 = vector.shape_cast %get3A_1012 : vector<1x1x16xf32> to vector<16xf32>
        %mul3A_1014 = arith.mulf %get3A_1013, %gather3A_194 : vector<16xf32>
        %add3A_1015 = arith.addf %mul3A_1006, %mul3A_1014 : vector<16xf32>
        %get3A_1016 = arith.constant 0 : i32
        %get3A_1017 = arith.constant 26 : i32
        %get3A_1018 = arith.index_cast %get3A_1016 : i32 to index
        %get3A_1019 = arith.index_cast %get3A_1017 : i32 to index
        %get3A_1020 = arith.index_cast %add3A_761 : i32 to index
        %get3A_1021 = tpu.vector_load %arg8[%get3A_1018, %get3A_1019, %get3A_1020] {strides = array<i32>} : memref<2x32x1024xf32, #tpu.memory_space<vmem>>, vector<1x1x16xf32>,
        %get3A_1022 = vector.shape_cast %get3A_1021 : vector<1x1x16xf32> to vector<16xf32>
        %mul3A_1023 = arith.mulf %get3A_1022, %gather3A_198 : vector<16xf32>
        %add3A_1024 = arith.addf %add3A_1015, %mul3A_1023 : vector<16xf32>
        %get3A_1025 = arith.constant 0 : i32
        %get3A_1026 = arith.constant 27 : i32
        %get3A_1027 = arith.index_cast %get3A_1025 : i32 to index
        %get3A_1028 = arith.index_cast %get3A_1026 : i32 to index
        %get3A_1029 = arith.index_cast %add3A_761 : i32 to index
        %get3A_1030 = tpu.vector_load %arg8[%get3A_1027, %get3A_1028, %get3A_1029] {strides = array<i32>} : memref<2x32x1024xf32, #tpu.memory_space<vmem>>, vector<1x1x16xf32>,
        %get3A_1031 = vector.shape_cast %get3A_1030 : vector<1x1x16xf32> to vector<16xf32>
        %mul3A_1032 = arith.mulf %get3A_1031, %gather3A_202 : vector<16xf32>
        %add3A_1033 = arith.addf %add3A_1024, %mul3A_1032 : vector<16xf32>
        %get3A_1034 = arith.constant 0 : i32
        %get3A_1035 = arith.constant 28 : i32
        %get3A_1036 = arith.index_cast %get3A_1034 : i32 to index
        %get3A_1037 = arith.index_cast %get3A_1035 : i32 to index
        %get3A_1038 = arith.index_cast %add3A_761 : i32 to index
        %get3A_1039 = tpu.vector_load %arg8[%get3A_1036, %get3A_1037, %get3A_1038] {strides = array<i32>} : memref<2x32x1024xf32, #tpu.memory_space<vmem>>, vector<1x1x16xf32>,
        %get3A_1040 = vector.shape_cast %get3A_1039 : vector<1x1x16xf32> to vector<16xf32>
        %mul3A_1041 = arith.mulf %get3A_1040, %gather3A_206 : vector<16xf32>
        %add3A_1042 = arith.addf %add3A_1033, %mul3A_1041 : vector<16xf32>
        %get3A_1043 = arith.constant 0 : i32
        %get3A_1044 = arith.constant 29 : i32
        %get3A_1045 = arith.index_cast %get3A_1043 : i32 to index
        %get3A_1046 = arith.index_cast %get3A_1044 : i32 to index
        %get3A_1047 = arith.index_cast %add3A_761 : i32 to index
        %get3A_1048 = tpu.vector_load %arg8[%get3A_1045, %get3A_1046, %get3A_1047] {strides = array<i32>} : memref<2x32x1024xf32, #tpu.memory_space<vmem>>, vector<1x1x16xf32>,
        %get3A_1049 = vector.shape_cast %get3A_1048 : vector<1x1x16xf32> to vector<16xf32>
        %mul3A_1050 = arith.mulf %get3A_1049, %gather3A_210 : vector<16xf32>
        %add3A_1051 = arith.addf %add3A_1042, %mul3A_1050 : vector<16xf32>
        %get3A_1052 = arith.constant 0 : i32
        %get3A_1053 = arith.constant 30 : i32
        %get3A_1054 = arith.index_cast %get3A_1052 : i32 to index
        %get3A_1055 = arith.index_cast %get3A_1053 : i32 to index
        %get3A_1056 = arith.index_cast %add3A_761 : i32 to index
        %get3A_1057 = tpu.vector_load %arg8[%get3A_1054, %get3A_1055, %get3A_1056] {strides = array<i32>} : memref<2x32x1024xf32, #tpu.memory_space<vmem>>, vector<1x1x16xf32>,
        %get3A_1058 = vector.shape_cast %get3A_1057 : vector<1x1x16xf32> to vector<16xf32>
        %mul3A_1059 = arith.mulf %get3A_1058, %gather3A_214 : vector<16xf32>
        %add3A_1060 = arith.addf %add3A_1051, %mul3A_1059 : vector<16xf32>
        %get3A_1061 = arith.constant 0 : i32
        %get3A_1062 = arith.constant 31 : i32
        %get3A_1063 = arith.index_cast %get3A_1061 : i32 to index
        %get3A_1064 = arith.index_cast %get3A_1062 : i32 to index
        %get3A_1065 = arith.index_cast %add3A_761 : i32 to index
        %get3A_1066 = tpu.vector_load %arg8[%get3A_1063, %get3A_1064, %get3A_1065] {strides = array<i32>} : memref<2x32x1024xf32, #tpu.memory_space<vmem>>, vector<1x1x16xf32>,
        %get3A_1067 = vector.shape_cast %get3A_1066 : vector<1x1x16xf32> to vector<16xf32>
        %mul3A_1068 = arith.mulf %get3A_1067, %gather3A_218 : vector<16xf32>
        %add3A_1069 = arith.addf %add3A_1060, %mul3A_1068 : vector<16xf32>
        %swap3A_1070 = arith.constant 0 : i32
        %swap3A_1071 = arith.constant 3 : i32
        %swap3A_1072 = arith.index_cast %swap3A_1070 : i32 to index
        %swap3A_1073 = arith.index_cast %swap3A_1071 : i32 to index
        %swap3A_1074 = arith.index_cast %add3A_761 : i32 to index
        %swap3A_1075 = tpu.vector_load %arg9[%swap3A_1072, %swap3A_1073, %swap3A_1074] {strides = array<i32>} : memref<2x4x1024xf32, #tpu.memory_space<vmem>>, vector<1x1x16xf32>,
        %swap3A_1076 = vector.shape_cast %swap3A_1075 : vector<1x1x16xf32> to vector<16xf32>
        %swap3A_1077 = vector.shape_cast %add3A_1069 : vector<16xf32> to vector<1x1x16xf32>
        tpu.vector_store %arg9[%swap3A_1072, %swap3A_1073, %swap3A_1074], %swap3A_1077 {strides = array<i32>} : memref<2x4x1024xf32, #tpu.memory_space<vmem>>, vector<1x1x16xf32>,
        %mul3A_1078 = arith.constant 64 : i32
        %mul3A_1079 = arith.muli %scan3A_438, %mul3A_1078 : i32
        %add3A_1080 = arith.constant 32 : i32
        %add3A_1081 = arith.addi %mul3A_1079, %add3A_1080 : i32
        %get3A_1082 = arith.constant 0 : i32
        %get3A_1083 = arith.constant 0 : i32
        %get3A_1084 = arith.index_cast %get3A_1082 : i32 to index
        %get3A_1085 = arith.index_cast %get3A_1083 : i32 to index
        %get3A_1086 = arith.index_cast %add3A_1081 : i32 to index
        %get3A_1087 = tpu.vector_load %arg8[%get3A_1084, %get3A_1085, %get3A_1086] {strides = array<i32>} : memref<2x32x1024xf32, #tpu.memory_space<vmem>>, vector<1x1x16xf32>,
        %get3A_1088 = vector.shape_cast %get3A_1087 : vector<1x1x16xf32> to vector<16xf32>
        %mul3A_1089 = arith.mulf %get3A_1088, %gather3A_94 : vector<16xf32>
        %get3A_1090 = arith.constant 0 : i32
        %get3A_1091 = arith.constant 1 : i32
        %get3A_1092 = arith.index_cast %get3A_1090 : i32 to index
        %get3A_1093 = arith.index_cast %get3A_1091 : i32 to index
        %get3A_1094 = arith.index_cast %add3A_1081 : i32 to index
        %get3A_1095 = tpu.vector_load %arg8[%get3A_1092, %get3A_1093, %get3A_1094] {strides = array<i32>} : memref<2x32x1024xf32, #tpu.memory_space<vmem>>, vector<1x1x16xf32>,
        %get3A_1096 = vector.shape_cast %get3A_1095 : vector<1x1x16xf32> to vector<16xf32>
        %mul3A_1097 = arith.mulf %get3A_1096, %gather3A_98 : vector<16xf32>
        %add3A_1098 = arith.addf %mul3A_1089, %mul3A_1097 : vector<16xf32>
        %get3A_1099 = arith.constant 0 : i32
        %get3A_1100 = arith.constant 2 : i32
        %get3A_1101 = arith.index_cast %get3A_1099 : i32 to index
        %get3A_1102 = arith.index_cast %get3A_1100 : i32 to index
        %get3A_1103 = arith.index_cast %add3A_1081 : i32 to index
        %get3A_1104 = tpu.vector_load %arg8[%get3A_1101, %get3A_1102, %get3A_1103] {strides = array<i32>} : memref<2x32x1024xf32, #tpu.memory_space<vmem>>, vector<1x1x16xf32>,
        %get3A_1105 = vector.shape_cast %get3A_1104 : vector<1x1x16xf32> to vector<16xf32>
        %mul3A_1106 = arith.mulf %get3A_1105, %gather3A_102 : vector<16xf32>
        %add3A_1107 = arith.addf %add3A_1098, %mul3A_1106 : vector<16xf32>
        %get3A_1108 = arith.constant 0 : i32
        %get3A_1109 = arith.constant 3 : i32
        %get3A_1110 = arith.index_cast %get3A_1108 : i32 to index
        %get3A_1111 = arith.index_cast %get3A_1109 : i32 to index
        %get3A_1112 = arith.index_cast %add3A_1081 : i32 to index
        %get3A_1113 = tpu.vector_load %arg8[%get3A_1110, %get3A_1111, %get3A_1112] {strides = array<i32>} : memref<2x32x1024xf32, #tpu.memory_space<vmem>>, vector<1x1x16xf32>,
        %get3A_1114 = vector.shape_cast %get3A_1113 : vector<1x1x16xf32> to vector<16xf32>
        %mul3A_1115 = arith.mulf %get3A_1114, %gather3A_106 : vector<16xf32>
        %add3A_1116 = arith.addf %add3A_1107, %mul3A_1115 : vector<16xf32>
        %get3A_1117 = arith.constant 0 : i32
        %get3A_1118 = arith.constant 4 : i32
        %get3A_1119 = arith.index_cast %get3A_1117 : i32 to index
        %get3A_1120 = arith.index_cast %get3A_1118 : i32 to index
        %get3A_1121 = arith.index_cast %add3A_1081 : i32 to index
        %get3A_1122 = tpu.vector_load %arg8[%get3A_1119, %get3A_1120, %get3A_1121] {strides = array<i32>} : memref<2x32x1024xf32, #tpu.memory_space<vmem>>, vector<1x1x16xf32>,
        %get3A_1123 = vector.shape_cast %get3A_1122 : vector<1x1x16xf32> to vector<16xf32>
        %mul3A_1124 = arith.mulf %get3A_1123, %gather3A_110 : vector<16xf32>
        %add3A_1125 = arith.addf %add3A_1116, %mul3A_1124 : vector<16xf32>
        %get3A_1126 = arith.constant 0 : i32
        %get3A_1127 = arith.constant 5 : i32
        %get3A_1128 = arith.index_cast %get3A_1126 : i32 to index
        %get3A_1129 = arith.index_cast %get3A_1127 : i32 to index
        %get3A_1130 = arith.index_cast %add3A_1081 : i32 to index
        %get3A_1131 = tpu.vector_load %arg8[%get3A_1128, %get3A_1129, %get3A_1130] {strides = array<i32>} : memref<2x32x1024xf32, #tpu.memory_space<vmem>>, vector<1x1x16xf32>,
        %get3A_1132 = vector.shape_cast %get3A_1131 : vector<1x1x16xf32> to vector<16xf32>
        %mul3A_1133 = arith.mulf %get3A_1132, %gather3A_114 : vector<16xf32>
        %add3A_1134 = arith.addf %add3A_1125, %mul3A_1133 : vector<16xf32>
        %get3A_1135 = arith.constant 0 : i32
        %get3A_1136 = arith.constant 6 : i32
        %get3A_1137 = arith.index_cast %get3A_1135 : i32 to index
        %get3A_1138 = arith.index_cast %get3A_1136 : i32 to index
        %get3A_1139 = arith.index_cast %add3A_1081 : i32 to index
        %get3A_1140 = tpu.vector_load %arg8[%get3A_1137, %get3A_1138, %get3A_1139] {strides = array<i32>} : memref<2x32x1024xf32, #tpu.memory_space<vmem>>, vector<1x1x16xf32>,
        %get3A_1141 = vector.shape_cast %get3A_1140 : vector<1x1x16xf32> to vector<16xf32>
        %mul3A_1142 = arith.mulf %get3A_1141, %gather3A_118 : vector<16xf32>
        %add3A_1143 = arith.addf %add3A_1134, %mul3A_1142 : vector<16xf32>
        %get3A_1144 = arith.constant 0 : i32
        %get3A_1145 = arith.constant 7 : i32
        %get3A_1146 = arith.index_cast %get3A_1144 : i32 to index
        %get3A_1147 = arith.index_cast %get3A_1145 : i32 to index
        %get3A_1148 = arith.index_cast %add3A_1081 : i32 to index
        %get3A_1149 = tpu.vector_load %arg8[%get3A_1146, %get3A_1147, %get3A_1148] {strides = array<i32>} : memref<2x32x1024xf32, #tpu.memory_space<vmem>>, vector<1x1x16xf32>,
        %get3A_1150 = vector.shape_cast %get3A_1149 : vector<1x1x16xf32> to vector<16xf32>
        %mul3A_1151 = arith.mulf %get3A_1150, %gather3A_122 : vector<16xf32>
        %add3A_1152 = arith.addf %add3A_1143, %mul3A_1151 : vector<16xf32>
        %swap3A_1153 = arith.constant 0 : i32
        %swap3A_1154 = arith.constant 0 : i32
        %swap3A_1155 = arith.index_cast %swap3A_1153 : i32 to index
        %swap3A_1156 = arith.index_cast %swap3A_1154 : i32 to index
        %swap3A_1157 = arith.index_cast %add3A_1081 : i32 to index
        %swap3A_1158 = tpu.vector_load %arg9[%swap3A_1155, %swap3A_1156, %swap3A_1157] {strides = array<i32>} : memref<2x4x1024xf32, #tpu.memory_space<vmem>>, vector<1x1x16xf32>,
        %swap3A_1159 = vector.shape_cast %swap3A_1158 : vector<1x1x16xf32> to vector<16xf32>
        %swap3A_1160 = vector.shape_cast %add3A_1152 : vector<16xf32> to vector<1x1x16xf32>
        tpu.vector_store %arg9[%swap3A_1155, %swap3A_1156, %swap3A_1157], %swap3A_1160 {strides = array<i32>} : memref<2x4x1024xf32, #tpu.memory_space<vmem>>, vector<1x1x16xf32>,
        %get3A_1161 = arith.constant 0 : i32
        %get3A_1162 = arith.constant 8 : i32
        %get3A_1163 = arith.index_cast %get3A_1161 : i32 to index
        %get3A_1164 = arith.index_cast %get3A_1162 : i32 to index
        %get3A_1165 = arith.index_cast %add3A_1081 : i32 to index
        %get3A_1166 = tpu.vector_load %arg8[%get3A_1163, %get3A_1164, %get3A_1165] {strides = array<i32>} : memref<2x32x1024xf32, #tpu.memory_space<vmem>>, vector<1x1x16xf32>,
        %get3A_1167 = vector.shape_cast %get3A_1166 : vector<1x1x16xf32> to vector<16xf32>
        %mul3A_1168 = arith.mulf %get3A_1167, %gather3A_126 : vector<16xf32>
        %get3A_1169 = arith.constant 0 : i32
        %get3A_1170 = arith.constant 9 : i32
        %get3A_1171 = arith.index_cast %get3A_1169 : i32 to index
        %get3A_1172 = arith.index_cast %get3A_1170 : i32 to index
        %get3A_1173 = arith.index_cast %add3A_1081 : i32 to index
        %get3A_1174 = tpu.vector_load %arg8[%get3A_1171, %get3A_1172, %get3A_1173] {strides = array<i32>} : memref<2x32x1024xf32, #tpu.memory_space<vmem>>, vector<1x1x16xf32>,
        %get3A_1175 = vector.shape_cast %get3A_1174 : vector<1x1x16xf32> to vector<16xf32>
        %mul3A_1176 = arith.mulf %get3A_1175, %gather3A_130 : vector<16xf32>
        %add3A_1177 = arith.addf %mul3A_1168, %mul3A_1176 : vector<16xf32>
        %get3A_1178 = arith.constant 0 : i32
        %get3A_1179 = arith.constant 10 : i32
        %get3A_1180 = arith.index_cast %get3A_1178 : i32 to index
        %get3A_1181 = arith.index_cast %get3A_1179 : i32 to index
        %get3A_1182 = arith.index_cast %add3A_1081 : i32 to index
        %get3A_1183 = tpu.vector_load %arg8[%get3A_1180, %get3A_1181, %get3A_1182] {strides = array<i32>} : memref<2x32x1024xf32, #tpu.memory_space<vmem>>, vector<1x1x16xf32>,
        %get3A_1184 = vector.shape_cast %get3A_1183 : vector<1x1x16xf32> to vector<16xf32>
        %mul3A_1185 = arith.mulf %get3A_1184, %gather3A_134 : vector<16xf32>
        %add3A_1186 = arith.addf %add3A_1177, %mul3A_1185 : vector<16xf32>
        %get3A_1187 = arith.constant 0 : i32
        %get3A_1188 = arith.constant 11 : i32
        %get3A_1189 = arith.index_cast %get3A_1187 : i32 to index
        %get3A_1190 = arith.index_cast %get3A_1188 : i32 to index
        %get3A_1191 = arith.index_cast %add3A_1081 : i32 to index
        %get3A_1192 = tpu.vector_load %arg8[%get3A_1189, %get3A_1190, %get3A_1191] {strides = array<i32>} : memref<2x32x1024xf32, #tpu.memory_space<vmem>>, vector<1x1x16xf32>,
        %get3A_1193 = vector.shape_cast %get3A_1192 : vector<1x1x16xf32> to vector<16xf32>
        %mul3A_1194 = arith.mulf %get3A_1193, %gather3A_138 : vector<16xf32>
        %add3A_1195 = arith.addf %add3A_1186, %mul3A_1194 : vector<16xf32>
        %get3A_1196 = arith.constant 0 : i32
        %get3A_1197 = arith.constant 12 : i32
        %get3A_1198 = arith.index_cast %get3A_1196 : i32 to index
        %get3A_1199 = arith.index_cast %get3A_1197 : i32 to index
        %get3A_1200 = arith.index_cast %add3A_1081 : i32 to index
        %get3A_1201 = tpu.vector_load %arg8[%get3A_1198, %get3A_1199, %get3A_1200] {strides = array<i32>} : memref<2x32x1024xf32, #tpu.memory_space<vmem>>, vector<1x1x16xf32>,
        %get3A_1202 = vector.shape_cast %get3A_1201 : vector<1x1x16xf32> to vector<16xf32>
        %mul3A_1203 = arith.mulf %get3A_1202, %gather3A_142 : vector<16xf32>
        %add3A_1204 = arith.addf %add3A_1195, %mul3A_1203 : vector<16xf32>
        %get3A_1205 = arith.constant 0 : i32
        %get3A_1206 = arith.constant 13 : i32
        %get3A_1207 = arith.index_cast %get3A_1205 : i32 to index
        %get3A_1208 = arith.index_cast %get3A_1206 : i32 to index
        %get3A_1209 = arith.index_cast %add3A_1081 : i32 to index
        %get3A_1210 = tpu.vector_load %arg8[%get3A_1207, %get3A_1208, %get3A_1209] {strides = array<i32>} : memref<2x32x1024xf32, #tpu.memory_space<vmem>>, vector<1x1x16xf32>,
        %get3A_1211 = vector.shape_cast %get3A_1210 : vector<1x1x16xf32> to vector<16xf32>
        %mul3A_1212 = arith.mulf %get3A_1211, %gather3A_146 : vector<16xf32>
        %add3A_1213 = arith.addf %add3A_1204, %mul3A_1212 : vector<16xf32>
        %get3A_1214 = arith.constant 0 : i32
        %get3A_1215 = arith.constant 14 : i32
        %get3A_1216 = arith.index_cast %get3A_1214 : i32 to index
        %get3A_1217 = arith.index_cast %get3A_1215 : i32 to index
        %get3A_1218 = arith.index_cast %add3A_1081 : i32 to index
        %get3A_1219 = tpu.vector_load %arg8[%get3A_1216, %get3A_1217, %get3A_1218] {strides = array<i32>} : memref<2x32x1024xf32, #tpu.memory_space<vmem>>, vector<1x1x16xf32>,
        %get3A_1220 = vector.shape_cast %get3A_1219 : vector<1x1x16xf32> to vector<16xf32>
        %mul3A_1221 = arith.mulf %get3A_1220, %gather3A_150 : vector<16xf32>
        %add3A_1222 = arith.addf %add3A_1213, %mul3A_1221 : vector<16xf32>
        %get3A_1223 = arith.constant 0 : i32
        %get3A_1224 = arith.constant 15 : i32
        %get3A_1225 = arith.index_cast %get3A_1223 : i32 to index
        %get3A_1226 = arith.index_cast %get3A_1224 : i32 to index
        %get3A_1227 = arith.index_cast %add3A_1081 : i32 to index
        %get3A_1228 = tpu.vector_load %arg8[%get3A_1225, %get3A_1226, %get3A_1227] {strides = array<i32>} : memref<2x32x1024xf32, #tpu.memory_space<vmem>>, vector<1x1x16xf32>,
        %get3A_1229 = vector.shape_cast %get3A_1228 : vector<1x1x16xf32> to vector<16xf32>
        %mul3A_1230 = arith.mulf %get3A_1229, %gather3A_154 : vector<16xf32>
        %add3A_1231 = arith.addf %add3A_1222, %mul3A_1230 : vector<16xf32>
        %swap3A_1232 = arith.constant 0 : i32
        %swap3A_1233 = arith.constant 1 : i32
        %swap3A_1234 = arith.index_cast %swap3A_1232 : i32 to index
        %swap3A_1235 = arith.index_cast %swap3A_1233 : i32 to index
        %swap3A_1236 = arith.index_cast %add3A_1081 : i32 to index
        %swap3A_1237 = tpu.vector_load %arg9[%swap3A_1234, %swap3A_1235, %swap3A_1236] {strides = array<i32>} : memref<2x4x1024xf32, #tpu.memory_space<vmem>>, vector<1x1x16xf32>,
        %swap3A_1238 = vector.shape_cast %swap3A_1237 : vector<1x1x16xf32> to vector<16xf32>
        %swap3A_1239 = vector.shape_cast %add3A_1231 : vector<16xf32> to vector<1x1x16xf32>
        tpu.vector_store %arg9[%swap3A_1234, %swap3A_1235, %swap3A_1236], %swap3A_1239 {strides = array<i32>} : memref<2x4x1024xf32, #tpu.memory_space<vmem>>, vector<1x1x16xf32>,
        %get3A_1240 = arith.constant 0 : i32
        %get3A_1241 = arith.constant 16 : i32
        %get3A_1242 = arith.index_cast %get3A_1240 : i32 to index
        %get3A_1243 = arith.index_cast %get3A_1241 : i32 to index
        %get3A_1244 = arith.index_cast %add3A_1081 : i32 to index
        %get3A_1245 = tpu.vector_load %arg8[%get3A_1242, %get3A_1243, %get3A_1244] {strides = array<i32>} : memref<2x32x1024xf32, #tpu.memory_space<vmem>>, vector<1x1x16xf32>,
        %get3A_1246 = vector.shape_cast %get3A_1245 : vector<1x1x16xf32> to vector<16xf32>
        %mul3A_1247 = arith.mulf %get3A_1246, %gather3A_158 : vector<16xf32>
        %get3A_1248 = arith.constant 0 : i32
        %get3A_1249 = arith.constant 17 : i32
        %get3A_1250 = arith.index_cast %get3A_1248 : i32 to index
        %get3A_1251 = arith.index_cast %get3A_1249 : i32 to index
        %get3A_1252 = arith.index_cast %add3A_1081 : i32 to index
        %get3A_1253 = tpu.vector_load %arg8[%get3A_1250, %get3A_1251, %get3A_1252] {strides = array<i32>} : memref<2x32x1024xf32, #tpu.memory_space<vmem>>, vector<1x1x16xf32>,
        %get3A_1254 = vector.shape_cast %get3A_1253 : vector<1x1x16xf32> to vector<16xf32>
        %mul3A_1255 = arith.mulf %get3A_1254, %gather3A_162 : vector<16xf32>
        %add3A_1256 = arith.addf %mul3A_1247, %mul3A_1255 : vector<16xf32>
        %get3A_1257 = arith.constant 0 : i32
        %get3A_1258 = arith.constant 18 : i32
        %get3A_1259 = arith.index_cast %get3A_1257 : i32 to index
        %get3A_1260 = arith.index_cast %get3A_1258 : i32 to index
        %get3A_1261 = arith.index_cast %add3A_1081 : i32 to index
        %get3A_1262 = tpu.vector_load %arg8[%get3A_1259, %get3A_1260, %get3A_1261] {strides = array<i32>} : memref<2x32x1024xf32, #tpu.memory_space<vmem>>, vector<1x1x16xf32>,
        %get3A_1263 = vector.shape_cast %get3A_1262 : vector<1x1x16xf32> to vector<16xf32>
        %mul3A_1264 = arith.mulf %get3A_1263, %gather3A_166 : vector<16xf32>
        %add3A_1265 = arith.addf %add3A_1256, %mul3A_1264 : vector<16xf32>
        %get3A_1266 = arith.constant 0 : i32
        %get3A_1267 = arith.constant 19 : i32
        %get3A_1268 = arith.index_cast %get3A_1266 : i32 to index
        %get3A_1269 = arith.index_cast %get3A_1267 : i32 to index
        %get3A_1270 = arith.index_cast %add3A_1081 : i32 to index
        %get3A_1271 = tpu.vector_load %arg8[%get3A_1268, %get3A_1269, %get3A_1270] {strides = array<i32>} : memref<2x32x1024xf32, #tpu.memory_space<vmem>>, vector<1x1x16xf32>,
        %get3A_1272 = vector.shape_cast %get3A_1271 : vector<1x1x16xf32> to vector<16xf32>
        %mul3A_1273 = arith.mulf %get3A_1272, %gather3A_170 : vector<16xf32>
        %add3A_1274 = arith.addf %add3A_1265, %mul3A_1273 : vector<16xf32>
        %get3A_1275 = arith.constant 0 : i32
        %get3A_1276 = arith.constant 20 : i32
        %get3A_1277 = arith.index_cast %get3A_1275 : i32 to index
        %get3A_1278 = arith.index_cast %get3A_1276 : i32 to index
        %get3A_1279 = arith.index_cast %add3A_1081 : i32 to index
        %get3A_1280 = tpu.vector_load %arg8[%get3A_1277, %get3A_1278, %get3A_1279] {strides = array<i32>} : memref<2x32x1024xf32, #tpu.memory_space<vmem>>, vector<1x1x16xf32>,
        %get3A_1281 = vector.shape_cast %get3A_1280 : vector<1x1x16xf32> to vector<16xf32>
        %mul3A_1282 = arith.mulf %get3A_1281, %gather3A_174 : vector<16xf32>
        %add3A_1283 = arith.addf %add3A_1274, %mul3A_1282 : vector<16xf32>
        %get3A_1284 = arith.constant 0 : i32
        %get3A_1285 = arith.constant 21 : i32
        %get3A_1286 = arith.index_cast %get3A_1284 : i32 to index
        %get3A_1287 = arith.index_cast %get3A_1285 : i32 to index
        %get3A_1288 = arith.index_cast %add3A_1081 : i32 to index
        %get3A_1289 = tpu.vector_load %arg8[%get3A_1286, %get3A_1287, %get3A_1288] {strides = array<i32>} : memref<2x32x1024xf32, #tpu.memory_space<vmem>>, vector<1x1x16xf32>,
        %get3A_1290 = vector.shape_cast %get3A_1289 : vector<1x1x16xf32> to vector<16xf32>
        %mul3A_1291 = arith.mulf %get3A_1290, %gather3A_178 : vector<16xf32>
        %add3A_1292 = arith.addf %add3A_1283, %mul3A_1291 : vector<16xf32>
        %get3A_1293 = arith.constant 0 : i32
        %get3A_1294 = arith.constant 22 : i32
        %get3A_1295 = arith.index_cast %get3A_1293 : i32 to index
        %get3A_1296 = arith.index_cast %get3A_1294 : i32 to index
        %get3A_1297 = arith.index_cast %add3A_1081 : i32 to index
        %get3A_1298 = tpu.vector_load %arg8[%get3A_1295, %get3A_1296, %get3A_1297] {strides = array<i32>} : memref<2x32x1024xf32, #tpu.memory_space<vmem>>, vector<1x1x16xf32>,
        %get3A_1299 = vector.shape_cast %get3A_1298 : vector<1x1x16xf32> to vector<16xf32>
        %mul3A_1300 = arith.mulf %get3A_1299, %gather3A_182 : vector<16xf32>
        %add3A_1301 = arith.addf %add3A_1292, %mul3A_1300 : vector<16xf32>
        %get3A_1302 = arith.constant 0 : i32
        %get3A_1303 = arith.constant 23 : i32
        %get3A_1304 = arith.index_cast %get3A_1302 : i32 to index
        %get3A_1305 = arith.index_cast %get3A_1303 : i32 to index
        %get3A_1306 = arith.index_cast %add3A_1081 : i32 to index
        %get3A_1307 = tpu.vector_load %arg8[%get3A_1304, %get3A_1305, %get3A_1306] {strides = array<i32>} : memref<2x32x1024xf32, #tpu.memory_space<vmem>>, vector<1x1x16xf32>,
        %get3A_1308 = vector.shape_cast %get3A_1307 : vector<1x1x16xf32> to vector<16xf32>
        %mul3A_1309 = arith.mulf %get3A_1308, %gather3A_186 : vector<16xf32>
        %add3A_1310 = arith.addf %add3A_1301, %mul3A_1309 : vector<16xf32>
        %swap3A_1311 = arith.constant 0 : i32
        %swap3A_1312 = arith.constant 2 : i32
        %swap3A_1313 = arith.index_cast %swap3A_1311 : i32 to index
        %swap3A_1314 = arith.index_cast %swap3A_1312 : i32 to index
        %swap3A_1315 = arith.index_cast %add3A_1081 : i32 to index
        %swap3A_1316 = tpu.vector_load %arg9[%swap3A_1313, %swap3A_1314, %swap3A_1315] {strides = array<i32>} : memref<2x4x1024xf32, #tpu.memory_space<vmem>>, vector<1x1x16xf32>,
        %swap3A_1317 = vector.shape_cast %swap3A_1316 : vector<1x1x16xf32> to vector<16xf32>
        %swap3A_1318 = vector.shape_cast %add3A_1310 : vector<16xf32> to vector<1x1x16xf32>
        tpu.vector_store %arg9[%swap3A_1313, %swap3A_1314, %swap3A_1315], %swap3A_1318 {strides = array<i32>} : memref<2x4x1024xf32, #tpu.memory_space<vmem>>, vector<1x1x16xf32>,
        %get3A_1319 = arith.constant 0 : i32
        %get3A_1320 = arith.constant 24 : i32
        %get3A_1321 = arith.index_cast %get3A_1319 : i32 to index
        %get3A_1322 = arith.index_cast %get3A_1320 : i32 to index
        %get3A_1323 = arith.index_cast %add3A_1081 : i32 to index
        %get3A_1324 = tpu.vector_load %arg8[%get3A_1321, %get3A_1322, %get3A_1323] {strides = array<i32>} : memref<2x32x1024xf32, #tpu.memory_space<vmem>>, vector<1x1x16xf32>,
        %get3A_1325 = vector.shape_cast %get3A_1324 : vector<1x1x16xf32> to vector<16xf32>
        %mul3A_1326 = arith.mulf %get3A_1325, %gather3A_190 : vector<16xf32>
        %get3A_1327 = arith.constant 0 : i32
        %get3A_1328 = arith.constant 25 : i32
        %get3A_1329 = arith.index_cast %get3A_1327 : i32 to index
        %get3A_1330 = arith.index_cast %get3A_1328 : i32 to index
        %get3A_1331 = arith.index_cast %add3A_1081 : i32 to index
        %get3A_1332 = tpu.vector_load %arg8[%get3A_1329, %get3A_1330, %get3A_1331] {strides = array<i32>} : memref<2x32x1024xf32, #tpu.memory_space<vmem>>, vector<1x1x16xf32>,
        %get3A_1333 = vector.shape_cast %get3A_1332 : vector<1x1x16xf32> to vector<16xf32>
        %mul3A_1334 = arith.mulf %get3A_1333, %gather3A_194 : vector<16xf32>
        %add3A_1335 = arith.addf %mul3A_1326, %mul3A_1334 : vector<16xf32>
        %get3A_1336 = arith.constant 0 : i32
        %get3A_1337 = arith.constant 26 : i32
        %get3A_1338 = arith.index_cast %get3A_1336 : i32 to index
        %get3A_1339 = arith.index_cast %get3A_1337 : i32 to index
        %get3A_1340 = arith.index_cast %add3A_1081 : i32 to index
        %get3A_1341 = tpu.vector_load %arg8[%get3A_1338, %get3A_1339, %get3A_1340] {strides = array<i32>} : memref<2x32x1024xf32, #tpu.memory_space<vmem>>, vector<1x1x16xf32>,
        %get3A_1342 = vector.shape_cast %get3A_1341 : vector<1x1x16xf32> to vector<16xf32>
        %mul3A_1343 = arith.mulf %get3A_1342, %gather3A_198 : vector<16xf32>
        %add3A_1344 = arith.addf %add3A_1335, %mul3A_1343 : vector<16xf32>
        %get3A_1345 = arith.constant 0 : i32
        %get3A_1346 = arith.constant 27 : i32
        %get3A_1347 = arith.index_cast %get3A_1345 : i32 to index
        %get3A_1348 = arith.index_cast %get3A_1346 : i32 to index
        %get3A_1349 = arith.index_cast %add3A_1081 : i32 to index
        %get3A_1350 = tpu.vector_load %arg8[%get3A_1347, %get3A_1348, %get3A_1349] {strides = array<i32>} : memref<2x32x1024xf32, #tpu.memory_space<vmem>>, vector<1x1x16xf32>,
        %get3A_1351 = vector.shape_cast %get3A_1350 : vector<1x1x16xf32> to vector<16xf32>
        %mul3A_1352 = arith.mulf %get3A_1351, %gather3A_202 : vector<16xf32>
        %add3A_1353 = arith.addf %add3A_1344, %mul3A_1352 : vector<16xf32>
        %get3A_1354 = arith.constant 0 : i32
        %get3A_1355 = arith.constant 28 : i32
        %get3A_1356 = arith.index_cast %get3A_1354 : i32 to index
        %get3A_1357 = arith.index_cast %get3A_1355 : i32 to index
        %get3A_1358 = arith.index_cast %add3A_1081 : i32 to index
        %get3A_1359 = tpu.vector_load %arg8[%get3A_1356, %get3A_1357, %get3A_1358] {strides = array<i32>} : memref<2x32x1024xf32, #tpu.memory_space<vmem>>, vector<1x1x16xf32>,
        %get3A_1360 = vector.shape_cast %get3A_1359 : vector<1x1x16xf32> to vector<16xf32>
        %mul3A_1361 = arith.mulf %get3A_1360, %gather3A_206 : vector<16xf32>
        %add3A_1362 = arith.addf %add3A_1353, %mul3A_1361 : vector<16xf32>
        %get3A_1363 = arith.constant 0 : i32
        %get3A_1364 = arith.constant 29 : i32
        %get3A_1365 = arith.index_cast %get3A_1363 : i32 to index
        %get3A_1366 = arith.index_cast %get3A_1364 : i32 to index
        %get3A_1367 = arith.index_cast %add3A_1081 : i32 to index
        %get3A_1368 = tpu.vector_load %arg8[%get3A_1365, %get3A_1366, %get3A_1367] {strides = array<i32>} : memref<2x32x1024xf32, #tpu.memory_space<vmem>>, vector<1x1x16xf32>,
        %get3A_1369 = vector.shape_cast %get3A_1368 : vector<1x1x16xf32> to vector<16xf32>
        %mul3A_1370 = arith.mulf %get3A_1369, %gather3A_210 : vector<16xf32>
        %add3A_1371 = arith.addf %add3A_1362, %mul3A_1370 : vector<16xf32>
        %get3A_1372 = arith.constant 0 : i32
        %get3A_1373 = arith.constant 30 : i32
        %get3A_1374 = arith.index_cast %get3A_1372 : i32 to index
        %get3A_1375 = arith.index_cast %get3A_1373 : i32 to index
        %get3A_1376 = arith.index_cast %add3A_1081 : i32 to index
        %get3A_1377 = tpu.vector_load %arg8[%get3A_1374, %get3A_1375, %get3A_1376] {strides = array<i32>} : memref<2x32x1024xf32, #tpu.memory_space<vmem>>, vector<1x1x16xf32>,
        %get3A_1378 = vector.shape_cast %get3A_1377 : vector<1x1x16xf32> to vector<16xf32>
        %mul3A_1379 = arith.mulf %get3A_1378, %gather3A_214 : vector<16xf32>
        %add3A_1380 = arith.addf %add3A_1371, %mul3A_1379 : vector<16xf32>
        %get3A_1381 = arith.constant 0 : i32
        %get3A_1382 = arith.constant 31 : i32
        %get3A_1383 = arith.index_cast %get3A_1381 : i32 to index
        %get3A_1384 = arith.index_cast %get3A_1382 : i32 to index
        %get3A_1385 = arith.index_cast %add3A_1081 : i32 to index
        %get3A_1386 = tpu.vector_load %arg8[%get3A_1383, %get3A_1384, %get3A_1385] {strides = array<i32>} : memref<2x32x1024xf32, #tpu.memory_space<vmem>>, vector<1x1x16xf32>,
        %get3A_1387 = vector.shape_cast %get3A_1386 : vector<1x1x16xf32> to vector<16xf32>
        %mul3A_1388 = arith.mulf %get3A_1387, %gather3A_218 : vector<16xf32>
        %add3A_1389 = arith.addf %add3A_1380, %mul3A_1388 : vector<16xf32>
        %swap3A_1390 = arith.constant 0 : i32
        %swap3A_1391 = arith.constant 3 : i32
        %swap3A_1392 = arith.index_cast %swap3A_1390 : i32 to index
        %swap3A_1393 = arith.index_cast %swap3A_1391 : i32 to index
        %swap3A_1394 = arith.index_cast %add3A_1081 : i32 to index
        %swap3A_1395 = tpu.vector_load %arg9[%swap3A_1392, %swap3A_1393, %swap3A_1394] {strides = array<i32>} : memref<2x4x1024xf32, #tpu.memory_space<vmem>>, vector<1x1x16xf32>,
        %swap3A_1396 = vector.shape_cast %swap3A_1395 : vector<1x1x16xf32> to vector<16xf32>
        %swap3A_1397 = vector.shape_cast %add3A_1389 : vector<16xf32> to vector<1x1x16xf32>
        tpu.vector_store %arg9[%swap3A_1392, %swap3A_1393, %swap3A_1394], %swap3A_1397 {strides = array<i32>} : memref<2x4x1024xf32, #tpu.memory_space<vmem>>, vector<1x1x16xf32>,
        %mul3A_1398 = arith.constant 64 : i32
        %mul3A_1399 = arith.muli %scan3A_438, %mul3A_1398 : i32
        %add3A_1400 = arith.constant 48 : i32
        %add3A_1401 = arith.addi %mul3A_1399, %add3A_1400 : i32
        %get3A_1402 = arith.constant 0 : i32
        %get3A_1403 = arith.constant 0 : i32
        %get3A_1404 = arith.index_cast %get3A_1402 : i32 to index
        %get3A_1405 = arith.index_cast %get3A_1403 : i32 to index
        %get3A_1406 = arith.index_cast %add3A_1401 : i32 to index
        %get3A_1407 = tpu.vector_load %arg8[%get3A_1404, %get3A_1405, %get3A_1406] {strides = array<i32>} : memref<2x32x1024xf32, #tpu.memory_space<vmem>>, vector<1x1x16xf32>,
        %get3A_1408 = vector.shape_cast %get3A_1407 : vector<1x1x16xf32> to vector<16xf32>
        %mul3A_1409 = arith.mulf %get3A_1408, %gather3A_94 : vector<16xf32>
        %get3A_1410 = arith.constant 0 : i32
        %get3A_1411 = arith.constant 1 : i32
        %get3A_1412 = arith.index_cast %get3A_1410 : i32 to index
        %get3A_1413 = arith.index_cast %get3A_1411 : i32 to index
        %get3A_1414 = arith.index_cast %add3A_1401 : i32 to index
        %get3A_1415 = tpu.vector_load %arg8[%get3A_1412, %get3A_1413, %get3A_1414] {strides = array<i32>} : memref<2x32x1024xf32, #tpu.memory_space<vmem>>, vector<1x1x16xf32>,
        %get3A_1416 = vector.shape_cast %get3A_1415 : vector<1x1x16xf32> to vector<16xf32>
        %mul3A_1417 = arith.mulf %get3A_1416, %gather3A_98 : vector<16xf32>
        %add3A_1418 = arith.addf %mul3A_1409, %mul3A_1417 : vector<16xf32>
        %get3A_1419 = arith.constant 0 : i32
        %get3A_1420 = arith.constant 2 : i32
        %get3A_1421 = arith.index_cast %get3A_1419 : i32 to index
        %get3A_1422 = arith.index_cast %get3A_1420 : i32 to index
        %get3A_1423 = arith.index_cast %add3A_1401 : i32 to index
        %get3A_1424 = tpu.vector_load %arg8[%get3A_1421, %get3A_1422, %get3A_1423] {strides = array<i32>} : memref<2x32x1024xf32, #tpu.memory_space<vmem>>, vector<1x1x16xf32>,
        %get3A_1425 = vector.shape_cast %get3A_1424 : vector<1x1x16xf32> to vector<16xf32>
        %mul3A_1426 = arith.mulf %get3A_1425, %gather3A_102 : vector<16xf32>
        %add3A_1427 = arith.addf %add3A_1418, %mul3A_1426 : vector<16xf32>
        %get3A_1428 = arith.constant 0 : i32
        %get3A_1429 = arith.constant 3 : i32
        %get3A_1430 = arith.index_cast %get3A_1428 : i32 to index
        %get3A_1431 = arith.index_cast %get3A_1429 : i32 to index
        %get3A_1432 = arith.index_cast %add3A_1401 : i32 to index
        %get3A_1433 = tpu.vector_load %arg8[%get3A_1430, %get3A_1431, %get3A_1432] {strides = array<i32>} : memref<2x32x1024xf32, #tpu.memory_space<vmem>>, vector<1x1x16xf32>,
        %get3A_1434 = vector.shape_cast %get3A_1433 : vector<1x1x16xf32> to vector<16xf32>
        %mul3A_1435 = arith.mulf %get3A_1434, %gather3A_106 : vector<16xf32>
        %add3A_1436 = arith.addf %add3A_1427, %mul3A_1435 : vector<16xf32>
        %get3A_1437 = arith.constant 0 : i32
        %get3A_1438 = arith.constant 4 : i32
        %get3A_1439 = arith.index_cast %get3A_1437 : i32 to index
        %get3A_1440 = arith.index_cast %get3A_1438 : i32 to index
        %get3A_1441 = arith.index_cast %add3A_1401 : i32 to index
        %get3A_1442 = tpu.vector_load %arg8[%get3A_1439, %get3A_1440, %get3A_1441] {strides = array<i32>} : memref<2x32x1024xf32, #tpu.memory_space<vmem>>, vector<1x1x16xf32>,
        %get3A_1443 = vector.shape_cast %get3A_1442 : vector<1x1x16xf32> to vector<16xf32>
        %mul3A_1444 = arith.mulf %get3A_1443, %gather3A_110 : vector<16xf32>
        %add3A_1445 = arith.addf %add3A_1436, %mul3A_1444 : vector<16xf32>
        %get3A_1446 = arith.constant 0 : i32
        %get3A_1447 = arith.constant 5 : i32
        %get3A_1448 = arith.index_cast %get3A_1446 : i32 to index
        %get3A_1449 = arith.index_cast %get3A_1447 : i32 to index
        %get3A_1450 = arith.index_cast %add3A_1401 : i32 to index
        %get3A_1451 = tpu.vector_load %arg8[%get3A_1448, %get3A_1449, %get3A_1450] {strides = array<i32>} : memref<2x32x1024xf32, #tpu.memory_space<vmem>>, vector<1x1x16xf32>,
        %get3A_1452 = vector.shape_cast %get3A_1451 : vector<1x1x16xf32> to vector<16xf32>
        %mul3A_1453 = arith.mulf %get3A_1452, %gather3A_114 : vector<16xf32>
        %add3A_1454 = arith.addf %add3A_1445, %mul3A_1453 : vector<16xf32>
        %get3A_1455 = arith.constant 0 : i32
        %get3A_1456 = arith.constant 6 : i32
        %get3A_1457 = arith.index_cast %get3A_1455 : i32 to index
        %get3A_1458 = arith.index_cast %get3A_1456 : i32 to index
        %get3A_1459 = arith.index_cast %add3A_1401 : i32 to index
        %get3A_1460 = tpu.vector_load %arg8[%get3A_1457, %get3A_1458, %get3A_1459] {strides = array<i32>} : memref<2x32x1024xf32, #tpu.memory_space<vmem>>, vector<1x1x16xf32>,
        %get3A_1461 = vector.shape_cast %get3A_1460 : vector<1x1x16xf32> to vector<16xf32>
        %mul3A_1462 = arith.mulf %get3A_1461, %gather3A_118 : vector<16xf32>
        %add3A_1463 = arith.addf %add3A_1454, %mul3A_1462 : vector<16xf32>
        %get3A_1464 = arith.constant 0 : i32
        %get3A_1465 = arith.constant 7 : i32
        %get3A_1466 = arith.index_cast %get3A_1464 : i32 to index
        %get3A_1467 = arith.index_cast %get3A_1465 : i32 to index
        %get3A_1468 = arith.index_cast %add3A_1401 : i32 to index
        %get3A_1469 = tpu.vector_load %arg8[%get3A_1466, %get3A_1467, %get3A_1468] {strides = array<i32>} : memref<2x32x1024xf32, #tpu.memory_space<vmem>>, vector<1x1x16xf32>,
        %get3A_1470 = vector.shape_cast %get3A_1469 : vector<1x1x16xf32> to vector<16xf32>
        %mul3A_1471 = arith.mulf %get3A_1470, %gather3A_122 : vector<16xf32>
        %add3A_1472 = arith.addf %add3A_1463, %mul3A_1471 : vector<16xf32>
        %swap3A_1473 = arith.constant 0 : i32
        %swap3A_1474 = arith.constant 0 : i32
        %swap3A_1475 = arith.index_cast %swap3A_1473 : i32 to index
        %swap3A_1476 = arith.index_cast %swap3A_1474 : i32 to index
        %swap3A_1477 = arith.index_cast %add3A_1401 : i32 to index
        %swap3A_1478 = tpu.vector_load %arg9[%swap3A_1475, %swap3A_1476, %swap3A_1477] {strides = array<i32>} : memref<2x4x1024xf32, #tpu.memory_space<vmem>>, vector<1x1x16xf32>,
        %swap3A_1479 = vector.shape_cast %swap3A_1478 : vector<1x1x16xf32> to vector<16xf32>
        %swap3A_1480 = vector.shape_cast %add3A_1472 : vector<16xf32> to vector<1x1x16xf32>
        tpu.vector_store %arg9[%swap3A_1475, %swap3A_1476, %swap3A_1477], %swap3A_1480 {strides = array<i32>} : memref<2x4x1024xf32, #tpu.memory_space<vmem>>, vector<1x1x16xf32>,
        %get3A_1481 = arith.constant 0 : i32
        %get3A_1482 = arith.constant 8 : i32
        %get3A_1483 = arith.index_cast %get3A_1481 : i32 to index
        %get3A_1484 = arith.index_cast %get3A_1482 : i32 to index
        %get3A_1485 = arith.index_cast %add3A_1401 : i32 to index
        %get3A_1486 = tpu.vector_load %arg8[%get3A_1483, %get3A_1484, %get3A_1485] {strides = array<i32>} : memref<2x32x1024xf32, #tpu.memory_space<vmem>>, vector<1x1x16xf32>,
        %get3A_1487 = vector.shape_cast %get3A_1486 : vector<1x1x16xf32> to vector<16xf32>
        %mul3A_1488 = arith.mulf %get3A_1487, %gather3A_126 : vector<16xf32>
        %get3A_1489 = arith.constant 0 : i32
        %get3A_1490 = arith.constant 9 : i32
        %get3A_1491 = arith.index_cast %get3A_1489 : i32 to index
        %get3A_1492 = arith.index_cast %get3A_1490 : i32 to index
        %get3A_1493 = arith.index_cast %add3A_1401 : i32 to index
        %get3A_1494 = tpu.vector_load %arg8[%get3A_1491, %get3A_1492, %get3A_1493] {strides = array<i32>} : memref<2x32x1024xf32, #tpu.memory_space<vmem>>, vector<1x1x16xf32>,
        %get3A_1495 = vector.shape_cast %get3A_1494 : vector<1x1x16xf32> to vector<16xf32>
        %mul3A_1496 = arith.mulf %get3A_1495, %gather3A_130 : vector<16xf32>
        %add3A_1497 = arith.addf %mul3A_1488, %mul3A_1496 : vector<16xf32>
        %get3A_1498 = arith.constant 0 : i32
        %get3A_1499 = arith.constant 10 : i32
        %get3A_1500 = arith.index_cast %get3A_1498 : i32 to index
        %get3A_1501 = arith.index_cast %get3A_1499 : i32 to index
        %get3A_1502 = arith.index_cast %add3A_1401 : i32 to index
        %get3A_1503 = tpu.vector_load %arg8[%get3A_1500, %get3A_1501, %get3A_1502] {strides = array<i32>} : memref<2x32x1024xf32, #tpu.memory_space<vmem>>, vector<1x1x16xf32>,
        %get3A_1504 = vector.shape_cast %get3A_1503 : vector<1x1x16xf32> to vector<16xf32>
        %mul3A_1505 = arith.mulf %get3A_1504, %gather3A_134 : vector<16xf32>
        %add3A_1506 = arith.addf %add3A_1497, %mul3A_1505 : vector<16xf32>
        %get3A_1507 = arith.constant 0 : i32
        %get3A_1508 = arith.constant 11 : i32
        %get3A_1509 = arith.index_cast %get3A_1507 : i32 to index
        %get3A_1510 = arith.index_cast %get3A_1508 : i32 to index
        %get3A_1511 = arith.index_cast %add3A_1401 : i32 to index
        %get3A_1512 = tpu.vector_load %arg8[%get3A_1509, %get3A_1510, %get3A_1511] {strides = array<i32>} : memref<2x32x1024xf32, #tpu.memory_space<vmem>>, vector<1x1x16xf32>,
        %get3A_1513 = vector.shape_cast %get3A_1512 : vector<1x1x16xf32> to vector<16xf32>
        %mul3A_1514 = arith.mulf %get3A_1513, %gather3A_138 : vector<16xf32>
        %add3A_1515 = arith.addf %add3A_1506, %mul3A_1514 : vector<16xf32>
        %get3A_1516 = arith.constant 0 : i32
        %get3A_1517 = arith.constant 12 : i32
        %get3A_1518 = arith.index_cast %get3A_1516 : i32 to index
        %get3A_1519 = arith.index_cast %get3A_1517 : i32 to index
        %get3A_1520 = arith.index_cast %add3A_1401 : i32 to index
        %get3A_1521 = tpu.vector_load %arg8[%get3A_1518, %get3A_1519, %get3A_1520] {strides = array<i32>} : memref<2x32x1024xf32, #tpu.memory_space<vmem>>, vector<1x1x16xf32>,
        %get3A_1522 = vector.shape_cast %get3A_1521 : vector<1x1x16xf32> to vector<16xf32>
        %mul3A_1523 = arith.mulf %get3A_1522, %gather3A_142 : vector<16xf32>
        %add3A_1524 = arith.addf %add3A_1515, %mul3A_1523 : vector<16xf32>
        %get3A_1525 = arith.constant 0 : i32
        %get3A_1526 = arith.constant 13 : i32
        %get3A_1527 = arith.index_cast %get3A_1525 : i32 to index
        %get3A_1528 = arith.index_cast %get3A_1526 : i32 to index
        %get3A_1529 = arith.index_cast %add3A_1401 : i32 to index
        %get3A_1530 = tpu.vector_load %arg8[%get3A_1527, %get3A_1528, %get3A_1529] {strides = array<i32>} : memref<2x32x1024xf32, #tpu.memory_space<vmem>>, vector<1x1x16xf32>,
        %get3A_1531 = vector.shape_cast %get3A_1530 : vector<1x1x16xf32> to vector<16xf32>
        %mul3A_1532 = arith.mulf %get3A_1531, %gather3A_146 : vector<16xf32>
        %add3A_1533 = arith.addf %add3A_1524, %mul3A_1532 : vector<16xf32>
        %get3A_1534 = arith.constant 0 : i32
        %get3A_1535 = arith.constant 14 : i32
        %get3A_1536 = arith.index_cast %get3A_1534 : i32 to index
        %get3A_1537 = arith.index_cast %get3A_1535 : i32 to index
        %get3A_1538 = arith.index_cast %add3A_1401 : i32 to index
        %get3A_1539 = tpu.vector_load %arg8[%get3A_1536, %get3A_1537, %get3A_1538] {strides = array<i32>} : memref<2x32x1024xf32, #tpu.memory_space<vmem>>, vector<1x1x16xf32>,
        %get3A_1540 = vector.shape_cast %get3A_1539 : vector<1x1x16xf32> to vector<16xf32>
        %mul3A_1541 = arith.mulf %get3A_1540, %gather3A_150 : vector<16xf32>
        %add3A_1542 = arith.addf %add3A_1533, %mul3A_1541 : vector<16xf32>
        %get3A_1543 = arith.constant 0 : i32
        %get3A_1544 = arith.constant 15 : i32
        %get3A_1545 = arith.index_cast %get3A_1543 : i32 to index
        %get3A_1546 = arith.index_cast %get3A_1544 : i32 to index
        %get3A_1547 = arith.index_cast %add3A_1401 : i32 to index
        %get3A_1548 = tpu.vector_load %arg8[%get3A_1545, %get3A_1546, %get3A_1547] {strides = array<i32>} : memref<2x32x1024xf32, #tpu.memory_space<vmem>>, vector<1x1x16xf32>,
        %get3A_1549 = vector.shape_cast %get3A_1548 : vector<1x1x16xf32> to vector<16xf32>
        %mul3A_1550 = arith.mulf %get3A_1549, %gather3A_154 : vector<16xf32>
        %add3A_1551 = arith.addf %add3A_1542, %mul3A_1550 : vector<16xf32>
        %swap3A_1552 = arith.constant 0 : i32
        %swap3A_1553 = arith.constant 1 : i32
        %swap3A_1554 = arith.index_cast %swap3A_1552 : i32 to index
        %swap3A_1555 = arith.index_cast %swap3A_1553 : i32 to index
        %swap3A_1556 = arith.index_cast %add3A_1401 : i32 to index
        %swap3A_1557 = tpu.vector_load %arg9[%swap3A_1554, %swap3A_1555, %swap3A_1556] {strides = array<i32>} : memref<2x4x1024xf32, #tpu.memory_space<vmem>>, vector<1x1x16xf32>,
        %swap3A_1558 = vector.shape_cast %swap3A_1557 : vector<1x1x16xf32> to vector<16xf32>
        %swap3A_1559 = vector.shape_cast %add3A_1551 : vector<16xf32> to vector<1x1x16xf32>
        tpu.vector_store %arg9[%swap3A_1554, %swap3A_1555, %swap3A_1556], %swap3A_1559 {strides = array<i32>} : memref<2x4x1024xf32, #tpu.memory_space<vmem>>, vector<1x1x16xf32>,
        %get3A_1560 = arith.constant 0 : i32
        %get3A_1561 = arith.constant 16 : i32
        %get3A_1562 = arith.index_cast %get3A_1560 : i32 to index
        %get3A_1563 = arith.index_cast %get3A_1561 : i32 to index
        %get3A_1564 = arith.index_cast %add3A_1401 : i32 to index
        %get3A_1565 = tpu.vector_load %arg8[%get3A_1562, %get3A_1563, %get3A_1564] {strides = array<i32>} : memref<2x32x1024xf32, #tpu.memory_space<vmem>>, vector<1x1x16xf32>,
        %get3A_1566 = vector.shape_cast %get3A_1565 : vector<1x1x16xf32> to vector<16xf32>
        %mul3A_1567 = arith.mulf %get3A_1566, %gather3A_158 : vector<16xf32>
        %get3A_1568 = arith.constant 0 : i32
        %get3A_1569 = arith.constant 17 : i32
        %get3A_1570 = arith.index_cast %get3A_1568 : i32 to index
        %get3A_1571 = arith.index_cast %get3A_1569 : i32 to index
        %get3A_1572 = arith.index_cast %add3A_1401 : i32 to index
        %get3A_1573 = tpu.vector_load %arg8[%get3A_1570, %get3A_1571, %get3A_1572] {strides = array<i32>} : memref<2x32x1024xf32, #tpu.memory_space<vmem>>, vector<1x1x16xf32>,
        %get3A_1574 = vector.shape_cast %get3A_1573 : vector<1x1x16xf32> to vector<16xf32>
        %mul3A_1575 = arith.mulf %get3A_1574, %gather3A_162 : vector<16xf32>
        %add3A_1576 = arith.addf %mul3A_1567, %mul3A_1575 : vector<16xf32>
        %get3A_1577 = arith.constant 0 : i32
        %get3A_1578 = arith.constant 18 : i32
        %get3A_1579 = arith.index_cast %get3A_1577 : i32 to index
        %get3A_1580 = arith.index_cast %get3A_1578 : i32 to index
        %get3A_1581 = arith.index_cast %add3A_1401 : i32 to index
        %get3A_1582 = tpu.vector_load %arg8[%get3A_1579, %get3A_1580, %get3A_1581] {strides = array<i32>} : memref<2x32x1024xf32, #tpu.memory_space<vmem>>, vector<1x1x16xf32>,
        %get3A_1583 = vector.shape_cast %get3A_1582 : vector<1x1x16xf32> to vector<16xf32>
        %mul3A_1584 = arith.mulf %get3A_1583, %gather3A_166 : vector<16xf32>
        %add3A_1585 = arith.addf %add3A_1576, %mul3A_1584 : vector<16xf32>
        %get3A_1586 = arith.constant 0 : i32
        %get3A_1587 = arith.constant 19 : i32
        %get3A_1588 = arith.index_cast %get3A_1586 : i32 to index
        %get3A_1589 = arith.index_cast %get3A_1587 : i32 to index
        %get3A_1590 = arith.index_cast %add3A_1401 : i32 to index
        %get3A_1591 = tpu.vector_load %arg8[%get3A_1588, %get3A_1589, %get3A_1590] {strides = array<i32>} : memref<2x32x1024xf32, #tpu.memory_space<vmem>>, vector<1x1x16xf32>,
        %get3A_1592 = vector.shape_cast %get3A_1591 : vector<1x1x16xf32> to vector<16xf32>
        %mul3A_1593 = arith.mulf %get3A_1592, %gather3A_170 : vector<16xf32>
        %add3A_1594 = arith.addf %add3A_1585, %mul3A_1593 : vector<16xf32>
        %get3A_1595 = arith.constant 0 : i32
        %get3A_1596 = arith.constant 20 : i32
        %get3A_1597 = arith.index_cast %get3A_1595 : i32 to index
        %get3A_1598 = arith.index_cast %get3A_1596 : i32 to index
        %get3A_1599 = arith.index_cast %add3A_1401 : i32 to index
        %get3A_1600 = tpu.vector_load %arg8[%get3A_1597, %get3A_1598, %get3A_1599] {strides = array<i32>} : memref<2x32x1024xf32, #tpu.memory_space<vmem>>, vector<1x1x16xf32>,
        %get3A_1601 = vector.shape_cast %get3A_1600 : vector<1x1x16xf32> to vector<16xf32>
        %mul3A_1602 = arith.mulf %get3A_1601, %gather3A_174 : vector<16xf32>
        %add3A_1603 = arith.addf %add3A_1594, %mul3A_1602 : vector<16xf32>
        %get3A_1604 = arith.constant 0 : i32
        %get3A_1605 = arith.constant 21 : i32
        %get3A_1606 = arith.index_cast %get3A_1604 : i32 to index
        %get3A_1607 = arith.index_cast %get3A_1605 : i32 to index
        %get3A_1608 = arith.index_cast %add3A_1401 : i32 to index
        %get3A_1609 = tpu.vector_load %arg8[%get3A_1606, %get3A_1607, %get3A_1608] {strides = array<i32>} : memref<2x32x1024xf32, #tpu.memory_space<vmem>>, vector<1x1x16xf32>,
        %get3A_1610 = vector.shape_cast %get3A_1609 : vector<1x1x16xf32> to vector<16xf32>
        %mul3A_1611 = arith.mulf %get3A_1610, %gather3A_178 : vector<16xf32>
        %add3A_1612 = arith.addf %add3A_1603, %mul3A_1611 : vector<16xf32>
        %get3A_1613 = arith.constant 0 : i32
        %get3A_1614 = arith.constant 22 : i32
        %get3A_1615 = arith.index_cast %get3A_1613 : i32 to index
        %get3A_1616 = arith.index_cast %get3A_1614 : i32 to index
        %get3A_1617 = arith.index_cast %add3A_1401 : i32 to index
        %get3A_1618 = tpu.vector_load %arg8[%get3A_1615, %get3A_1616, %get3A_1617] {strides = array<i32>} : memref<2x32x1024xf32, #tpu.memory_space<vmem>>, vector<1x1x16xf32>,
        %get3A_1619 = vector.shape_cast %get3A_1618 : vector<1x1x16xf32> to vector<16xf32>
        %mul3A_1620 = arith.mulf %get3A_1619, %gather3A_182 : vector<16xf32>
        %add3A_1621 = arith.addf %add3A_1612, %mul3A_1620 : vector<16xf32>
        %get3A_1622 = arith.constant 0 : i32
        %get3A_1623 = arith.constant 23 : i32
        %get3A_1624 = arith.index_cast %get3A_1622 : i32 to index
        %get3A_1625 = arith.index_cast %get3A_1623 : i32 to index
        %get3A_1626 = arith.index_cast %add3A_1401 : i32 to index
        %get3A_1627 = tpu.vector_load %arg8[%get3A_1624, %get3A_1625, %get3A_1626] {strides = array<i32>} : memref<2x32x1024xf32, #tpu.memory_space<vmem>>, vector<1x1x16xf32>,
        %get3A_1628 = vector.shape_cast %get3A_1627 : vector<1x1x16xf32> to vector<16xf32>
        %mul3A_1629 = arith.mulf %get3A_1628, %gather3A_186 : vector<16xf32>
        %add3A_1630 = arith.addf %add3A_1621, %mul3A_1629 : vector<16xf32>
        %swap3A_1631 = arith.constant 0 : i32
        %swap3A_1632 = arith.constant 2 : i32
        %swap3A_1633 = arith.index_cast %swap3A_1631 : i32 to index
        %swap3A_1634 = arith.index_cast %swap3A_1632 : i32 to index
        %swap3A_1635 = arith.index_cast %add3A_1401 : i32 to index
        %swap3A_1636 = tpu.vector_load %arg9[%swap3A_1633, %swap3A_1634, %swap3A_1635] {strides = array<i32>} : memref<2x4x1024xf32, #tpu.memory_space<vmem>>, vector<1x1x16xf32>,
        %swap3A_1637 = vector.shape_cast %swap3A_1636 : vector<1x1x16xf32> to vector<16xf32>
        %swap3A_1638 = vector.shape_cast %add3A_1630 : vector<16xf32> to vector<1x1x16xf32>
        tpu.vector_store %arg9[%swap3A_1633, %swap3A_1634, %swap3A_1635], %swap3A_1638 {strides = array<i32>} : memref<2x4x1024xf32, #tpu.memory_space<vmem>>, vector<1x1x16xf32>,
        %get3A_1639 = arith.constant 0 : i32
        %get3A_1640 = arith.constant 24 : i32
        %get3A_1641 = arith.index_cast %get3A_1639 : i32 to index
        %get3A_1642 = arith.index_cast %get3A_1640 : i32 to index
        %get3A_1643 = arith.index_cast %add3A_1401 : i32 to index
        %get3A_1644 = tpu.vector_load %arg8[%get3A_1641, %get3A_1642, %get3A_1643] {strides = array<i32>} : memref<2x32x1024xf32, #tpu.memory_space<vmem>>, vector<1x1x16xf32>,
        %get3A_1645 = vector.shape_cast %get3A_1644 : vector<1x1x16xf32> to vector<16xf32>
        %mul3A_1646 = arith.mulf %get3A_1645, %gather3A_190 : vector<16xf32>
        %get3A_1647 = arith.constant 0 : i32
        %get3A_1648 = arith.constant 25 : i32
        %get3A_1649 = arith.index_cast %get3A_1647 : i32 to index
        %get3A_1650 = arith.index_cast %get3A_1648 : i32 to index
        %get3A_1651 = arith.index_cast %add3A_1401 : i32 to index
        %get3A_1652 = tpu.vector_load %arg8[%get3A_1649, %get3A_1650, %get3A_1651] {strides = array<i32>} : memref<2x32x1024xf32, #tpu.memory_space<vmem>>, vector<1x1x16xf32>,
        %get3A_1653 = vector.shape_cast %get3A_1652 : vector<1x1x16xf32> to vector<16xf32>
        %mul3A_1654 = arith.mulf %get3A_1653, %gather3A_194 : vector<16xf32>
        %add3A_1655 = arith.addf %mul3A_1646, %mul3A_1654 : vector<16xf32>
        %get3A_1656 = arith.constant 0 : i32
        %get3A_1657 = arith.constant 26 : i32
        %get3A_1658 = arith.index_cast %get3A_1656 : i32 to index
        %get3A_1659 = arith.index_cast %get3A_1657 : i32 to index
        %get3A_1660 = arith.index_cast %add3A_1401 : i32 to index
        %get3A_1661 = tpu.vector_load %arg8[%get3A_1658, %get3A_1659, %get3A_1660] {strides = array<i32>} : memref<2x32x1024xf32, #tpu.memory_space<vmem>>, vector<1x1x16xf32>,
        %get3A_1662 = vector.shape_cast %get3A_1661 : vector<1x1x16xf32> to vector<16xf32>
        %mul3A_1663 = arith.mulf %get3A_1662, %gather3A_198 : vector<16xf32>
        %add3A_1664 = arith.addf %add3A_1655, %mul3A_1663 : vector<16xf32>
        %get3A_1665 = arith.constant 0 : i32
        %get3A_1666 = arith.constant 27 : i32
        %get3A_1667 = arith.index_cast %get3A_1665 : i32 to index
        %get3A_1668 = arith.index_cast %get3A_1666 : i32 to index
        %get3A_1669 = arith.index_cast %add3A_1401 : i32 to index
        %get3A_1670 = tpu.vector_load %arg8[%get3A_1667, %get3A_1668, %get3A_1669] {strides = array<i32>} : memref<2x32x1024xf32, #tpu.memory_space<vmem>>, vector<1x1x16xf32>,
        %get3A_1671 = vector.shape_cast %get3A_1670 : vector<1x1x16xf32> to vector<16xf32>
        %mul3A_1672 = arith.mulf %get3A_1671, %gather3A_202 : vector<16xf32>
        %add3A_1673 = arith.addf %add3A_1664, %mul3A_1672 : vector<16xf32>
        %get3A_1674 = arith.constant 0 : i32
        %get3A_1675 = arith.constant 28 : i32
        %get3A_1676 = arith.index_cast %get3A_1674 : i32 to index
        %get3A_1677 = arith.index_cast %get3A_1675 : i32 to index
        %get3A_1678 = arith.index_cast %add3A_1401 : i32 to index
        %get3A_1679 = tpu.vector_load %arg8[%get3A_1676, %get3A_1677, %get3A_1678] {strides = array<i32>} : memref<2x32x1024xf32, #tpu.memory_space<vmem>>, vector<1x1x16xf32>,
        %get3A_1680 = vector.shape_cast %get3A_1679 : vector<1x1x16xf32> to vector<16xf32>
        %mul3A_1681 = arith.mulf %get3A_1680, %gather3A_206 : vector<16xf32>
        %add3A_1682 = arith.addf %add3A_1673, %mul3A_1681 : vector<16xf32>
        %get3A_1683 = arith.constant 0 : i32
        %get3A_1684 = arith.constant 29 : i32
        %get3A_1685 = arith.index_cast %get3A_1683 : i32 to index
        %get3A_1686 = arith.index_cast %get3A_1684 : i32 to index
        %get3A_1687 = arith.index_cast %add3A_1401 : i32 to index
        %get3A_1688 = tpu.vector_load %arg8[%get3A_1685, %get3A_1686, %get3A_1687] {strides = array<i32>} : memref<2x32x1024xf32, #tpu.memory_space<vmem>>, vector<1x1x16xf32>,
        %get3A_1689 = vector.shape_cast %get3A_1688 : vector<1x1x16xf32> to vector<16xf32>
        %mul3A_1690 = arith.mulf %get3A_1689, %gather3A_210 : vector<16xf32>
        %add3A_1691 = arith.addf %add3A_1682, %mul3A_1690 : vector<16xf32>
        %get3A_1692 = arith.constant 0 : i32
        %get3A_1693 = arith.constant 30 : i32
        %get3A_1694 = arith.index_cast %get3A_1692 : i32 to index
        %get3A_1695 = arith.index_cast %get3A_1693 : i32 to index
        %get3A_1696 = arith.index_cast %add3A_1401 : i32 to index
        %get3A_1697 = tpu.vector_load %arg8[%get3A_1694, %get3A_1695, %get3A_1696] {strides = array<i32>} : memref<2x32x1024xf32, #tpu.memory_space<vmem>>, vector<1x1x16xf32>,
        %get3A_1698 = vector.shape_cast %get3A_1697 : vector<1x1x16xf32> to vector<16xf32>
        %mul3A_1699 = arith.mulf %get3A_1698, %gather3A_214 : vector<16xf32>
        %add3A_1700 = arith.addf %add3A_1691, %mul3A_1699 : vector<16xf32>
        %get3A_1701 = arith.constant 0 : i32
        %get3A_1702 = arith.constant 31 : i32
        %get3A_1703 = arith.index_cast %get3A_1701 : i32 to index
        %get3A_1704 = arith.index_cast %get3A_1702 : i32 to index
        %get3A_1705 = arith.index_cast %add3A_1401 : i32 to index
        %get3A_1706 = tpu.vector_load %arg8[%get3A_1703, %get3A_1704, %get3A_1705] {strides = array<i32>} : memref<2x32x1024xf32, #tpu.memory_space<vmem>>, vector<1x1x16xf32>,
        %get3A_1707 = vector.shape_cast %get3A_1706 : vector<1x1x16xf32> to vector<16xf32>
        %mul3A_1708 = arith.mulf %get3A_1707, %gather3A_218 : vector<16xf32>
        %add3A_1709 = arith.addf %add3A_1700, %mul3A_1708 : vector<16xf32>
        %swap3A_1710 = arith.constant 0 : i32
        %swap3A_1711 = arith.constant 3 : i32
        %swap3A_1712 = arith.index_cast %swap3A_1710 : i32 to index
        %swap3A_1713 = arith.index_cast %swap3A_1711 : i32 to index
        %swap3A_1714 = arith.index_cast %add3A_1401 : i32 to index
        %swap3A_1715 = tpu.vector_load %arg9[%swap3A_1712, %swap3A_1713, %swap3A_1714] {strides = array<i32>} : memref<2x4x1024xf32, #tpu.memory_space<vmem>>, vector<1x1x16xf32>,
        %swap3A_1716 = vector.shape_cast %swap3A_1715 : vector<1x1x16xf32> to vector<16xf32>
        %swap3A_1717 = vector.shape_cast %add3A_1709 : vector<16xf32> to vector<1x1x16xf32>
        tpu.vector_store %arg9[%swap3A_1712, %swap3A_1713, %swap3A_1714], %swap3A_1717 {strides = array<i32>} : memref<2x4x1024xf32, #tpu.memory_space<vmem>>, vector<1x1x16xf32>,
      }
      %scan3A_224 = arith.constant 16 : i32
      %mul3A_225 = arith.constant 4 : i32
      %mul3A_226 = arith.muli %add3A_54, %mul3A_225 : i32
      %add3A_227 = arith.addi %mul3A_2, %mul3A_226 : i32
      %dma_start3A_228 = arith.constant 0 : i32
      %dma_start3A_229 = arith.constant 0 : i32
      %dma_start3A_230 = arith.constant 0 : i32
      %dma_start3A_231 = tpu.memref_slice %arg9[%dma_start3A_228, %dma_start3A_229, %dma_start3A_230] : memref<2x4x1024xf32, #tpu.memory_space<vmem>> -> memref<1x4x1024xf32, #tpu.memory_space<vmem>>
      %dma_start3A_232 = tpu.memref_squeeze %dma_start3A_231 : memref<1x4x1024xf32, #tpu.memory_space<vmem>> -> memref<4x1024xf32, #tpu.memory_space<vmem>>
      %dma_start3A_233 = arith.constant 0 : i32
      %dma_start3A_234 = tpu.memref_slice %arg5[%add3A_227, %dma_start3A_233] : memref<32768x1024xf32, #tpu.memory_space<hbm>> -> memref<4x1024xf32, #tpu.memory_space<hbm>>
      %dma_start3A_235 = arith.constant 0 : i32
      %dma_start3A_236 = tpu.memref_slice %arg5[%add3A_227, %dma_start3A_235] : memref<32768x1024xf32, #tpu.memory_space<hbm>> -> memref<4x1024xf32, #tpu.memory_space<hbm>>
      %dma_start3A_237 = arith.constant 0 : i32
      %dma_start3A_238 = arith.constant 0 : i32
      %dma_start3A_239 = tpu.memref_slice %arg9[%dma_start3A_228, %dma_start3A_237, %dma_start3A_238] : memref<2x4x1024xf32, #tpu.memory_space<vmem>> -> memref<1x4x1024xf32, #tpu.memory_space<vmem>>
      %dma_start3A_240 = tpu.memref_squeeze %dma_start3A_239 : memref<1x4x1024xf32, #tpu.memory_space<vmem>> -> memref<4x1024xf32, #tpu.memory_space<vmem>>
      tpu.enqueue_dma source(%dma_start3A_240 : memref<4x1024xf32, #tpu.memory_space<vmem>>) target(%dma_start3A_236 : memref<4x1024xf32, #tpu.memory_space<hbm>>) target_semaphore(%arg12 : memref<!tpu.dma_semaphore, #tpu.memory_space<semaphore_mem>>)
      %mul3A_241 = arith.constant 2 : i32
      %mul3A_242 = arith.muli %scan3A_50, %mul3A_241 : i32
      %add3A_243 = arith.constant 1 : i32
      %add3A_244 = arith.addi %mul3A_242, %add3A_243 : i32
      %mul3A_245 = arith.constant 4 : i32
      %mul3A_246 = arith.muli %add3A_244, %mul3A_245 : i32
      %mul3A_247 = arith.constant 8 : i32
      %mul3A_248 = arith.muli %mul3A_246, %mul3A_247 : i32
      %dma_wait3A_249 = arith.constant 1 : i32
      %dma_wait3A_250 = arith.constant 0 : i32
      %dma_wait3A_251 = arith.constant 0 : i32
      %dma_wait3A_252 = tpu.memref_slice %arg8[%dma_wait3A_249, %dma_wait3A_250, %dma_wait3A_251] : memref<2x32x1024xf32, #tpu.memory_space<vmem>> -> memref<1x32x1024xf32, #tpu.memory_space<vmem>>
      %dma_wait3A_253 = tpu.memref_squeeze %dma_wait3A_252 : memref<1x32x1024xf32, #tpu.memory_space<vmem>> -> memref<32x1024xf32, #tpu.memory_space<vmem>>
      %dma_wait3A_254 = tpu.memref_slice %arg6[%mul3A_248] : memref<8192xi32, #tpu.memory_space<vmem>> -> memref<32xi32, #tpu.memory_space<vmem>>
      %dma_wait3A_255 = arith.constant 0 : i32
      %dma_wait3A_256 = arith.constant 0 : i32
      %dma_wait3A_257 = tpu.memref_slice %arg2[%dma_wait3A_255, %dma_wait3A_256] : memref<327680x1024xf32, #tpu.memory_space<hbm>> -> memref<327680x1024xf32, #tpu.memory_space<hbm>>
      tpu.wait_indirect_dma semaphore(%arg11 : memref<!tpu.dma_semaphore, #tpu.memory_space<semaphore_mem>>) src(%dma_wait3A_257 : memref<327680x1024xf32, #tpu.memory_space<hbm>>) dst(%dma_wait3A_253 : memref<32x1024xf32, #tpu.memory_space<vmem>>)
      %add3A_258 = arith.constant 1 : i32
      %add3A_259 = arith.addi %add3A_244, %add3A_258 : i32
      %lt3A_260 = arith.constant 256 : i32
      %lt3A_261 = arith.cmpi slt, %add3A_259, %lt3A_260 : i32
      %convert_element_type3A_262 = arith.extui %lt3A_261 : i1 to i32
      %cond3A_263 = arith.constant 0 : i32
      %cond3A_264 = arith.cmpi ne, %convert_element_type3A_262, %cond3A_263 : i32
      scf.if %cond3A_264 {
        %add3A_438 = arith.constant 1 : i32
        %add3A_439 = arith.addi %add3A_244, %add3A_438 : i32
        %mul3A_440 = arith.constant 4 : i32
        %mul3A_441 = arith.muli %add3A_439, %mul3A_440 : i32
        %mul3A_442 = arith.constant 8 : i32
        %mul3A_443 = arith.muli %mul3A_441, %mul3A_442 : i32
        %dma_start3A_444 = arith.constant 0 : i32
        %dma_start3A_445 = arith.constant 0 : i32
        %dma_start3A_446 = arith.constant 0 : i32
        %dma_start3A_447 = tpu.memref_slice %arg8[%dma_start3A_444, %dma_start3A_445, %dma_start3A_446] : memref<2x32x1024xf32, #tpu.memory_space<vmem>> -> memref<1x32x1024xf32, #tpu.memory_space<vmem>>
        %dma_start3A_448 = tpu.memref_squeeze %dma_start3A_447 : memref<1x32x1024xf32, #tpu.memory_space<vmem>> -> memref<32x1024xf32, #tpu.memory_space<vmem>>
        %dma_start3A_449 = tpu.memref_slice %arg6[%mul3A_443] : memref<8192xi32, #tpu.memory_space<vmem>> -> memref<32xi32, #tpu.memory_space<vmem>>
        %dma_start3A_450 = arith.constant 0 : i32
        %dma_start3A_451 = arith.constant 0 : i32
        %dma_start3A_452 = tpu.memref_slice %arg2[%dma_start3A_450, %dma_start3A_451] : memref<327680x1024xf32, #tpu.memory_space<hbm>> -> memref<327680x1024xf32, #tpu.memory_space<hbm>>
        tpu.enqueue_indirect_dma source(%dma_start3A_452 : memref<327680x1024xf32, #tpu.memory_space<hbm>>) target(%dma_start3A_448 : memref<32x1024xf32, #tpu.memory_space<vmem>>) offsets(%dma_start3A_449 : memref<32xi32, #tpu.memory_space<vmem>>) semaphore(%arg10 : memref<!tpu.dma_semaphore, #tpu.memory_space<semaphore_mem>>)
      } else {
      }
      %gt3A_265 = arith.constant 0 : i32
      %gt3A_266 = arith.cmpi sgt, %scan3A_50, %gt3A_265 : i32
      %convert_element_type3A_267 = arith.extui %gt3A_266 : i1 to i32
      %cond3A_268 = arith.constant 0 : i32
      %cond3A_269 = arith.cmpi ne, %convert_element_type3A_267, %cond3A_268 : i32
      scf.if %cond3A_269 {
        %sub3A = arith.constant 2 : i32
        %sub3A_438 = arith.subi %add3A_244, %sub3A : i32
        %mul3A_439 = arith.constant 4 : i32
        %mul3A_440 = arith.muli %sub3A_438, %mul3A_439 : i32
        %add3A_441 = arith.addi %mul3A_2, %mul3A_440 : i32
        %dma_wait3A_442 = arith.constant 1 : i32
        %dma_wait3A_443 = arith.constant 0 : i32
        %dma_wait3A_444 = arith.constant 0 : i32
        %dma_wait3A_445 = tpu.memref_slice %arg9[%dma_wait3A_442, %dma_wait3A_443, %dma_wait3A_444] : memref<2x4x1024xf32, #tpu.memory_space<vmem>> -> memref<1x4x1024xf32, #tpu.memory_space<vmem>>
        %dma_wait3A_446 = tpu.memref_squeeze %dma_wait3A_445 : memref<1x4x1024xf32, #tpu.memory_space<vmem>> -> memref<4x1024xf32, #tpu.memory_space<vmem>>
        %dma_wait3A_447 = arith.constant 0 : i32
        %dma_wait3A_448 = tpu.memref_slice %arg5[%add3A_441, %dma_wait3A_447] : memref<32768x1024xf32, #tpu.memory_space<hbm>> -> memref<4x1024xf32, #tpu.memory_space<hbm>>
        %dma_wait3A_449 = arith.constant 0 : i32
        %dma_wait3A_450 = tpu.memref_slice %arg5[%add3A_441, %dma_wait3A_449] : memref<32768x1024xf32, #tpu.memory_space<hbm>> -> memref<4x1024xf32, #tpu.memory_space<hbm>>
        %dma_wait3A_451 = arith.constant 0 : i32
        %dma_wait3A_452 = arith.constant 0 : i32
        %dma_wait3A_453 = tpu.memref_slice %arg9[%dma_wait3A_442, %dma_wait3A_451, %dma_wait3A_452] : memref<2x4x1024xf32, #tpu.memory_space<vmem>> -> memref<1x4x1024xf32, #tpu.memory_space<vmem>>
        %dma_wait3A_454 = tpu.memref_squeeze %dma_wait3A_453 : memref<1x4x1024xf32, #tpu.memory_space<vmem>> -> memref<4x1024xf32, #tpu.memory_space<vmem>>
        tpu.wait_dma2 semaphore(%arg13 : memref<!tpu.dma_semaphore, #tpu.memory_space<semaphore_mem>>) src(%dma_wait3A_454 : memref<4x1024xf32, #tpu.memory_space<vmem>>) dst(%dma_wait3A_450 : memref<4x1024xf32, #tpu.memory_space<hbm>>)
      } else {
      }
      %mul3A_270 = arith.constant 4 : i32
      %mul3A_271 = arith.muli %add3A_244, %mul3A_270 : i32
      %mul3A_272 = arith.constant 8 : i32
      %mul3A_273 = arith.muli %mul3A_271, %mul3A_272 : i32
      %add3A_274 = arith.constant 0 : i32
      %add3A_275 = arith.addi %mul3A_273, %add3A_274 : i32
      %get3A_276 = arith.index_cast %add3A_275 : i32 to index
      %get3A_277 = tpu.vector_load %arg7[%get3A_276] {strides = array<i32>} : memref<8192xf32, #tpu.memory_space<vmem>>, vector<16xf32>,
      %get3A_278 = vector.shape_cast %get3A_277 : vector<16xf32> to vector<16xf32>
      %mul3A_279 = arith.constant 4 : i32
      %mul3A_280 = arith.muli %add3A_244, %mul3A_279 : i32
      %mul3A_281 = arith.constant 8 : i32
      %mul3A_282 = arith.muli %mul3A_280, %mul3A_281 : i32
      %add3A_283 = arith.constant 16 : i32
      %add3A_284 = arith.addi %mul3A_282, %add3A_283 : i32
      %get3A_285 = arith.index_cast %add3A_284 : i32 to index
      %get3A_286 = tpu.vector_load %arg7[%get3A_285] {strides = array<i32>} : memref<8192xf32, #tpu.memory_space<vmem>>, vector<16xf32>,
      %get3A_287 = vector.shape_cast %get3A_286 : vector<16xf32> to vector<16xf32>
      %broadcast_in_dim3A_288 = arith.constant 0 : i32
      %broadcast_in_dim3A_289 = vector.broadcast %broadcast_in_dim3A_288 : i32 to vector<16x1xi32>
      %gather3A_290 = vector.shape_cast %broadcast_in_dim3A_289 : vector<16x1xi32> to vector<16xi32>
      %gather3A_291 = tpu.dynamic_gather %get3A_278[%gather3A_290] in [0] : vector<16xf32>, vector<16xi32> -> vector<16xf32>
      %broadcast_in_dim3A_292 = arith.constant 1 : i32
      %broadcast_in_dim3A_293 = vector.broadcast %broadcast_in_dim3A_292 : i32 to vector<16x1xi32>
      %gather3A_294 = vector.shape_cast %broadcast_in_dim3A_293 : vector<16x1xi32> to vector<16xi32>
      %gather3A_295 = tpu.dynamic_gather %get3A_278[%gather3A_294] in [0] : vector<16xf32>, vector<16xi32> -> vector<16xf32>
      %broadcast_in_dim3A_296 = arith.constant 2 : i32
      %broadcast_in_dim3A_297 = vector.broadcast %broadcast_in_dim3A_296 : i32 to vector<16x1xi32>
      %gather3A_298 = vector.shape_cast %broadcast_in_dim3A_297 : vector<16x1xi32> to vector<16xi32>
      %gather3A_299 = tpu.dynamic_gather %get3A_278[%gather3A_298] in [0] : vector<16xf32>, vector<16xi32> -> vector<16xf32>
      %broadcast_in_dim3A_300 = arith.constant 3 : i32
      %broadcast_in_dim3A_301 = vector.broadcast %broadcast_in_dim3A_300 : i32 to vector<16x1xi32>
      %gather3A_302 = vector.shape_cast %broadcast_in_dim3A_301 : vector<16x1xi32> to vector<16xi32>
      %gather3A_303 = tpu.dynamic_gather %get3A_278[%gather3A_302] in [0] : vector<16xf32>, vector<16xi32> -> vector<16xf32>
      %broadcast_in_dim3A_304 = arith.constant 4 : i32
      %broadcast_in_dim3A_305 = vector.broadcast %broadcast_in_dim3A_304 : i32 to vector<16x1xi32>
      %gather3A_306 = vector.shape_cast %broadcast_in_dim3A_305 : vector<16x1xi32> to vector<16xi32>
      %gather3A_307 = tpu.dynamic_gather %get3A_278[%gather3A_306] in [0] : vector<16xf32>, vector<16xi32> -> vector<16xf32>
      %broadcast_in_dim3A_308 = arith.constant 5 : i32
      %broadcast_in_dim3A_309 = vector.broadcast %broadcast_in_dim3A_308 : i32 to vector<16x1xi32>
      %gather3A_310 = vector.shape_cast %broadcast_in_dim3A_309 : vector<16x1xi32> to vector<16xi32>
      %gather3A_311 = tpu.dynamic_gather %get3A_278[%gather3A_310] in [0] : vector<16xf32>, vector<16xi32> -> vector<16xf32>
      %broadcast_in_dim3A_312 = arith.constant 6 : i32
      %broadcast_in_dim3A_313 = vector.broadcast %broadcast_in_dim3A_312 : i32 to vector<16x1xi32>
      %gather3A_314 = vector.shape_cast %broadcast_in_dim3A_313 : vector<16x1xi32> to vector<16xi32>
      %gather3A_315 = tpu.dynamic_gather %get3A_278[%gather3A_314] in [0] : vector<16xf32>, vector<16xi32> -> vector<16xf32>
      %broadcast_in_dim3A_316 = arith.constant 7 : i32
      %broadcast_in_dim3A_317 = vector.broadcast %broadcast_in_dim3A_316 : i32 to vector<16x1xi32>
      %gather3A_318 = vector.shape_cast %broadcast_in_dim3A_317 : vector<16x1xi32> to vector<16xi32>
      %gather3A_319 = tpu.dynamic_gather %get3A_278[%gather3A_318] in [0] : vector<16xf32>, vector<16xi32> -> vector<16xf32>
      %broadcast_in_dim3A_320 = arith.constant 8 : i32
      %broadcast_in_dim3A_321 = vector.broadcast %broadcast_in_dim3A_320 : i32 to vector<16x1xi32>
      %gather3A_322 = vector.shape_cast %broadcast_in_dim3A_321 : vector<16x1xi32> to vector<16xi32>
      %gather3A_323 = tpu.dynamic_gather %get3A_278[%gather3A_322] in [0] : vector<16xf32>, vector<16xi32> -> vector<16xf32>
      %broadcast_in_dim3A_324 = arith.constant 9 : i32
      %broadcast_in_dim3A_325 = vector.broadcast %broadcast_in_dim3A_324 : i32 to vector<16x1xi32>
      %gather3A_326 = vector.shape_cast %broadcast_in_dim3A_325 : vector<16x1xi32> to vector<16xi32>
      %gather3A_327 = tpu.dynamic_gather %get3A_278[%gather3A_326] in [0] : vector<16xf32>, vector<16xi32> -> vector<16xf32>
      %broadcast_in_dim3A_328 = arith.constant 10 : i32
      %broadcast_in_dim3A_329 = vector.broadcast %broadcast_in_dim3A_328 : i32 to vector<16x1xi32>
      %gather3A_330 = vector.shape_cast %broadcast_in_dim3A_329 : vector<16x1xi32> to vector<16xi32>
      %gather3A_331 = tpu.dynamic_gather %get3A_278[%gather3A_330] in [0] : vector<16xf32>, vector<16xi32> -> vector<16xf32>
      %broadcast_in_dim3A_332 = arith.constant 11 : i32
      %broadcast_in_dim3A_333 = vector.broadcast %broadcast_in_dim3A_332 : i32 to vector<16x1xi32>
      %gather3A_334 = vector.shape_cast %broadcast_in_dim3A_333 : vector<16x1xi32> to vector<16xi32>
      %gather3A_335 = tpu.dynamic_gather %get3A_278[%gather3A_334] in [0] : vector<16xf32>, vector<16xi32> -> vector<16xf32>
      %broadcast_in_dim3A_336 = arith.constant 12 : i32
      %broadcast_in_dim3A_337 = vector.broadcast %broadcast_in_dim3A_336 : i32 to vector<16x1xi32>
      %gather3A_338 = vector.shape_cast %broadcast_in_dim3A_337 : vector<16x1xi32> to vector<16xi32>
      %gather3A_339 = tpu.dynamic_gather %get3A_278[%gather3A_338] in [0] : vector<16xf32>, vector<16xi32> -> vector<16xf32>
      %broadcast_in_dim3A_340 = arith.constant 13 : i32
      %broadcast_in_dim3A_341 = vector.broadcast %broadcast_in_dim3A_340 : i32 to vector<16x1xi32>
      %gather3A_342 = vector.shape_cast %broadcast_in_dim3A_341 : vector<16x1xi32> to vector<16xi32>
      %gather3A_343 = tpu.dynamic_gather %get3A_278[%gather3A_342] in [0] : vector<16xf32>, vector<16xi32> -> vector<16xf32>
      %broadcast_in_dim3A_344 = arith.constant 14 : i32
      %broadcast_in_dim3A_345 = vector.broadcast %broadcast_in_dim3A_344 : i32 to vector<16x1xi32>
      %gather3A_346 = vector.shape_cast %broadcast_in_dim3A_345 : vector<16x1xi32> to vector<16xi32>
      %gather3A_347 = tpu.dynamic_gather %get3A_278[%gather3A_346] in [0] : vector<16xf32>, vector<16xi32> -> vector<16xf32>
      %broadcast_in_dim3A_348 = arith.constant 15 : i32
      %broadcast_in_dim3A_349 = vector.broadcast %broadcast_in_dim3A_348 : i32 to vector<16x1xi32>
      %gather3A_350 = vector.shape_cast %broadcast_in_dim3A_349 : vector<16x1xi32> to vector<16xi32>
      %gather3A_351 = tpu.dynamic_gather %get3A_278[%gather3A_350] in [0] : vector<16xf32>, vector<16xi32> -> vector<16xf32>
      %broadcast_in_dim3A_352 = arith.constant 0 : i32
      %broadcast_in_dim3A_353 = vector.broadcast %broadcast_in_dim3A_352 : i32 to vector<16x1xi32>
      %gather3A_354 = vector.shape_cast %broadcast_in_dim3A_353 : vector<16x1xi32> to vector<16xi32>
      %gather3A_355 = tpu.dynamic_gather %get3A_287[%gather3A_354] in [0] : vector<16xf32>, vector<16xi32> -> vector<16xf32>
      %broadcast_in_dim3A_356 = arith.constant 1 : i32
      %broadcast_in_dim3A_357 = vector.broadcast %broadcast_in_dim3A_356 : i32 to vector<16x1xi32>
      %gather3A_358 = vector.shape_cast %broadcast_in_dim3A_357 : vector<16x1xi32> to vector<16xi32>
      %gather3A_359 = tpu.dynamic_gather %get3A_287[%gather3A_358] in [0] : vector<16xf32>, vector<16xi32> -> vector<16xf32>
      %broadcast_in_dim3A_360 = arith.constant 2 : i32
      %broadcast_in_dim3A_361 = vector.broadcast %broadcast_in_dim3A_360 : i32 to vector<16x1xi32>
      %gather3A_362 = vector.shape_cast %broadcast_in_dim3A_361 : vector<16x1xi32> to vector<16xi32>
      %gather3A_363 = tpu.dynamic_gather %get3A_287[%gather3A_362] in [0] : vector<16xf32>, vector<16xi32> -> vector<16xf32>
      %broadcast_in_dim3A_364 = arith.constant 3 : i32
      %broadcast_in_dim3A_365 = vector.broadcast %broadcast_in_dim3A_364 : i32 to vector<16x1xi32>
      %gather3A_366 = vector.shape_cast %broadcast_in_dim3A_365 : vector<16x1xi32> to vector<16xi32>
      %gather3A_367 = tpu.dynamic_gather %get3A_287[%gather3A_366] in [0] : vector<16xf32>, vector<16xi32> -> vector<16xf32>
      %broadcast_in_dim3A_368 = arith.constant 4 : i32
      %broadcast_in_dim3A_369 = vector.broadcast %broadcast_in_dim3A_368 : i32 to vector<16x1xi32>
      %gather3A_370 = vector.shape_cast %broadcast_in_dim3A_369 : vector<16x1xi32> to vector<16xi32>
      %gather3A_371 = tpu.dynamic_gather %get3A_287[%gather3A_370] in [0] : vector<16xf32>, vector<16xi32> -> vector<16xf32>
      %broadcast_in_dim3A_372 = arith.constant 5 : i32
      %broadcast_in_dim3A_373 = vector.broadcast %broadcast_in_dim3A_372 : i32 to vector<16x1xi32>
      %gather3A_374 = vector.shape_cast %broadcast_in_dim3A_373 : vector<16x1xi32> to vector<16xi32>
      %gather3A_375 = tpu.dynamic_gather %get3A_287[%gather3A_374] in [0] : vector<16xf32>, vector<16xi32> -> vector<16xf32>
      %broadcast_in_dim3A_376 = arith.constant 6 : i32
      %broadcast_in_dim3A_377 = vector.broadcast %broadcast_in_dim3A_376 : i32 to vector<16x1xi32>
      %gather3A_378 = vector.shape_cast %broadcast_in_dim3A_377 : vector<16x1xi32> to vector<16xi32>
      %gather3A_379 = tpu.dynamic_gather %get3A_287[%gather3A_378] in [0] : vector<16xf32>, vector<16xi32> -> vector<16xf32>
      %broadcast_in_dim3A_380 = arith.constant 7 : i32
      %broadcast_in_dim3A_381 = vector.broadcast %broadcast_in_dim3A_380 : i32 to vector<16x1xi32>
      %gather3A_382 = vector.shape_cast %broadcast_in_dim3A_381 : vector<16x1xi32> to vector<16xi32>
      %gather3A_383 = tpu.dynamic_gather %get3A_287[%gather3A_382] in [0] : vector<16xf32>, vector<16xi32> -> vector<16xf32>
      %broadcast_in_dim3A_384 = arith.constant 8 : i32
      %broadcast_in_dim3A_385 = vector.broadcast %broadcast_in_dim3A_384 : i32 to vector<16x1xi32>
      %gather3A_386 = vector.shape_cast %broadcast_in_dim3A_385 : vector<16x1xi32> to vector<16xi32>
      %gather3A_387 = tpu.dynamic_gather %get3A_287[%gather3A_386] in [0] : vector<16xf32>, vector<16xi32> -> vector<16xf32>
      %broadcast_in_dim3A_388 = arith.constant 9 : i32
      %broadcast_in_dim3A_389 = vector.broadcast %broadcast_in_dim3A_388 : i32 to vector<16x1xi32>
      %gather3A_390 = vector.shape_cast %broadcast_in_dim3A_389 : vector<16x1xi32> to vector<16xi32>
      %gather3A_391 = tpu.dynamic_gather %get3A_287[%gather3A_390] in [0] : vector<16xf32>, vector<16xi32> -> vector<16xf32>
      %broadcast_in_dim3A_392 = arith.constant 10 : i32
      %broadcast_in_dim3A_393 = vector.broadcast %broadcast_in_dim3A_392 : i32 to vector<16x1xi32>
      %gather3A_394 = vector.shape_cast %broadcast_in_dim3A_393 : vector<16x1xi32> to vector<16xi32>
      %gather3A_395 = tpu.dynamic_gather %get3A_287[%gather3A_394] in [0] : vector<16xf32>, vector<16xi32> -> vector<16xf32>
      %broadcast_in_dim3A_396 = arith.constant 11 : i32
      %broadcast_in_dim3A_397 = vector.broadcast %broadcast_in_dim3A_396 : i32 to vector<16x1xi32>
      %gather3A_398 = vector.shape_cast %broadcast_in_dim3A_397 : vector<16x1xi32> to vector<16xi32>
      %gather3A_399 = tpu.dynamic_gather %get3A_287[%gather3A_398] in [0] : vector<16xf32>, vector<16xi32> -> vector<16xf32>
      %broadcast_in_dim3A_400 = arith.constant 12 : i32
      %broadcast_in_dim3A_401 = vector.broadcast %broadcast_in_dim3A_400 : i32 to vector<16x1xi32>
      %gather3A_402 = vector.shape_cast %broadcast_in_dim3A_401 : vector<16x1xi32> to vector<16xi32>
      %gather3A_403 = tpu.dynamic_gather %get3A_287[%gather3A_402] in [0] : vector<16xf32>, vector<16xi32> -> vector<16xf32>
      %broadcast_in_dim3A_404 = arith.constant 13 : i32
      %broadcast_in_dim3A_405 = vector.broadcast %broadcast_in_dim3A_404 : i32 to vector<16x1xi32>
      %gather3A_406 = vector.shape_cast %broadcast_in_dim3A_405 : vector<16x1xi32> to vector<16xi32>
      %gather3A_407 = tpu.dynamic_gather %get3A_287[%gather3A_406] in [0] : vector<16xf32>, vector<16xi32> -> vector<16xf32>
      %broadcast_in_dim3A_408 = arith.constant 14 : i32
      %broadcast_in_dim3A_409 = vector.broadcast %broadcast_in_dim3A_408 : i32 to vector<16x1xi32>
      %gather3A_410 = vector.shape_cast %broadcast_in_dim3A_409 : vector<16x1xi32> to vector<16xi32>
      %gather3A_411 = tpu.dynamic_gather %get3A_287[%gather3A_410] in [0] : vector<16xf32>, vector<16xi32> -> vector<16xf32>
      %broadcast_in_dim3A_412 = arith.constant 15 : i32
      %broadcast_in_dim3A_413 = vector.broadcast %broadcast_in_dim3A_412 : i32 to vector<16x1xi32>
      %gather3A_414 = vector.shape_cast %broadcast_in_dim3A_413 : vector<16x1xi32> to vector<16xi32>
      %gather3A_415 = tpu.dynamic_gather %get3A_287[%gather3A_414] in [0] : vector<16xf32>, vector<16xi32> -> vector<16xf32>
      %scan3A_416 = arith.constant 0 : i32
      %scan3A_417 = arith.constant 0 : i32
      %scan3A_418 = arith.constant 16 : i32
      %scan3A_419 = arith.addi %scan3A_417, %scan3A_418 : i32
      %scan3A_420 = arith.constant 1 : i32
      scf.for %scan3A_438 = %scan3A_417 to %scan3A_419 step %scan3A_420  : i32 {
        %mul3A_439 = arith.constant 64 : i32
        %mul3A_440 = arith.muli %scan3A_438, %mul3A_439 : i32
        %add3A_441 = arith.constant 0 : i32
        %add3A_442 = arith.addi %mul3A_440, %add3A_441 : i32
        %get3A_443 = arith.constant 1 : i32
        %get3A_444 = arith.constant 0 : i32
        %get3A_445 = arith.index_cast %get3A_443 : i32 to index
        %get3A_446 = arith.index_cast %get3A_444 : i32 to index
        %get3A_447 = arith.index_cast %add3A_442 : i32 to index
        %get3A_448 = tpu.vector_load %arg8[%get3A_445, %get3A_446, %get3A_447] {strides = array<i32>} : memref<2x32x1024xf32, #tpu.memory_space<vmem>>, vector<1x1x16xf32>,
        %get3A_449 = vector.shape_cast %get3A_448 : vector<1x1x16xf32> to vector<16xf32>
        %mul3A_450 = arith.mulf %get3A_449, %gather3A_291 : vector<16xf32>
        %get3A_451 = arith.constant 1 : i32
        %get3A_452 = arith.constant 1 : i32
        %get3A_453 = arith.index_cast %get3A_451 : i32 to index
        %get3A_454 = arith.index_cast %get3A_452 : i32 to index
        %get3A_455 = arith.index_cast %add3A_442 : i32 to index
        %get3A_456 = tpu.vector_load %arg8[%get3A_453, %get3A_454, %get3A_455] {strides = array<i32>} : memref<2x32x1024xf32, #tpu.memory_space<vmem>>, vector<1x1x16xf32>,
        %get3A_457 = vector.shape_cast %get3A_456 : vector<1x1x16xf32> to vector<16xf32>
        %mul3A_458 = arith.mulf %get3A_457, %gather3A_295 : vector<16xf32>
        %add3A_459 = arith.addf %mul3A_450, %mul3A_458 : vector<16xf32>
        %get3A_460 = arith.constant 1 : i32
        %get3A_461 = arith.constant 2 : i32
        %get3A_462 = arith.index_cast %get3A_460 : i32 to index
        %get3A_463 = arith.index_cast %get3A_461 : i32 to index
        %get3A_464 = arith.index_cast %add3A_442 : i32 to index
        %get3A_465 = tpu.vector_load %arg8[%get3A_462, %get3A_463, %get3A_464] {strides = array<i32>} : memref<2x32x1024xf32, #tpu.memory_space<vmem>>, vector<1x1x16xf32>,
        %get3A_466 = vector.shape_cast %get3A_465 : vector<1x1x16xf32> to vector<16xf32>
        %mul3A_467 = arith.mulf %get3A_466, %gather3A_299 : vector<16xf32>
        %add3A_468 = arith.addf %add3A_459, %mul3A_467 : vector<16xf32>
        %get3A_469 = arith.constant 1 : i32
        %get3A_470 = arith.constant 3 : i32
        %get3A_471 = arith.index_cast %get3A_469 : i32 to index
        %get3A_472 = arith.index_cast %get3A_470 : i32 to index
        %get3A_473 = arith.index_cast %add3A_442 : i32 to index
        %get3A_474 = tpu.vector_load %arg8[%get3A_471, %get3A_472, %get3A_473] {strides = array<i32>} : memref<2x32x1024xf32, #tpu.memory_space<vmem>>, vector<1x1x16xf32>,
        %get3A_475 = vector.shape_cast %get3A_474 : vector<1x1x16xf32> to vector<16xf32>
        %mul3A_476 = arith.mulf %get3A_475, %gather3A_303 : vector<16xf32>
        %add3A_477 = arith.addf %add3A_468, %mul3A_476 : vector<16xf32>
        %get3A_478 = arith.constant 1 : i32
        %get3A_479 = arith.constant 4 : i32
        %get3A_480 = arith.index_cast %get3A_478 : i32 to index
        %get3A_481 = arith.index_cast %get3A_479 : i32 to index
        %get3A_482 = arith.index_cast %add3A_442 : i32 to index
        %get3A_483 = tpu.vector_load %arg8[%get3A_480, %get3A_481, %get3A_482] {strides = array<i32>} : memref<2x32x1024xf32, #tpu.memory_space<vmem>>, vector<1x1x16xf32>,
        %get3A_484 = vector.shape_cast %get3A_483 : vector<1x1x16xf32> to vector<16xf32>
        %mul3A_485 = arith.mulf %get3A_484, %gather3A_307 : vector<16xf32>
        %add3A_486 = arith.addf %add3A_477, %mul3A_485 : vector<16xf32>
        %get3A_487 = arith.constant 1 : i32
        %get3A_488 = arith.constant 5 : i32
        %get3A_489 = arith.index_cast %get3A_487 : i32 to index
        %get3A_490 = arith.index_cast %get3A_488 : i32 to index
        %get3A_491 = arith.index_cast %add3A_442 : i32 to index
        %get3A_492 = tpu.vector_load %arg8[%get3A_489, %get3A_490, %get3A_491] {strides = array<i32>} : memref<2x32x1024xf32, #tpu.memory_space<vmem>>, vector<1x1x16xf32>,
        %get3A_493 = vector.shape_cast %get3A_492 : vector<1x1x16xf32> to vector<16xf32>
        %mul3A_494 = arith.mulf %get3A_493, %gather3A_311 : vector<16xf32>
        %add3A_495 = arith.addf %add3A_486, %mul3A_494 : vector<16xf32>
        %get3A_496 = arith.constant 1 : i32
        %get3A_497 = arith.constant 6 : i32
        %get3A_498 = arith.index_cast %get3A_496 : i32 to index
        %get3A_499 = arith.index_cast %get3A_497 : i32 to index
        %get3A_500 = arith.index_cast %add3A_442 : i32 to index
        %get3A_501 = tpu.vector_load %arg8[%get3A_498, %get3A_499, %get3A_500] {strides = array<i32>} : memref<2x32x1024xf32, #tpu.memory_space<vmem>>, vector<1x1x16xf32>,
        %get3A_502 = vector.shape_cast %get3A_501 : vector<1x1x16xf32> to vector<16xf32>
        %mul3A_503 = arith.mulf %get3A_502, %gather3A_315 : vector<16xf32>
        %add3A_504 = arith.addf %add3A_495, %mul3A_503 : vector<16xf32>
        %get3A_505 = arith.constant 1 : i32
        %get3A_506 = arith.constant 7 : i32
        %get3A_507 = arith.index_cast %get3A_505 : i32 to index
        %get3A_508 = arith.index_cast %get3A_506 : i32 to index
        %get3A_509 = arith.index_cast %add3A_442 : i32 to index
        %get3A_510 = tpu.vector_load %arg8[%get3A_507, %get3A_508, %get3A_509] {strides = array<i32>} : memref<2x32x1024xf32, #tpu.memory_space<vmem>>, vector<1x1x16xf32>,
        %get3A_511 = vector.shape_cast %get3A_510 : vector<1x1x16xf32> to vector<16xf32>
        %mul3A_512 = arith.mulf %get3A_511, %gather3A_319 : vector<16xf32>
        %add3A_513 = arith.addf %add3A_504, %mul3A_512 : vector<16xf32>
        %swap3A = arith.constant 1 : i32
        %swap3A_514 = arith.constant 0 : i32
        %swap3A_515 = arith.index_cast %swap3A : i32 to index
        %swap3A_516 = arith.index_cast %swap3A_514 : i32 to index
        %swap3A_517 = arith.index_cast %add3A_442 : i32 to index
        %swap3A_518 = tpu.vector_load %arg9[%swap3A_515, %swap3A_516, %swap3A_517] {strides = array<i32>} : memref<2x4x1024xf32, #tpu.memory_space<vmem>>, vector<1x1x16xf32>,
        %swap3A_519 = vector.shape_cast %swap3A_518 : vector<1x1x16xf32> to vector<16xf32>
        %swap3A_520 = vector.shape_cast %add3A_513 : vector<16xf32> to vector<1x1x16xf32>
        tpu.vector_store %arg9[%swap3A_515, %swap3A_516, %swap3A_517], %swap3A_520 {strides = array<i32>} : memref<2x4x1024xf32, #tpu.memory_space<vmem>>, vector<1x1x16xf32>,
        %get3A_521 = arith.constant 1 : i32
        %get3A_522 = arith.constant 8 : i32
        %get3A_523 = arith.index_cast %get3A_521 : i32 to index
        %get3A_524 = arith.index_cast %get3A_522 : i32 to index
        %get3A_525 = arith.index_cast %add3A_442 : i32 to index
        %get3A_526 = tpu.vector_load %arg8[%get3A_523, %get3A_524, %get3A_525] {strides = array<i32>} : memref<2x32x1024xf32, #tpu.memory_space<vmem>>, vector<1x1x16xf32>,
        %get3A_527 = vector.shape_cast %get3A_526 : vector<1x1x16xf32> to vector<16xf32>
        %mul3A_528 = arith.mulf %get3A_527, %gather3A_323 : vector<16xf32>
        %get3A_529 = arith.constant 1 : i32
        %get3A_530 = arith.constant 9 : i32
        %get3A_531 = arith.index_cast %get3A_529 : i32 to index
        %get3A_532 = arith.index_cast %get3A_530 : i32 to index
        %get3A_533 = arith.index_cast %add3A_442 : i32 to index
        %get3A_534 = tpu.vector_load %arg8[%get3A_531, %get3A_532, %get3A_533] {strides = array<i32>} : memref<2x32x1024xf32, #tpu.memory_space<vmem>>, vector<1x1x16xf32>,
        %get3A_535 = vector.shape_cast %get3A_534 : vector<1x1x16xf32> to vector<16xf32>
        %mul3A_536 = arith.mulf %get3A_535, %gather3A_327 : vector<16xf32>
        %add3A_537 = arith.addf %mul3A_528, %mul3A_536 : vector<16xf32>
        %get3A_538 = arith.constant 1 : i32
        %get3A_539 = arith.constant 10 : i32
        %get3A_540 = arith.index_cast %get3A_538 : i32 to index
        %get3A_541 = arith.index_cast %get3A_539 : i32 to index
        %get3A_542 = arith.index_cast %add3A_442 : i32 to index
        %get3A_543 = tpu.vector_load %arg8[%get3A_540, %get3A_541, %get3A_542] {strides = array<i32>} : memref<2x32x1024xf32, #tpu.memory_space<vmem>>, vector<1x1x16xf32>,
        %get3A_544 = vector.shape_cast %get3A_543 : vector<1x1x16xf32> to vector<16xf32>
        %mul3A_545 = arith.mulf %get3A_544, %gather3A_331 : vector<16xf32>
        %add3A_546 = arith.addf %add3A_537, %mul3A_545 : vector<16xf32>
        %get3A_547 = arith.constant 1 : i32
        %get3A_548 = arith.constant 11 : i32
        %get3A_549 = arith.index_cast %get3A_547 : i32 to index
        %get3A_550 = arith.index_cast %get3A_548 : i32 to index
        %get3A_551 = arith.index_cast %add3A_442 : i32 to index
        %get3A_552 = tpu.vector_load %arg8[%get3A_549, %get3A_550, %get3A_551] {strides = array<i32>} : memref<2x32x1024xf32, #tpu.memory_space<vmem>>, vector<1x1x16xf32>,
        %get3A_553 = vector.shape_cast %get3A_552 : vector<1x1x16xf32> to vector<16xf32>
        %mul3A_554 = arith.mulf %get3A_553, %gather3A_335 : vector<16xf32>
        %add3A_555 = arith.addf %add3A_546, %mul3A_554 : vector<16xf32>
        %get3A_556 = arith.constant 1 : i32
        %get3A_557 = arith.constant 12 : i32
        %get3A_558 = arith.index_cast %get3A_556 : i32 to index
        %get3A_559 = arith.index_cast %get3A_557 : i32 to index
        %get3A_560 = arith.index_cast %add3A_442 : i32 to index
        %get3A_561 = tpu.vector_load %arg8[%get3A_558, %get3A_559, %get3A_560] {strides = array<i32>} : memref<2x32x1024xf32, #tpu.memory_space<vmem>>, vector<1x1x16xf32>,
        %get3A_562 = vector.shape_cast %get3A_561 : vector<1x1x16xf32> to vector<16xf32>
        %mul3A_563 = arith.mulf %get3A_562, %gather3A_339 : vector<16xf32>
        %add3A_564 = arith.addf %add3A_555, %mul3A_563 : vector<16xf32>
        %get3A_565 = arith.constant 1 : i32
        %get3A_566 = arith.constant 13 : i32
        %get3A_567 = arith.index_cast %get3A_565 : i32 to index
        %get3A_568 = arith.index_cast %get3A_566 : i32 to index
        %get3A_569 = arith.index_cast %add3A_442 : i32 to index
        %get3A_570 = tpu.vector_load %arg8[%get3A_567, %get3A_568, %get3A_569] {strides = array<i32>} : memref<2x32x1024xf32, #tpu.memory_space<vmem>>, vector<1x1x16xf32>,
        %get3A_571 = vector.shape_cast %get3A_570 : vector<1x1x16xf32> to vector<16xf32>
        %mul3A_572 = arith.mulf %get3A_571, %gather3A_343 : vector<16xf32>
        %add3A_573 = arith.addf %add3A_564, %mul3A_572 : vector<16xf32>
        %get3A_574 = arith.constant 1 : i32
        %get3A_575 = arith.constant 14 : i32
        %get3A_576 = arith.index_cast %get3A_574 : i32 to index
        %get3A_577 = arith.index_cast %get3A_575 : i32 to index
        %get3A_578 = arith.index_cast %add3A_442 : i32 to index
        %get3A_579 = tpu.vector_load %arg8[%get3A_576, %get3A_577, %get3A_578] {strides = array<i32>} : memref<2x32x1024xf32, #tpu.memory_space<vmem>>, vector<1x1x16xf32>,
        %get3A_580 = vector.shape_cast %get3A_579 : vector<1x1x16xf32> to vector<16xf32>
        %mul3A_581 = arith.mulf %get3A_580, %gather3A_347 : vector<16xf32>
        %add3A_582 = arith.addf %add3A_573, %mul3A_581 : vector<16xf32>
        %get3A_583 = arith.constant 1 : i32
        %get3A_584 = arith.constant 15 : i32
        %get3A_585 = arith.index_cast %get3A_583 : i32 to index
        %get3A_586 = arith.index_cast %get3A_584 : i32 to index
        %get3A_587 = arith.index_cast %add3A_442 : i32 to index
        %get3A_588 = tpu.vector_load %arg8[%get3A_585, %get3A_586, %get3A_587] {strides = array<i32>} : memref<2x32x1024xf32, #tpu.memory_space<vmem>>, vector<1x1x16xf32>,
        %get3A_589 = vector.shape_cast %get3A_588 : vector<1x1x16xf32> to vector<16xf32>
        %mul3A_590 = arith.mulf %get3A_589, %gather3A_351 : vector<16xf32>
        %add3A_591 = arith.addf %add3A_582, %mul3A_590 : vector<16xf32>
        %swap3A_592 = arith.constant 1 : i32
        %swap3A_593 = arith.constant 1 : i32
        %swap3A_594 = arith.index_cast %swap3A_592 : i32 to index
        %swap3A_595 = arith.index_cast %swap3A_593 : i32 to index
        %swap3A_596 = arith.index_cast %add3A_442 : i32 to index
        %swap3A_597 = tpu.vector_load %arg9[%swap3A_594, %swap3A_595, %swap3A_596] {strides = array<i32>} : memref<2x4x1024xf32, #tpu.memory_space<vmem>>, vector<1x1x16xf32>,
        %swap3A_598 = vector.shape_cast %swap3A_597 : vector<1x1x16xf32> to vector<16xf32>
        %swap3A_599 = vector.shape_cast %add3A_591 : vector<16xf32> to vector<1x1x16xf32>
        tpu.vector_store %arg9[%swap3A_594, %swap3A_595, %swap3A_596], %swap3A_599 {strides = array<i32>} : memref<2x4x1024xf32, #tpu.memory_space<vmem>>, vector<1x1x16xf32>,
        %get3A_600 = arith.constant 1 : i32
        %get3A_601 = arith.constant 16 : i32
        %get3A_602 = arith.index_cast %get3A_600 : i32 to index
        %get3A_603 = arith.index_cast %get3A_601 : i32 to index
        %get3A_604 = arith.index_cast %add3A_442 : i32 to index
        %get3A_605 = tpu.vector_load %arg8[%get3A_602, %get3A_603, %get3A_604] {strides = array<i32>} : memref<2x32x1024xf32, #tpu.memory_space<vmem>>, vector<1x1x16xf32>,
        %get3A_606 = vector.shape_cast %get3A_605 : vector<1x1x16xf32> to vector<16xf32>
        %mul3A_607 = arith.mulf %get3A_606, %gather3A_355 : vector<16xf32>
        %get3A_608 = arith.constant 1 : i32
        %get3A_609 = arith.constant 17 : i32
        %get3A_610 = arith.index_cast %get3A_608 : i32 to index
        %get3A_611 = arith.index_cast %get3A_609 : i32 to index
        %get3A_612 = arith.index_cast %add3A_442 : i32 to index
        %get3A_613 = tpu.vector_load %arg8[%get3A_610, %get3A_611, %get3A_612] {strides = array<i32>} : memref<2x32x1024xf32, #tpu.memory_space<vmem>>, vector<1x1x16xf32>,
        %get3A_614 = vector.shape_cast %get3A_613 : vector<1x1x16xf32> to vector<16xf32>
        %mul3A_615 = arith.mulf %get3A_614, %gather3A_359 : vector<16xf32>
        %add3A_616 = arith.addf %mul3A_607, %mul3A_615 : vector<16xf32>
        %get3A_617 = arith.constant 1 : i32
        %get3A_618 = arith.constant 18 : i32
        %get3A_619 = arith.index_cast %get3A_617 : i32 to index
        %get3A_620 = arith.index_cast %get3A_618 : i32 to index
        %get3A_621 = arith.index_cast %add3A_442 : i32 to index
        %get3A_622 = tpu.vector_load %arg8[%get3A_619, %get3A_620, %get3A_621] {strides = array<i32>} : memref<2x32x1024xf32, #tpu.memory_space<vmem>>, vector<1x1x16xf32>,
        %get3A_623 = vector.shape_cast %get3A_622 : vector<1x1x16xf32> to vector<16xf32>
        %mul3A_624 = arith.mulf %get3A_623, %gather3A_363 : vector<16xf32>
        %add3A_625 = arith.addf %add3A_616, %mul3A_624 : vector<16xf32>
        %get3A_626 = arith.constant 1 : i32
        %get3A_627 = arith.constant 19 : i32
        %get3A_628 = arith.index_cast %get3A_626 : i32 to index
        %get3A_629 = arith.index_cast %get3A_627 : i32 to index
        %get3A_630 = arith.index_cast %add3A_442 : i32 to index
        %get3A_631 = tpu.vector_load %arg8[%get3A_628, %get3A_629, %get3A_630] {strides = array<i32>} : memref<2x32x1024xf32, #tpu.memory_space<vmem>>, vector<1x1x16xf32>,
        %get3A_632 = vector.shape_cast %get3A_631 : vector<1x1x16xf32> to vector<16xf32>
        %mul3A_633 = arith.mulf %get3A_632, %gather3A_367 : vector<16xf32>
        %add3A_634 = arith.addf %add3A_625, %mul3A_633 : vector<16xf32>
        %get3A_635 = arith.constant 1 : i32
        %get3A_636 = arith.constant 20 : i32
        %get3A_637 = arith.index_cast %get3A_635 : i32 to index
        %get3A_638 = arith.index_cast %get3A_636 : i32 to index
        %get3A_639 = arith.index_cast %add3A_442 : i32 to index
        %get3A_640 = tpu.vector_load %arg8[%get3A_637, %get3A_638, %get3A_639] {strides = array<i32>} : memref<2x32x1024xf32, #tpu.memory_space<vmem>>, vector<1x1x16xf32>,
        %get3A_641 = vector.shape_cast %get3A_640 : vector<1x1x16xf32> to vector<16xf32>
        %mul3A_642 = arith.mulf %get3A_641, %gather3A_371 : vector<16xf32>
        %add3A_643 = arith.addf %add3A_634, %mul3A_642 : vector<16xf32>
        %get3A_644 = arith.constant 1 : i32
        %get3A_645 = arith.constant 21 : i32
        %get3A_646 = arith.index_cast %get3A_644 : i32 to index
        %get3A_647 = arith.index_cast %get3A_645 : i32 to index
        %get3A_648 = arith.index_cast %add3A_442 : i32 to index
        %get3A_649 = tpu.vector_load %arg8[%get3A_646, %get3A_647, %get3A_648] {strides = array<i32>} : memref<2x32x1024xf32, #tpu.memory_space<vmem>>, vector<1x1x16xf32>,
        %get3A_650 = vector.shape_cast %get3A_649 : vector<1x1x16xf32> to vector<16xf32>
        %mul3A_651 = arith.mulf %get3A_650, %gather3A_375 : vector<16xf32>
        %add3A_652 = arith.addf %add3A_643, %mul3A_651 : vector<16xf32>
        %get3A_653 = arith.constant 1 : i32
        %get3A_654 = arith.constant 22 : i32
        %get3A_655 = arith.index_cast %get3A_653 : i32 to index
        %get3A_656 = arith.index_cast %get3A_654 : i32 to index
        %get3A_657 = arith.index_cast %add3A_442 : i32 to index
        %get3A_658 = tpu.vector_load %arg8[%get3A_655, %get3A_656, %get3A_657] {strides = array<i32>} : memref<2x32x1024xf32, #tpu.memory_space<vmem>>, vector<1x1x16xf32>,
        %get3A_659 = vector.shape_cast %get3A_658 : vector<1x1x16xf32> to vector<16xf32>
        %mul3A_660 = arith.mulf %get3A_659, %gather3A_379 : vector<16xf32>
        %add3A_661 = arith.addf %add3A_652, %mul3A_660 : vector<16xf32>
        %get3A_662 = arith.constant 1 : i32
        %get3A_663 = arith.constant 23 : i32
        %get3A_664 = arith.index_cast %get3A_662 : i32 to index
        %get3A_665 = arith.index_cast %get3A_663 : i32 to index
        %get3A_666 = arith.index_cast %add3A_442 : i32 to index
        %get3A_667 = tpu.vector_load %arg8[%get3A_664, %get3A_665, %get3A_666] {strides = array<i32>} : memref<2x32x1024xf32, #tpu.memory_space<vmem>>, vector<1x1x16xf32>,
        %get3A_668 = vector.shape_cast %get3A_667 : vector<1x1x16xf32> to vector<16xf32>
        %mul3A_669 = arith.mulf %get3A_668, %gather3A_383 : vector<16xf32>
        %add3A_670 = arith.addf %add3A_661, %mul3A_669 : vector<16xf32>
        %swap3A_671 = arith.constant 1 : i32
        %swap3A_672 = arith.constant 2 : i32
        %swap3A_673 = arith.index_cast %swap3A_671 : i32 to index
        %swap3A_674 = arith.index_cast %swap3A_672 : i32 to index
        %swap3A_675 = arith.index_cast %add3A_442 : i32 to index
        %swap3A_676 = tpu.vector_load %arg9[%swap3A_673, %swap3A_674, %swap3A_675] {strides = array<i32>} : memref<2x4x1024xf32, #tpu.memory_space<vmem>>, vector<1x1x16xf32>,
        %swap3A_677 = vector.shape_cast %swap3A_676 : vector<1x1x16xf32> to vector<16xf32>
        %swap3A_678 = vector.shape_cast %add3A_670 : vector<16xf32> to vector<1x1x16xf32>
        tpu.vector_store %arg9[%swap3A_673, %swap3A_674, %swap3A_675], %swap3A_678 {strides = array<i32>} : memref<2x4x1024xf32, #tpu.memory_space<vmem>>, vector<1x1x16xf32>,
        %get3A_679 = arith.constant 1 : i32
        %get3A_680 = arith.constant 24 : i32
        %get3A_681 = arith.index_cast %get3A_679 : i32 to index
        %get3A_682 = arith.index_cast %get3A_680 : i32 to index
        %get3A_683 = arith.index_cast %add3A_442 : i32 to index
        %get3A_684 = tpu.vector_load %arg8[%get3A_681, %get3A_682, %get3A_683] {strides = array<i32>} : memref<2x32x1024xf32, #tpu.memory_space<vmem>>, vector<1x1x16xf32>,
        %get3A_685 = vector.shape_cast %get3A_684 : vector<1x1x16xf32> to vector<16xf32>
        %mul3A_686 = arith.mulf %get3A_685, %gather3A_387 : vector<16xf32>
        %get3A_687 = arith.constant 1 : i32
        %get3A_688 = arith.constant 25 : i32
        %get3A_689 = arith.index_cast %get3A_687 : i32 to index
        %get3A_690 = arith.index_cast %get3A_688 : i32 to index
        %get3A_691 = arith.index_cast %add3A_442 : i32 to index
        %get3A_692 = tpu.vector_load %arg8[%get3A_689, %get3A_690, %get3A_691] {strides = array<i32>} : memref<2x32x1024xf32, #tpu.memory_space<vmem>>, vector<1x1x16xf32>,
        %get3A_693 = vector.shape_cast %get3A_692 : vector<1x1x16xf32> to vector<16xf32>
        %mul3A_694 = arith.mulf %get3A_693, %gather3A_391 : vector<16xf32>
        %add3A_695 = arith.addf %mul3A_686, %mul3A_694 : vector<16xf32>
        %get3A_696 = arith.constant 1 : i32
        %get3A_697 = arith.constant 26 : i32
        %get3A_698 = arith.index_cast %get3A_696 : i32 to index
        %get3A_699 = arith.index_cast %get3A_697 : i32 to index
        %get3A_700 = arith.index_cast %add3A_442 : i32 to index
        %get3A_701 = tpu.vector_load %arg8[%get3A_698, %get3A_699, %get3A_700] {strides = array<i32>} : memref<2x32x1024xf32, #tpu.memory_space<vmem>>, vector<1x1x16xf32>,
        %get3A_702 = vector.shape_cast %get3A_701 : vector<1x1x16xf32> to vector<16xf32>
        %mul3A_703 = arith.mulf %get3A_702, %gather3A_395 : vector<16xf32>
        %add3A_704 = arith.addf %add3A_695, %mul3A_703 : vector<16xf32>
        %get3A_705 = arith.constant 1 : i32
        %get3A_706 = arith.constant 27 : i32
        %get3A_707 = arith.index_cast %get3A_705 : i32 to index
        %get3A_708 = arith.index_cast %get3A_706 : i32 to index
        %get3A_709 = arith.index_cast %add3A_442 : i32 to index
        %get3A_710 = tpu.vector_load %arg8[%get3A_707, %get3A_708, %get3A_709] {strides = array<i32>} : memref<2x32x1024xf32, #tpu.memory_space<vmem>>, vector<1x1x16xf32>,
        %get3A_711 = vector.shape_cast %get3A_710 : vector<1x1x16xf32> to vector<16xf32>
        %mul3A_712 = arith.mulf %get3A_711, %gather3A_399 : vector<16xf32>
        %add3A_713 = arith.addf %add3A_704, %mul3A_712 : vector<16xf32>
        %get3A_714 = arith.constant 1 : i32
        %get3A_715 = arith.constant 28 : i32
        %get3A_716 = arith.index_cast %get3A_714 : i32 to index
        %get3A_717 = arith.index_cast %get3A_715 : i32 to index
        %get3A_718 = arith.index_cast %add3A_442 : i32 to index
        %get3A_719 = tpu.vector_load %arg8[%get3A_716, %get3A_717, %get3A_718] {strides = array<i32>} : memref<2x32x1024xf32, #tpu.memory_space<vmem>>, vector<1x1x16xf32>,
        %get3A_720 = vector.shape_cast %get3A_719 : vector<1x1x16xf32> to vector<16xf32>
        %mul3A_721 = arith.mulf %get3A_720, %gather3A_403 : vector<16xf32>
        %add3A_722 = arith.addf %add3A_713, %mul3A_721 : vector<16xf32>
        %get3A_723 = arith.constant 1 : i32
        %get3A_724 = arith.constant 29 : i32
        %get3A_725 = arith.index_cast %get3A_723 : i32 to index
        %get3A_726 = arith.index_cast %get3A_724 : i32 to index
        %get3A_727 = arith.index_cast %add3A_442 : i32 to index
        %get3A_728 = tpu.vector_load %arg8[%get3A_725, %get3A_726, %get3A_727] {strides = array<i32>} : memref<2x32x1024xf32, #tpu.memory_space<vmem>>, vector<1x1x16xf32>,
        %get3A_729 = vector.shape_cast %get3A_728 : vector<1x1x16xf32> to vector<16xf32>
        %mul3A_730 = arith.mulf %get3A_729, %gather3A_407 : vector<16xf32>
        %add3A_731 = arith.addf %add3A_722, %mul3A_730 : vector<16xf32>
        %get3A_732 = arith.constant 1 : i32
        %get3A_733 = arith.constant 30 : i32
        %get3A_734 = arith.index_cast %get3A_732 : i32 to index
        %get3A_735 = arith.index_cast %get3A_733 : i32 to index
        %get3A_736 = arith.index_cast %add3A_442 : i32 to index
        %get3A_737 = tpu.vector_load %arg8[%get3A_734, %get3A_735, %get3A_736] {strides = array<i32>} : memref<2x32x1024xf32, #tpu.memory_space<vmem>>, vector<1x1x16xf32>,
        %get3A_738 = vector.shape_cast %get3A_737 : vector<1x1x16xf32> to vector<16xf32>
        %mul3A_739 = arith.mulf %get3A_738, %gather3A_411 : vector<16xf32>
        %add3A_740 = arith.addf %add3A_731, %mul3A_739 : vector<16xf32>
        %get3A_741 = arith.constant 1 : i32
        %get3A_742 = arith.constant 31 : i32
        %get3A_743 = arith.index_cast %get3A_741 : i32 to index
        %get3A_744 = arith.index_cast %get3A_742 : i32 to index
        %get3A_745 = arith.index_cast %add3A_442 : i32 to index
        %get3A_746 = tpu.vector_load %arg8[%get3A_743, %get3A_744, %get3A_745] {strides = array<i32>} : memref<2x32x1024xf32, #tpu.memory_space<vmem>>, vector<1x1x16xf32>,
        %get3A_747 = vector.shape_cast %get3A_746 : vector<1x1x16xf32> to vector<16xf32>
        %mul3A_748 = arith.mulf %get3A_747, %gather3A_415 : vector<16xf32>
        %add3A_749 = arith.addf %add3A_740, %mul3A_748 : vector<16xf32>
        %swap3A_750 = arith.constant 1 : i32
        %swap3A_751 = arith.constant 3 : i32
        %swap3A_752 = arith.index_cast %swap3A_750 : i32 to index
        %swap3A_753 = arith.index_cast %swap3A_751 : i32 to index
        %swap3A_754 = arith.index_cast %add3A_442 : i32 to index
        %swap3A_755 = tpu.vector_load %arg9[%swap3A_752, %swap3A_753, %swap3A_754] {strides = array<i32>} : memref<2x4x1024xf32, #tpu.memory_space<vmem>>, vector<1x1x16xf32>,
        %swap3A_756 = vector.shape_cast %swap3A_755 : vector<1x1x16xf32> to vector<16xf32>
        %swap3A_757 = vector.shape_cast %add3A_749 : vector<16xf32> to vector<1x1x16xf32>
        tpu.vector_store %arg9[%swap3A_752, %swap3A_753, %swap3A_754], %swap3A_757 {strides = array<i32>} : memref<2x4x1024xf32, #tpu.memory_space<vmem>>, vector<1x1x16xf32>,
        %mul3A_758 = arith.constant 64 : i32
        %mul3A_759 = arith.muli %scan3A_438, %mul3A_758 : i32
        %add3A_760 = arith.constant 16 : i32
        %add3A_761 = arith.addi %mul3A_759, %add3A_760 : i32
        %get3A_762 = arith.constant 1 : i32
        %get3A_763 = arith.constant 0 : i32
        %get3A_764 = arith.index_cast %get3A_762 : i32 to index
        %get3A_765 = arith.index_cast %get3A_763 : i32 to index
        %get3A_766 = arith.index_cast %add3A_761 : i32 to index
        %get3A_767 = tpu.vector_load %arg8[%get3A_764, %get3A_765, %get3A_766] {strides = array<i32>} : memref<2x32x1024xf32, #tpu.memory_space<vmem>>, vector<1x1x16xf32>,
        %get3A_768 = vector.shape_cast %get3A_767 : vector<1x1x16xf32> to vector<16xf32>
        %mul3A_769 = arith.mulf %get3A_768, %gather3A_291 : vector<16xf32>
        %get3A_770 = arith.constant 1 : i32
        %get3A_771 = arith.constant 1 : i32
        %get3A_772 = arith.index_cast %get3A_770 : i32 to index
        %get3A_773 = arith.index_cast %get3A_771 : i32 to index
        %get3A_774 = arith.index_cast %add3A_761 : i32 to index
        %get3A_775 = tpu.vector_load %arg8[%get3A_772, %get3A_773, %get3A_774] {strides = array<i32>} : memref<2x32x1024xf32, #tpu.memory_space<vmem>>, vector<1x1x16xf32>,
        %get3A_776 = vector.shape_cast %get3A_775 : vector<1x1x16xf32> to vector<16xf32>
        %mul3A_777 = arith.mulf %get3A_776, %gather3A_295 : vector<16xf32>
        %add3A_778 = arith.addf %mul3A_769, %mul3A_777 : vector<16xf32>
        %get3A_779 = arith.constant 1 : i32
        %get3A_780 = arith.constant 2 : i32
        %get3A_781 = arith.index_cast %get3A_779 : i32 to index
        %get3A_782 = arith.index_cast %get3A_780 : i32 to index
        %get3A_783 = arith.index_cast %add3A_761 : i32 to index
        %get3A_784 = tpu.vector_load %arg8[%get3A_781, %get3A_782, %get3A_783] {strides = array<i32>} : memref<2x32x1024xf32, #tpu.memory_space<vmem>>, vector<1x1x16xf32>,
        %get3A_785 = vector.shape_cast %get3A_784 : vector<1x1x16xf32> to vector<16xf32>
        %mul3A_786 = arith.mulf %get3A_785, %gather3A_299 : vector<16xf32>
        %add3A_787 = arith.addf %add3A_778, %mul3A_786 : vector<16xf32>
        %get3A_788 = arith.constant 1 : i32
        %get3A_789 = arith.constant 3 : i32
        %get3A_790 = arith.index_cast %get3A_788 : i32 to index
        %get3A_791 = arith.index_cast %get3A_789 : i32 to index
        %get3A_792 = arith.index_cast %add3A_761 : i32 to index
        %get3A_793 = tpu.vector_load %arg8[%get3A_790, %get3A_791, %get3A_792] {strides = array<i32>} : memref<2x32x1024xf32, #tpu.memory_space<vmem>>, vector<1x1x16xf32>,
        %get3A_794 = vector.shape_cast %get3A_793 : vector<1x1x16xf32> to vector<16xf32>
        %mul3A_795 = arith.mulf %get3A_794, %gather3A_303 : vector<16xf32>
        %add3A_796 = arith.addf %add3A_787, %mul3A_795 : vector<16xf32>
        %get3A_797 = arith.constant 1 : i32
        %get3A_798 = arith.constant 4 : i32
        %get3A_799 = arith.index_cast %get3A_797 : i32 to index
        %get3A_800 = arith.index_cast %get3A_798 : i32 to index
        %get3A_801 = arith.index_cast %add3A_761 : i32 to index
        %get3A_802 = tpu.vector_load %arg8[%get3A_799, %get3A_800, %get3A_801] {strides = array<i32>} : memref<2x32x1024xf32, #tpu.memory_space<vmem>>, vector<1x1x16xf32>,
        %get3A_803 = vector.shape_cast %get3A_802 : vector<1x1x16xf32> to vector<16xf32>
        %mul3A_804 = arith.mulf %get3A_803, %gather3A_307 : vector<16xf32>
        %add3A_805 = arith.addf %add3A_796, %mul3A_804 : vector<16xf32>
        %get3A_806 = arith.constant 1 : i32
        %get3A_807 = arith.constant 5 : i32
        %get3A_808 = arith.index_cast %get3A_806 : i32 to index
        %get3A_809 = arith.index_cast %get3A_807 : i32 to index
        %get3A_810 = arith.index_cast %add3A_761 : i32 to index
        %get3A_811 = tpu.vector_load %arg8[%get3A_808, %get3A_809, %get3A_810] {strides = array<i32>} : memref<2x32x1024xf32, #tpu.memory_space<vmem>>, vector<1x1x16xf32>,
        %get3A_812 = vector.shape_cast %get3A_811 : vector<1x1x16xf32> to vector<16xf32>
        %mul3A_813 = arith.mulf %get3A_812, %gather3A_311 : vector<16xf32>
        %add3A_814 = arith.addf %add3A_805, %mul3A_813 : vector<16xf32>
        %get3A_815 = arith.constant 1 : i32
        %get3A_816 = arith.constant 6 : i32
        %get3A_817 = arith.index_cast %get3A_815 : i32 to index
        %get3A_818 = arith.index_cast %get3A_816 : i32 to index
        %get3A_819 = arith.index_cast %add3A_761 : i32 to index
        %get3A_820 = tpu.vector_load %arg8[%get3A_817, %get3A_818, %get3A_819] {strides = array<i32>} : memref<2x32x1024xf32, #tpu.memory_space<vmem>>, vector<1x1x16xf32>,
        %get3A_821 = vector.shape_cast %get3A_820 : vector<1x1x16xf32> to vector<16xf32>
        %mul3A_822 = arith.mulf %get3A_821, %gather3A_315 : vector<16xf32>
        %add3A_823 = arith.addf %add3A_814, %mul3A_822 : vector<16xf32>
        %get3A_824 = arith.constant 1 : i32
        %get3A_825 = arith.constant 7 : i32
        %get3A_826 = arith.index_cast %get3A_824 : i32 to index
        %get3A_827 = arith.index_cast %get3A_825 : i32 to index
        %get3A_828 = arith.index_cast %add3A_761 : i32 to index
        %get3A_829 = tpu.vector_load %arg8[%get3A_826, %get3A_827, %get3A_828] {strides = array<i32>} : memref<2x32x1024xf32, #tpu.memory_space<vmem>>, vector<1x1x16xf32>,
        %get3A_830 = vector.shape_cast %get3A_829 : vector<1x1x16xf32> to vector<16xf32>
        %mul3A_831 = arith.mulf %get3A_830, %gather3A_319 : vector<16xf32>
        %add3A_832 = arith.addf %add3A_823, %mul3A_831 : vector<16xf32>
        %swap3A_833 = arith.constant 1 : i32
        %swap3A_834 = arith.constant 0 : i32
        %swap3A_835 = arith.index_cast %swap3A_833 : i32 to index
        %swap3A_836 = arith.index_cast %swap3A_834 : i32 to index
        %swap3A_837 = arith.index_cast %add3A_761 : i32 to index
        %swap3A_838 = tpu.vector_load %arg9[%swap3A_835, %swap3A_836, %swap3A_837] {strides = array<i32>} : memref<2x4x1024xf32, #tpu.memory_space<vmem>>, vector<1x1x16xf32>,
        %swap3A_839 = vector.shape_cast %swap3A_838 : vector<1x1x16xf32> to vector<16xf32>
        %swap3A_840 = vector.shape_cast %add3A_832 : vector<16xf32> to vector<1x1x16xf32>
        tpu.vector_store %arg9[%swap3A_835, %swap3A_836, %swap3A_837], %swap3A_840 {strides = array<i32>} : memref<2x4x1024xf32, #tpu.memory_space<vmem>>, vector<1x1x16xf32>,
        %get3A_841 = arith.constant 1 : i32
        %get3A_842 = arith.constant 8 : i32
        %get3A_843 = arith.index_cast %get3A_841 : i32 to index
        %get3A_844 = arith.index_cast %get3A_842 : i32 to index
        %get3A_845 = arith.index_cast %add3A_761 : i32 to index
        %get3A_846 = tpu.vector_load %arg8[%get3A_843, %get3A_844, %get3A_845] {strides = array<i32>} : memref<2x32x1024xf32, #tpu.memory_space<vmem>>, vector<1x1x16xf32>,
        %get3A_847 = vector.shape_cast %get3A_846 : vector<1x1x16xf32> to vector<16xf32>
        %mul3A_848 = arith.mulf %get3A_847, %gather3A_323 : vector<16xf32>
        %get3A_849 = arith.constant 1 : i32
        %get3A_850 = arith.constant 9 : i32
        %get3A_851 = arith.index_cast %get3A_849 : i32 to index
        %get3A_852 = arith.index_cast %get3A_850 : i32 to index
        %get3A_853 = arith.index_cast %add3A_761 : i32 to index
        %get3A_854 = tpu.vector_load %arg8[%get3A_851, %get3A_852, %get3A_853] {strides = array<i32>} : memref<2x32x1024xf32, #tpu.memory_space<vmem>>, vector<1x1x16xf32>,
        %get3A_855 = vector.shape_cast %get3A_854 : vector<1x1x16xf32> to vector<16xf32>
        %mul3A_856 = arith.mulf %get3A_855, %gather3A_327 : vector<16xf32>
        %add3A_857 = arith.addf %mul3A_848, %mul3A_856 : vector<16xf32>
        %get3A_858 = arith.constant 1 : i32
        %get3A_859 = arith.constant 10 : i32
        %get3A_860 = arith.index_cast %get3A_858 : i32 to index
        %get3A_861 = arith.index_cast %get3A_859 : i32 to index
        %get3A_862 = arith.index_cast %add3A_761 : i32 to index
        %get3A_863 = tpu.vector_load %arg8[%get3A_860, %get3A_861, %get3A_862] {strides = array<i32>} : memref<2x32x1024xf32, #tpu.memory_space<vmem>>, vector<1x1x16xf32>,
        %get3A_864 = vector.shape_cast %get3A_863 : vector<1x1x16xf32> to vector<16xf32>
        %mul3A_865 = arith.mulf %get3A_864, %gather3A_331 : vector<16xf32>
        %add3A_866 = arith.addf %add3A_857, %mul3A_865 : vector<16xf32>
        %get3A_867 = arith.constant 1 : i32
        %get3A_868 = arith.constant 11 : i32
        %get3A_869 = arith.index_cast %get3A_867 : i32 to index
        %get3A_870 = arith.index_cast %get3A_868 : i32 to index
        %get3A_871 = arith.index_cast %add3A_761 : i32 to index
        %get3A_872 = tpu.vector_load %arg8[%get3A_869, %get3A_870, %get3A_871] {strides = array<i32>} : memref<2x32x1024xf32, #tpu.memory_space<vmem>>, vector<1x1x16xf32>,
        %get3A_873 = vector.shape_cast %get3A_872 : vector<1x1x16xf32> to vector<16xf32>
        %mul3A_874 = arith.mulf %get3A_873, %gather3A_335 : vector<16xf32>
        %add3A_875 = arith.addf %add3A_866, %mul3A_874 : vector<16xf32>
        %get3A_876 = arith.constant 1 : i32
        %get3A_877 = arith.constant 12 : i32
        %get3A_878 = arith.index_cast %get3A_876 : i32 to index
        %get3A_879 = arith.index_cast %get3A_877 : i32 to index
        %get3A_880 = arith.index_cast %add3A_761 : i32 to index
        %get3A_881 = tpu.vector_load %arg8[%get3A_878, %get3A_879, %get3A_880] {strides = array<i32>} : memref<2x32x1024xf32, #tpu.memory_space<vmem>>, vector<1x1x16xf32>,
        %get3A_882 = vector.shape_cast %get3A_881 : vector<1x1x16xf32> to vector<16xf32>
        %mul3A_883 = arith.mulf %get3A_882, %gather3A_339 : vector<16xf32>
        %add3A_884 = arith.addf %add3A_875, %mul3A_883 : vector<16xf32>
        %get3A_885 = arith.constant 1 : i32
        %get3A_886 = arith.constant 13 : i32
        %get3A_887 = arith.index_cast %get3A_885 : i32 to index
        %get3A_888 = arith.index_cast %get3A_886 : i32 to index
        %get3A_889 = arith.index_cast %add3A_761 : i32 to index
        %get3A_890 = tpu.vector_load %arg8[%get3A_887, %get3A_888, %get3A_889] {strides = array<i32>} : memref<2x32x1024xf32, #tpu.memory_space<vmem>>, vector<1x1x16xf32>,
        %get3A_891 = vector.shape_cast %get3A_890 : vector<1x1x16xf32> to vector<16xf32>
        %mul3A_892 = arith.mulf %get3A_891, %gather3A_343 : vector<16xf32>
        %add3A_893 = arith.addf %add3A_884, %mul3A_892 : vector<16xf32>
        %get3A_894 = arith.constant 1 : i32
        %get3A_895 = arith.constant 14 : i32
        %get3A_896 = arith.index_cast %get3A_894 : i32 to index
        %get3A_897 = arith.index_cast %get3A_895 : i32 to index
        %get3A_898 = arith.index_cast %add3A_761 : i32 to index
        %get3A_899 = tpu.vector_load %arg8[%get3A_896, %get3A_897, %get3A_898] {strides = array<i32>} : memref<2x32x1024xf32, #tpu.memory_space<vmem>>, vector<1x1x16xf32>,
        %get3A_900 = vector.shape_cast %get3A_899 : vector<1x1x16xf32> to vector<16xf32>
        %mul3A_901 = arith.mulf %get3A_900, %gather3A_347 : vector<16xf32>
        %add3A_902 = arith.addf %add3A_893, %mul3A_901 : vector<16xf32>
        %get3A_903 = arith.constant 1 : i32
        %get3A_904 = arith.constant 15 : i32
        %get3A_905 = arith.index_cast %get3A_903 : i32 to index
        %get3A_906 = arith.index_cast %get3A_904 : i32 to index
        %get3A_907 = arith.index_cast %add3A_761 : i32 to index
        %get3A_908 = tpu.vector_load %arg8[%get3A_905, %get3A_906, %get3A_907] {strides = array<i32>} : memref<2x32x1024xf32, #tpu.memory_space<vmem>>, vector<1x1x16xf32>,
        %get3A_909 = vector.shape_cast %get3A_908 : vector<1x1x16xf32> to vector<16xf32>
        %mul3A_910 = arith.mulf %get3A_909, %gather3A_351 : vector<16xf32>
        %add3A_911 = arith.addf %add3A_902, %mul3A_910 : vector<16xf32>
        %swap3A_912 = arith.constant 1 : i32
        %swap3A_913 = arith.constant 1 : i32
        %swap3A_914 = arith.index_cast %swap3A_912 : i32 to index
        %swap3A_915 = arith.index_cast %swap3A_913 : i32 to index
        %swap3A_916 = arith.index_cast %add3A_761 : i32 to index
        %swap3A_917 = tpu.vector_load %arg9[%swap3A_914, %swap3A_915, %swap3A_916] {strides = array<i32>} : memref<2x4x1024xf32, #tpu.memory_space<vmem>>, vector<1x1x16xf32>,
        %swap3A_918 = vector.shape_cast %swap3A_917 : vector<1x1x16xf32> to vector<16xf32>
        %swap3A_919 = vector.shape_cast %add3A_911 : vector<16xf32> to vector<1x1x16xf32>
        tpu.vector_store %arg9[%swap3A_914, %swap3A_915, %swap3A_916], %swap3A_919 {strides = array<i32>} : memref<2x4x1024xf32, #tpu.memory_space<vmem>>, vector<1x1x16xf32>,
        %get3A_920 = arith.constant 1 : i32
        %get3A_921 = arith.constant 16 : i32
        %get3A_922 = arith.index_cast %get3A_920 : i32 to index
        %get3A_923 = arith.index_cast %get3A_921 : i32 to index
        %get3A_924 = arith.index_cast %add3A_761 : i32 to index
        %get3A_925 = tpu.vector_load %arg8[%get3A_922, %get3A_923, %get3A_924] {strides = array<i32>} : memref<2x32x1024xf32, #tpu.memory_space<vmem>>, vector<1x1x16xf32>,
        %get3A_926 = vector.shape_cast %get3A_925 : vector<1x1x16xf32> to vector<16xf32>
        %mul3A_927 = arith.mulf %get3A_926, %gather3A_355 : vector<16xf32>
        %get3A_928 = arith.constant 1 : i32
        %get3A_929 = arith.constant 17 : i32
        %get3A_930 = arith.index_cast %get3A_928 : i32 to index
        %get3A_931 = arith.index_cast %get3A_929 : i32 to index
        %get3A_932 = arith.index_cast %add3A_761 : i32 to index
        %get3A_933 = tpu.vector_load %arg8[%get3A_930, %get3A_931, %get3A_932] {strides = array<i32>} : memref<2x32x1024xf32, #tpu.memory_space<vmem>>, vector<1x1x16xf32>,
        %get3A_934 = vector.shape_cast %get3A_933 : vector<1x1x16xf32> to vector<16xf32>
        %mul3A_935 = arith.mulf %get3A_934, %gather3A_359 : vector<16xf32>
        %add3A_936 = arith.addf %mul3A_927, %mul3A_935 : vector<16xf32>
        %get3A_937 = arith.constant 1 : i32
        %get3A_938 = arith.constant 18 : i32
        %get3A_939 = arith.index_cast %get3A_937 : i32 to index
        %get3A_940 = arith.index_cast %get3A_938 : i32 to index
        %get3A_941 = arith.index_cast %add3A_761 : i32 to index
        %get3A_942 = tpu.vector_load %arg8[%get3A_939, %get3A_940, %get3A_941] {strides = array<i32>} : memref<2x32x1024xf32, #tpu.memory_space<vmem>>, vector<1x1x16xf32>,
        %get3A_943 = vector.shape_cast %get3A_942 : vector<1x1x16xf32> to vector<16xf32>
        %mul3A_944 = arith.mulf %get3A_943, %gather3A_363 : vector<16xf32>
        %add3A_945 = arith.addf %add3A_936, %mul3A_944 : vector<16xf32>
        %get3A_946 = arith.constant 1 : i32
        %get3A_947 = arith.constant 19 : i32
        %get3A_948 = arith.index_cast %get3A_946 : i32 to index
        %get3A_949 = arith.index_cast %get3A_947 : i32 to index
        %get3A_950 = arith.index_cast %add3A_761 : i32 to index
        %get3A_951 = tpu.vector_load %arg8[%get3A_948, %get3A_949, %get3A_950] {strides = array<i32>} : memref<2x32x1024xf32, #tpu.memory_space<vmem>>, vector<1x1x16xf32>,
        %get3A_952 = vector.shape_cast %get3A_951 : vector<1x1x16xf32> to vector<16xf32>
        %mul3A_953 = arith.mulf %get3A_952, %gather3A_367 : vector<16xf32>
        %add3A_954 = arith.addf %add3A_945, %mul3A_953 : vector<16xf32>
        %get3A_955 = arith.constant 1 : i32
        %get3A_956 = arith.constant 20 : i32
        %get3A_957 = arith.index_cast %get3A_955 : i32 to index
        %get3A_958 = arith.index_cast %get3A_956 : i32 to index
        %get3A_959 = arith.index_cast %add3A_761 : i32 to index
        %get3A_960 = tpu.vector_load %arg8[%get3A_957, %get3A_958, %get3A_959] {strides = array<i32>} : memref<2x32x1024xf32, #tpu.memory_space<vmem>>, vector<1x1x16xf32>,
        %get3A_961 = vector.shape_cast %get3A_960 : vector<1x1x16xf32> to vector<16xf32>
        %mul3A_962 = arith.mulf %get3A_961, %gather3A_371 : vector<16xf32>
        %add3A_963 = arith.addf %add3A_954, %mul3A_962 : vector<16xf32>
        %get3A_964 = arith.constant 1 : i32
        %get3A_965 = arith.constant 21 : i32
        %get3A_966 = arith.index_cast %get3A_964 : i32 to index
        %get3A_967 = arith.index_cast %get3A_965 : i32 to index
        %get3A_968 = arith.index_cast %add3A_761 : i32 to index
        %get3A_969 = tpu.vector_load %arg8[%get3A_966, %get3A_967, %get3A_968] {strides = array<i32>} : memref<2x32x1024xf32, #tpu.memory_space<vmem>>, vector<1x1x16xf32>,
        %get3A_970 = vector.shape_cast %get3A_969 : vector<1x1x16xf32> to vector<16xf32>
        %mul3A_971 = arith.mulf %get3A_970, %gather3A_375 : vector<16xf32>
        %add3A_972 = arith.addf %add3A_963, %mul3A_971 : vector<16xf32>
        %get3A_973 = arith.constant 1 : i32
        %get3A_974 = arith.constant 22 : i32
        %get3A_975 = arith.index_cast %get3A_973 : i32 to index
        %get3A_976 = arith.index_cast %get3A_974 : i32 to index
        %get3A_977 = arith.index_cast %add3A_761 : i32 to index
        %get3A_978 = tpu.vector_load %arg8[%get3A_975, %get3A_976, %get3A_977] {strides = array<i32>} : memref<2x32x1024xf32, #tpu.memory_space<vmem>>, vector<1x1x16xf32>,
        %get3A_979 = vector.shape_cast %get3A_978 : vector<1x1x16xf32> to vector<16xf32>
        %mul3A_980 = arith.mulf %get3A_979, %gather3A_379 : vector<16xf32>
        %add3A_981 = arith.addf %add3A_972, %mul3A_980 : vector<16xf32>
        %get3A_982 = arith.constant 1 : i32
        %get3A_983 = arith.constant 23 : i32
        %get3A_984 = arith.index_cast %get3A_982 : i32 to index
        %get3A_985 = arith.index_cast %get3A_983 : i32 to index
        %get3A_986 = arith.index_cast %add3A_761 : i32 to index
        %get3A_987 = tpu.vector_load %arg8[%get3A_984, %get3A_985, %get3A_986] {strides = array<i32>} : memref<2x32x1024xf32, #tpu.memory_space<vmem>>, vector<1x1x16xf32>,
        %get3A_988 = vector.shape_cast %get3A_987 : vector<1x1x16xf32> to vector<16xf32>
        %mul3A_989 = arith.mulf %get3A_988, %gather3A_383 : vector<16xf32>
        %add3A_990 = arith.addf %add3A_981, %mul3A_989 : vector<16xf32>
        %swap3A_991 = arith.constant 1 : i32
        %swap3A_992 = arith.constant 2 : i32
        %swap3A_993 = arith.index_cast %swap3A_991 : i32 to index
        %swap3A_994 = arith.index_cast %swap3A_992 : i32 to index
        %swap3A_995 = arith.index_cast %add3A_761 : i32 to index
        %swap3A_996 = tpu.vector_load %arg9[%swap3A_993, %swap3A_994, %swap3A_995] {strides = array<i32>} : memref<2x4x1024xf32, #tpu.memory_space<vmem>>, vector<1x1x16xf32>,
        %swap3A_997 = vector.shape_cast %swap3A_996 : vector<1x1x16xf32> to vector<16xf32>
        %swap3A_998 = vector.shape_cast %add3A_990 : vector<16xf32> to vector<1x1x16xf32>
        tpu.vector_store %arg9[%swap3A_993, %swap3A_994, %swap3A_995], %swap3A_998 {strides = array<i32>} : memref<2x4x1024xf32, #tpu.memory_space<vmem>>, vector<1x1x16xf32>,
        %get3A_999 = arith.constant 1 : i32
        %get3A_1000 = arith.constant 24 : i32
        %get3A_1001 = arith.index_cast %get3A_999 : i32 to index
        %get3A_1002 = arith.index_cast %get3A_1000 : i32 to index
        %get3A_1003 = arith.index_cast %add3A_761 : i32 to index
        %get3A_1004 = tpu.vector_load %arg8[%get3A_1001, %get3A_1002, %get3A_1003] {strides = array<i32>} : memref<2x32x1024xf32, #tpu.memory_space<vmem>>, vector<1x1x16xf32>,
        %get3A_1005 = vector.shape_cast %get3A_1004 : vector<1x1x16xf32> to vector<16xf32>
        %mul3A_1006 = arith.mulf %get3A_1005, %gather3A_387 : vector<16xf32>
        %get3A_1007 = arith.constant 1 : i32
        %get3A_1008 = arith.constant 25 : i32
        %get3A_1009 = arith.index_cast %get3A_1007 : i32 to index
        %get3A_1010 = arith.index_cast %get3A_1008 : i32 to index
        %get3A_1011 = arith.index_cast %add3A_761 : i32 to index
        %get3A_1012 = tpu.vector_load %arg8[%get3A_1009, %get3A_1010, %get3A_1011] {strides = array<i32>} : memref<2x32x1024xf32, #tpu.memory_space<vmem>>, vector<1x1x16xf32>,
        %get3A_1013 = vector.shape_cast %get3A_1012 : vector<1x1x16xf32> to vector<16xf32>
        %mul3A_1014 = arith.mulf %get3A_1013, %gather3A_391 : vector<16xf32>
        %add3A_1015 = arith.addf %mul3A_1006, %mul3A_1014 : vector<16xf32>
        %get3A_1016 = arith.constant 1 : i32
        %get3A_1017 = arith.constant 26 : i32
        %get3A_1018 = arith.index_cast %get3A_1016 : i32 to index
        %get3A_1019 = arith.index_cast %get3A_1017 : i32 to index
        %get3A_1020 = arith.index_cast %add3A_761 : i32 to index
        %get3A_1021 = tpu.vector_load %arg8[%get3A_1018, %get3A_1019, %get3A_1020] {strides = array<i32>} : memref<2x32x1024xf32, #tpu.memory_space<vmem>>, vector<1x1x16xf32>,
        %get3A_1022 = vector.shape_cast %get3A_1021 : vector<1x1x16xf32> to vector<16xf32>
        %mul3A_1023 = arith.mulf %get3A_1022, %gather3A_395 : vector<16xf32>
        %add3A_1024 = arith.addf %add3A_1015, %mul3A_1023 : vector<16xf32>
        %get3A_1025 = arith.constant 1 : i32
        %get3A_1026 = arith.constant 27 : i32
        %get3A_1027 = arith.index_cast %get3A_1025 : i32 to index
        %get3A_1028 = arith.index_cast %get3A_1026 : i32 to index
        %get3A_1029 = arith.index_cast %add3A_761 : i32 to index
        %get3A_1030 = tpu.vector_load %arg8[%get3A_1027, %get3A_1028, %get3A_1029] {strides = array<i32>} : memref<2x32x1024xf32, #tpu.memory_space<vmem>>, vector<1x1x16xf32>,
        %get3A_1031 = vector.shape_cast %get3A_1030 : vector<1x1x16xf32> to vector<16xf32>
        %mul3A_1032 = arith.mulf %get3A_1031, %gather3A_399 : vector<16xf32>
        %add3A_1033 = arith.addf %add3A_1024, %mul3A_1032 : vector<16xf32>
        %get3A_1034 = arith.constant 1 : i32
        %get3A_1035 = arith.constant 28 : i32
        %get3A_1036 = arith.index_cast %get3A_1034 : i32 to index
        %get3A_1037 = arith.index_cast %get3A_1035 : i32 to index
        %get3A_1038 = arith.index_cast %add3A_761 : i32 to index
        %get3A_1039 = tpu.vector_load %arg8[%get3A_1036, %get3A_1037, %get3A_1038] {strides = array<i32>} : memref<2x32x1024xf32, #tpu.memory_space<vmem>>, vector<1x1x16xf32>,
        %get3A_1040 = vector.shape_cast %get3A_1039 : vector<1x1x16xf32> to vector<16xf32>
        %mul3A_1041 = arith.mulf %get3A_1040, %gather3A_403 : vector<16xf32>
        %add3A_1042 = arith.addf %add3A_1033, %mul3A_1041 : vector<16xf32>
        %get3A_1043 = arith.constant 1 : i32
        %get3A_1044 = arith.constant 29 : i32
        %get3A_1045 = arith.index_cast %get3A_1043 : i32 to index
        %get3A_1046 = arith.index_cast %get3A_1044 : i32 to index
        %get3A_1047 = arith.index_cast %add3A_761 : i32 to index
        %get3A_1048 = tpu.vector_load %arg8[%get3A_1045, %get3A_1046, %get3A_1047] {strides = array<i32>} : memref<2x32x1024xf32, #tpu.memory_space<vmem>>, vector<1x1x16xf32>,
        %get3A_1049 = vector.shape_cast %get3A_1048 : vector<1x1x16xf32> to vector<16xf32>
        %mul3A_1050 = arith.mulf %get3A_1049, %gather3A_407 : vector<16xf32>
        %add3A_1051 = arith.addf %add3A_1042, %mul3A_1050 : vector<16xf32>
        %get3A_1052 = arith.constant 1 : i32
        %get3A_1053 = arith.constant 30 : i32
        %get3A_1054 = arith.index_cast %get3A_1052 : i32 to index
        %get3A_1055 = arith.index_cast %get3A_1053 : i32 to index
        %get3A_1056 = arith.index_cast %add3A_761 : i32 to index
        %get3A_1057 = tpu.vector_load %arg8[%get3A_1054, %get3A_1055, %get3A_1056] {strides = array<i32>} : memref<2x32x1024xf32, #tpu.memory_space<vmem>>, vector<1x1x16xf32>,
        %get3A_1058 = vector.shape_cast %get3A_1057 : vector<1x1x16xf32> to vector<16xf32>
        %mul3A_1059 = arith.mulf %get3A_1058, %gather3A_411 : vector<16xf32>
        %add3A_1060 = arith.addf %add3A_1051, %mul3A_1059 : vector<16xf32>
        %get3A_1061 = arith.constant 1 : i32
        %get3A_1062 = arith.constant 31 : i32
        %get3A_1063 = arith.index_cast %get3A_1061 : i32 to index
        %get3A_1064 = arith.index_cast %get3A_1062 : i32 to index
        %get3A_1065 = arith.index_cast %add3A_761 : i32 to index
        %get3A_1066 = tpu.vector_load %arg8[%get3A_1063, %get3A_1064, %get3A_1065] {strides = array<i32>} : memref<2x32x1024xf32, #tpu.memory_space<vmem>>, vector<1x1x16xf32>,
        %get3A_1067 = vector.shape_cast %get3A_1066 : vector<1x1x16xf32> to vector<16xf32>
        %mul3A_1068 = arith.mulf %get3A_1067, %gather3A_415 : vector<16xf32>
        %add3A_1069 = arith.addf %add3A_1060, %mul3A_1068 : vector<16xf32>
        %swap3A_1070 = arith.constant 1 : i32
        %swap3A_1071 = arith.constant 3 : i32
        %swap3A_1072 = arith.index_cast %swap3A_1070 : i32 to index
        %swap3A_1073 = arith.index_cast %swap3A_1071 : i32 to index
        %swap3A_1074 = arith.index_cast %add3A_761 : i32 to index
        %swap3A_1075 = tpu.vector_load %arg9[%swap3A_1072, %swap3A_1073, %swap3A_1074] {strides = array<i32>} : memref<2x4x1024xf32, #tpu.memory_space<vmem>>, vector<1x1x16xf32>,
        %swap3A_1076 = vector.shape_cast %swap3A_1075 : vector<1x1x16xf32> to vector<16xf32>
        %swap3A_1077 = vector.shape_cast %add3A_1069 : vector<16xf32> to vector<1x1x16xf32>
        tpu.vector_store %arg9[%swap3A_1072, %swap3A_1073, %swap3A_1074], %swap3A_1077 {strides = array<i32>} : memref<2x4x1024xf32, #tpu.memory_space<vmem>>, vector<1x1x16xf32>,
        %mul3A_1078 = arith.constant 64 : i32
        %mul3A_1079 = arith.muli %scan3A_438, %mul3A_1078 : i32
        %add3A_1080 = arith.constant 32 : i32
        %add3A_1081 = arith.addi %mul3A_1079, %add3A_1080 : i32
        %get3A_1082 = arith.constant 1 : i32
        %get3A_1083 = arith.constant 0 : i32
        %get3A_1084 = arith.index_cast %get3A_1082 : i32 to index
        %get3A_1085 = arith.index_cast %get3A_1083 : i32 to index
        %get3A_1086 = arith.index_cast %add3A_1081 : i32 to index
        %get3A_1087 = tpu.vector_load %arg8[%get3A_1084, %get3A_1085, %get3A_1086] {strides = array<i32>} : memref<2x32x1024xf32, #tpu.memory_space<vmem>>, vector<1x1x16xf32>,
        %get3A_1088 = vector.shape_cast %get3A_1087 : vector<1x1x16xf32> to vector<16xf32>
        %mul3A_1089 = arith.mulf %get3A_1088, %gather3A_291 : vector<16xf32>
        %get3A_1090 = arith.constant 1 : i32
        %get3A_1091 = arith.constant 1 : i32
        %get3A_1092 = arith.index_cast %get3A_1090 : i32 to index
        %get3A_1093 = arith.index_cast %get3A_1091 : i32 to index
        %get3A_1094 = arith.index_cast %add3A_1081 : i32 to index
        %get3A_1095 = tpu.vector_load %arg8[%get3A_1092, %get3A_1093, %get3A_1094] {strides = array<i32>} : memref<2x32x1024xf32, #tpu.memory_space<vmem>>, vector<1x1x16xf32>,
        %get3A_1096 = vector.shape_cast %get3A_1095 : vector<1x1x16xf32> to vector<16xf32>
        %mul3A_1097 = arith.mulf %get3A_1096, %gather3A_295 : vector<16xf32>
        %add3A_1098 = arith.addf %mul3A_1089, %mul3A_1097 : vector<16xf32>
        %get3A_1099 = arith.constant 1 : i32
        %get3A_1100 = arith.constant 2 : i32
        %get3A_1101 = arith.index_cast %get3A_1099 : i32 to index
        %get3A_1102 = arith.index_cast %get3A_1100 : i32 to index
        %get3A_1103 = arith.index_cast %add3A_1081 : i32 to index
        %get3A_1104 = tpu.vector_load %arg8[%get3A_1101, %get3A_1102, %get3A_1103] {strides = array<i32>} : memref<2x32x1024xf32, #tpu.memory_space<vmem>>, vector<1x1x16xf32>,
        %get3A_1105 = vector.shape_cast %get3A_1104 : vector<1x1x16xf32> to vector<16xf32>
        %mul3A_1106 = arith.mulf %get3A_1105, %gather3A_299 : vector<16xf32>
        %add3A_1107 = arith.addf %add3A_1098, %mul3A_1106 : vector<16xf32>
        %get3A_1108 = arith.constant 1 : i32
        %get3A_1109 = arith.constant 3 : i32
        %get3A_1110 = arith.index_cast %get3A_1108 : i32 to index
        %get3A_1111 = arith.index_cast %get3A_1109 : i32 to index
        %get3A_1112 = arith.index_cast %add3A_1081 : i32 to index
        %get3A_1113 = tpu.vector_load %arg8[%get3A_1110, %get3A_1111, %get3A_1112] {strides = array<i32>} : memref<2x32x1024xf32, #tpu.memory_space<vmem>>, vector<1x1x16xf32>,
        %get3A_1114 = vector.shape_cast %get3A_1113 : vector<1x1x16xf32> to vector<16xf32>
        %mul3A_1115 = arith.mulf %get3A_1114, %gather3A_303 : vector<16xf32>
        %add3A_1116 = arith.addf %add3A_1107, %mul3A_1115 : vector<16xf32>
        %get3A_1117 = arith.constant 1 : i32
        %get3A_1118 = arith.constant 4 : i32
        %get3A_1119 = arith.index_cast %get3A_1117 : i32 to index
        %get3A_1120 = arith.index_cast %get3A_1118 : i32 to index
        %get3A_1121 = arith.index_cast %add3A_1081 : i32 to index
        %get3A_1122 = tpu.vector_load %arg8[%get3A_1119, %get3A_1120, %get3A_1121] {strides = array<i32>} : memref<2x32x1024xf32, #tpu.memory_space<vmem>>, vector<1x1x16xf32>,
        %get3A_1123 = vector.shape_cast %get3A_1122 : vector<1x1x16xf32> to vector<16xf32>
        %mul3A_1124 = arith.mulf %get3A_1123, %gather3A_307 : vector<16xf32>
        %add3A_1125 = arith.addf %add3A_1116, %mul3A_1124 : vector<16xf32>
        %get3A_1126 = arith.constant 1 : i32
        %get3A_1127 = arith.constant 5 : i32
        %get3A_1128 = arith.index_cast %get3A_1126 : i32 to index
        %get3A_1129 = arith.index_cast %get3A_1127 : i32 to index
        %get3A_1130 = arith.index_cast %add3A_1081 : i32 to index
        %get3A_1131 = tpu.vector_load %arg8[%get3A_1128, %get3A_1129, %get3A_1130] {strides = array<i32>} : memref<2x32x1024xf32, #tpu.memory_space<vmem>>, vector<1x1x16xf32>,
        %get3A_1132 = vector.shape_cast %get3A_1131 : vector<1x1x16xf32> to vector<16xf32>
        %mul3A_1133 = arith.mulf %get3A_1132, %gather3A_311 : vector<16xf32>
        %add3A_1134 = arith.addf %add3A_1125, %mul3A_1133 : vector<16xf32>
        %get3A_1135 = arith.constant 1 : i32
        %get3A_1136 = arith.constant 6 : i32
        %get3A_1137 = arith.index_cast %get3A_1135 : i32 to index
        %get3A_1138 = arith.index_cast %get3A_1136 : i32 to index
        %get3A_1139 = arith.index_cast %add3A_1081 : i32 to index
        %get3A_1140 = tpu.vector_load %arg8[%get3A_1137, %get3A_1138, %get3A_1139] {strides = array<i32>} : memref<2x32x1024xf32, #tpu.memory_space<vmem>>, vector<1x1x16xf32>,
        %get3A_1141 = vector.shape_cast %get3A_1140 : vector<1x1x16xf32> to vector<16xf32>
        %mul3A_1142 = arith.mulf %get3A_1141, %gather3A_315 : vector<16xf32>
        %add3A_1143 = arith.addf %add3A_1134, %mul3A_1142 : vector<16xf32>
        %get3A_1144 = arith.constant 1 : i32
        %get3A_1145 = arith.constant 7 : i32
        %get3A_1146 = arith.index_cast %get3A_1144 : i32 to index
        %get3A_1147 = arith.index_cast %get3A_1145 : i32 to index
        %get3A_1148 = arith.index_cast %add3A_1081 : i32 to index
        %get3A_1149 = tpu.vector_load %arg8[%get3A_1146, %get3A_1147, %get3A_1148] {strides = array<i32>} : memref<2x32x1024xf32, #tpu.memory_space<vmem>>, vector<1x1x16xf32>,
        %get3A_1150 = vector.shape_cast %get3A_1149 : vector<1x1x16xf32> to vector<16xf32>
        %mul3A_1151 = arith.mulf %get3A_1150, %gather3A_319 : vector<16xf32>
        %add3A_1152 = arith.addf %add3A_1143, %mul3A_1151 : vector<16xf32>
        %swap3A_1153 = arith.constant 1 : i32
        %swap3A_1154 = arith.constant 0 : i32
        %swap3A_1155 = arith.index_cast %swap3A_1153 : i32 to index
        %swap3A_1156 = arith.index_cast %swap3A_1154 : i32 to index
        %swap3A_1157 = arith.index_cast %add3A_1081 : i32 to index
        %swap3A_1158 = tpu.vector_load %arg9[%swap3A_1155, %swap3A_1156, %swap3A_1157] {strides = array<i32>} : memref<2x4x1024xf32, #tpu.memory_space<vmem>>, vector<1x1x16xf32>,
        %swap3A_1159 = vector.shape_cast %swap3A_1158 : vector<1x1x16xf32> to vector<16xf32>
        %swap3A_1160 = vector.shape_cast %add3A_1152 : vector<16xf32> to vector<1x1x16xf32>
        tpu.vector_store %arg9[%swap3A_1155, %swap3A_1156, %swap3A_1157], %swap3A_1160 {strides = array<i32>} : memref<2x4x1024xf32, #tpu.memory_space<vmem>>, vector<1x1x16xf32>,
        %get3A_1161 = arith.constant 1 : i32
        %get3A_1162 = arith.constant 8 : i32
        %get3A_1163 = arith.index_cast %get3A_1161 : i32 to index
        %get3A_1164 = arith.index_cast %get3A_1162 : i32 to index
        %get3A_1165 = arith.index_cast %add3A_1081 : i32 to index
        %get3A_1166 = tpu.vector_load %arg8[%get3A_1163, %get3A_1164, %get3A_1165] {strides = array<i32>} : memref<2x32x1024xf32, #tpu.memory_space<vmem>>, vector<1x1x16xf32>,
        %get3A_1167 = vector.shape_cast %get3A_1166 : vector<1x1x16xf32> to vector<16xf32>
        %mul3A_1168 = arith.mulf %get3A_1167, %gather3A_323 : vector<16xf32>
        %get3A_1169 = arith.constant 1 : i32
        %get3A_1170 = arith.constant 9 : i32
        %get3A_1171 = arith.index_cast %get3A_1169 : i32 to index
        %get3A_1172 = arith.index_cast %get3A_1170 : i32 to index
        %get3A_1173 = arith.index_cast %add3A_1081 : i32 to index
        %get3A_1174 = tpu.vector_load %arg8[%get3A_1171, %get3A_1172, %get3A_1173] {strides = array<i32>} : memref<2x32x1024xf32, #tpu.memory_space<vmem>>, vector<1x1x16xf32>,
        %get3A_1175 = vector.shape_cast %get3A_1174 : vector<1x1x16xf32> to vector<16xf32>
        %mul3A_1176 = arith.mulf %get3A_1175, %gather3A_327 : vector<16xf32>
        %add3A_1177 = arith.addf %mul3A_1168, %mul3A_1176 : vector<16xf32>
        %get3A_1178 = arith.constant 1 : i32
        %get3A_1179 = arith.constant 10 : i32
        %get3A_1180 = arith.index_cast %get3A_1178 : i32 to index
        %get3A_1181 = arith.index_cast %get3A_1179 : i32 to index
        %get3A_1182 = arith.index_cast %add3A_1081 : i32 to index
        %get3A_1183 = tpu.vector_load %arg8[%get3A_1180, %get3A_1181, %get3A_1182] {strides = array<i32>} : memref<2x32x1024xf32, #tpu.memory_space<vmem>>, vector<1x1x16xf32>,
        %get3A_1184 = vector.shape_cast %get3A_1183 : vector<1x1x16xf32> to vector<16xf32>
        %mul3A_1185 = arith.mulf %get3A_1184, %gather3A_331 : vector<16xf32>
        %add3A_1186 = arith.addf %add3A_1177, %mul3A_1185 : vector<16xf32>
        %get3A_1187 = arith.constant 1 : i32
        %get3A_1188 = arith.constant 11 : i32
        %get3A_1189 = arith.index_cast %get3A_1187 : i32 to index
        %get3A_1190 = arith.index_cast %get3A_1188 : i32 to index
        %get3A_1191 = arith.index_cast %add3A_1081 : i32 to index
        %get3A_1192 = tpu.vector_load %arg8[%get3A_1189, %get3A_1190, %get3A_1191] {strides = array<i32>} : memref<2x32x1024xf32, #tpu.memory_space<vmem>>, vector<1x1x16xf32>,
        %get3A_1193 = vector.shape_cast %get3A_1192 : vector<1x1x16xf32> to vector<16xf32>
        %mul3A_1194 = arith.mulf %get3A_1193, %gather3A_335 : vector<16xf32>
        %add3A_1195 = arith.addf %add3A_1186, %mul3A_1194 : vector<16xf32>
        %get3A_1196 = arith.constant 1 : i32
        %get3A_1197 = arith.constant 12 : i32
        %get3A_1198 = arith.index_cast %get3A_1196 : i32 to index
        %get3A_1199 = arith.index_cast %get3A_1197 : i32 to index
        %get3A_1200 = arith.index_cast %add3A_1081 : i32 to index
        %get3A_1201 = tpu.vector_load %arg8[%get3A_1198, %get3A_1199, %get3A_1200] {strides = array<i32>} : memref<2x32x1024xf32, #tpu.memory_space<vmem>>, vector<1x1x16xf32>,
        %get3A_1202 = vector.shape_cast %get3A_1201 : vector<1x1x16xf32> to vector<16xf32>
        %mul3A_1203 = arith.mulf %get3A_1202, %gather3A_339 : vector<16xf32>
        %add3A_1204 = arith.addf %add3A_1195, %mul3A_1203 : vector<16xf32>
        %get3A_1205 = arith.constant 1 : i32
        %get3A_1206 = arith.constant 13 : i32
        %get3A_1207 = arith.index_cast %get3A_1205 : i32 to index
        %get3A_1208 = arith.index_cast %get3A_1206 : i32 to index
        %get3A_1209 = arith.index_cast %add3A_1081 : i32 to index
        %get3A_1210 = tpu.vector_load %arg8[%get3A_1207, %get3A_1208, %get3A_1209] {strides = array<i32>} : memref<2x32x1024xf32, #tpu.memory_space<vmem>>, vector<1x1x16xf32>,
        %get3A_1211 = vector.shape_cast %get3A_1210 : vector<1x1x16xf32> to vector<16xf32>
        %mul3A_1212 = arith.mulf %get3A_1211, %gather3A_343 : vector<16xf32>
        %add3A_1213 = arith.addf %add3A_1204, %mul3A_1212 : vector<16xf32>
        %get3A_1214 = arith.constant 1 : i32
        %get3A_1215 = arith.constant 14 : i32
        %get3A_1216 = arith.index_cast %get3A_1214 : i32 to index
        %get3A_1217 = arith.index_cast %get3A_1215 : i32 to index
        %get3A_1218 = arith.index_cast %add3A_1081 : i32 to index
        %get3A_1219 = tpu.vector_load %arg8[%get3A_1216, %get3A_1217, %get3A_1218] {strides = array<i32>} : memref<2x32x1024xf32, #tpu.memory_space<vmem>>, vector<1x1x16xf32>,
        %get3A_1220 = vector.shape_cast %get3A_1219 : vector<1x1x16xf32> to vector<16xf32>
        %mul3A_1221 = arith.mulf %get3A_1220, %gather3A_347 : vector<16xf32>
        %add3A_1222 = arith.addf %add3A_1213, %mul3A_1221 : vector<16xf32>
        %get3A_1223 = arith.constant 1 : i32
        %get3A_1224 = arith.constant 15 : i32
        %get3A_1225 = arith.index_cast %get3A_1223 : i32 to index
        %get3A_1226 = arith.index_cast %get3A_1224 : i32 to index
        %get3A_1227 = arith.index_cast %add3A_1081 : i32 to index
        %get3A_1228 = tpu.vector_load %arg8[%get3A_1225, %get3A_1226, %get3A_1227] {strides = array<i32>} : memref<2x32x1024xf32, #tpu.memory_space<vmem>>, vector<1x1x16xf32>,
        %get3A_1229 = vector.shape_cast %get3A_1228 : vector<1x1x16xf32> to vector<16xf32>
        %mul3A_1230 = arith.mulf %get3A_1229, %gather3A_351 : vector<16xf32>
        %add3A_1231 = arith.addf %add3A_1222, %mul3A_1230 : vector<16xf32>
        %swap3A_1232 = arith.constant 1 : i32
        %swap3A_1233 = arith.constant 1 : i32
        %swap3A_1234 = arith.index_cast %swap3A_1232 : i32 to index
        %swap3A_1235 = arith.index_cast %swap3A_1233 : i32 to index
        %swap3A_1236 = arith.index_cast %add3A_1081 : i32 to index
        %swap3A_1237 = tpu.vector_load %arg9[%swap3A_1234, %swap3A_1235, %swap3A_1236] {strides = array<i32>} : memref<2x4x1024xf32, #tpu.memory_space<vmem>>, vector<1x1x16xf32>,
        %swap3A_1238 = vector.shape_cast %swap3A_1237 : vector<1x1x16xf32> to vector<16xf32>
        %swap3A_1239 = vector.shape_cast %add3A_1231 : vector<16xf32> to vector<1x1x16xf32>
        tpu.vector_store %arg9[%swap3A_1234, %swap3A_1235, %swap3A_1236], %swap3A_1239 {strides = array<i32>} : memref<2x4x1024xf32, #tpu.memory_space<vmem>>, vector<1x1x16xf32>,
        %get3A_1240 = arith.constant 1 : i32
        %get3A_1241 = arith.constant 16 : i32
        %get3A_1242 = arith.index_cast %get3A_1240 : i32 to index
        %get3A_1243 = arith.index_cast %get3A_1241 : i32 to index
        %get3A_1244 = arith.index_cast %add3A_1081 : i32 to index
        %get3A_1245 = tpu.vector_load %arg8[%get3A_1242, %get3A_1243, %get3A_1244] {strides = array<i32>} : memref<2x32x1024xf32, #tpu.memory_space<vmem>>, vector<1x1x16xf32>,
        %get3A_1246 = vector.shape_cast %get3A_1245 : vector<1x1x16xf32> to vector<16xf32>
        %mul3A_1247 = arith.mulf %get3A_1246, %gather3A_355 : vector<16xf32>
        %get3A_1248 = arith.constant 1 : i32
        %get3A_1249 = arith.constant 17 : i32
        %get3A_1250 = arith.index_cast %get3A_1248 : i32 to index
        %get3A_1251 = arith.index_cast %get3A_1249 : i32 to index
        %get3A_1252 = arith.index_cast %add3A_1081 : i32 to index
        %get3A_1253 = tpu.vector_load %arg8[%get3A_1250, %get3A_1251, %get3A_1252] {strides = array<i32>} : memref<2x32x1024xf32, #tpu.memory_space<vmem>>, vector<1x1x16xf32>,
        %get3A_1254 = vector.shape_cast %get3A_1253 : vector<1x1x16xf32> to vector<16xf32>
        %mul3A_1255 = arith.mulf %get3A_1254, %gather3A_359 : vector<16xf32>
        %add3A_1256 = arith.addf %mul3A_1247, %mul3A_1255 : vector<16xf32>
        %get3A_1257 = arith.constant 1 : i32
        %get3A_1258 = arith.constant 18 : i32
        %get3A_1259 = arith.index_cast %get3A_1257 : i32 to index
        %get3A_1260 = arith.index_cast %get3A_1258 : i32 to index
        %get3A_1261 = arith.index_cast %add3A_1081 : i32 to index
        %get3A_1262 = tpu.vector_load %arg8[%get3A_1259, %get3A_1260, %get3A_1261] {strides = array<i32>} : memref<2x32x1024xf32, #tpu.memory_space<vmem>>, vector<1x1x16xf32>,
        %get3A_1263 = vector.shape_cast %get3A_1262 : vector<1x1x16xf32> to vector<16xf32>
        %mul3A_1264 = arith.mulf %get3A_1263, %gather3A_363 : vector<16xf32>
        %add3A_1265 = arith.addf %add3A_1256, %mul3A_1264 : vector<16xf32>
        %get3A_1266 = arith.constant 1 : i32
        %get3A_1267 = arith.constant 19 : i32
        %get3A_1268 = arith.index_cast %get3A_1266 : i32 to index
        %get3A_1269 = arith.index_cast %get3A_1267 : i32 to index
        %get3A_1270 = arith.index_cast %add3A_1081 : i32 to index
        %get3A_1271 = tpu.vector_load %arg8[%get3A_1268, %get3A_1269, %get3A_1270] {strides = array<i32>} : memref<2x32x1024xf32, #tpu.memory_space<vmem>>, vector<1x1x16xf32>,
        %get3A_1272 = vector.shape_cast %get3A_1271 : vector<1x1x16xf32> to vector<16xf32>
        %mul3A_1273 = arith.mulf %get3A_1272, %gather3A_367 : vector<16xf32>
        %add3A_1274 = arith.addf %add3A_1265, %mul3A_1273 : vector<16xf32>
        %get3A_1275 = arith.constant 1 : i32
        %get3A_1276 = arith.constant 20 : i32
        %get3A_1277 = arith.index_cast %get3A_1275 : i32 to index
        %get3A_1278 = arith.index_cast %get3A_1276 : i32 to index
        %get3A_1279 = arith.index_cast %add3A_1081 : i32 to index
        %get3A_1280 = tpu.vector_load %arg8[%get3A_1277, %get3A_1278, %get3A_1279] {strides = array<i32>} : memref<2x32x1024xf32, #tpu.memory_space<vmem>>, vector<1x1x16xf32>,
        %get3A_1281 = vector.shape_cast %get3A_1280 : vector<1x1x16xf32> to vector<16xf32>
        %mul3A_1282 = arith.mulf %get3A_1281, %gather3A_371 : vector<16xf32>
        %add3A_1283 = arith.addf %add3A_1274, %mul3A_1282 : vector<16xf32>
        %get3A_1284 = arith.constant 1 : i32
        %get3A_1285 = arith.constant 21 : i32
        %get3A_1286 = arith.index_cast %get3A_1284 : i32 to index
        %get3A_1287 = arith.index_cast %get3A_1285 : i32 to index
        %get3A_1288 = arith.index_cast %add3A_1081 : i32 to index
        %get3A_1289 = tpu.vector_load %arg8[%get3A_1286, %get3A_1287, %get3A_1288] {strides = array<i32>} : memref<2x32x1024xf32, #tpu.memory_space<vmem>>, vector<1x1x16xf32>,
        %get3A_1290 = vector.shape_cast %get3A_1289 : vector<1x1x16xf32> to vector<16xf32>
        %mul3A_1291 = arith.mulf %get3A_1290, %gather3A_375 : vector<16xf32>
        %add3A_1292 = arith.addf %add3A_1283, %mul3A_1291 : vector<16xf32>
        %get3A_1293 = arith.constant 1 : i32
        %get3A_1294 = arith.constant 22 : i32
        %get3A_1295 = arith.index_cast %get3A_1293 : i32 to index
        %get3A_1296 = arith.index_cast %get3A_1294 : i32 to index
        %get3A_1297 = arith.index_cast %add3A_1081 : i32 to index
        %get3A_1298 = tpu.vector_load %arg8[%get3A_1295, %get3A_1296, %get3A_1297] {strides = array<i32>} : memref<2x32x1024xf32, #tpu.memory_space<vmem>>, vector<1x1x16xf32>,
        %get3A_1299 = vector.shape_cast %get3A_1298 : vector<1x1x16xf32> to vector<16xf32>
        %mul3A_1300 = arith.mulf %get3A_1299, %gather3A_379 : vector<16xf32>
        %add3A_1301 = arith.addf %add3A_1292, %mul3A_1300 : vector<16xf32>
        %get3A_1302 = arith.constant 1 : i32
        %get3A_1303 = arith.constant 23 : i32
        %get3A_1304 = arith.index_cast %get3A_1302 : i32 to index
        %get3A_1305 = arith.index_cast %get3A_1303 : i32 to index
        %get3A_1306 = arith.index_cast %add3A_1081 : i32 to index
        %get3A_1307 = tpu.vector_load %arg8[%get3A_1304, %get3A_1305, %get3A_1306] {strides = array<i32>} : memref<2x32x1024xf32, #tpu.memory_space<vmem>>, vector<1x1x16xf32>,
        %get3A_1308 = vector.shape_cast %get3A_1307 : vector<1x1x16xf32> to vector<16xf32>
        %mul3A_1309 = arith.mulf %get3A_1308, %gather3A_383 : vector<16xf32>
        %add3A_1310 = arith.addf %add3A_1301, %mul3A_1309 : vector<16xf32>
        %swap3A_1311 = arith.constant 1 : i32
        %swap3A_1312 = arith.constant 2 : i32
        %swap3A_1313 = arith.index_cast %swap3A_1311 : i32 to index
        %swap3A_1314 = arith.index_cast %swap3A_1312 : i32 to index
        %swap3A_1315 = arith.index_cast %add3A_1081 : i32 to index
        %swap3A_1316 = tpu.vector_load %arg9[%swap3A_1313, %swap3A_1314, %swap3A_1315] {strides = array<i32>} : memref<2x4x1024xf32, #tpu.memory_space<vmem>>, vector<1x1x16xf32>,
        %swap3A_1317 = vector.shape_cast %swap3A_1316 : vector<1x1x16xf32> to vector<16xf32>
        %swap3A_1318 = vector.shape_cast %add3A_1310 : vector<16xf32> to vector<1x1x16xf32>
        tpu.vector_store %arg9[%swap3A_1313, %swap3A_1314, %swap3A_1315], %swap3A_1318 {strides = array<i32>} : memref<2x4x1024xf32, #tpu.memory_space<vmem>>, vector<1x1x16xf32>,
        %get3A_1319 = arith.constant 1 : i32
        %get3A_1320 = arith.constant 24 : i32
        %get3A_1321 = arith.index_cast %get3A_1319 : i32 to index
        %get3A_1322 = arith.index_cast %get3A_1320 : i32 to index
        %get3A_1323 = arith.index_cast %add3A_1081 : i32 to index
        %get3A_1324 = tpu.vector_load %arg8[%get3A_1321, %get3A_1322, %get3A_1323] {strides = array<i32>} : memref<2x32x1024xf32, #tpu.memory_space<vmem>>, vector<1x1x16xf32>,
        %get3A_1325 = vector.shape_cast %get3A_1324 : vector<1x1x16xf32> to vector<16xf32>
        %mul3A_1326 = arith.mulf %get3A_1325, %gather3A_387 : vector<16xf32>
        %get3A_1327 = arith.constant 1 : i32
        %get3A_1328 = arith.constant 25 : i32
        %get3A_1329 = arith.index_cast %get3A_1327 : i32 to index
        %get3A_1330 = arith.index_cast %get3A_1328 : i32 to index
        %get3A_1331 = arith.index_cast %add3A_1081 : i32 to index
        %get3A_1332 = tpu.vector_load %arg8[%get3A_1329, %get3A_1330, %get3A_1331] {strides = array<i32>} : memref<2x32x1024xf32, #tpu.memory_space<vmem>>, vector<1x1x16xf32>,
        %get3A_1333 = vector.shape_cast %get3A_1332 : vector<1x1x16xf32> to vector<16xf32>
        %mul3A_1334 = arith.mulf %get3A_1333, %gather3A_391 : vector<16xf32>
        %add3A_1335 = arith.addf %mul3A_1326, %mul3A_1334 : vector<16xf32>
        %get3A_1336 = arith.constant 1 : i32
        %get3A_1337 = arith.constant 26 : i32
        %get3A_1338 = arith.index_cast %get3A_1336 : i32 to index
        %get3A_1339 = arith.index_cast %get3A_1337 : i32 to index
        %get3A_1340 = arith.index_cast %add3A_1081 : i32 to index
        %get3A_1341 = tpu.vector_load %arg8[%get3A_1338, %get3A_1339, %get3A_1340] {strides = array<i32>} : memref<2x32x1024xf32, #tpu.memory_space<vmem>>, vector<1x1x16xf32>,
        %get3A_1342 = vector.shape_cast %get3A_1341 : vector<1x1x16xf32> to vector<16xf32>
        %mul3A_1343 = arith.mulf %get3A_1342, %gather3A_395 : vector<16xf32>
        %add3A_1344 = arith.addf %add3A_1335, %mul3A_1343 : vector<16xf32>
        %get3A_1345 = arith.constant 1 : i32
        %get3A_1346 = arith.constant 27 : i32
        %get3A_1347 = arith.index_cast %get3A_1345 : i32 to index
        %get3A_1348 = arith.index_cast %get3A_1346 : i32 to index
        %get3A_1349 = arith.index_cast %add3A_1081 : i32 to index
        %get3A_1350 = tpu.vector_load %arg8[%get3A_1347, %get3A_1348, %get3A_1349] {strides = array<i32>} : memref<2x32x1024xf32, #tpu.memory_space<vmem>>, vector<1x1x16xf32>,
        %get3A_1351 = vector.shape_cast %get3A_1350 : vector<1x1x16xf32> to vector<16xf32>
        %mul3A_1352 = arith.mulf %get3A_1351, %gather3A_399 : vector<16xf32>
        %add3A_1353 = arith.addf %add3A_1344, %mul3A_1352 : vector<16xf32>
        %get3A_1354 = arith.constant 1 : i32
        %get3A_1355 = arith.constant 28 : i32
        %get3A_1356 = arith.index_cast %get3A_1354 : i32 to index
        %get3A_1357 = arith.index_cast %get3A_1355 : i32 to index
        %get3A_1358 = arith.index_cast %add3A_1081 : i32 to index
        %get3A_1359 = tpu.vector_load %arg8[%get3A_1356, %get3A_1357, %get3A_1358] {strides = array<i32>} : memref<2x32x1024xf32, #tpu.memory_space<vmem>>, vector<1x1x16xf32>,
        %get3A_1360 = vector.shape_cast %get3A_1359 : vector<1x1x16xf32> to vector<16xf32>
        %mul3A_1361 = arith.mulf %get3A_1360, %gather3A_403 : vector<16xf32>
        %add3A_1362 = arith.addf %add3A_1353, %mul3A_1361 : vector<16xf32>
        %get3A_1363 = arith.constant 1 : i32
        %get3A_1364 = arith.constant 29 : i32
        %get3A_1365 = arith.index_cast %get3A_1363 : i32 to index
        %get3A_1366 = arith.index_cast %get3A_1364 : i32 to index
        %get3A_1367 = arith.index_cast %add3A_1081 : i32 to index
        %get3A_1368 = tpu.vector_load %arg8[%get3A_1365, %get3A_1366, %get3A_1367] {strides = array<i32>} : memref<2x32x1024xf32, #tpu.memory_space<vmem>>, vector<1x1x16xf32>,
        %get3A_1369 = vector.shape_cast %get3A_1368 : vector<1x1x16xf32> to vector<16xf32>
        %mul3A_1370 = arith.mulf %get3A_1369, %gather3A_407 : vector<16xf32>
        %add3A_1371 = arith.addf %add3A_1362, %mul3A_1370 : vector<16xf32>
        %get3A_1372 = arith.constant 1 : i32
        %get3A_1373 = arith.constant 30 : i32
        %get3A_1374 = arith.index_cast %get3A_1372 : i32 to index
        %get3A_1375 = arith.index_cast %get3A_1373 : i32 to index
        %get3A_1376 = arith.index_cast %add3A_1081 : i32 to index
        %get3A_1377 = tpu.vector_load %arg8[%get3A_1374, %get3A_1375, %get3A_1376] {strides = array<i32>} : memref<2x32x1024xf32, #tpu.memory_space<vmem>>, vector<1x1x16xf32>,
        %get3A_1378 = vector.shape_cast %get3A_1377 : vector<1x1x16xf32> to vector<16xf32>
        %mul3A_1379 = arith.mulf %get3A_1378, %gather3A_411 : vector<16xf32>
        %add3A_1380 = arith.addf %add3A_1371, %mul3A_1379 : vector<16xf32>
        %get3A_1381 = arith.constant 1 : i32
        %get3A_1382 = arith.constant 31 : i32
        %get3A_1383 = arith.index_cast %get3A_1381 : i32 to index
        %get3A_1384 = arith.index_cast %get3A_1382 : i32 to index
        %get3A_1385 = arith.index_cast %add3A_1081 : i32 to index
        %get3A_1386 = tpu.vector_load %arg8[%get3A_1383, %get3A_1384, %get3A_1385] {strides = array<i32>} : memref<2x32x1024xf32, #tpu.memory_space<vmem>>, vector<1x1x16xf32>,
        %get3A_1387 = vector.shape_cast %get3A_1386 : vector<1x1x16xf32> to vector<16xf32>
        %mul3A_1388 = arith.mulf %get3A_1387, %gather3A_415 : vector<16xf32>
        %add3A_1389 = arith.addf %add3A_1380, %mul3A_1388 : vector<16xf32>
        %swap3A_1390 = arith.constant 1 : i32
        %swap3A_1391 = arith.constant 3 : i32
        %swap3A_1392 = arith.index_cast %swap3A_1390 : i32 to index
        %swap3A_1393 = arith.index_cast %swap3A_1391 : i32 to index
        %swap3A_1394 = arith.index_cast %add3A_1081 : i32 to index
        %swap3A_1395 = tpu.vector_load %arg9[%swap3A_1392, %swap3A_1393, %swap3A_1394] {strides = array<i32>} : memref<2x4x1024xf32, #tpu.memory_space<vmem>>, vector<1x1x16xf32>,
        %swap3A_1396 = vector.shape_cast %swap3A_1395 : vector<1x1x16xf32> to vector<16xf32>
        %swap3A_1397 = vector.shape_cast %add3A_1389 : vector<16xf32> to vector<1x1x16xf32>
        tpu.vector_store %arg9[%swap3A_1392, %swap3A_1393, %swap3A_1394], %swap3A_1397 {strides = array<i32>} : memref<2x4x1024xf32, #tpu.memory_space<vmem>>, vector<1x1x16xf32>,
        %mul3A_1398 = arith.constant 64 : i32
        %mul3A_1399 = arith.muli %scan3A_438, %mul3A_1398 : i32
        %add3A_1400 = arith.constant 48 : i32
        %add3A_1401 = arith.addi %mul3A_1399, %add3A_1400 : i32
        %get3A_1402 = arith.constant 1 : i32
        %get3A_1403 = arith.constant 0 : i32
        %get3A_1404 = arith.index_cast %get3A_1402 : i32 to index
        %get3A_1405 = arith.index_cast %get3A_1403 : i32 to index
        %get3A_1406 = arith.index_cast %add3A_1401 : i32 to index
        %get3A_1407 = tpu.vector_load %arg8[%get3A_1404, %get3A_1405, %get3A_1406] {strides = array<i32>} : memref<2x32x1024xf32, #tpu.memory_space<vmem>>, vector<1x1x16xf32>,
        %get3A_1408 = vector.shape_cast %get3A_1407 : vector<1x1x16xf32> to vector<16xf32>
        %mul3A_1409 = arith.mulf %get3A_1408, %gather3A_291 : vector<16xf32>
        %get3A_1410 = arith.constant 1 : i32
        %get3A_1411 = arith.constant 1 : i32
        %get3A_1412 = arith.index_cast %get3A_1410 : i32 to index
        %get3A_1413 = arith.index_cast %get3A_1411 : i32 to index
        %get3A_1414 = arith.index_cast %add3A_1401 : i32 to index
        %get3A_1415 = tpu.vector_load %arg8[%get3A_1412, %get3A_1413, %get3A_1414] {strides = array<i32>} : memref<2x32x1024xf32, #tpu.memory_space<vmem>>, vector<1x1x16xf32>,
        %get3A_1416 = vector.shape_cast %get3A_1415 : vector<1x1x16xf32> to vector<16xf32>
        %mul3A_1417 = arith.mulf %get3A_1416, %gather3A_295 : vector<16xf32>
        %add3A_1418 = arith.addf %mul3A_1409, %mul3A_1417 : vector<16xf32>
        %get3A_1419 = arith.constant 1 : i32
        %get3A_1420 = arith.constant 2 : i32
        %get3A_1421 = arith.index_cast %get3A_1419 : i32 to index
        %get3A_1422 = arith.index_cast %get3A_1420 : i32 to index
        %get3A_1423 = arith.index_cast %add3A_1401 : i32 to index
        %get3A_1424 = tpu.vector_load %arg8[%get3A_1421, %get3A_1422, %get3A_1423] {strides = array<i32>} : memref<2x32x1024xf32, #tpu.memory_space<vmem>>, vector<1x1x16xf32>,
        %get3A_1425 = vector.shape_cast %get3A_1424 : vector<1x1x16xf32> to vector<16xf32>
        %mul3A_1426 = arith.mulf %get3A_1425, %gather3A_299 : vector<16xf32>
        %add3A_1427 = arith.addf %add3A_1418, %mul3A_1426 : vector<16xf32>
        %get3A_1428 = arith.constant 1 : i32
        %get3A_1429 = arith.constant 3 : i32
        %get3A_1430 = arith.index_cast %get3A_1428 : i32 to index
        %get3A_1431 = arith.index_cast %get3A_1429 : i32 to index
        %get3A_1432 = arith.index_cast %add3A_1401 : i32 to index
        %get3A_1433 = tpu.vector_load %arg8[%get3A_1430, %get3A_1431, %get3A_1432] {strides = array<i32>} : memref<2x32x1024xf32, #tpu.memory_space<vmem>>, vector<1x1x16xf32>,
        %get3A_1434 = vector.shape_cast %get3A_1433 : vector<1x1x16xf32> to vector<16xf32>
        %mul3A_1435 = arith.mulf %get3A_1434, %gather3A_303 : vector<16xf32>
        %add3A_1436 = arith.addf %add3A_1427, %mul3A_1435 : vector<16xf32>
        %get3A_1437 = arith.constant 1 : i32
        %get3A_1438 = arith.constant 4 : i32
        %get3A_1439 = arith.index_cast %get3A_1437 : i32 to index
        %get3A_1440 = arith.index_cast %get3A_1438 : i32 to index
        %get3A_1441 = arith.index_cast %add3A_1401 : i32 to index
        %get3A_1442 = tpu.vector_load %arg8[%get3A_1439, %get3A_1440, %get3A_1441] {strides = array<i32>} : memref<2x32x1024xf32, #tpu.memory_space<vmem>>, vector<1x1x16xf32>,
        %get3A_1443 = vector.shape_cast %get3A_1442 : vector<1x1x16xf32> to vector<16xf32>
        %mul3A_1444 = arith.mulf %get3A_1443, %gather3A_307 : vector<16xf32>
        %add3A_1445 = arith.addf %add3A_1436, %mul3A_1444 : vector<16xf32>
        %get3A_1446 = arith.constant 1 : i32
        %get3A_1447 = arith.constant 5 : i32
        %get3A_1448 = arith.index_cast %get3A_1446 : i32 to index
        %get3A_1449 = arith.index_cast %get3A_1447 : i32 to index
        %get3A_1450 = arith.index_cast %add3A_1401 : i32 to index
        %get3A_1451 = tpu.vector_load %arg8[%get3A_1448, %get3A_1449, %get3A_1450] {strides = array<i32>} : memref<2x32x1024xf32, #tpu.memory_space<vmem>>, vector<1x1x16xf32>,
        %get3A_1452 = vector.shape_cast %get3A_1451 : vector<1x1x16xf32> to vector<16xf32>
        %mul3A_1453 = arith.mulf %get3A_1452, %gather3A_311 : vector<16xf32>
        %add3A_1454 = arith.addf %add3A_1445, %mul3A_1453 : vector<16xf32>
        %get3A_1455 = arith.constant 1 : i32
        %get3A_1456 = arith.constant 6 : i32
        %get3A_1457 = arith.index_cast %get3A_1455 : i32 to index
        %get3A_1458 = arith.index_cast %get3A_1456 : i32 to index
        %get3A_1459 = arith.index_cast %add3A_1401 : i32 to index
        %get3A_1460 = tpu.vector_load %arg8[%get3A_1457, %get3A_1458, %get3A_1459] {strides = array<i32>} : memref<2x32x1024xf32, #tpu.memory_space<vmem>>, vector<1x1x16xf32>,
        %get3A_1461 = vector.shape_cast %get3A_1460 : vector<1x1x16xf32> to vector<16xf32>
        %mul3A_1462 = arith.mulf %get3A_1461, %gather3A_315 : vector<16xf32>
        %add3A_1463 = arith.addf %add3A_1454, %mul3A_1462 : vector<16xf32>
        %get3A_1464 = arith.constant 1 : i32
        %get3A_1465 = arith.constant 7 : i32
        %get3A_1466 = arith.index_cast %get3A_1464 : i32 to index
        %get3A_1467 = arith.index_cast %get3A_1465 : i32 to index
        %get3A_1468 = arith.index_cast %add3A_1401 : i32 to index
        %get3A_1469 = tpu.vector_load %arg8[%get3A_1466, %get3A_1467, %get3A_1468] {strides = array<i32>} : memref<2x32x1024xf32, #tpu.memory_space<vmem>>, vector<1x1x16xf32>,
        %get3A_1470 = vector.shape_cast %get3A_1469 : vector<1x1x16xf32> to vector<16xf32>
        %mul3A_1471 = arith.mulf %get3A_1470, %gather3A_319 : vector<16xf32>
        %add3A_1472 = arith.addf %add3A_1463, %mul3A_1471 : vector<16xf32>
        %swap3A_1473 = arith.constant 1 : i32
        %swap3A_1474 = arith.constant 0 : i32
        %swap3A_1475 = arith.index_cast %swap3A_1473 : i32 to index
        %swap3A_1476 = arith.index_cast %swap3A_1474 : i32 to index
        %swap3A_1477 = arith.index_cast %add3A_1401 : i32 to index
        %swap3A_1478 = tpu.vector_load %arg9[%swap3A_1475, %swap3A_1476, %swap3A_1477] {strides = array<i32>} : memref<2x4x1024xf32, #tpu.memory_space<vmem>>, vector<1x1x16xf32>,
        %swap3A_1479 = vector.shape_cast %swap3A_1478 : vector<1x1x16xf32> to vector<16xf32>
        %swap3A_1480 = vector.shape_cast %add3A_1472 : vector<16xf32> to vector<1x1x16xf32>
        tpu.vector_store %arg9[%swap3A_1475, %swap3A_1476, %swap3A_1477], %swap3A_1480 {strides = array<i32>} : memref<2x4x1024xf32, #tpu.memory_space<vmem>>, vector<1x1x16xf32>,
        %get3A_1481 = arith.constant 1 : i32
        %get3A_1482 = arith.constant 8 : i32
        %get3A_1483 = arith.index_cast %get3A_1481 : i32 to index
        %get3A_1484 = arith.index_cast %get3A_1482 : i32 to index
        %get3A_1485 = arith.index_cast %add3A_1401 : i32 to index
        %get3A_1486 = tpu.vector_load %arg8[%get3A_1483, %get3A_1484, %get3A_1485] {strides = array<i32>} : memref<2x32x1024xf32, #tpu.memory_space<vmem>>, vector<1x1x16xf32>,
        %get3A_1487 = vector.shape_cast %get3A_1486 : vector<1x1x16xf32> to vector<16xf32>
        %mul3A_1488 = arith.mulf %get3A_1487, %gather3A_323 : vector<16xf32>
        %get3A_1489 = arith.constant 1 : i32
        %get3A_1490 = arith.constant 9 : i32
        %get3A_1491 = arith.index_cast %get3A_1489 : i32 to index
        %get3A_1492 = arith.index_cast %get3A_1490 : i32 to index
        %get3A_1493 = arith.index_cast %add3A_1401 : i32 to index
        %get3A_1494 = tpu.vector_load %arg8[%get3A_1491, %get3A_1492, %get3A_1493] {strides = array<i32>} : memref<2x32x1024xf32, #tpu.memory_space<vmem>>, vector<1x1x16xf32>,
        %get3A_1495 = vector.shape_cast %get3A_1494 : vector<1x1x16xf32> to vector<16xf32>
        %mul3A_1496 = arith.mulf %get3A_1495, %gather3A_327 : vector<16xf32>
        %add3A_1497 = arith.addf %mul3A_1488, %mul3A_1496 : vector<16xf32>
        %get3A_1498 = arith.constant 1 : i32
        %get3A_1499 = arith.constant 10 : i32
        %get3A_1500 = arith.index_cast %get3A_1498 : i32 to index
        %get3A_1501 = arith.index_cast %get3A_1499 : i32 to index
        %get3A_1502 = arith.index_cast %add3A_1401 : i32 to index
        %get3A_1503 = tpu.vector_load %arg8[%get3A_1500, %get3A_1501, %get3A_1502] {strides = array<i32>} : memref<2x32x1024xf32, #tpu.memory_space<vmem>>, vector<1x1x16xf32>,
        %get3A_1504 = vector.shape_cast %get3A_1503 : vector<1x1x16xf32> to vector<16xf32>
        %mul3A_1505 = arith.mulf %get3A_1504, %gather3A_331 : vector<16xf32>
        %add3A_1506 = arith.addf %add3A_1497, %mul3A_1505 : vector<16xf32>
        %get3A_1507 = arith.constant 1 : i32
        %get3A_1508 = arith.constant 11 : i32
        %get3A_1509 = arith.index_cast %get3A_1507 : i32 to index
        %get3A_1510 = arith.index_cast %get3A_1508 : i32 to index
        %get3A_1511 = arith.index_cast %add3A_1401 : i32 to index
        %get3A_1512 = tpu.vector_load %arg8[%get3A_1509, %get3A_1510, %get3A_1511] {strides = array<i32>} : memref<2x32x1024xf32, #tpu.memory_space<vmem>>, vector<1x1x16xf32>,
        %get3A_1513 = vector.shape_cast %get3A_1512 : vector<1x1x16xf32> to vector<16xf32>
        %mul3A_1514 = arith.mulf %get3A_1513, %gather3A_335 : vector<16xf32>
        %add3A_1515 = arith.addf %add3A_1506, %mul3A_1514 : vector<16xf32>
        %get3A_1516 = arith.constant 1 : i32
        %get3A_1517 = arith.constant 12 : i32
        %get3A_1518 = arith.index_cast %get3A_1516 : i32 to index
        %get3A_1519 = arith.index_cast %get3A_1517 : i32 to index
        %get3A_1520 = arith.index_cast %add3A_1401 : i32 to index
        %get3A_1521 = tpu.vector_load %arg8[%get3A_1518, %get3A_1519, %get3A_1520] {strides = array<i32>} : memref<2x32x1024xf32, #tpu.memory_space<vmem>>, vector<1x1x16xf32>,
        %get3A_1522 = vector.shape_cast %get3A_1521 : vector<1x1x16xf32> to vector<16xf32>
        %mul3A_1523 = arith.mulf %get3A_1522, %gather3A_339 : vector<16xf32>
        %add3A_1524 = arith.addf %add3A_1515, %mul3A_1523 : vector<16xf32>
        %get3A_1525 = arith.constant 1 : i32
        %get3A_1526 = arith.constant 13 : i32
        %get3A_1527 = arith.index_cast %get3A_1525 : i32 to index
        %get3A_1528 = arith.index_cast %get3A_1526 : i32 to index
        %get3A_1529 = arith.index_cast %add3A_1401 : i32 to index
        %get3A_1530 = tpu.vector_load %arg8[%get3A_1527, %get3A_1528, %get3A_1529] {strides = array<i32>} : memref<2x32x1024xf32, #tpu.memory_space<vmem>>, vector<1x1x16xf32>,
        %get3A_1531 = vector.shape_cast %get3A_1530 : vector<1x1x16xf32> to vector<16xf32>
        %mul3A_1532 = arith.mulf %get3A_1531, %gather3A_343 : vector<16xf32>
        %add3A_1533 = arith.addf %add3A_1524, %mul3A_1532 : vector<16xf32>
        %get3A_1534 = arith.constant 1 : i32
        %get3A_1535 = arith.constant 14 : i32
        %get3A_1536 = arith.index_cast %get3A_1534 : i32 to index
        %get3A_1537 = arith.index_cast %get3A_1535 : i32 to index
        %get3A_1538 = arith.index_cast %add3A_1401 : i32 to index
        %get3A_1539 = tpu.vector_load %arg8[%get3A_1536, %get3A_1537, %get3A_1538] {strides = array<i32>} : memref<2x32x1024xf32, #tpu.memory_space<vmem>>, vector<1x1x16xf32>,
        %get3A_1540 = vector.shape_cast %get3A_1539 : vector<1x1x16xf32> to vector<16xf32>
        %mul3A_1541 = arith.mulf %get3A_1540, %gather3A_347 : vector<16xf32>
        %add3A_1542 = arith.addf %add3A_1533, %mul3A_1541 : vector<16xf32>
        %get3A_1543 = arith.constant 1 : i32
        %get3A_1544 = arith.constant 15 : i32
        %get3A_1545 = arith.index_cast %get3A_1543 : i32 to index
        %get3A_1546 = arith.index_cast %get3A_1544 : i32 to index
        %get3A_1547 = arith.index_cast %add3A_1401 : i32 to index
        %get3A_1548 = tpu.vector_load %arg8[%get3A_1545, %get3A_1546, %get3A_1547] {strides = array<i32>} : memref<2x32x1024xf32, #tpu.memory_space<vmem>>, vector<1x1x16xf32>,
        %get3A_1549 = vector.shape_cast %get3A_1548 : vector<1x1x16xf32> to vector<16xf32>
        %mul3A_1550 = arith.mulf %get3A_1549, %gather3A_351 : vector<16xf32>
        %add3A_1551 = arith.addf %add3A_1542, %mul3A_1550 : vector<16xf32>
        %swap3A_1552 = arith.constant 1 : i32
        %swap3A_1553 = arith.constant 1 : i32
        %swap3A_1554 = arith.index_cast %swap3A_1552 : i32 to index
        %swap3A_1555 = arith.index_cast %swap3A_1553 : i32 to index
        %swap3A_1556 = arith.index_cast %add3A_1401 : i32 to index
        %swap3A_1557 = tpu.vector_load %arg9[%swap3A_1554, %swap3A_1555, %swap3A_1556] {strides = array<i32>} : memref<2x4x1024xf32, #tpu.memory_space<vmem>>, vector<1x1x16xf32>,
        %swap3A_1558 = vector.shape_cast %swap3A_1557 : vector<1x1x16xf32> to vector<16xf32>
        %swap3A_1559 = vector.shape_cast %add3A_1551 : vector<16xf32> to vector<1x1x16xf32>
        tpu.vector_store %arg9[%swap3A_1554, %swap3A_1555, %swap3A_1556], %swap3A_1559 {strides = array<i32>} : memref<2x4x1024xf32, #tpu.memory_space<vmem>>, vector<1x1x16xf32>,
        %get3A_1560 = arith.constant 1 : i32
        %get3A_1561 = arith.constant 16 : i32
        %get3A_1562 = arith.index_cast %get3A_1560 : i32 to index
        %get3A_1563 = arith.index_cast %get3A_1561 : i32 to index
        %get3A_1564 = arith.index_cast %add3A_1401 : i32 to index
        %get3A_1565 = tpu.vector_load %arg8[%get3A_1562, %get3A_1563, %get3A_1564] {strides = array<i32>} : memref<2x32x1024xf32, #tpu.memory_space<vmem>>, vector<1x1x16xf32>,
        %get3A_1566 = vector.shape_cast %get3A_1565 : vector<1x1x16xf32> to vector<16xf32>
        %mul3A_1567 = arith.mulf %get3A_1566, %gather3A_355 : vector<16xf32>
        %get3A_1568 = arith.constant 1 : i32
        %get3A_1569 = arith.constant 17 : i32
        %get3A_1570 = arith.index_cast %get3A_1568 : i32 to index
        %get3A_1571 = arith.index_cast %get3A_1569 : i32 to index
        %get3A_1572 = arith.index_cast %add3A_1401 : i32 to index
        %get3A_1573 = tpu.vector_load %arg8[%get3A_1570, %get3A_1571, %get3A_1572] {strides = array<i32>} : memref<2x32x1024xf32, #tpu.memory_space<vmem>>, vector<1x1x16xf32>,
        %get3A_1574 = vector.shape_cast %get3A_1573 : vector<1x1x16xf32> to vector<16xf32>
        %mul3A_1575 = arith.mulf %get3A_1574, %gather3A_359 : vector<16xf32>
        %add3A_1576 = arith.addf %mul3A_1567, %mul3A_1575 : vector<16xf32>
        %get3A_1577 = arith.constant 1 : i32
        %get3A_1578 = arith.constant 18 : i32
        %get3A_1579 = arith.index_cast %get3A_1577 : i32 to index
        %get3A_1580 = arith.index_cast %get3A_1578 : i32 to index
        %get3A_1581 = arith.index_cast %add3A_1401 : i32 to index
        %get3A_1582 = tpu.vector_load %arg8[%get3A_1579, %get3A_1580, %get3A_1581] {strides = array<i32>} : memref<2x32x1024xf32, #tpu.memory_space<vmem>>, vector<1x1x16xf32>,
        %get3A_1583 = vector.shape_cast %get3A_1582 : vector<1x1x16xf32> to vector<16xf32>
        %mul3A_1584 = arith.mulf %get3A_1583, %gather3A_363 : vector<16xf32>
        %add3A_1585 = arith.addf %add3A_1576, %mul3A_1584 : vector<16xf32>
        %get3A_1586 = arith.constant 1 : i32
        %get3A_1587 = arith.constant 19 : i32
        %get3A_1588 = arith.index_cast %get3A_1586 : i32 to index
        %get3A_1589 = arith.index_cast %get3A_1587 : i32 to index
        %get3A_1590 = arith.index_cast %add3A_1401 : i32 to index
        %get3A_1591 = tpu.vector_load %arg8[%get3A_1588, %get3A_1589, %get3A_1590] {strides = array<i32>} : memref<2x32x1024xf32, #tpu.memory_space<vmem>>, vector<1x1x16xf32>,
        %get3A_1592 = vector.shape_cast %get3A_1591 : vector<1x1x16xf32> to vector<16xf32>
        %mul3A_1593 = arith.mulf %get3A_1592, %gather3A_367 : vector<16xf32>
        %add3A_1594 = arith.addf %add3A_1585, %mul3A_1593 : vector<16xf32>
        %get3A_1595 = arith.constant 1 : i32
        %get3A_1596 = arith.constant 20 : i32
        %get3A_1597 = arith.index_cast %get3A_1595 : i32 to index
        %get3A_1598 = arith.index_cast %get3A_1596 : i32 to index
        %get3A_1599 = arith.index_cast %add3A_1401 : i32 to index
        %get3A_1600 = tpu.vector_load %arg8[%get3A_1597, %get3A_1598, %get3A_1599] {strides = array<i32>} : memref<2x32x1024xf32, #tpu.memory_space<vmem>>, vector<1x1x16xf32>,
        %get3A_1601 = vector.shape_cast %get3A_1600 : vector<1x1x16xf32> to vector<16xf32>
        %mul3A_1602 = arith.mulf %get3A_1601, %gather3A_371 : vector<16xf32>
        %add3A_1603 = arith.addf %add3A_1594, %mul3A_1602 : vector<16xf32>
        %get3A_1604 = arith.constant 1 : i32
        %get3A_1605 = arith.constant 21 : i32
        %get3A_1606 = arith.index_cast %get3A_1604 : i32 to index
        %get3A_1607 = arith.index_cast %get3A_1605 : i32 to index
        %get3A_1608 = arith.index_cast %add3A_1401 : i32 to index
        %get3A_1609 = tpu.vector_load %arg8[%get3A_1606, %get3A_1607, %get3A_1608] {strides = array<i32>} : memref<2x32x1024xf32, #tpu.memory_space<vmem>>, vector<1x1x16xf32>,
        %get3A_1610 = vector.shape_cast %get3A_1609 : vector<1x1x16xf32> to vector<16xf32>
        %mul3A_1611 = arith.mulf %get3A_1610, %gather3A_375 : vector<16xf32>
        %add3A_1612 = arith.addf %add3A_1603, %mul3A_1611 : vector<16xf32>
        %get3A_1613 = arith.constant 1 : i32
        %get3A_1614 = arith.constant 22 : i32
        %get3A_1615 = arith.index_cast %get3A_1613 : i32 to index
        %get3A_1616 = arith.index_cast %get3A_1614 : i32 to index
        %get3A_1617 = arith.index_cast %add3A_1401 : i32 to index
        %get3A_1618 = tpu.vector_load %arg8[%get3A_1615, %get3A_1616, %get3A_1617] {strides = array<i32>} : memref<2x32x1024xf32, #tpu.memory_space<vmem>>, vector<1x1x16xf32>,
        %get3A_1619 = vector.shape_cast %get3A_1618 : vector<1x1x16xf32> to vector<16xf32>
        %mul3A_1620 = arith.mulf %get3A_1619, %gather3A_379 : vector<16xf32>
        %add3A_1621 = arith.addf %add3A_1612, %mul3A_1620 : vector<16xf32>
        %get3A_1622 = arith.constant 1 : i32
        %get3A_1623 = arith.constant 23 : i32
        %get3A_1624 = arith.index_cast %get3A_1622 : i32 to index
        %get3A_1625 = arith.index_cast %get3A_1623 : i32 to index
        %get3A_1626 = arith.index_cast %add3A_1401 : i32 to index
        %get3A_1627 = tpu.vector_load %arg8[%get3A_1624, %get3A_1625, %get3A_1626] {strides = array<i32>} : memref<2x32x1024xf32, #tpu.memory_space<vmem>>, vector<1x1x16xf32>,
        %get3A_1628 = vector.shape_cast %get3A_1627 : vector<1x1x16xf32> to vector<16xf32>
        %mul3A_1629 = arith.mulf %get3A_1628, %gather3A_383 : vector<16xf32>
        %add3A_1630 = arith.addf %add3A_1621, %mul3A_1629 : vector<16xf32>
        %swap3A_1631 = arith.constant 1 : i32
        %swap3A_1632 = arith.constant 2 : i32
        %swap3A_1633 = arith.index_cast %swap3A_1631 : i32 to index
        %swap3A_1634 = arith.index_cast %swap3A_1632 : i32 to index
        %swap3A_1635 = arith.index_cast %add3A_1401 : i32 to index
        %swap3A_1636 = tpu.vector_load %arg9[%swap3A_1633, %swap3A_1634, %swap3A_1635] {strides = array<i32>} : memref<2x4x1024xf32, #tpu.memory_space<vmem>>, vector<1x1x16xf32>,
        %swap3A_1637 = vector.shape_cast %swap3A_1636 : vector<1x1x16xf32> to vector<16xf32>
        %swap3A_1638 = vector.shape_cast %add3A_1630 : vector<16xf32> to vector<1x1x16xf32>
        tpu.vector_store %arg9[%swap3A_1633, %swap3A_1634, %swap3A_1635], %swap3A_1638 {strides = array<i32>} : memref<2x4x1024xf32, #tpu.memory_space<vmem>>, vector<1x1x16xf32>,
        %get3A_1639 = arith.constant 1 : i32
        %get3A_1640 = arith.constant 24 : i32
        %get3A_1641 = arith.index_cast %get3A_1639 : i32 to index
        %get3A_1642 = arith.index_cast %get3A_1640 : i32 to index
        %get3A_1643 = arith.index_cast %add3A_1401 : i32 to index
        %get3A_1644 = tpu.vector_load %arg8[%get3A_1641, %get3A_1642, %get3A_1643] {strides = array<i32>} : memref<2x32x1024xf32, #tpu.memory_space<vmem>>, vector<1x1x16xf32>,
        %get3A_1645 = vector.shape_cast %get3A_1644 : vector<1x1x16xf32> to vector<16xf32>
        %mul3A_1646 = arith.mulf %get3A_1645, %gather3A_387 : vector<16xf32>
        %get3A_1647 = arith.constant 1 : i32
        %get3A_1648 = arith.constant 25 : i32
        %get3A_1649 = arith.index_cast %get3A_1647 : i32 to index
        %get3A_1650 = arith.index_cast %get3A_1648 : i32 to index
        %get3A_1651 = arith.index_cast %add3A_1401 : i32 to index
        %get3A_1652 = tpu.vector_load %arg8[%get3A_1649, %get3A_1650, %get3A_1651] {strides = array<i32>} : memref<2x32x1024xf32, #tpu.memory_space<vmem>>, vector<1x1x16xf32>,
        %get3A_1653 = vector.shape_cast %get3A_1652 : vector<1x1x16xf32> to vector<16xf32>
        %mul3A_1654 = arith.mulf %get3A_1653, %gather3A_391 : vector<16xf32>
        %add3A_1655 = arith.addf %mul3A_1646, %mul3A_1654 : vector<16xf32>
        %get3A_1656 = arith.constant 1 : i32
        %get3A_1657 = arith.constant 26 : i32
        %get3A_1658 = arith.index_cast %get3A_1656 : i32 to index
        %get3A_1659 = arith.index_cast %get3A_1657 : i32 to index
        %get3A_1660 = arith.index_cast %add3A_1401 : i32 to index
        %get3A_1661 = tpu.vector_load %arg8[%get3A_1658, %get3A_1659, %get3A_1660] {strides = array<i32>} : memref<2x32x1024xf32, #tpu.memory_space<vmem>>, vector<1x1x16xf32>,
        %get3A_1662 = vector.shape_cast %get3A_1661 : vector<1x1x16xf32> to vector<16xf32>
        %mul3A_1663 = arith.mulf %get3A_1662, %gather3A_395 : vector<16xf32>
        %add3A_1664 = arith.addf %add3A_1655, %mul3A_1663 : vector<16xf32>
        %get3A_1665 = arith.constant 1 : i32
        %get3A_1666 = arith.constant 27 : i32
        %get3A_1667 = arith.index_cast %get3A_1665 : i32 to index
        %get3A_1668 = arith.index_cast %get3A_1666 : i32 to index
        %get3A_1669 = arith.index_cast %add3A_1401 : i32 to index
        %get3A_1670 = tpu.vector_load %arg8[%get3A_1667, %get3A_1668, %get3A_1669] {strides = array<i32>} : memref<2x32x1024xf32, #tpu.memory_space<vmem>>, vector<1x1x16xf32>,
        %get3A_1671 = vector.shape_cast %get3A_1670 : vector<1x1x16xf32> to vector<16xf32>
        %mul3A_1672 = arith.mulf %get3A_1671, %gather3A_399 : vector<16xf32>
        %add3A_1673 = arith.addf %add3A_1664, %mul3A_1672 : vector<16xf32>
        %get3A_1674 = arith.constant 1 : i32
        %get3A_1675 = arith.constant 28 : i32
        %get3A_1676 = arith.index_cast %get3A_1674 : i32 to index
        %get3A_1677 = arith.index_cast %get3A_1675 : i32 to index
        %get3A_1678 = arith.index_cast %add3A_1401 : i32 to index
        %get3A_1679 = tpu.vector_load %arg8[%get3A_1676, %get3A_1677, %get3A_1678] {strides = array<i32>} : memref<2x32x1024xf32, #tpu.memory_space<vmem>>, vector<1x1x16xf32>,
        %get3A_1680 = vector.shape_cast %get3A_1679 : vector<1x1x16xf32> to vector<16xf32>
        %mul3A_1681 = arith.mulf %get3A_1680, %gather3A_403 : vector<16xf32>
        %add3A_1682 = arith.addf %add3A_1673, %mul3A_1681 : vector<16xf32>
        %get3A_1683 = arith.constant 1 : i32
        %get3A_1684 = arith.constant 29 : i32
        %get3A_1685 = arith.index_cast %get3A_1683 : i32 to index
        %get3A_1686 = arith.index_cast %get3A_1684 : i32 to index
        %get3A_1687 = arith.index_cast %add3A_1401 : i32 to index
        %get3A_1688 = tpu.vector_load %arg8[%get3A_1685, %get3A_1686, %get3A_1687] {strides = array<i32>} : memref<2x32x1024xf32, #tpu.memory_space<vmem>>, vector<1x1x16xf32>,
        %get3A_1689 = vector.shape_cast %get3A_1688 : vector<1x1x16xf32> to vector<16xf32>
        %mul3A_1690 = arith.mulf %get3A_1689, %gather3A_407 : vector<16xf32>
        %add3A_1691 = arith.addf %add3A_1682, %mul3A_1690 : vector<16xf32>
        %get3A_1692 = arith.constant 1 : i32
        %get3A_1693 = arith.constant 30 : i32
        %get3A_1694 = arith.index_cast %get3A_1692 : i32 to index
        %get3A_1695 = arith.index_cast %get3A_1693 : i32 to index
        %get3A_1696 = arith.index_cast %add3A_1401 : i32 to index
        %get3A_1697 = tpu.vector_load %arg8[%get3A_1694, %get3A_1695, %get3A_1696] {strides = array<i32>} : memref<2x32x1024xf32, #tpu.memory_space<vmem>>, vector<1x1x16xf32>,
        %get3A_1698 = vector.shape_cast %get3A_1697 : vector<1x1x16xf32> to vector<16xf32>
        %mul3A_1699 = arith.mulf %get3A_1698, %gather3A_411 : vector<16xf32>
        %add3A_1700 = arith.addf %add3A_1691, %mul3A_1699 : vector<16xf32>
        %get3A_1701 = arith.constant 1 : i32
        %get3A_1702 = arith.constant 31 : i32
        %get3A_1703 = arith.index_cast %get3A_1701 : i32 to index
        %get3A_1704 = arith.index_cast %get3A_1702 : i32 to index
        %get3A_1705 = arith.index_cast %add3A_1401 : i32 to index
        %get3A_1706 = tpu.vector_load %arg8[%get3A_1703, %get3A_1704, %get3A_1705] {strides = array<i32>} : memref<2x32x1024xf32, #tpu.memory_space<vmem>>, vector<1x1x16xf32>,
        %get3A_1707 = vector.shape_cast %get3A_1706 : vector<1x1x16xf32> to vector<16xf32>
        %mul3A_1708 = arith.mulf %get3A_1707, %gather3A_415 : vector<16xf32>
        %add3A_1709 = arith.addf %add3A_1700, %mul3A_1708 : vector<16xf32>
        %swap3A_1710 = arith.constant 1 : i32
        %swap3A_1711 = arith.constant 3 : i32
        %swap3A_1712 = arith.index_cast %swap3A_1710 : i32 to index
        %swap3A_1713 = arith.index_cast %swap3A_1711 : i32 to index
        %swap3A_1714 = arith.index_cast %add3A_1401 : i32 to index
        %swap3A_1715 = tpu.vector_load %arg9[%swap3A_1712, %swap3A_1713, %swap3A_1714] {strides = array<i32>} : memref<2x4x1024xf32, #tpu.memory_space<vmem>>, vector<1x1x16xf32>,
        %swap3A_1716 = vector.shape_cast %swap3A_1715 : vector<1x1x16xf32> to vector<16xf32>
        %swap3A_1717 = vector.shape_cast %add3A_1709 : vector<16xf32> to vector<1x1x16xf32>
        tpu.vector_store %arg9[%swap3A_1712, %swap3A_1713, %swap3A_1714], %swap3A_1717 {strides = array<i32>} : memref<2x4x1024xf32, #tpu.memory_space<vmem>>, vector<1x1x16xf32>,
      }
      %scan3A_421 = arith.constant 16 : i32
      %mul3A_422 = arith.constant 4 : i32
      %mul3A_423 = arith.muli %add3A_244, %mul3A_422 : i32
      %add3A_424 = arith.addi %mul3A_2, %mul3A_423 : i32
      %dma_start3A_425 = arith.constant 1 : i32
      %dma_start3A_426 = arith.constant 0 : i32
      %dma_start3A_427 = arith.constant 0 : i32
      %dma_start3A_428 = tpu.memref_slice %arg9[%dma_start3A_425, %dma_start3A_426, %dma_start3A_427] : memref<2x4x1024xf32, #tpu.memory_space<vmem>> -> memref<1x4x1024xf32, #tpu.memory_space<vmem>>
      %dma_start3A_429 = tpu.memref_squeeze %dma_start3A_428 : memref<1x4x1024xf32, #tpu.memory_space<vmem>> -> memref<4x1024xf32, #tpu.memory_space<vmem>>
      %dma_start3A_430 = arith.constant 0 : i32
      %dma_start3A_431 = tpu.memref_slice %arg5[%add3A_424, %dma_start3A_430] : memref<32768x1024xf32, #tpu.memory_space<hbm>> -> memref<4x1024xf32, #tpu.memory_space<hbm>>
      %dma_start3A_432 = arith.constant 0 : i32
      %dma_start3A_433 = tpu.memref_slice %arg5[%add3A_424, %dma_start3A_432] : memref<32768x1024xf32, #tpu.memory_space<hbm>> -> memref<4x1024xf32, #tpu.memory_space<hbm>>
      %dma_start3A_434 = arith.constant 0 : i32
      %dma_start3A_435 = arith.constant 0 : i32
      %dma_start3A_436 = tpu.memref_slice %arg9[%dma_start3A_425, %dma_start3A_434, %dma_start3A_435] : memref<2x4x1024xf32, #tpu.memory_space<vmem>> -> memref<1x4x1024xf32, #tpu.memory_space<vmem>>
      %dma_start3A_437 = tpu.memref_squeeze %dma_start3A_436 : memref<1x4x1024xf32, #tpu.memory_space<vmem>> -> memref<4x1024xf32, #tpu.memory_space<vmem>>
      tpu.enqueue_dma source(%dma_start3A_437 : memref<4x1024xf32, #tpu.memory_space<vmem>>) target(%dma_start3A_433 : memref<4x1024xf32, #tpu.memory_space<hbm>>) target_semaphore(%arg13 : memref<!tpu.dma_semaphore, #tpu.memory_space<semaphore_mem>>)
    }
    %scan3A_20 = arith.constant 128 : i32
    %add3A_21 = arith.constant 0 : i32
    %add3A_22 = arith.addi %mul3A_2, %add3A_21 : i32
    %dma_wait3A = arith.constant 0 : i32
    %dma_wait3A_23 = arith.constant 0 : i32
    %dma_wait3A_24 = arith.constant 0 : i32
    %dma_wait3A_25 = tpu.memref_slice %arg9[%dma_wait3A, %dma_wait3A_23, %dma_wait3A_24] : memref<2x4x1024xf32, #tpu.memory_space<vmem>> -> memref<1x4x1024xf32, #tpu.memory_space<vmem>>
    %dma_wait3A_26 = tpu.memref_squeeze %dma_wait3A_25 : memref<1x4x1024xf32, #tpu.memory_space<vmem>> -> memref<4x1024xf32, #tpu.memory_space<vmem>>
    %dma_wait3A_27 = arith.constant 0 : i32
    %dma_wait3A_28 = tpu.memref_slice %arg5[%add3A_22, %dma_wait3A_27] : memref<32768x1024xf32, #tpu.memory_space<hbm>> -> memref<4x1024xf32, #tpu.memory_space<hbm>>
    %dma_wait3A_29 = arith.constant 0 : i32
    %dma_wait3A_30 = tpu.memref_slice %arg5[%add3A_22, %dma_wait3A_29] : memref<32768x1024xf32, #tpu.memory_space<hbm>> -> memref<4x1024xf32, #tpu.memory_space<hbm>>
    %dma_wait3A_31 = arith.constant 0 : i32
    %dma_wait3A_32 = arith.constant 0 : i32
    %dma_wait3A_33 = tpu.memref_slice %arg9[%dma_wait3A, %dma_wait3A_31, %dma_wait3A_32] : memref<2x4x1024xf32, #tpu.memory_space<vmem>> -> memref<1x4x1024xf32, #tpu.memory_space<vmem>>
    %dma_wait3A_34 = tpu.memref_squeeze %dma_wait3A_33 : memref<1x4x1024xf32, #tpu.memory_space<vmem>> -> memref<4x1024xf32, #tpu.memory_space<vmem>>
    tpu.wait_dma2 semaphore(%arg12 : memref<!tpu.dma_semaphore, #tpu.memory_space<semaphore_mem>>) src(%dma_wait3A_34 : memref<4x1024xf32, #tpu.memory_space<vmem>>) dst(%dma_wait3A_30 : memref<4x1024xf32, #tpu.memory_space<hbm>>)
    %add3A_35 = arith.constant 0 : i32
    %add3A_36 = arith.addi %mul3A_2, %add3A_35 : i32
    %dma_wait3A_37 = arith.constant 1 : i32
    %dma_wait3A_38 = arith.constant 0 : i32
    %dma_wait3A_39 = arith.constant 0 : i32
    %dma_wait3A_40 = tpu.memref_slice %arg9[%dma_wait3A_37, %dma_wait3A_38, %dma_wait3A_39] : memref<2x4x1024xf32, #tpu.memory_space<vmem>> -> memref<1x4x1024xf32, #tpu.memory_space<vmem>>
    %dma_wait3A_41 = tpu.memref_squeeze %dma_wait3A_40 : memref<1x4x1024xf32, #tpu.memory_space<vmem>> -> memref<4x1024xf32, #tpu.memory_space<vmem>>
    %dma_wait3A_42 = arith.constant 0 : i32
    %dma_wait3A_43 = tpu.memref_slice %arg5[%add3A_36, %dma_wait3A_42] : memref<32768x1024xf32, #tpu.memory_space<hbm>> -> memref<4x1024xf32, #tpu.memory_space<hbm>>
    %dma_wait3A_44 = arith.constant 0 : i32
    %dma_wait3A_45 = tpu.memref_slice %arg5[%add3A_36, %dma_wait3A_44] : memref<32768x1024xf32, #tpu.memory_space<hbm>> -> memref<4x1024xf32, #tpu.memory_space<hbm>>
    %dma_wait3A_46 = arith.constant 0 : i32
    %dma_wait3A_47 = arith.constant 0 : i32
    %dma_wait3A_48 = tpu.memref_slice %arg9[%dma_wait3A_37, %dma_wait3A_46, %dma_wait3A_47] : memref<2x4x1024xf32, #tpu.memory_space<vmem>> -> memref<1x4x1024xf32, #tpu.memory_space<vmem>>
    %dma_wait3A_49 = tpu.memref_squeeze %dma_wait3A_48 : memref<1x4x1024xf32, #tpu.memory_space<vmem>> -> memref<4x1024xf32, #tpu.memory_space<vmem>>
    tpu.wait_dma2 semaphore(%arg13 : memref<!tpu.dma_semaphore, #tpu.memory_space<semaphore_mem>>) src(%dma_wait3A_49 : memref<4x1024xf32, #tpu.memory_space<vmem>>) dst(%dma_wait3A_45 : memref<4x1024xf32, #tpu.memory_space<hbm>>)
    return
  }
}

#map = affine_map<(d0, d1) -> (0, 0)>
module attributes {stable_mosaic.version = 14 : i64} {
  func.func @permute_k(%arg0: i32, %arg1: i32, %arg2: memref<32768x1024xf32, #tpu.memory_space<hbm>>, %arg3: memref<8x32768xi32, #tpu.memory_space<hbm>>, %arg4: memref<327680x1024xf32, #tpu.memory_space<hbm>>, %arg5: memref<8x1024xi32, #tpu.memory_space<vmem>>, %arg6: memref<2x32x1024xf32, #tpu.memory_space<vmem>>, %arg7: memref<!tpu.dma_semaphore, #tpu.memory_space<semaphore_mem>>, %arg8: memref<!tpu.dma_semaphore, #tpu.memory_space<semaphore_mem>>, %arg9: memref<!tpu.dma_semaphore, #tpu.memory_space<semaphore_mem>>, %arg10: memref<!tpu.dma_semaphore, #tpu.memory_space<semaphore_mem>>) attributes {dimension_semantics = [#tpu.dimension_semantics<core_parallel>, #tpu.dimension_semantics<subcore_parallel>], iteration_bounds = array<i64: 2, 16>, scalar_prefetch = 0 : i64, scratch_operands = 6 : i64, tpu.core_type = #tpu.core_type<sc_vector_subcore>, window_params = [{transform_indices = #map}, {transform_indices = #map}, {transform_indices = #map}]} {
    %mul3A = arith.constant 2 : i32
    %mul3A_0 = arith.muli %arg1, %mul3A : i32
    %add3A = arith.addi %mul3A_0, %arg0 : i32
    %mul3A_1 = arith.constant 1024 : i32
    %mul3A_2 = arith.muli %add3A, %mul3A_1 : i32
    "tpu.region"() ({
      %run_scoped3A = tpu.sem_alloc : memref<!tpu.dma_semaphore, #tpu.memory_space<semaphore_mem>>
      %dma_start3A_117 = arith.constant 0 : i32
      %dma_start3A_118 = tpu.memref_slice %arg3[%dma_start3A_117, %mul3A_2] : memref<8x32768xi32, #tpu.memory_space<hbm>> -> memref<8x1024xi32, #tpu.memory_space<hbm>>
      %dma_start3A_119 = arith.constant 0 : i32
      %dma_start3A_120 = tpu.memref_slice %arg3[%dma_start3A_119, %mul3A_2] : memref<8x32768xi32, #tpu.memory_space<hbm>> -> memref<8x1024xi32, #tpu.memory_space<hbm>>
      tpu.enqueue_dma source(%dma_start3A_120 : memref<8x1024xi32, #tpu.memory_space<hbm>>) target(%arg5 : memref<8x1024xi32, #tpu.memory_space<vmem>>) target_semaphore(%run_scoped3A : memref<!tpu.dma_semaphore, #tpu.memory_space<semaphore_mem>>)
      %dma_wait3A_121 = arith.constant 0 : i32
      %dma_wait3A_122 = tpu.memref_slice %arg3[%dma_wait3A_121, %mul3A_2] : memref<8x32768xi32, #tpu.memory_space<hbm>> -> memref<8x1024xi32, #tpu.memory_space<hbm>>
      %dma_wait3A_123 = arith.constant 0 : i32
      %dma_wait3A_124 = tpu.memref_slice %arg3[%dma_wait3A_123, %mul3A_2] : memref<8x32768xi32, #tpu.memory_space<hbm>> -> memref<8x1024xi32, #tpu.memory_space<hbm>>
      tpu.wait_dma2 semaphore(%run_scoped3A : memref<!tpu.dma_semaphore, #tpu.memory_space<semaphore_mem>>) src(%dma_wait3A_124 : memref<8x1024xi32, #tpu.memory_space<hbm>>) dst(%arg5 : memref<8x1024xi32, #tpu.memory_space<vmem>>)
      tpu.yield
    }) : () -> ()
    %add3A_3 = arith.constant 0 : i32
    %add3A_4 = arith.addi %mul3A_2, %add3A_3 : i32
    %dma_start3A = arith.constant 0 : i32
    %dma_start3A_5 = arith.constant 0 : i32
    %dma_start3A_6 = arith.constant 0 : i32
    %dma_start3A_7 = tpu.memref_slice %arg6[%dma_start3A, %dma_start3A_5, %dma_start3A_6] : memref<2x32x1024xf32, #tpu.memory_space<vmem>> -> memref<1x32x1024xf32, #tpu.memory_space<vmem>>
    %dma_start3A_8 = tpu.memref_squeeze %dma_start3A_7 : memref<1x32x1024xf32, #tpu.memory_space<vmem>> -> memref<32x1024xf32, #tpu.memory_space<vmem>>
    %dma_start3A_9 = arith.constant 0 : i32
    %dma_start3A_10 = tpu.memref_slice %arg2[%add3A_4, %dma_start3A_9] : memref<32768x1024xf32, #tpu.memory_space<hbm>> -> memref<32x1024xf32, #tpu.memory_space<hbm>>
    %dma_start3A_11 = arith.constant 0 : i32
    %dma_start3A_12 = arith.constant 0 : i32
    %dma_start3A_13 = tpu.memref_slice %arg6[%dma_start3A, %dma_start3A_11, %dma_start3A_12] : memref<2x32x1024xf32, #tpu.memory_space<vmem>> -> memref<1x32x1024xf32, #tpu.memory_space<vmem>>
    %dma_start3A_14 = tpu.memref_squeeze %dma_start3A_13 : memref<1x32x1024xf32, #tpu.memory_space<vmem>> -> memref<32x1024xf32, #tpu.memory_space<vmem>>
    %dma_start3A_15 = arith.constant 0 : i32
    %dma_start3A_16 = tpu.memref_slice %arg2[%add3A_4, %dma_start3A_15] : memref<32768x1024xf32, #tpu.memory_space<hbm>> -> memref<32x1024xf32, #tpu.memory_space<hbm>>
    tpu.enqueue_dma source(%dma_start3A_16 : memref<32x1024xf32, #tpu.memory_space<hbm>>) target(%dma_start3A_14 : memref<32x1024xf32, #tpu.memory_space<vmem>>) target_semaphore(%arg7 : memref<!tpu.dma_semaphore, #tpu.memory_space<semaphore_mem>>)
    %scan3A = arith.constant 0 : i32
    %scan3A_17 = arith.constant 0 : i32
    %scan3A_18 = arith.constant 16 : i32
    %scan3A_19 = arith.addi %scan3A_17, %scan3A_18 : i32
    %scan3A_20 = arith.constant 1 : i32
    scf.for %scan3A_117 = %scan3A_17 to %scan3A_19 step %scan3A_20  : i32 {
      %mul3A_118 = arith.constant 2 : i32
      %mul3A_119 = arith.muli %scan3A_117, %mul3A_118 : i32
      %add3A_120 = arith.constant 0 : i32
      %add3A_121 = arith.addi %mul3A_119, %add3A_120 : i32
      %mul3A_122 = arith.constant 32 : i32
      %mul3A_123 = arith.muli %add3A_121, %mul3A_122 : i32
      %add3A_124 = arith.addi %mul3A_2, %mul3A_123 : i32
      %dma_wait3A_125 = arith.constant 0 : i32
      %dma_wait3A_126 = arith.constant 0 : i32
      %dma_wait3A_127 = arith.constant 0 : i32
      %dma_wait3A_128 = tpu.memref_slice %arg6[%dma_wait3A_125, %dma_wait3A_126, %dma_wait3A_127] : memref<2x32x1024xf32, #tpu.memory_space<vmem>> -> memref<1x32x1024xf32, #tpu.memory_space<vmem>>
      %dma_wait3A_129 = tpu.memref_squeeze %dma_wait3A_128 : memref<1x32x1024xf32, #tpu.memory_space<vmem>> -> memref<32x1024xf32, #tpu.memory_space<vmem>>
      %dma_wait3A_130 = arith.constant 0 : i32
      %dma_wait3A_131 = tpu.memref_slice %arg2[%add3A_124, %dma_wait3A_130] : memref<32768x1024xf32, #tpu.memory_space<hbm>> -> memref<32x1024xf32, #tpu.memory_space<hbm>>
      %dma_wait3A_132 = arith.constant 0 : i32
      %dma_wait3A_133 = arith.constant 0 : i32
      %dma_wait3A_134 = tpu.memref_slice %arg6[%dma_wait3A_125, %dma_wait3A_132, %dma_wait3A_133] : memref<2x32x1024xf32, #tpu.memory_space<vmem>> -> memref<1x32x1024xf32, #tpu.memory_space<vmem>>
      %dma_wait3A_135 = tpu.memref_squeeze %dma_wait3A_134 : memref<1x32x1024xf32, #tpu.memory_space<vmem>> -> memref<32x1024xf32, #tpu.memory_space<vmem>>
      %dma_wait3A_136 = arith.constant 0 : i32
      %dma_wait3A_137 = tpu.memref_slice %arg2[%add3A_124, %dma_wait3A_136] : memref<32768x1024xf32, #tpu.memory_space<hbm>> -> memref<32x1024xf32, #tpu.memory_space<hbm>>
      tpu.wait_dma2 semaphore(%arg7 : memref<!tpu.dma_semaphore, #tpu.memory_space<semaphore_mem>>) src(%dma_wait3A_137 : memref<32x1024xf32, #tpu.memory_space<hbm>>) dst(%dma_wait3A_135 : memref<32x1024xf32, #tpu.memory_space<vmem>>)
      %ge3A = arith.constant 1 : i32
      %ge3A_138 = arith.cmpi sge, %add3A_121, %ge3A : i32
      %convert_element_type3A = arith.extui %ge3A_138 : i1 to i32
      %cond3A = arith.constant 0 : i32
      %cond3A_139 = arith.cmpi ne, %convert_element_type3A, %cond3A : i32
      scf.if %cond3A_139 {
        %dma_wait3A_386 = arith.constant 1 : i32
        %dma_wait3A_387 = arith.constant 0 : i32
        %dma_wait3A_388 = arith.constant 0 : i32
        %dma_wait3A_389 = arith.constant 0 : i32
        %dma_wait3A_390 = tpu.memref_slice %arg6[%dma_wait3A_386, %dma_wait3A_388, %dma_wait3A_389] : memref<2x32x1024xf32, #tpu.memory_space<vmem>> -> memref<1x32x1024xf32, #tpu.memory_space<vmem>>
        %dma_wait3A_391 = tpu.memref_squeeze %dma_wait3A_390 : memref<1x32x1024xf32, #tpu.memory_space<vmem>> -> memref<32x1024xf32, #tpu.memory_space<vmem>>
        %dma_wait3A_392 = arith.constant 0 : i32
        %dma_wait3A_393 = tpu.memref_slice %arg5[%dma_wait3A_387, %dma_wait3A_392] : memref<8x1024xi32, #tpu.memory_space<vmem>> -> memref<1x32xi32, #tpu.memory_space<vmem>>
        %dma_wait3A_394 = tpu.memref_squeeze %dma_wait3A_393 : memref<1x32xi32, #tpu.memory_space<vmem>> -> memref<32xi32, #tpu.memory_space<vmem>>
        %dma_wait3A_395 = arith.constant 0 : i32
        %dma_wait3A_396 = arith.constant 0 : i32
        %dma_wait3A_397 = tpu.memref_slice %arg4[%dma_wait3A_395, %dma_wait3A_396] : memref<327680x1024xf32, #tpu.memory_space<hbm>> -> memref<327680x1024xf32, #tpu.memory_space<hbm>>
        tpu.wait_indirect_dma semaphore(%arg10 : memref<!tpu.dma_semaphore, #tpu.memory_space<semaphore_mem>>) src(%dma_wait3A_391 : memref<32x1024xf32, #tpu.memory_space<vmem>>) dst(%dma_wait3A_397 : memref<327680x1024xf32, #tpu.memory_space<hbm>>)
        %dma_wait3A_398 = arith.constant 1 : i32
        %dma_wait3A_399 = arith.constant 0 : i32
        %dma_wait3A_400 = arith.constant 0 : i32
        %dma_wait3A_401 = arith.constant 0 : i32
        %dma_wait3A_402 = tpu.memref_slice %arg6[%dma_wait3A_398, %dma_wait3A_400, %dma_wait3A_401] : memref<2x32x1024xf32, #tpu.memory_space<vmem>> -> memref<1x32x1024xf32, #tpu.memory_space<vmem>>
        %dma_wait3A_403 = tpu.memref_squeeze %dma_wait3A_402 : memref<1x32x1024xf32, #tpu.memory_space<vmem>> -> memref<32x1024xf32, #tpu.memory_space<vmem>>
        %dma_wait3A_404 = arith.constant 0 : i32
        %dma_wait3A_405 = tpu.memref_slice %arg5[%dma_wait3A_399, %dma_wait3A_404] : memref<8x1024xi32, #tpu.memory_space<vmem>> -> memref<1x32xi32, #tpu.memory_space<vmem>>
        %dma_wait3A_406 = tpu.memref_squeeze %dma_wait3A_405 : memref<1x32xi32, #tpu.memory_space<vmem>> -> memref<32xi32, #tpu.memory_space<vmem>>
        %dma_wait3A_407 = arith.constant 0 : i32
        %dma_wait3A_408 = arith.constant 0 : i32
        %dma_wait3A_409 = tpu.memref_slice %arg4[%dma_wait3A_407, %dma_wait3A_408] : memref<327680x1024xf32, #tpu.memory_space<hbm>> -> memref<327680x1024xf32, #tpu.memory_space<hbm>>
        tpu.wait_indirect_dma semaphore(%arg10 : memref<!tpu.dma_semaphore, #tpu.memory_space<semaphore_mem>>) src(%dma_wait3A_403 : memref<32x1024xf32, #tpu.memory_space<vmem>>) dst(%dma_wait3A_409 : memref<327680x1024xf32, #tpu.memory_space<hbm>>)
        %dma_wait3A_410 = arith.constant 1 : i32
        %dma_wait3A_411 = arith.constant 0 : i32
        %dma_wait3A_412 = arith.constant 0 : i32
        %dma_wait3A_413 = arith.constant 0 : i32
        %dma_wait3A_414 = tpu.memref_slice %arg6[%dma_wait3A_410, %dma_wait3A_412, %dma_wait3A_413] : memref<2x32x1024xf32, #tpu.memory_space<vmem>> -> memref<1x32x1024xf32, #tpu.memory_space<vmem>>
        %dma_wait3A_415 = tpu.memref_squeeze %dma_wait3A_414 : memref<1x32x1024xf32, #tpu.memory_space<vmem>> -> memref<32x1024xf32, #tpu.memory_space<vmem>>
        %dma_wait3A_416 = arith.constant 0 : i32
        %dma_wait3A_417 = tpu.memref_slice %arg5[%dma_wait3A_411, %dma_wait3A_416] : memref<8x1024xi32, #tpu.memory_space<vmem>> -> memref<1x32xi32, #tpu.memory_space<vmem>>
        %dma_wait3A_418 = tpu.memref_squeeze %dma_wait3A_417 : memref<1x32xi32, #tpu.memory_space<vmem>> -> memref<32xi32, #tpu.memory_space<vmem>>
        %dma_wait3A_419 = arith.constant 0 : i32
        %dma_wait3A_420 = arith.constant 0 : i32
        %dma_wait3A_421 = tpu.memref_slice %arg4[%dma_wait3A_419, %dma_wait3A_420] : memref<327680x1024xf32, #tpu.memory_space<hbm>> -> memref<327680x1024xf32, #tpu.memory_space<hbm>>
        tpu.wait_indirect_dma semaphore(%arg10 : memref<!tpu.dma_semaphore, #tpu.memory_space<semaphore_mem>>) src(%dma_wait3A_415 : memref<32x1024xf32, #tpu.memory_space<vmem>>) dst(%dma_wait3A_421 : memref<327680x1024xf32, #tpu.memory_space<hbm>>)
        %dma_wait3A_422 = arith.constant 1 : i32
        %dma_wait3A_423 = arith.constant 0 : i32
        %dma_wait3A_424 = arith.constant 0 : i32
        %dma_wait3A_425 = arith.constant 0 : i32
        %dma_wait3A_426 = tpu.memref_slice %arg6[%dma_wait3A_422, %dma_wait3A_424, %dma_wait3A_425] : memref<2x32x1024xf32, #tpu.memory_space<vmem>> -> memref<1x32x1024xf32, #tpu.memory_space<vmem>>
        %dma_wait3A_427 = tpu.memref_squeeze %dma_wait3A_426 : memref<1x32x1024xf32, #tpu.memory_space<vmem>> -> memref<32x1024xf32, #tpu.memory_space<vmem>>
        %dma_wait3A_428 = arith.constant 0 : i32
        %dma_wait3A_429 = tpu.memref_slice %arg5[%dma_wait3A_423, %dma_wait3A_428] : memref<8x1024xi32, #tpu.memory_space<vmem>> -> memref<1x32xi32, #tpu.memory_space<vmem>>
        %dma_wait3A_430 = tpu.memref_squeeze %dma_wait3A_429 : memref<1x32xi32, #tpu.memory_space<vmem>> -> memref<32xi32, #tpu.memory_space<vmem>>
        %dma_wait3A_431 = arith.constant 0 : i32
        %dma_wait3A_432 = arith.constant 0 : i32
        %dma_wait3A_433 = tpu.memref_slice %arg4[%dma_wait3A_431, %dma_wait3A_432] : memref<327680x1024xf32, #tpu.memory_space<hbm>> -> memref<327680x1024xf32, #tpu.memory_space<hbm>>
        tpu.wait_indirect_dma semaphore(%arg10 : memref<!tpu.dma_semaphore, #tpu.memory_space<semaphore_mem>>) src(%dma_wait3A_427 : memref<32x1024xf32, #tpu.memory_space<vmem>>) dst(%dma_wait3A_433 : memref<327680x1024xf32, #tpu.memory_space<hbm>>)
        %dma_wait3A_434 = arith.constant 1 : i32
        %dma_wait3A_435 = arith.constant 0 : i32
        %dma_wait3A_436 = arith.constant 0 : i32
        %dma_wait3A_437 = arith.constant 0 : i32
        %dma_wait3A_438 = tpu.memref_slice %arg6[%dma_wait3A_434, %dma_wait3A_436, %dma_wait3A_437] : memref<2x32x1024xf32, #tpu.memory_space<vmem>> -> memref<1x32x1024xf32, #tpu.memory_space<vmem>>
        %dma_wait3A_439 = tpu.memref_squeeze %dma_wait3A_438 : memref<1x32x1024xf32, #tpu.memory_space<vmem>> -> memref<32x1024xf32, #tpu.memory_space<vmem>>
        %dma_wait3A_440 = arith.constant 0 : i32
        %dma_wait3A_441 = tpu.memref_slice %arg5[%dma_wait3A_435, %dma_wait3A_440] : memref<8x1024xi32, #tpu.memory_space<vmem>> -> memref<1x32xi32, #tpu.memory_space<vmem>>
        %dma_wait3A_442 = tpu.memref_squeeze %dma_wait3A_441 : memref<1x32xi32, #tpu.memory_space<vmem>> -> memref<32xi32, #tpu.memory_space<vmem>>
        %dma_wait3A_443 = arith.constant 0 : i32
        %dma_wait3A_444 = arith.constant 0 : i32
        %dma_wait3A_445 = tpu.memref_slice %arg4[%dma_wait3A_443, %dma_wait3A_444] : memref<327680x1024xf32, #tpu.memory_space<hbm>> -> memref<327680x1024xf32, #tpu.memory_space<hbm>>
        tpu.wait_indirect_dma semaphore(%arg10 : memref<!tpu.dma_semaphore, #tpu.memory_space<semaphore_mem>>) src(%dma_wait3A_439 : memref<32x1024xf32, #tpu.memory_space<vmem>>) dst(%dma_wait3A_445 : memref<327680x1024xf32, #tpu.memory_space<hbm>>)
        %dma_wait3A_446 = arith.constant 1 : i32
        %dma_wait3A_447 = arith.constant 0 : i32
        %dma_wait3A_448 = arith.constant 0 : i32
        %dma_wait3A_449 = arith.constant 0 : i32
        %dma_wait3A_450 = tpu.memref_slice %arg6[%dma_wait3A_446, %dma_wait3A_448, %dma_wait3A_449] : memref<2x32x1024xf32, #tpu.memory_space<vmem>> -> memref<1x32x1024xf32, #tpu.memory_space<vmem>>
        %dma_wait3A_451 = tpu.memref_squeeze %dma_wait3A_450 : memref<1x32x1024xf32, #tpu.memory_space<vmem>> -> memref<32x1024xf32, #tpu.memory_space<vmem>>
        %dma_wait3A_452 = arith.constant 0 : i32
        %dma_wait3A_453 = tpu.memref_slice %arg5[%dma_wait3A_447, %dma_wait3A_452] : memref<8x1024xi32, #tpu.memory_space<vmem>> -> memref<1x32xi32, #tpu.memory_space<vmem>>
        %dma_wait3A_454 = tpu.memref_squeeze %dma_wait3A_453 : memref<1x32xi32, #tpu.memory_space<vmem>> -> memref<32xi32, #tpu.memory_space<vmem>>
        %dma_wait3A_455 = arith.constant 0 : i32
        %dma_wait3A_456 = arith.constant 0 : i32
        %dma_wait3A_457 = tpu.memref_slice %arg4[%dma_wait3A_455, %dma_wait3A_456] : memref<327680x1024xf32, #tpu.memory_space<hbm>> -> memref<327680x1024xf32, #tpu.memory_space<hbm>>
        tpu.wait_indirect_dma semaphore(%arg10 : memref<!tpu.dma_semaphore, #tpu.memory_space<semaphore_mem>>) src(%dma_wait3A_451 : memref<32x1024xf32, #tpu.memory_space<vmem>>) dst(%dma_wait3A_457 : memref<327680x1024xf32, #tpu.memory_space<hbm>>)
        %dma_wait3A_458 = arith.constant 1 : i32
        %dma_wait3A_459 = arith.constant 0 : i32
        %dma_wait3A_460 = arith.constant 0 : i32
        %dma_wait3A_461 = arith.constant 0 : i32
        %dma_wait3A_462 = tpu.memref_slice %arg6[%dma_wait3A_458, %dma_wait3A_460, %dma_wait3A_461] : memref<2x32x1024xf32, #tpu.memory_space<vmem>> -> memref<1x32x1024xf32, #tpu.memory_space<vmem>>
        %dma_wait3A_463 = tpu.memref_squeeze %dma_wait3A_462 : memref<1x32x1024xf32, #tpu.memory_space<vmem>> -> memref<32x1024xf32, #tpu.memory_space<vmem>>
        %dma_wait3A_464 = arith.constant 0 : i32
        %dma_wait3A_465 = tpu.memref_slice %arg5[%dma_wait3A_459, %dma_wait3A_464] : memref<8x1024xi32, #tpu.memory_space<vmem>> -> memref<1x32xi32, #tpu.memory_space<vmem>>
        %dma_wait3A_466 = tpu.memref_squeeze %dma_wait3A_465 : memref<1x32xi32, #tpu.memory_space<vmem>> -> memref<32xi32, #tpu.memory_space<vmem>>
        %dma_wait3A_467 = arith.constant 0 : i32
        %dma_wait3A_468 = arith.constant 0 : i32
        %dma_wait3A_469 = tpu.memref_slice %arg4[%dma_wait3A_467, %dma_wait3A_468] : memref<327680x1024xf32, #tpu.memory_space<hbm>> -> memref<327680x1024xf32, #tpu.memory_space<hbm>>
        tpu.wait_indirect_dma semaphore(%arg10 : memref<!tpu.dma_semaphore, #tpu.memory_space<semaphore_mem>>) src(%dma_wait3A_463 : memref<32x1024xf32, #tpu.memory_space<vmem>>) dst(%dma_wait3A_469 : memref<327680x1024xf32, #tpu.memory_space<hbm>>)
        %dma_wait3A_470 = arith.constant 1 : i32
        %dma_wait3A_471 = arith.constant 0 : i32
        %dma_wait3A_472 = arith.constant 0 : i32
        %dma_wait3A_473 = arith.constant 0 : i32
        %dma_wait3A_474 = tpu.memref_slice %arg6[%dma_wait3A_470, %dma_wait3A_472, %dma_wait3A_473] : memref<2x32x1024xf32, #tpu.memory_space<vmem>> -> memref<1x32x1024xf32, #tpu.memory_space<vmem>>
        %dma_wait3A_475 = tpu.memref_squeeze %dma_wait3A_474 : memref<1x32x1024xf32, #tpu.memory_space<vmem>> -> memref<32x1024xf32, #tpu.memory_space<vmem>>
        %dma_wait3A_476 = arith.constant 0 : i32
        %dma_wait3A_477 = tpu.memref_slice %arg5[%dma_wait3A_471, %dma_wait3A_476] : memref<8x1024xi32, #tpu.memory_space<vmem>> -> memref<1x32xi32, #tpu.memory_space<vmem>>
        %dma_wait3A_478 = tpu.memref_squeeze %dma_wait3A_477 : memref<1x32xi32, #tpu.memory_space<vmem>> -> memref<32xi32, #tpu.memory_space<vmem>>
        %dma_wait3A_479 = arith.constant 0 : i32
        %dma_wait3A_480 = arith.constant 0 : i32
        %dma_wait3A_481 = tpu.memref_slice %arg4[%dma_wait3A_479, %dma_wait3A_480] : memref<327680x1024xf32, #tpu.memory_space<hbm>> -> memref<327680x1024xf32, #tpu.memory_space<hbm>>
        tpu.wait_indirect_dma semaphore(%arg10 : memref<!tpu.dma_semaphore, #tpu.memory_space<semaphore_mem>>) src(%dma_wait3A_475 : memref<32x1024xf32, #tpu.memory_space<vmem>>) dst(%dma_wait3A_481 : memref<327680x1024xf32, #tpu.memory_space<hbm>>)
      } else {
      }
      %add3A_140 = arith.constant 1 : i32
      %add3A_141 = arith.addi %add3A_121, %add3A_140 : i32
      %lt3A = arith.constant 32 : i32
      %lt3A_142 = arith.cmpi slt, %add3A_141, %lt3A : i32
      %convert_element_type3A_143 = arith.extui %lt3A_142 : i1 to i32
      %cond3A_144 = arith.constant 0 : i32
      %cond3A_145 = arith.cmpi ne, %convert_element_type3A_143, %cond3A_144 : i32
      scf.if %cond3A_145 {
        %add3A_386 = arith.constant 1 : i32
        %add3A_387 = arith.addi %add3A_121, %add3A_386 : i32
        %mul3A_388 = arith.constant 32 : i32
        %mul3A_389 = arith.muli %add3A_387, %mul3A_388 : i32
        %add3A_390 = arith.addi %mul3A_2, %mul3A_389 : i32
        %dma_start3A_391 = arith.constant 1 : i32
        %dma_start3A_392 = arith.constant 0 : i32
        %dma_start3A_393 = arith.constant 0 : i32
        %dma_start3A_394 = tpu.memref_slice %arg6[%dma_start3A_391, %dma_start3A_392, %dma_start3A_393] : memref<2x32x1024xf32, #tpu.memory_space<vmem>> -> memref<1x32x1024xf32, #tpu.memory_space<vmem>>
        %dma_start3A_395 = tpu.memref_squeeze %dma_start3A_394 : memref<1x32x1024xf32, #tpu.memory_space<vmem>> -> memref<32x1024xf32, #tpu.memory_space<vmem>>
        %dma_start3A_396 = arith.constant 0 : i32
        %dma_start3A_397 = tpu.memref_slice %arg2[%add3A_390, %dma_start3A_396] : memref<32768x1024xf32, #tpu.memory_space<hbm>> -> memref<32x1024xf32, #tpu.memory_space<hbm>>
        %dma_start3A_398 = arith.constant 0 : i32
        %dma_start3A_399 = arith.constant 0 : i32
        %dma_start3A_400 = tpu.memref_slice %arg6[%dma_start3A_391, %dma_start3A_398, %dma_start3A_399] : memref<2x32x1024xf32, #tpu.memory_space<vmem>> -> memref<1x32x1024xf32, #tpu.memory_space<vmem>>
        %dma_start3A_401 = tpu.memref_squeeze %dma_start3A_400 : memref<1x32x1024xf32, #tpu.memory_space<vmem>> -> memref<32x1024xf32, #tpu.memory_space<vmem>>
        %dma_start3A_402 = arith.constant 0 : i32
        %dma_start3A_403 = tpu.memref_slice %arg2[%add3A_390, %dma_start3A_402] : memref<32768x1024xf32, #tpu.memory_space<hbm>> -> memref<32x1024xf32, #tpu.memory_space<hbm>>
        tpu.enqueue_dma source(%dma_start3A_403 : memref<32x1024xf32, #tpu.memory_space<hbm>>) target(%dma_start3A_401 : memref<32x1024xf32, #tpu.memory_space<vmem>>) target_semaphore(%arg8 : memref<!tpu.dma_semaphore, #tpu.memory_space<semaphore_mem>>)
      } else {
      }
      %mul3A_146 = arith.constant 32 : i32
      %mul3A_147 = arith.muli %add3A_121, %mul3A_146 : i32
      %dma_start3A_148 = arith.constant 0 : i32
      %dma_start3A_149 = arith.constant 0 : i32
      %dma_start3A_150 = arith.constant 0 : i32
      %dma_start3A_151 = arith.constant 0 : i32
      %dma_start3A_152 = tpu.memref_slice %arg6[%dma_start3A_148, %dma_start3A_150, %dma_start3A_151] : memref<2x32x1024xf32, #tpu.memory_space<vmem>> -> memref<1x32x1024xf32, #tpu.memory_space<vmem>>
      %dma_start3A_153 = tpu.memref_squeeze %dma_start3A_152 : memref<1x32x1024xf32, #tpu.memory_space<vmem>> -> memref<32x1024xf32, #tpu.memory_space<vmem>>
      %dma_start3A_154 = tpu.memref_slice %arg5[%dma_start3A_149, %mul3A_147] : memref<8x1024xi32, #tpu.memory_space<vmem>> -> memref<1x32xi32, #tpu.memory_space<vmem>>
      %dma_start3A_155 = tpu.memref_squeeze %dma_start3A_154 : memref<1x32xi32, #tpu.memory_space<vmem>> -> memref<32xi32, #tpu.memory_space<vmem>>
      %dma_start3A_156 = arith.constant 0 : i32
      %dma_start3A_157 = arith.constant 0 : i32
      %dma_start3A_158 = tpu.memref_slice %arg4[%dma_start3A_156, %dma_start3A_157] : memref<327680x1024xf32, #tpu.memory_space<hbm>> -> memref<327680x1024xf32, #tpu.memory_space<hbm>>
      tpu.enqueue_indirect_dma source(%dma_start3A_153 : memref<32x1024xf32, #tpu.memory_space<vmem>>) target(%dma_start3A_158 : memref<327680x1024xf32, #tpu.memory_space<hbm>>) offsets(%dma_start3A_155 : memref<32xi32, #tpu.memory_space<vmem>>) semaphore(%arg9 : memref<!tpu.dma_semaphore, #tpu.memory_space<semaphore_mem>>)
      %mul3A_159 = arith.constant 32 : i32
      %mul3A_160 = arith.muli %add3A_121, %mul3A_159 : i32
      %dma_start3A_161 = arith.constant 0 : i32
      %dma_start3A_162 = arith.constant 1 : i32
      %dma_start3A_163 = arith.constant 0 : i32
      %dma_start3A_164 = arith.constant 0 : i32
      %dma_start3A_165 = tpu.memref_slice %arg6[%dma_start3A_161, %dma_start3A_163, %dma_start3A_164] : memref<2x32x1024xf32, #tpu.memory_space<vmem>> -> memref<1x32x1024xf32, #tpu.memory_space<vmem>>
      %dma_start3A_166 = tpu.memref_squeeze %dma_start3A_165 : memref<1x32x1024xf32, #tpu.memory_space<vmem>> -> memref<32x1024xf32, #tpu.memory_space<vmem>>
      %dma_start3A_167 = tpu.memref_slice %arg5[%dma_start3A_162, %mul3A_160] : memref<8x1024xi32, #tpu.memory_space<vmem>> -> memref<1x32xi32, #tpu.memory_space<vmem>>
      %dma_start3A_168 = tpu.memref_squeeze %dma_start3A_167 : memref<1x32xi32, #tpu.memory_space<vmem>> -> memref<32xi32, #tpu.memory_space<vmem>>
      %dma_start3A_169 = arith.constant 0 : i32
      %dma_start3A_170 = arith.constant 0 : i32
      %dma_start3A_171 = tpu.memref_slice %arg4[%dma_start3A_169, %dma_start3A_170] : memref<327680x1024xf32, #tpu.memory_space<hbm>> -> memref<327680x1024xf32, #tpu.memory_space<hbm>>
      tpu.enqueue_indirect_dma source(%dma_start3A_166 : memref<32x1024xf32, #tpu.memory_space<vmem>>) target(%dma_start3A_171 : memref<327680x1024xf32, #tpu.memory_space<hbm>>) offsets(%dma_start3A_168 : memref<32xi32, #tpu.memory_space<vmem>>) semaphore(%arg9 : memref<!tpu.dma_semaphore, #tpu.memory_space<semaphore_mem>>)
      %mul3A_172 = arith.constant 32 : i32
      %mul3A_173 = arith.muli %add3A_121, %mul3A_172 : i32
      %dma_start3A_174 = arith.constant 0 : i32
      %dma_start3A_175 = arith.constant 2 : i32
      %dma_start3A_176 = arith.constant 0 : i32
      %dma_start3A_177 = arith.constant 0 : i32
      %dma_start3A_178 = tpu.memref_slice %arg6[%dma_start3A_174, %dma_start3A_176, %dma_start3A_177] : memref<2x32x1024xf32, #tpu.memory_space<vmem>> -> memref<1x32x1024xf32, #tpu.memory_space<vmem>>
      %dma_start3A_179 = tpu.memref_squeeze %dma_start3A_178 : memref<1x32x1024xf32, #tpu.memory_space<vmem>> -> memref<32x1024xf32, #tpu.memory_space<vmem>>
      %dma_start3A_180 = tpu.memref_slice %arg5[%dma_start3A_175, %mul3A_173] : memref<8x1024xi32, #tpu.memory_space<vmem>> -> memref<1x32xi32, #tpu.memory_space<vmem>>
      %dma_start3A_181 = tpu.memref_squeeze %dma_start3A_180 : memref<1x32xi32, #tpu.memory_space<vmem>> -> memref<32xi32, #tpu.memory_space<vmem>>
      %dma_start3A_182 = arith.constant 0 : i32
      %dma_start3A_183 = arith.constant 0 : i32
      %dma_start3A_184 = tpu.memref_slice %arg4[%dma_start3A_182, %dma_start3A_183] : memref<327680x1024xf32, #tpu.memory_space<hbm>> -> memref<327680x1024xf32, #tpu.memory_space<hbm>>
      tpu.enqueue_indirect_dma source(%dma_start3A_179 : memref<32x1024xf32, #tpu.memory_space<vmem>>) target(%dma_start3A_184 : memref<327680x1024xf32, #tpu.memory_space<hbm>>) offsets(%dma_start3A_181 : memref<32xi32, #tpu.memory_space<vmem>>) semaphore(%arg9 : memref<!tpu.dma_semaphore, #tpu.memory_space<semaphore_mem>>)
      %mul3A_185 = arith.constant 32 : i32
      %mul3A_186 = arith.muli %add3A_121, %mul3A_185 : i32
      %dma_start3A_187 = arith.constant 0 : i32
      %dma_start3A_188 = arith.constant 3 : i32
      %dma_start3A_189 = arith.constant 0 : i32
      %dma_start3A_190 = arith.constant 0 : i32
      %dma_start3A_191 = tpu.memref_slice %arg6[%dma_start3A_187, %dma_start3A_189, %dma_start3A_190] : memref<2x32x1024xf32, #tpu.memory_space<vmem>> -> memref<1x32x1024xf32, #tpu.memory_space<vmem>>
      %dma_start3A_192 = tpu.memref_squeeze %dma_start3A_191 : memref<1x32x1024xf32, #tpu.memory_space<vmem>> -> memref<32x1024xf32, #tpu.memory_space<vmem>>
      %dma_start3A_193 = tpu.memref_slice %arg5[%dma_start3A_188, %mul3A_186] : memref<8x1024xi32, #tpu.memory_space<vmem>> -> memref<1x32xi32, #tpu.memory_space<vmem>>
      %dma_start3A_194 = tpu.memref_squeeze %dma_start3A_193 : memref<1x32xi32, #tpu.memory_space<vmem>> -> memref<32xi32, #tpu.memory_space<vmem>>
      %dma_start3A_195 = arith.constant 0 : i32
      %dma_start3A_196 = arith.constant 0 : i32
      %dma_start3A_197 = tpu.memref_slice %arg4[%dma_start3A_195, %dma_start3A_196] : memref<327680x1024xf32, #tpu.memory_space<hbm>> -> memref<327680x1024xf32, #tpu.memory_space<hbm>>
      tpu.enqueue_indirect_dma source(%dma_start3A_192 : memref<32x1024xf32, #tpu.memory_space<vmem>>) target(%dma_start3A_197 : memref<327680x1024xf32, #tpu.memory_space<hbm>>) offsets(%dma_start3A_194 : memref<32xi32, #tpu.memory_space<vmem>>) semaphore(%arg9 : memref<!tpu.dma_semaphore, #tpu.memory_space<semaphore_mem>>)
      %mul3A_198 = arith.constant 32 : i32
      %mul3A_199 = arith.muli %add3A_121, %mul3A_198 : i32
      %dma_start3A_200 = arith.constant 0 : i32
      %dma_start3A_201 = arith.constant 4 : i32
      %dma_start3A_202 = arith.constant 0 : i32
      %dma_start3A_203 = arith.constant 0 : i32
      %dma_start3A_204 = tpu.memref_slice %arg6[%dma_start3A_200, %dma_start3A_202, %dma_start3A_203] : memref<2x32x1024xf32, #tpu.memory_space<vmem>> -> memref<1x32x1024xf32, #tpu.memory_space<vmem>>
      %dma_start3A_205 = tpu.memref_squeeze %dma_start3A_204 : memref<1x32x1024xf32, #tpu.memory_space<vmem>> -> memref<32x1024xf32, #tpu.memory_space<vmem>>
      %dma_start3A_206 = tpu.memref_slice %arg5[%dma_start3A_201, %mul3A_199] : memref<8x1024xi32, #tpu.memory_space<vmem>> -> memref<1x32xi32, #tpu.memory_space<vmem>>
      %dma_start3A_207 = tpu.memref_squeeze %dma_start3A_206 : memref<1x32xi32, #tpu.memory_space<vmem>> -> memref<32xi32, #tpu.memory_space<vmem>>
      %dma_start3A_208 = arith.constant 0 : i32
      %dma_start3A_209 = arith.constant 0 : i32
      %dma_start3A_210 = tpu.memref_slice %arg4[%dma_start3A_208, %dma_start3A_209] : memref<327680x1024xf32, #tpu.memory_space<hbm>> -> memref<327680x1024xf32, #tpu.memory_space<hbm>>
      tpu.enqueue_indirect_dma source(%dma_start3A_205 : memref<32x1024xf32, #tpu.memory_space<vmem>>) target(%dma_start3A_210 : memref<327680x1024xf32, #tpu.memory_space<hbm>>) offsets(%dma_start3A_207 : memref<32xi32, #tpu.memory_space<vmem>>) semaphore(%arg9 : memref<!tpu.dma_semaphore, #tpu.memory_space<semaphore_mem>>)
      %mul3A_211 = arith.constant 32 : i32
      %mul3A_212 = arith.muli %add3A_121, %mul3A_211 : i32
      %dma_start3A_213 = arith.constant 0 : i32
      %dma_start3A_214 = arith.constant 5 : i32
      %dma_start3A_215 = arith.constant 0 : i32
      %dma_start3A_216 = arith.constant 0 : i32
      %dma_start3A_217 = tpu.memref_slice %arg6[%dma_start3A_213, %dma_start3A_215, %dma_start3A_216] : memref<2x32x1024xf32, #tpu.memory_space<vmem>> -> memref<1x32x1024xf32, #tpu.memory_space<vmem>>
      %dma_start3A_218 = tpu.memref_squeeze %dma_start3A_217 : memref<1x32x1024xf32, #tpu.memory_space<vmem>> -> memref<32x1024xf32, #tpu.memory_space<vmem>>
      %dma_start3A_219 = tpu.memref_slice %arg5[%dma_start3A_214, %mul3A_212] : memref<8x1024xi32, #tpu.memory_space<vmem>> -> memref<1x32xi32, #tpu.memory_space<vmem>>
      %dma_start3A_220 = tpu.memref_squeeze %dma_start3A_219 : memref<1x32xi32, #tpu.memory_space<vmem>> -> memref<32xi32, #tpu.memory_space<vmem>>
      %dma_start3A_221 = arith.constant 0 : i32
      %dma_start3A_222 = arith.constant 0 : i32
      %dma_start3A_223 = tpu.memref_slice %arg4[%dma_start3A_221, %dma_start3A_222] : memref<327680x1024xf32, #tpu.memory_space<hbm>> -> memref<327680x1024xf32, #tpu.memory_space<hbm>>
      tpu.enqueue_indirect_dma source(%dma_start3A_218 : memref<32x1024xf32, #tpu.memory_space<vmem>>) target(%dma_start3A_223 : memref<327680x1024xf32, #tpu.memory_space<hbm>>) offsets(%dma_start3A_220 : memref<32xi32, #tpu.memory_space<vmem>>) semaphore(%arg9 : memref<!tpu.dma_semaphore, #tpu.memory_space<semaphore_mem>>)
      %mul3A_224 = arith.constant 32 : i32
      %mul3A_225 = arith.muli %add3A_121, %mul3A_224 : i32
      %dma_start3A_226 = arith.constant 0 : i32
      %dma_start3A_227 = arith.constant 6 : i32
      %dma_start3A_228 = arith.constant 0 : i32
      %dma_start3A_229 = arith.constant 0 : i32
      %dma_start3A_230 = tpu.memref_slice %arg6[%dma_start3A_226, %dma_start3A_228, %dma_start3A_229] : memref<2x32x1024xf32, #tpu.memory_space<vmem>> -> memref<1x32x1024xf32, #tpu.memory_space<vmem>>
      %dma_start3A_231 = tpu.memref_squeeze %dma_start3A_230 : memref<1x32x1024xf32, #tpu.memory_space<vmem>> -> memref<32x1024xf32, #tpu.memory_space<vmem>>
      %dma_start3A_232 = tpu.memref_slice %arg5[%dma_start3A_227, %mul3A_225] : memref<8x1024xi32, #tpu.memory_space<vmem>> -> memref<1x32xi32, #tpu.memory_space<vmem>>
      %dma_start3A_233 = tpu.memref_squeeze %dma_start3A_232 : memref<1x32xi32, #tpu.memory_space<vmem>> -> memref<32xi32, #tpu.memory_space<vmem>>
      %dma_start3A_234 = arith.constant 0 : i32
      %dma_start3A_235 = arith.constant 0 : i32
      %dma_start3A_236 = tpu.memref_slice %arg4[%dma_start3A_234, %dma_start3A_235] : memref<327680x1024xf32, #tpu.memory_space<hbm>> -> memref<327680x1024xf32, #tpu.memory_space<hbm>>
      tpu.enqueue_indirect_dma source(%dma_start3A_231 : memref<32x1024xf32, #tpu.memory_space<vmem>>) target(%dma_start3A_236 : memref<327680x1024xf32, #tpu.memory_space<hbm>>) offsets(%dma_start3A_233 : memref<32xi32, #tpu.memory_space<vmem>>) semaphore(%arg9 : memref<!tpu.dma_semaphore, #tpu.memory_space<semaphore_mem>>)
      %mul3A_237 = arith.constant 32 : i32
      %mul3A_238 = arith.muli %add3A_121, %mul3A_237 : i32
      %dma_start3A_239 = arith.constant 0 : i32
      %dma_start3A_240 = arith.constant 7 : i32
      %dma_start3A_241 = arith.constant 0 : i32
      %dma_start3A_242 = arith.constant 0 : i32
      %dma_start3A_243 = tpu.memref_slice %arg6[%dma_start3A_239, %dma_start3A_241, %dma_start3A_242] : memref<2x32x1024xf32, #tpu.memory_space<vmem>> -> memref<1x32x1024xf32, #tpu.memory_space<vmem>>
      %dma_start3A_244 = tpu.memref_squeeze %dma_start3A_243 : memref<1x32x1024xf32, #tpu.memory_space<vmem>> -> memref<32x1024xf32, #tpu.memory_space<vmem>>
      %dma_start3A_245 = tpu.memref_slice %arg5[%dma_start3A_240, %mul3A_238] : memref<8x1024xi32, #tpu.memory_space<vmem>> -> memref<1x32xi32, #tpu.memory_space<vmem>>
      %dma_start3A_246 = tpu.memref_squeeze %dma_start3A_245 : memref<1x32xi32, #tpu.memory_space<vmem>> -> memref<32xi32, #tpu.memory_space<vmem>>
      %dma_start3A_247 = arith.constant 0 : i32
      %dma_start3A_248 = arith.constant 0 : i32
      %dma_start3A_249 = tpu.memref_slice %arg4[%dma_start3A_247, %dma_start3A_248] : memref<327680x1024xf32, #tpu.memory_space<hbm>> -> memref<327680x1024xf32, #tpu.memory_space<hbm>>
      tpu.enqueue_indirect_dma source(%dma_start3A_244 : memref<32x1024xf32, #tpu.memory_space<vmem>>) target(%dma_start3A_249 : memref<327680x1024xf32, #tpu.memory_space<hbm>>) offsets(%dma_start3A_246 : memref<32xi32, #tpu.memory_space<vmem>>) semaphore(%arg9 : memref<!tpu.dma_semaphore, #tpu.memory_space<semaphore_mem>>)
      %mul3A_250 = arith.constant 2 : i32
      %mul3A_251 = arith.muli %scan3A_117, %mul3A_250 : i32
      %add3A_252 = arith.constant 1 : i32
      %add3A_253 = arith.addi %mul3A_251, %add3A_252 : i32
      %mul3A_254 = arith.constant 32 : i32
      %mul3A_255 = arith.muli %add3A_253, %mul3A_254 : i32
      %add3A_256 = arith.addi %mul3A_2, %mul3A_255 : i32
      %dma_wait3A_257 = arith.constant 1 : i32
      %dma_wait3A_258 = arith.constant 0 : i32
      %dma_wait3A_259 = arith.constant 0 : i32
      %dma_wait3A_260 = tpu.memref_slice %arg6[%dma_wait3A_257, %dma_wait3A_258, %dma_wait3A_259] : memref<2x32x1024xf32, #tpu.memory_space<vmem>> -> memref<1x32x1024xf32, #tpu.memory_space<vmem>>
      %dma_wait3A_261 = tpu.memref_squeeze %dma_wait3A_260 : memref<1x32x1024xf32, #tpu.memory_space<vmem>> -> memref<32x1024xf32, #tpu.memory_space<vmem>>
      %dma_wait3A_262 = arith.constant 0 : i32
      %dma_wait3A_263 = tpu.memref_slice %arg2[%add3A_256, %dma_wait3A_262] : memref<32768x1024xf32, #tpu.memory_space<hbm>> -> memref<32x1024xf32, #tpu.memory_space<hbm>>
      %dma_wait3A_264 = arith.constant 0 : i32
      %dma_wait3A_265 = arith.constant 0 : i32
      %dma_wait3A_266 = tpu.memref_slice %arg6[%dma_wait3A_257, %dma_wait3A_264, %dma_wait3A_265] : memref<2x32x1024xf32, #tpu.memory_space<vmem>> -> memref<1x32x1024xf32, #tpu.memory_space<vmem>>
      %dma_wait3A_267 = tpu.memref_squeeze %dma_wait3A_266 : memref<1x32x1024xf32, #tpu.memory_space<vmem>> -> memref<32x1024xf32, #tpu.memory_space<vmem>>
      %dma_wait3A_268 = arith.constant 0 : i32
      %dma_wait3A_269 = tpu.memref_slice %arg2[%add3A_256, %dma_wait3A_268] : memref<32768x1024xf32, #tpu.memory_space<hbm>> -> memref<32x1024xf32, #tpu.memory_space<hbm>>
      tpu.wait_dma2 semaphore(%arg8 : memref<!tpu.dma_semaphore, #tpu.memory_space<semaphore_mem>>) src(%dma_wait3A_269 : memref<32x1024xf32, #tpu.memory_space<hbm>>) dst(%dma_wait3A_267 : memref<32x1024xf32, #tpu.memory_space<vmem>>)
      %ge3A_270 = arith.constant 1 : i32
      %ge3A_271 = arith.cmpi sge, %add3A_253, %ge3A_270 : i32
      %convert_element_type3A_272 = arith.extui %ge3A_271 : i1 to i32
      %cond3A_273 = arith.constant 0 : i32
      %cond3A_274 = arith.cmpi ne, %convert_element_type3A_272, %cond3A_273 : i32
      scf.if %cond3A_274 {
        %dma_wait3A_386 = arith.constant 0 : i32
        %dma_wait3A_387 = arith.constant 0 : i32
        %dma_wait3A_388 = arith.constant 0 : i32
        %dma_wait3A_389 = arith.constant 0 : i32
        %dma_wait3A_390 = tpu.memref_slice %arg6[%dma_wait3A_386, %dma_wait3A_388, %dma_wait3A_389] : memref<2x32x1024xf32, #tpu.memory_space<vmem>> -> memref<1x32x1024xf32, #tpu.memory_space<vmem>>
        %dma_wait3A_391 = tpu.memref_squeeze %dma_wait3A_390 : memref<1x32x1024xf32, #tpu.memory_space<vmem>> -> memref<32x1024xf32, #tpu.memory_space<vmem>>
        %dma_wait3A_392 = arith.constant 0 : i32
        %dma_wait3A_393 = tpu.memref_slice %arg5[%dma_wait3A_387, %dma_wait3A_392] : memref<8x1024xi32, #tpu.memory_space<vmem>> -> memref<1x32xi32, #tpu.memory_space<vmem>>
        %dma_wait3A_394 = tpu.memref_squeeze %dma_wait3A_393 : memref<1x32xi32, #tpu.memory_space<vmem>> -> memref<32xi32, #tpu.memory_space<vmem>>
        %dma_wait3A_395 = arith.constant 0 : i32
        %dma_wait3A_396 = arith.constant 0 : i32
        %dma_wait3A_397 = tpu.memref_slice %arg4[%dma_wait3A_395, %dma_wait3A_396] : memref<327680x1024xf32, #tpu.memory_space<hbm>> -> memref<327680x1024xf32, #tpu.memory_space<hbm>>
        tpu.wait_indirect_dma semaphore(%arg9 : memref<!tpu.dma_semaphore, #tpu.memory_space<semaphore_mem>>) src(%dma_wait3A_391 : memref<32x1024xf32, #tpu.memory_space<vmem>>) dst(%dma_wait3A_397 : memref<327680x1024xf32, #tpu.memory_space<hbm>>)
        %dma_wait3A_398 = arith.constant 0 : i32
        %dma_wait3A_399 = arith.constant 0 : i32
        %dma_wait3A_400 = arith.constant 0 : i32
        %dma_wait3A_401 = arith.constant 0 : i32
        %dma_wait3A_402 = tpu.memref_slice %arg6[%dma_wait3A_398, %dma_wait3A_400, %dma_wait3A_401] : memref<2x32x1024xf32, #tpu.memory_space<vmem>> -> memref<1x32x1024xf32, #tpu.memory_space<vmem>>
        %dma_wait3A_403 = tpu.memref_squeeze %dma_wait3A_402 : memref<1x32x1024xf32, #tpu.memory_space<vmem>> -> memref<32x1024xf32, #tpu.memory_space<vmem>>
        %dma_wait3A_404 = arith.constant 0 : i32
        %dma_wait3A_405 = tpu.memref_slice %arg5[%dma_wait3A_399, %dma_wait3A_404] : memref<8x1024xi32, #tpu.memory_space<vmem>> -> memref<1x32xi32, #tpu.memory_space<vmem>>
        %dma_wait3A_406 = tpu.memref_squeeze %dma_wait3A_405 : memref<1x32xi32, #tpu.memory_space<vmem>> -> memref<32xi32, #tpu.memory_space<vmem>>
        %dma_wait3A_407 = arith.constant 0 : i32
        %dma_wait3A_408 = arith.constant 0 : i32
        %dma_wait3A_409 = tpu.memref_slice %arg4[%dma_wait3A_407, %dma_wait3A_408] : memref<327680x1024xf32, #tpu.memory_space<hbm>> -> memref<327680x1024xf32, #tpu.memory_space<hbm>>
        tpu.wait_indirect_dma semaphore(%arg9 : memref<!tpu.dma_semaphore, #tpu.memory_space<semaphore_mem>>) src(%dma_wait3A_403 : memref<32x1024xf32, #tpu.memory_space<vmem>>) dst(%dma_wait3A_409 : memref<327680x1024xf32, #tpu.memory_space<hbm>>)
        %dma_wait3A_410 = arith.constant 0 : i32
        %dma_wait3A_411 = arith.constant 0 : i32
        %dma_wait3A_412 = arith.constant 0 : i32
        %dma_wait3A_413 = arith.constant 0 : i32
        %dma_wait3A_414 = tpu.memref_slice %arg6[%dma_wait3A_410, %dma_wait3A_412, %dma_wait3A_413] : memref<2x32x1024xf32, #tpu.memory_space<vmem>> -> memref<1x32x1024xf32, #tpu.memory_space<vmem>>
        %dma_wait3A_415 = tpu.memref_squeeze %dma_wait3A_414 : memref<1x32x1024xf32, #tpu.memory_space<vmem>> -> memref<32x1024xf32, #tpu.memory_space<vmem>>
        %dma_wait3A_416 = arith.constant 0 : i32
        %dma_wait3A_417 = tpu.memref_slice %arg5[%dma_wait3A_411, %dma_wait3A_416] : memref<8x1024xi32, #tpu.memory_space<vmem>> -> memref<1x32xi32, #tpu.memory_space<vmem>>
        %dma_wait3A_418 = tpu.memref_squeeze %dma_wait3A_417 : memref<1x32xi32, #tpu.memory_space<vmem>> -> memref<32xi32, #tpu.memory_space<vmem>>
        %dma_wait3A_419 = arith.constant 0 : i32
        %dma_wait3A_420 = arith.constant 0 : i32
        %dma_wait3A_421 = tpu.memref_slice %arg4[%dma_wait3A_419, %dma_wait3A_420] : memref<327680x1024xf32, #tpu.memory_space<hbm>> -> memref<327680x1024xf32, #tpu.memory_space<hbm>>
        tpu.wait_indirect_dma semaphore(%arg9 : memref<!tpu.dma_semaphore, #tpu.memory_space<semaphore_mem>>) src(%dma_wait3A_415 : memref<32x1024xf32, #tpu.memory_space<vmem>>) dst(%dma_wait3A_421 : memref<327680x1024xf32, #tpu.memory_space<hbm>>)
        %dma_wait3A_422 = arith.constant 0 : i32
        %dma_wait3A_423 = arith.constant 0 : i32
        %dma_wait3A_424 = arith.constant 0 : i32
        %dma_wait3A_425 = arith.constant 0 : i32
        %dma_wait3A_426 = tpu.memref_slice %arg6[%dma_wait3A_422, %dma_wait3A_424, %dma_wait3A_425] : memref<2x32x1024xf32, #tpu.memory_space<vmem>> -> memref<1x32x1024xf32, #tpu.memory_space<vmem>>
        %dma_wait3A_427 = tpu.memref_squeeze %dma_wait3A_426 : memref<1x32x1024xf32, #tpu.memory_space<vmem>> -> memref<32x1024xf32, #tpu.memory_space<vmem>>
        %dma_wait3A_428 = arith.constant 0 : i32
        %dma_wait3A_429 = tpu.memref_slice %arg5[%dma_wait3A_423, %dma_wait3A_428] : memref<8x1024xi32, #tpu.memory_space<vmem>> -> memref<1x32xi32, #tpu.memory_space<vmem>>
        %dma_wait3A_430 = tpu.memref_squeeze %dma_wait3A_429 : memref<1x32xi32, #tpu.memory_space<vmem>> -> memref<32xi32, #tpu.memory_space<vmem>>
        %dma_wait3A_431 = arith.constant 0 : i32
        %dma_wait3A_432 = arith.constant 0 : i32
        %dma_wait3A_433 = tpu.memref_slice %arg4[%dma_wait3A_431, %dma_wait3A_432] : memref<327680x1024xf32, #tpu.memory_space<hbm>> -> memref<327680x1024xf32, #tpu.memory_space<hbm>>
        tpu.wait_indirect_dma semaphore(%arg9 : memref<!tpu.dma_semaphore, #tpu.memory_space<semaphore_mem>>) src(%dma_wait3A_427 : memref<32x1024xf32, #tpu.memory_space<vmem>>) dst(%dma_wait3A_433 : memref<327680x1024xf32, #tpu.memory_space<hbm>>)
        %dma_wait3A_434 = arith.constant 0 : i32
        %dma_wait3A_435 = arith.constant 0 : i32
        %dma_wait3A_436 = arith.constant 0 : i32
        %dma_wait3A_437 = arith.constant 0 : i32
        %dma_wait3A_438 = tpu.memref_slice %arg6[%dma_wait3A_434, %dma_wait3A_436, %dma_wait3A_437] : memref<2x32x1024xf32, #tpu.memory_space<vmem>> -> memref<1x32x1024xf32, #tpu.memory_space<vmem>>
        %dma_wait3A_439 = tpu.memref_squeeze %dma_wait3A_438 : memref<1x32x1024xf32, #tpu.memory_space<vmem>> -> memref<32x1024xf32, #tpu.memory_space<vmem>>
        %dma_wait3A_440 = arith.constant 0 : i32
        %dma_wait3A_441 = tpu.memref_slice %arg5[%dma_wait3A_435, %dma_wait3A_440] : memref<8x1024xi32, #tpu.memory_space<vmem>> -> memref<1x32xi32, #tpu.memory_space<vmem>>
        %dma_wait3A_442 = tpu.memref_squeeze %dma_wait3A_441 : memref<1x32xi32, #tpu.memory_space<vmem>> -> memref<32xi32, #tpu.memory_space<vmem>>
        %dma_wait3A_443 = arith.constant 0 : i32
        %dma_wait3A_444 = arith.constant 0 : i32
        %dma_wait3A_445 = tpu.memref_slice %arg4[%dma_wait3A_443, %dma_wait3A_444] : memref<327680x1024xf32, #tpu.memory_space<hbm>> -> memref<327680x1024xf32, #tpu.memory_space<hbm>>
        tpu.wait_indirect_dma semaphore(%arg9 : memref<!tpu.dma_semaphore, #tpu.memory_space<semaphore_mem>>) src(%dma_wait3A_439 : memref<32x1024xf32, #tpu.memory_space<vmem>>) dst(%dma_wait3A_445 : memref<327680x1024xf32, #tpu.memory_space<hbm>>)
        %dma_wait3A_446 = arith.constant 0 : i32
        %dma_wait3A_447 = arith.constant 0 : i32
        %dma_wait3A_448 = arith.constant 0 : i32
        %dma_wait3A_449 = arith.constant 0 : i32
        %dma_wait3A_450 = tpu.memref_slice %arg6[%dma_wait3A_446, %dma_wait3A_448, %dma_wait3A_449] : memref<2x32x1024xf32, #tpu.memory_space<vmem>> -> memref<1x32x1024xf32, #tpu.memory_space<vmem>>
        %dma_wait3A_451 = tpu.memref_squeeze %dma_wait3A_450 : memref<1x32x1024xf32, #tpu.memory_space<vmem>> -> memref<32x1024xf32, #tpu.memory_space<vmem>>
        %dma_wait3A_452 = arith.constant 0 : i32
        %dma_wait3A_453 = tpu.memref_slice %arg5[%dma_wait3A_447, %dma_wait3A_452] : memref<8x1024xi32, #tpu.memory_space<vmem>> -> memref<1x32xi32, #tpu.memory_space<vmem>>
        %dma_wait3A_454 = tpu.memref_squeeze %dma_wait3A_453 : memref<1x32xi32, #tpu.memory_space<vmem>> -> memref<32xi32, #tpu.memory_space<vmem>>
        %dma_wait3A_455 = arith.constant 0 : i32
        %dma_wait3A_456 = arith.constant 0 : i32
        %dma_wait3A_457 = tpu.memref_slice %arg4[%dma_wait3A_455, %dma_wait3A_456] : memref<327680x1024xf32, #tpu.memory_space<hbm>> -> memref<327680x1024xf32, #tpu.memory_space<hbm>>
        tpu.wait_indirect_dma semaphore(%arg9 : memref<!tpu.dma_semaphore, #tpu.memory_space<semaphore_mem>>) src(%dma_wait3A_451 : memref<32x1024xf32, #tpu.memory_space<vmem>>) dst(%dma_wait3A_457 : memref<327680x1024xf32, #tpu.memory_space<hbm>>)
        %dma_wait3A_458 = arith.constant 0 : i32
        %dma_wait3A_459 = arith.constant 0 : i32
        %dma_wait3A_460 = arith.constant 0 : i32
        %dma_wait3A_461 = arith.constant 0 : i32
        %dma_wait3A_462 = tpu.memref_slice %arg6[%dma_wait3A_458, %dma_wait3A_460, %dma_wait3A_461] : memref<2x32x1024xf32, #tpu.memory_space<vmem>> -> memref<1x32x1024xf32, #tpu.memory_space<vmem>>
        %dma_wait3A_463 = tpu.memref_squeeze %dma_wait3A_462 : memref<1x32x1024xf32, #tpu.memory_space<vmem>> -> memref<32x1024xf32, #tpu.memory_space<vmem>>
        %dma_wait3A_464 = arith.constant 0 : i32
        %dma_wait3A_465 = tpu.memref_slice %arg5[%dma_wait3A_459, %dma_wait3A_464] : memref<8x1024xi32, #tpu.memory_space<vmem>> -> memref<1x32xi32, #tpu.memory_space<vmem>>
        %dma_wait3A_466 = tpu.memref_squeeze %dma_wait3A_465 : memref<1x32xi32, #tpu.memory_space<vmem>> -> memref<32xi32, #tpu.memory_space<vmem>>
        %dma_wait3A_467 = arith.constant 0 : i32
        %dma_wait3A_468 = arith.constant 0 : i32
        %dma_wait3A_469 = tpu.memref_slice %arg4[%dma_wait3A_467, %dma_wait3A_468] : memref<327680x1024xf32, #tpu.memory_space<hbm>> -> memref<327680x1024xf32, #tpu.memory_space<hbm>>
        tpu.wait_indirect_dma semaphore(%arg9 : memref<!tpu.dma_semaphore, #tpu.memory_space<semaphore_mem>>) src(%dma_wait3A_463 : memref<32x1024xf32, #tpu.memory_space<vmem>>) dst(%dma_wait3A_469 : memref<327680x1024xf32, #tpu.memory_space<hbm>>)
        %dma_wait3A_470 = arith.constant 0 : i32
        %dma_wait3A_471 = arith.constant 0 : i32
        %dma_wait3A_472 = arith.constant 0 : i32
        %dma_wait3A_473 = arith.constant 0 : i32
        %dma_wait3A_474 = tpu.memref_slice %arg6[%dma_wait3A_470, %dma_wait3A_472, %dma_wait3A_473] : memref<2x32x1024xf32, #tpu.memory_space<vmem>> -> memref<1x32x1024xf32, #tpu.memory_space<vmem>>
        %dma_wait3A_475 = tpu.memref_squeeze %dma_wait3A_474 : memref<1x32x1024xf32, #tpu.memory_space<vmem>> -> memref<32x1024xf32, #tpu.memory_space<vmem>>
        %dma_wait3A_476 = arith.constant 0 : i32
        %dma_wait3A_477 = tpu.memref_slice %arg5[%dma_wait3A_471, %dma_wait3A_476] : memref<8x1024xi32, #tpu.memory_space<vmem>> -> memref<1x32xi32, #tpu.memory_space<vmem>>
        %dma_wait3A_478 = tpu.memref_squeeze %dma_wait3A_477 : memref<1x32xi32, #tpu.memory_space<vmem>> -> memref<32xi32, #tpu.memory_space<vmem>>
        %dma_wait3A_479 = arith.constant 0 : i32
        %dma_wait3A_480 = arith.constant 0 : i32
        %dma_wait3A_481 = tpu.memref_slice %arg4[%dma_wait3A_479, %dma_wait3A_480] : memref<327680x1024xf32, #tpu.memory_space<hbm>> -> memref<327680x1024xf32, #tpu.memory_space<hbm>>
        tpu.wait_indirect_dma semaphore(%arg9 : memref<!tpu.dma_semaphore, #tpu.memory_space<semaphore_mem>>) src(%dma_wait3A_475 : memref<32x1024xf32, #tpu.memory_space<vmem>>) dst(%dma_wait3A_481 : memref<327680x1024xf32, #tpu.memory_space<hbm>>)
      } else {
      }
      %add3A_275 = arith.constant 1 : i32
      %add3A_276 = arith.addi %add3A_253, %add3A_275 : i32
      %lt3A_277 = arith.constant 32 : i32
      %lt3A_278 = arith.cmpi slt, %add3A_276, %lt3A_277 : i32
      %convert_element_type3A_279 = arith.extui %lt3A_278 : i1 to i32
      %cond3A_280 = arith.constant 0 : i32
      %cond3A_281 = arith.cmpi ne, %convert_element_type3A_279, %cond3A_280 : i32
      scf.if %cond3A_281 {
        %add3A_386 = arith.constant 1 : i32
        %add3A_387 = arith.addi %add3A_253, %add3A_386 : i32
        %mul3A_388 = arith.constant 32 : i32
        %mul3A_389 = arith.muli %add3A_387, %mul3A_388 : i32
        %add3A_390 = arith.addi %mul3A_2, %mul3A_389 : i32
        %dma_start3A_391 = arith.constant 0 : i32
        %dma_start3A_392 = arith.constant 0 : i32
        %dma_start3A_393 = arith.constant 0 : i32
        %dma_start3A_394 = tpu.memref_slice %arg6[%dma_start3A_391, %dma_start3A_392, %dma_start3A_393] : memref<2x32x1024xf32, #tpu.memory_space<vmem>> -> memref<1x32x1024xf32, #tpu.memory_space<vmem>>
        %dma_start3A_395 = tpu.memref_squeeze %dma_start3A_394 : memref<1x32x1024xf32, #tpu.memory_space<vmem>> -> memref<32x1024xf32, #tpu.memory_space<vmem>>
        %dma_start3A_396 = arith.constant 0 : i32
        %dma_start3A_397 = tpu.memref_slice %arg2[%add3A_390, %dma_start3A_396] : memref<32768x1024xf32, #tpu.memory_space<hbm>> -> memref<32x1024xf32, #tpu.memory_space<hbm>>
        %dma_start3A_398 = arith.constant 0 : i32
        %dma_start3A_399 = arith.constant 0 : i32
        %dma_start3A_400 = tpu.memref_slice %arg6[%dma_start3A_391, %dma_start3A_398, %dma_start3A_399] : memref<2x32x1024xf32, #tpu.memory_space<vmem>> -> memref<1x32x1024xf32, #tpu.memory_space<vmem>>
        %dma_start3A_401 = tpu.memref_squeeze %dma_start3A_400 : memref<1x32x1024xf32, #tpu.memory_space<vmem>> -> memref<32x1024xf32, #tpu.memory_space<vmem>>
        %dma_start3A_402 = arith.constant 0 : i32
        %dma_start3A_403 = tpu.memref_slice %arg2[%add3A_390, %dma_start3A_402] : memref<32768x1024xf32, #tpu.memory_space<hbm>> -> memref<32x1024xf32, #tpu.memory_space<hbm>>
        tpu.enqueue_dma source(%dma_start3A_403 : memref<32x1024xf32, #tpu.memory_space<hbm>>) target(%dma_start3A_401 : memref<32x1024xf32, #tpu.memory_space<vmem>>) target_semaphore(%arg7 : memref<!tpu.dma_semaphore, #tpu.memory_space<semaphore_mem>>)
      } else {
      }
      %mul3A_282 = arith.constant 32 : i32
      %mul3A_283 = arith.muli %add3A_253, %mul3A_282 : i32
      %dma_start3A_284 = arith.constant 1 : i32
      %dma_start3A_285 = arith.constant 0 : i32
      %dma_start3A_286 = arith.constant 0 : i32
      %dma_start3A_287 = arith.constant 0 : i32
      %dma_start3A_288 = tpu.memref_slice %arg6[%dma_start3A_284, %dma_start3A_286, %dma_start3A_287] : memref<2x32x1024xf32, #tpu.memory_space<vmem>> -> memref<1x32x1024xf32, #tpu.memory_space<vmem>>
      %dma_start3A_289 = tpu.memref_squeeze %dma_start3A_288 : memref<1x32x1024xf32, #tpu.memory_space<vmem>> -> memref<32x1024xf32, #tpu.memory_space<vmem>>
      %dma_start3A_290 = tpu.memref_slice %arg5[%dma_start3A_285, %mul3A_283] : memref<8x1024xi32, #tpu.memory_space<vmem>> -> memref<1x32xi32, #tpu.memory_space<vmem>>
      %dma_start3A_291 = tpu.memref_squeeze %dma_start3A_290 : memref<1x32xi32, #tpu.memory_space<vmem>> -> memref<32xi32, #tpu.memory_space<vmem>>
      %dma_start3A_292 = arith.constant 0 : i32
      %dma_start3A_293 = arith.constant 0 : i32
      %dma_start3A_294 = tpu.memref_slice %arg4[%dma_start3A_292, %dma_start3A_293] : memref<327680x1024xf32, #tpu.memory_space<hbm>> -> memref<327680x1024xf32, #tpu.memory_space<hbm>>
      tpu.enqueue_indirect_dma source(%dma_start3A_289 : memref<32x1024xf32, #tpu.memory_space<vmem>>) target(%dma_start3A_294 : memref<327680x1024xf32, #tpu.memory_space<hbm>>) offsets(%dma_start3A_291 : memref<32xi32, #tpu.memory_space<vmem>>) semaphore(%arg10 : memref<!tpu.dma_semaphore, #tpu.memory_space<semaphore_mem>>)
      %mul3A_295 = arith.constant 32 : i32
      %mul3A_296 = arith.muli %add3A_253, %mul3A_295 : i32
      %dma_start3A_297 = arith.constant 1 : i32
      %dma_start3A_298 = arith.constant 1 : i32
      %dma_start3A_299 = arith.constant 0 : i32
      %dma_start3A_300 = arith.constant 0 : i32
      %dma_start3A_301 = tpu.memref_slice %arg6[%dma_start3A_297, %dma_start3A_299, %dma_start3A_300] : memref<2x32x1024xf32, #tpu.memory_space<vmem>> -> memref<1x32x1024xf32, #tpu.memory_space<vmem>>
      %dma_start3A_302 = tpu.memref_squeeze %dma_start3A_301 : memref<1x32x1024xf32, #tpu.memory_space<vmem>> -> memref<32x1024xf32, #tpu.memory_space<vmem>>
      %dma_start3A_303 = tpu.memref_slice %arg5[%dma_start3A_298, %mul3A_296] : memref<8x1024xi32, #tpu.memory_space<vmem>> -> memref<1x32xi32, #tpu.memory_space<vmem>>
      %dma_start3A_304 = tpu.memref_squeeze %dma_start3A_303 : memref<1x32xi32, #tpu.memory_space<vmem>> -> memref<32xi32, #tpu.memory_space<vmem>>
      %dma_start3A_305 = arith.constant 0 : i32
      %dma_start3A_306 = arith.constant 0 : i32
      %dma_start3A_307 = tpu.memref_slice %arg4[%dma_start3A_305, %dma_start3A_306] : memref<327680x1024xf32, #tpu.memory_space<hbm>> -> memref<327680x1024xf32, #tpu.memory_space<hbm>>
      tpu.enqueue_indirect_dma source(%dma_start3A_302 : memref<32x1024xf32, #tpu.memory_space<vmem>>) target(%dma_start3A_307 : memref<327680x1024xf32, #tpu.memory_space<hbm>>) offsets(%dma_start3A_304 : memref<32xi32, #tpu.memory_space<vmem>>) semaphore(%arg10 : memref<!tpu.dma_semaphore, #tpu.memory_space<semaphore_mem>>)
      %mul3A_308 = arith.constant 32 : i32
      %mul3A_309 = arith.muli %add3A_253, %mul3A_308 : i32
      %dma_start3A_310 = arith.constant 1 : i32
      %dma_start3A_311 = arith.constant 2 : i32
      %dma_start3A_312 = arith.constant 0 : i32
      %dma_start3A_313 = arith.constant 0 : i32
      %dma_start3A_314 = tpu.memref_slice %arg6[%dma_start3A_310, %dma_start3A_312, %dma_start3A_313] : memref<2x32x1024xf32, #tpu.memory_space<vmem>> -> memref<1x32x1024xf32, #tpu.memory_space<vmem>>
      %dma_start3A_315 = tpu.memref_squeeze %dma_start3A_314 : memref<1x32x1024xf32, #tpu.memory_space<vmem>> -> memref<32x1024xf32, #tpu.memory_space<vmem>>
      %dma_start3A_316 = tpu.memref_slice %arg5[%dma_start3A_311, %mul3A_309] : memref<8x1024xi32, #tpu.memory_space<vmem>> -> memref<1x32xi32, #tpu.memory_space<vmem>>
      %dma_start3A_317 = tpu.memref_squeeze %dma_start3A_316 : memref<1x32xi32, #tpu.memory_space<vmem>> -> memref<32xi32, #tpu.memory_space<vmem>>
      %dma_start3A_318 = arith.constant 0 : i32
      %dma_start3A_319 = arith.constant 0 : i32
      %dma_start3A_320 = tpu.memref_slice %arg4[%dma_start3A_318, %dma_start3A_319] : memref<327680x1024xf32, #tpu.memory_space<hbm>> -> memref<327680x1024xf32, #tpu.memory_space<hbm>>
      tpu.enqueue_indirect_dma source(%dma_start3A_315 : memref<32x1024xf32, #tpu.memory_space<vmem>>) target(%dma_start3A_320 : memref<327680x1024xf32, #tpu.memory_space<hbm>>) offsets(%dma_start3A_317 : memref<32xi32, #tpu.memory_space<vmem>>) semaphore(%arg10 : memref<!tpu.dma_semaphore, #tpu.memory_space<semaphore_mem>>)
      %mul3A_321 = arith.constant 32 : i32
      %mul3A_322 = arith.muli %add3A_253, %mul3A_321 : i32
      %dma_start3A_323 = arith.constant 1 : i32
      %dma_start3A_324 = arith.constant 3 : i32
      %dma_start3A_325 = arith.constant 0 : i32
      %dma_start3A_326 = arith.constant 0 : i32
      %dma_start3A_327 = tpu.memref_slice %arg6[%dma_start3A_323, %dma_start3A_325, %dma_start3A_326] : memref<2x32x1024xf32, #tpu.memory_space<vmem>> -> memref<1x32x1024xf32, #tpu.memory_space<vmem>>
      %dma_start3A_328 = tpu.memref_squeeze %dma_start3A_327 : memref<1x32x1024xf32, #tpu.memory_space<vmem>> -> memref<32x1024xf32, #tpu.memory_space<vmem>>
      %dma_start3A_329 = tpu.memref_slice %arg5[%dma_start3A_324, %mul3A_322] : memref<8x1024xi32, #tpu.memory_space<vmem>> -> memref<1x32xi32, #tpu.memory_space<vmem>>
      %dma_start3A_330 = tpu.memref_squeeze %dma_start3A_329 : memref<1x32xi32, #tpu.memory_space<vmem>> -> memref<32xi32, #tpu.memory_space<vmem>>
      %dma_start3A_331 = arith.constant 0 : i32
      %dma_start3A_332 = arith.constant 0 : i32
      %dma_start3A_333 = tpu.memref_slice %arg4[%dma_start3A_331, %dma_start3A_332] : memref<327680x1024xf32, #tpu.memory_space<hbm>> -> memref<327680x1024xf32, #tpu.memory_space<hbm>>
      tpu.enqueue_indirect_dma source(%dma_start3A_328 : memref<32x1024xf32, #tpu.memory_space<vmem>>) target(%dma_start3A_333 : memref<327680x1024xf32, #tpu.memory_space<hbm>>) offsets(%dma_start3A_330 : memref<32xi32, #tpu.memory_space<vmem>>) semaphore(%arg10 : memref<!tpu.dma_semaphore, #tpu.memory_space<semaphore_mem>>)
      %mul3A_334 = arith.constant 32 : i32
      %mul3A_335 = arith.muli %add3A_253, %mul3A_334 : i32
      %dma_start3A_336 = arith.constant 1 : i32
      %dma_start3A_337 = arith.constant 4 : i32
      %dma_start3A_338 = arith.constant 0 : i32
      %dma_start3A_339 = arith.constant 0 : i32
      %dma_start3A_340 = tpu.memref_slice %arg6[%dma_start3A_336, %dma_start3A_338, %dma_start3A_339] : memref<2x32x1024xf32, #tpu.memory_space<vmem>> -> memref<1x32x1024xf32, #tpu.memory_space<vmem>>
      %dma_start3A_341 = tpu.memref_squeeze %dma_start3A_340 : memref<1x32x1024xf32, #tpu.memory_space<vmem>> -> memref<32x1024xf32, #tpu.memory_space<vmem>>
      %dma_start3A_342 = tpu.memref_slice %arg5[%dma_start3A_337, %mul3A_335] : memref<8x1024xi32, #tpu.memory_space<vmem>> -> memref<1x32xi32, #tpu.memory_space<vmem>>
      %dma_start3A_343 = tpu.memref_squeeze %dma_start3A_342 : memref<1x32xi32, #tpu.memory_space<vmem>> -> memref<32xi32, #tpu.memory_space<vmem>>
      %dma_start3A_344 = arith.constant 0 : i32
      %dma_start3A_345 = arith.constant 0 : i32
      %dma_start3A_346 = tpu.memref_slice %arg4[%dma_start3A_344, %dma_start3A_345] : memref<327680x1024xf32, #tpu.memory_space<hbm>> -> memref<327680x1024xf32, #tpu.memory_space<hbm>>
      tpu.enqueue_indirect_dma source(%dma_start3A_341 : memref<32x1024xf32, #tpu.memory_space<vmem>>) target(%dma_start3A_346 : memref<327680x1024xf32, #tpu.memory_space<hbm>>) offsets(%dma_start3A_343 : memref<32xi32, #tpu.memory_space<vmem>>) semaphore(%arg10 : memref<!tpu.dma_semaphore, #tpu.memory_space<semaphore_mem>>)
      %mul3A_347 = arith.constant 32 : i32
      %mul3A_348 = arith.muli %add3A_253, %mul3A_347 : i32
      %dma_start3A_349 = arith.constant 1 : i32
      %dma_start3A_350 = arith.constant 5 : i32
      %dma_start3A_351 = arith.constant 0 : i32
      %dma_start3A_352 = arith.constant 0 : i32
      %dma_start3A_353 = tpu.memref_slice %arg6[%dma_start3A_349, %dma_start3A_351, %dma_start3A_352] : memref<2x32x1024xf32, #tpu.memory_space<vmem>> -> memref<1x32x1024xf32, #tpu.memory_space<vmem>>
      %dma_start3A_354 = tpu.memref_squeeze %dma_start3A_353 : memref<1x32x1024xf32, #tpu.memory_space<vmem>> -> memref<32x1024xf32, #tpu.memory_space<vmem>>
      %dma_start3A_355 = tpu.memref_slice %arg5[%dma_start3A_350, %mul3A_348] : memref<8x1024xi32, #tpu.memory_space<vmem>> -> memref<1x32xi32, #tpu.memory_space<vmem>>
      %dma_start3A_356 = tpu.memref_squeeze %dma_start3A_355 : memref<1x32xi32, #tpu.memory_space<vmem>> -> memref<32xi32, #tpu.memory_space<vmem>>
      %dma_start3A_357 = arith.constant 0 : i32
      %dma_start3A_358 = arith.constant 0 : i32
      %dma_start3A_359 = tpu.memref_slice %arg4[%dma_start3A_357, %dma_start3A_358] : memref<327680x1024xf32, #tpu.memory_space<hbm>> -> memref<327680x1024xf32, #tpu.memory_space<hbm>>
      tpu.enqueue_indirect_dma source(%dma_start3A_354 : memref<32x1024xf32, #tpu.memory_space<vmem>>) target(%dma_start3A_359 : memref<327680x1024xf32, #tpu.memory_space<hbm>>) offsets(%dma_start3A_356 : memref<32xi32, #tpu.memory_space<vmem>>) semaphore(%arg10 : memref<!tpu.dma_semaphore, #tpu.memory_space<semaphore_mem>>)
      %mul3A_360 = arith.constant 32 : i32
      %mul3A_361 = arith.muli %add3A_253, %mul3A_360 : i32
      %dma_start3A_362 = arith.constant 1 : i32
      %dma_start3A_363 = arith.constant 6 : i32
      %dma_start3A_364 = arith.constant 0 : i32
      %dma_start3A_365 = arith.constant 0 : i32
      %dma_start3A_366 = tpu.memref_slice %arg6[%dma_start3A_362, %dma_start3A_364, %dma_start3A_365] : memref<2x32x1024xf32, #tpu.memory_space<vmem>> -> memref<1x32x1024xf32, #tpu.memory_space<vmem>>
      %dma_start3A_367 = tpu.memref_squeeze %dma_start3A_366 : memref<1x32x1024xf32, #tpu.memory_space<vmem>> -> memref<32x1024xf32, #tpu.memory_space<vmem>>
      %dma_start3A_368 = tpu.memref_slice %arg5[%dma_start3A_363, %mul3A_361] : memref<8x1024xi32, #tpu.memory_space<vmem>> -> memref<1x32xi32, #tpu.memory_space<vmem>>
      %dma_start3A_369 = tpu.memref_squeeze %dma_start3A_368 : memref<1x32xi32, #tpu.memory_space<vmem>> -> memref<32xi32, #tpu.memory_space<vmem>>
      %dma_start3A_370 = arith.constant 0 : i32
      %dma_start3A_371 = arith.constant 0 : i32
      %dma_start3A_372 = tpu.memref_slice %arg4[%dma_start3A_370, %dma_start3A_371] : memref<327680x1024xf32, #tpu.memory_space<hbm>> -> memref<327680x1024xf32, #tpu.memory_space<hbm>>
      tpu.enqueue_indirect_dma source(%dma_start3A_367 : memref<32x1024xf32, #tpu.memory_space<vmem>>) target(%dma_start3A_372 : memref<327680x1024xf32, #tpu.memory_space<hbm>>) offsets(%dma_start3A_369 : memref<32xi32, #tpu.memory_space<vmem>>) semaphore(%arg10 : memref<!tpu.dma_semaphore, #tpu.memory_space<semaphore_mem>>)
      %mul3A_373 = arith.constant 32 : i32
      %mul3A_374 = arith.muli %add3A_253, %mul3A_373 : i32
      %dma_start3A_375 = arith.constant 1 : i32
      %dma_start3A_376 = arith.constant 7 : i32
      %dma_start3A_377 = arith.constant 0 : i32
      %dma_start3A_378 = arith.constant 0 : i32
      %dma_start3A_379 = tpu.memref_slice %arg6[%dma_start3A_375, %dma_start3A_377, %dma_start3A_378] : memref<2x32x1024xf32, #tpu.memory_space<vmem>> -> memref<1x32x1024xf32, #tpu.memory_space<vmem>>
      %dma_start3A_380 = tpu.memref_squeeze %dma_start3A_379 : memref<1x32x1024xf32, #tpu.memory_space<vmem>> -> memref<32x1024xf32, #tpu.memory_space<vmem>>
      %dma_start3A_381 = tpu.memref_slice %arg5[%dma_start3A_376, %mul3A_374] : memref<8x1024xi32, #tpu.memory_space<vmem>> -> memref<1x32xi32, #tpu.memory_space<vmem>>
      %dma_start3A_382 = tpu.memref_squeeze %dma_start3A_381 : memref<1x32xi32, #tpu.memory_space<vmem>> -> memref<32xi32, #tpu.memory_space<vmem>>
      %dma_start3A_383 = arith.constant 0 : i32
      %dma_start3A_384 = arith.constant 0 : i32
      %dma_start3A_385 = tpu.memref_slice %arg4[%dma_start3A_383, %dma_start3A_384] : memref<327680x1024xf32, #tpu.memory_space<hbm>> -> memref<327680x1024xf32, #tpu.memory_space<hbm>>
      tpu.enqueue_indirect_dma source(%dma_start3A_380 : memref<32x1024xf32, #tpu.memory_space<vmem>>) target(%dma_start3A_385 : memref<327680x1024xf32, #tpu.memory_space<hbm>>) offsets(%dma_start3A_382 : memref<32xi32, #tpu.memory_space<vmem>>) semaphore(%arg10 : memref<!tpu.dma_semaphore, #tpu.memory_space<semaphore_mem>>)
    }
    %scan3A_21 = arith.constant 16 : i32
    %dma_wait3A = arith.constant 1 : i32
    %dma_wait3A_22 = arith.constant 0 : i32
    %dma_wait3A_23 = arith.constant 0 : i32
    %dma_wait3A_24 = arith.constant 0 : i32
    %dma_wait3A_25 = tpu.memref_slice %arg6[%dma_wait3A, %dma_wait3A_23, %dma_wait3A_24] : memref<2x32x1024xf32, #tpu.memory_space<vmem>> -> memref<1x32x1024xf32, #tpu.memory_space<vmem>>
    %dma_wait3A_26 = tpu.memref_squeeze %dma_wait3A_25 : memref<1x32x1024xf32, #tpu.memory_space<vmem>> -> memref<32x1024xf32, #tpu.memory_space<vmem>>
    %dma_wait3A_27 = arith.constant 0 : i32
    %dma_wait3A_28 = tpu.memref_slice %arg5[%dma_wait3A_22, %dma_wait3A_27] : memref<8x1024xi32, #tpu.memory_space<vmem>> -> memref<1x32xi32, #tpu.memory_space<vmem>>
    %dma_wait3A_29 = tpu.memref_squeeze %dma_wait3A_28 : memref<1x32xi32, #tpu.memory_space<vmem>> -> memref<32xi32, #tpu.memory_space<vmem>>
    %dma_wait3A_30 = arith.constant 0 : i32
    %dma_wait3A_31 = arith.constant 0 : i32
    %dma_wait3A_32 = tpu.memref_slice %arg4[%dma_wait3A_30, %dma_wait3A_31] : memref<327680x1024xf32, #tpu.memory_space<hbm>> -> memref<327680x1024xf32, #tpu.memory_space<hbm>>
    tpu.wait_indirect_dma semaphore(%arg10 : memref<!tpu.dma_semaphore, #tpu.memory_space<semaphore_mem>>) src(%dma_wait3A_26 : memref<32x1024xf32, #tpu.memory_space<vmem>>) dst(%dma_wait3A_32 : memref<327680x1024xf32, #tpu.memory_space<hbm>>)
    %dma_wait3A_33 = arith.constant 1 : i32
    %dma_wait3A_34 = arith.constant 0 : i32
    %dma_wait3A_35 = arith.constant 0 : i32
    %dma_wait3A_36 = arith.constant 0 : i32
    %dma_wait3A_37 = tpu.memref_slice %arg6[%dma_wait3A_33, %dma_wait3A_35, %dma_wait3A_36] : memref<2x32x1024xf32, #tpu.memory_space<vmem>> -> memref<1x32x1024xf32, #tpu.memory_space<vmem>>
    %dma_wait3A_38 = tpu.memref_squeeze %dma_wait3A_37 : memref<1x32x1024xf32, #tpu.memory_space<vmem>> -> memref<32x1024xf32, #tpu.memory_space<vmem>>
    %dma_wait3A_39 = arith.constant 0 : i32
    %dma_wait3A_40 = tpu.memref_slice %arg5[%dma_wait3A_34, %dma_wait3A_39] : memref<8x1024xi32, #tpu.memory_space<vmem>> -> memref<1x32xi32, #tpu.memory_space<vmem>>
    %dma_wait3A_41 = tpu.memref_squeeze %dma_wait3A_40 : memref<1x32xi32, #tpu.memory_space<vmem>> -> memref<32xi32, #tpu.memory_space<vmem>>
    %dma_wait3A_42 = arith.constant 0 : i32
    %dma_wait3A_43 = arith.constant 0 : i32
    %dma_wait3A_44 = tpu.memref_slice %arg4[%dma_wait3A_42, %dma_wait3A_43] : memref<327680x1024xf32, #tpu.memory_space<hbm>> -> memref<327680x1024xf32, #tpu.memory_space<hbm>>
    tpu.wait_indirect_dma semaphore(%arg10 : memref<!tpu.dma_semaphore, #tpu.memory_space<semaphore_mem>>) src(%dma_wait3A_38 : memref<32x1024xf32, #tpu.memory_space<vmem>>) dst(%dma_wait3A_44 : memref<327680x1024xf32, #tpu.memory_space<hbm>>)
    %dma_wait3A_45 = arith.constant 1 : i32
    %dma_wait3A_46 = arith.constant 0 : i32
    %dma_wait3A_47 = arith.constant 0 : i32
    %dma_wait3A_48 = arith.constant 0 : i32
    %dma_wait3A_49 = tpu.memref_slice %arg6[%dma_wait3A_45, %dma_wait3A_47, %dma_wait3A_48] : memref<2x32x1024xf32, #tpu.memory_space<vmem>> -> memref<1x32x1024xf32, #tpu.memory_space<vmem>>
    %dma_wait3A_50 = tpu.memref_squeeze %dma_wait3A_49 : memref<1x32x1024xf32, #tpu.memory_space<vmem>> -> memref<32x1024xf32, #tpu.memory_space<vmem>>
    %dma_wait3A_51 = arith.constant 0 : i32
    %dma_wait3A_52 = tpu.memref_slice %arg5[%dma_wait3A_46, %dma_wait3A_51] : memref<8x1024xi32, #tpu.memory_space<vmem>> -> memref<1x32xi32, #tpu.memory_space<vmem>>
    %dma_wait3A_53 = tpu.memref_squeeze %dma_wait3A_52 : memref<1x32xi32, #tpu.memory_space<vmem>> -> memref<32xi32, #tpu.memory_space<vmem>>
    %dma_wait3A_54 = arith.constant 0 : i32
    %dma_wait3A_55 = arith.constant 0 : i32
    %dma_wait3A_56 = tpu.memref_slice %arg4[%dma_wait3A_54, %dma_wait3A_55] : memref<327680x1024xf32, #tpu.memory_space<hbm>> -> memref<327680x1024xf32, #tpu.memory_space<hbm>>
    tpu.wait_indirect_dma semaphore(%arg10 : memref<!tpu.dma_semaphore, #tpu.memory_space<semaphore_mem>>) src(%dma_wait3A_50 : memref<32x1024xf32, #tpu.memory_space<vmem>>) dst(%dma_wait3A_56 : memref<327680x1024xf32, #tpu.memory_space<hbm>>)
    %dma_wait3A_57 = arith.constant 1 : i32
    %dma_wait3A_58 = arith.constant 0 : i32
    %dma_wait3A_59 = arith.constant 0 : i32
    %dma_wait3A_60 = arith.constant 0 : i32
    %dma_wait3A_61 = tpu.memref_slice %arg6[%dma_wait3A_57, %dma_wait3A_59, %dma_wait3A_60] : memref<2x32x1024xf32, #tpu.memory_space<vmem>> -> memref<1x32x1024xf32, #tpu.memory_space<vmem>>
    %dma_wait3A_62 = tpu.memref_squeeze %dma_wait3A_61 : memref<1x32x1024xf32, #tpu.memory_space<vmem>> -> memref<32x1024xf32, #tpu.memory_space<vmem>>
    %dma_wait3A_63 = arith.constant 0 : i32
    %dma_wait3A_64 = tpu.memref_slice %arg5[%dma_wait3A_58, %dma_wait3A_63] : memref<8x1024xi32, #tpu.memory_space<vmem>> -> memref<1x32xi32, #tpu.memory_space<vmem>>
    %dma_wait3A_65 = tpu.memref_squeeze %dma_wait3A_64 : memref<1x32xi32, #tpu.memory_space<vmem>> -> memref<32xi32, #tpu.memory_space<vmem>>
    %dma_wait3A_66 = arith.constant 0 : i32
    %dma_wait3A_67 = arith.constant 0 : i32
    %dma_wait3A_68 = tpu.memref_slice %arg4[%dma_wait3A_66, %dma_wait3A_67] : memref<327680x1024xf32, #tpu.memory_space<hbm>> -> memref<327680x1024xf32, #tpu.memory_space<hbm>>
    tpu.wait_indirect_dma semaphore(%arg10 : memref<!tpu.dma_semaphore, #tpu.memory_space<semaphore_mem>>) src(%dma_wait3A_62 : memref<32x1024xf32, #tpu.memory_space<vmem>>) dst(%dma_wait3A_68 : memref<327680x1024xf32, #tpu.memory_space<hbm>>)
    %dma_wait3A_69 = arith.constant 1 : i32
    %dma_wait3A_70 = arith.constant 0 : i32
    %dma_wait3A_71 = arith.constant 0 : i32
    %dma_wait3A_72 = arith.constant 0 : i32
    %dma_wait3A_73 = tpu.memref_slice %arg6[%dma_wait3A_69, %dma_wait3A_71, %dma_wait3A_72] : memref<2x32x1024xf32, #tpu.memory_space<vmem>> -> memref<1x32x1024xf32, #tpu.memory_space<vmem>>
    %dma_wait3A_74 = tpu.memref_squeeze %dma_wait3A_73 : memref<1x32x1024xf32, #tpu.memory_space<vmem>> -> memref<32x1024xf32, #tpu.memory_space<vmem>>
    %dma_wait3A_75 = arith.constant 0 : i32
    %dma_wait3A_76 = tpu.memref_slice %arg5[%dma_wait3A_70, %dma_wait3A_75] : memref<8x1024xi32, #tpu.memory_space<vmem>> -> memref<1x32xi32, #tpu.memory_space<vmem>>
    %dma_wait3A_77 = tpu.memref_squeeze %dma_wait3A_76 : memref<1x32xi32, #tpu.memory_space<vmem>> -> memref<32xi32, #tpu.memory_space<vmem>>
    %dma_wait3A_78 = arith.constant 0 : i32
    %dma_wait3A_79 = arith.constant 0 : i32
    %dma_wait3A_80 = tpu.memref_slice %arg4[%dma_wait3A_78, %dma_wait3A_79] : memref<327680x1024xf32, #tpu.memory_space<hbm>> -> memref<327680x1024xf32, #tpu.memory_space<hbm>>
    tpu.wait_indirect_dma semaphore(%arg10 : memref<!tpu.dma_semaphore, #tpu.memory_space<semaphore_mem>>) src(%dma_wait3A_74 : memref<32x1024xf32, #tpu.memory_space<vmem>>) dst(%dma_wait3A_80 : memref<327680x1024xf32, #tpu.memory_space<hbm>>)
    %dma_wait3A_81 = arith.constant 1 : i32
    %dma_wait3A_82 = arith.constant 0 : i32
    %dma_wait3A_83 = arith.constant 0 : i32
    %dma_wait3A_84 = arith.constant 0 : i32
    %dma_wait3A_85 = tpu.memref_slice %arg6[%dma_wait3A_81, %dma_wait3A_83, %dma_wait3A_84] : memref<2x32x1024xf32, #tpu.memory_space<vmem>> -> memref<1x32x1024xf32, #tpu.memory_space<vmem>>
    %dma_wait3A_86 = tpu.memref_squeeze %dma_wait3A_85 : memref<1x32x1024xf32, #tpu.memory_space<vmem>> -> memref<32x1024xf32, #tpu.memory_space<vmem>>
    %dma_wait3A_87 = arith.constant 0 : i32
    %dma_wait3A_88 = tpu.memref_slice %arg5[%dma_wait3A_82, %dma_wait3A_87] : memref<8x1024xi32, #tpu.memory_space<vmem>> -> memref<1x32xi32, #tpu.memory_space<vmem>>
    %dma_wait3A_89 = tpu.memref_squeeze %dma_wait3A_88 : memref<1x32xi32, #tpu.memory_space<vmem>> -> memref<32xi32, #tpu.memory_space<vmem>>
    %dma_wait3A_90 = arith.constant 0 : i32
    %dma_wait3A_91 = arith.constant 0 : i32
    %dma_wait3A_92 = tpu.memref_slice %arg4[%dma_wait3A_90, %dma_wait3A_91] : memref<327680x1024xf32, #tpu.memory_space<hbm>> -> memref<327680x1024xf32, #tpu.memory_space<hbm>>
    tpu.wait_indirect_dma semaphore(%arg10 : memref<!tpu.dma_semaphore, #tpu.memory_space<semaphore_mem>>) src(%dma_wait3A_86 : memref<32x1024xf32, #tpu.memory_space<vmem>>) dst(%dma_wait3A_92 : memref<327680x1024xf32, #tpu.memory_space<hbm>>)
    %dma_wait3A_93 = arith.constant 1 : i32
    %dma_wait3A_94 = arith.constant 0 : i32
    %dma_wait3A_95 = arith.constant 0 : i32
    %dma_wait3A_96 = arith.constant 0 : i32
    %dma_wait3A_97 = tpu.memref_slice %arg6[%dma_wait3A_93, %dma_wait3A_95, %dma_wait3A_96] : memref<2x32x1024xf32, #tpu.memory_space<vmem>> -> memref<1x32x1024xf32, #tpu.memory_space<vmem>>
    %dma_wait3A_98 = tpu.memref_squeeze %dma_wait3A_97 : memref<1x32x1024xf32, #tpu.memory_space<vmem>> -> memref<32x1024xf32, #tpu.memory_space<vmem>>
    %dma_wait3A_99 = arith.constant 0 : i32
    %dma_wait3A_100 = tpu.memref_slice %arg5[%dma_wait3A_94, %dma_wait3A_99] : memref<8x1024xi32, #tpu.memory_space<vmem>> -> memref<1x32xi32, #tpu.memory_space<vmem>>
    %dma_wait3A_101 = tpu.memref_squeeze %dma_wait3A_100 : memref<1x32xi32, #tpu.memory_space<vmem>> -> memref<32xi32, #tpu.memory_space<vmem>>
    %dma_wait3A_102 = arith.constant 0 : i32
    %dma_wait3A_103 = arith.constant 0 : i32
    %dma_wait3A_104 = tpu.memref_slice %arg4[%dma_wait3A_102, %dma_wait3A_103] : memref<327680x1024xf32, #tpu.memory_space<hbm>> -> memref<327680x1024xf32, #tpu.memory_space<hbm>>
    tpu.wait_indirect_dma semaphore(%arg10 : memref<!tpu.dma_semaphore, #tpu.memory_space<semaphore_mem>>) src(%dma_wait3A_98 : memref<32x1024xf32, #tpu.memory_space<vmem>>) dst(%dma_wait3A_104 : memref<327680x1024xf32, #tpu.memory_space<hbm>>)
    %dma_wait3A_105 = arith.constant 1 : i32
    %dma_wait3A_106 = arith.constant 0 : i32
    %dma_wait3A_107 = arith.constant 0 : i32
    %dma_wait3A_108 = arith.constant 0 : i32
    %dma_wait3A_109 = tpu.memref_slice %arg6[%dma_wait3A_105, %dma_wait3A_107, %dma_wait3A_108] : memref<2x32x1024xf32, #tpu.memory_space<vmem>> -> memref<1x32x1024xf32, #tpu.memory_space<vmem>>
    %dma_wait3A_110 = tpu.memref_squeeze %dma_wait3A_109 : memref<1x32x1024xf32, #tpu.memory_space<vmem>> -> memref<32x1024xf32, #tpu.memory_space<vmem>>
    %dma_wait3A_111 = arith.constant 0 : i32
    %dma_wait3A_112 = tpu.memref_slice %arg5[%dma_wait3A_106, %dma_wait3A_111] : memref<8x1024xi32, #tpu.memory_space<vmem>> -> memref<1x32xi32, #tpu.memory_space<vmem>>
    %dma_wait3A_113 = tpu.memref_squeeze %dma_wait3A_112 : memref<1x32xi32, #tpu.memory_space<vmem>> -> memref<32xi32, #tpu.memory_space<vmem>>
    %dma_wait3A_114 = arith.constant 0 : i32
    %dma_wait3A_115 = arith.constant 0 : i32
    %dma_wait3A_116 = tpu.memref_slice %arg4[%dma_wait3A_114, %dma_wait3A_115] : memref<327680x1024xf32, #tpu.memory_space<hbm>> -> memref<327680x1024xf32, #tpu.memory_space<hbm>>
    tpu.wait_indirect_dma semaphore(%arg10 : memref<!tpu.dma_semaphore, #tpu.memory_space<semaphore_mem>>) src(%dma_wait3A_110 : memref<32x1024xf32, #tpu.memory_space<vmem>>) dst(%dma_wait3A_116 : memref<327680x1024xf32, #tpu.memory_space<hbm>>)
    return
  }
}

module attributes {stable_mosaic.version = 14 : i64} {
  func.func @_mlp_block(%arg0: i32, %arg1: memref<320xi32, #tpu.memory_space<smem>>, %arg2: memref<1024x1024xf32, #tpu.memory_space<vmem>>, %arg3: memref<1x1024x512xbf16, #tpu.memory_space<vmem>>, %arg4: memref<1x512x1024xbf16, #tpu.memory_space<vmem>>, %arg5: memref<1024x1024xf32, #tpu.memory_space<vmem>>) attributes {dimension_semantics = [#tpu.dimension_semantics<arbitrary>], iteration_bounds = array<i64: 320>, scalar_prefetch = 1 : i64, scratch_operands = 0 : i64, tpu.core_type = #tpu.core_type<tc>, window_params = [{transform_indices = @transform_0, window_bounds = array<i64: 1024, 1024>}, {transform_indices = @transform_1, window_bounds = array<i64: 1, 1024, 512>}, {transform_indices = @transform_2, window_bounds = array<i64: 1, 512, 1024>}, {transform_indices = @transform_3, window_bounds = array<i64: 1024, 1024>}]} {
    %get3A = arith.constant 0 : index
    %get3A_0 = arith.constant 0 : index
    %get3A_1 = vector.load %arg2[%get3A, %get3A_0] : memref<1024x1024xf32, #tpu.memory_space<vmem>>, vector<1024x1024xf32>
    %convert_element_type3A = arith.truncf %get3A_1 : vector<1024x1024xf32> to vector<1024x1024xbf16>
    %get3A_2 = arith.constant 0 : index
    %get3A_3 = arith.constant 0 : index
    %get3A_4 = arith.constant 0 : index
    %get3A_5 = vector.load %arg3[%get3A_2, %get3A_3, %get3A_4] : memref<1x1024x512xbf16, #tpu.memory_space<vmem>>, vector<1x1024x512xbf16>
    %get3A_6 = vector.shape_cast %get3A_5 : vector<1x1024x512xbf16> to vector<1024x512xbf16>
    %dot_general3A = arith.constant dense<0.000000e+00> : vector<1024x512xf32>
    %dot_general3A_7 = tpu.matmul %convert_element_type3A, %get3A_6, %dot_general3A {dimension_numbers = #tpu.dot_dimension_numbers<[1], [0], [0], [1], [0, 0, 1, 1], [], []>, transpose_lhs_hint = false} : vector<1024x1024xbf16>, vector<1024x512xbf16>, vector<1024x512xf32> -> vector<1024x512xf32>
    %integer_pow3A = arith.mulf %dot_general3A_7, %dot_general3A_7 : vector<1024x512xf32>
    %integer_pow3A_8 = arith.mulf %dot_general3A_7, %integer_pow3A : vector<1024x512xf32>
    %mul3A = arith.constant 4.471500e-02 : f32
    %mul3A_9 = vector.broadcast %mul3A : f32 to vector<1024x512xf32>
    %mul3A_10 = arith.mulf %mul3A_9, %integer_pow3A_8 : vector<1024x512xf32>
    %add3A = arith.addf %dot_general3A_7, %mul3A_10 : vector<1024x512xf32>
    %mul3A_11 = arith.constant 0.797884583 : f32
    %mul3A_12 = vector.broadcast %mul3A_11 : f32 to vector<1024x512xf32>
    %mul3A_13 = arith.mulf %mul3A_12, %add3A : vector<1024x512xf32>
    %tanh3A = math.tanh %mul3A_13 : vector<1024x512xf32>
    %add3A_14 = arith.constant 1.000000e+00 : f32
    %add3A_15 = vector.broadcast %add3A_14 : f32 to vector<1024x512xf32>
    %add3A_16 = arith.addf %add3A_15, %tanh3A : vector<1024x512xf32>
    %mul3A_17 = arith.constant 5.000000e-01 : f32
    %mul3A_18 = vector.broadcast %mul3A_17 : f32 to vector<1024x512xf32>
    %mul3A_19 = arith.mulf %mul3A_18, %add3A_16 : vector<1024x512xf32>
    %mul3A_20 = arith.mulf %dot_general3A_7, %mul3A_19 : vector<1024x512xf32>
    %convert_element_type3A_21 = arith.truncf %mul3A_20 : vector<1024x512xf32> to vector<1024x512xbf16>
    %get3A_22 = arith.constant 0 : index
    %get3A_23 = arith.constant 0 : index
    %get3A_24 = arith.constant 0 : index
    %get3A_25 = vector.load %arg4[%get3A_22, %get3A_23, %get3A_24] : memref<1x512x1024xbf16, #tpu.memory_space<vmem>>, vector<1x512x1024xbf16>
    %get3A_26 = vector.shape_cast %get3A_25 : vector<1x512x1024xbf16> to vector<512x1024xbf16>
    %dot_general3A_27 = arith.constant dense<0.000000e+00> : vector<1024x1024xf32>
    %dot_general3A_28 = tpu.matmul %convert_element_type3A_21, %get3A_26, %dot_general3A_27 {dimension_numbers = #tpu.dot_dimension_numbers<[1], [0], [0], [1], [0, 0, 1, 1], [], []>, transpose_lhs_hint = false} : vector<1024x512xbf16>, vector<512x1024xbf16>, vector<1024x1024xf32> -> vector<1024x1024xf32>
    %swap3A = arith.constant 0 : index
    %swap3A_29 = arith.constant 0 : index
    %swap3A_30 = vector.load %arg5[%swap3A, %swap3A_29] : memref<1024x1024xf32, #tpu.memory_space<vmem>>, vector<1024x1024xf32>
    tpu.vector_store %arg5[%swap3A, %swap3A_29], %dot_general3A_28 {strides = array<i32>} : memref<1024x1024xf32, #tpu.memory_space<vmem>>, vector<1024x1024xf32>,
    return
  }
  func.func @transform_0(%arg0: i32, %arg1: memref<320xi32, #tpu.memory_space<smem>>) -> (i32, i32) {
    %c0_i32 = arith.constant 0 : i32
    %c0_i32_0 = arith.constant 0 : i32
    return %arg0, %c0_i32 : i32, i32
  }
  func.func @transform_1(%arg0: i32, %arg1: memref<320xi32, #tpu.memory_space<smem>>) -> (i32, i32, i32) {
    %get3A = arith.index_cast %arg0 : i32 to index
    %get3A_0 = memref.load %arg1[%get3A] : memref<320xi32, #tpu.memory_space<smem>>
    %c0_i32 = arith.constant 0 : i32
    %c0_i32_1 = arith.constant 0 : i32
    %c0_i32_2 = arith.constant 0 : i32
    return %get3A_0, %c0_i32, %c0_i32_1 : i32, i32, i32
  }
  func.func @transform_2(%arg0: i32, %arg1: memref<320xi32, #tpu.memory_space<smem>>) -> (i32, i32, i32) {
    %get3A = arith.index_cast %arg0 : i32 to index
    %get3A_0 = memref.load %arg1[%get3A] : memref<320xi32, #tpu.memory_space<smem>>
    %c0_i32 = arith.constant 0 : i32
    %c0_i32_1 = arith.constant 0 : i32
    %c0_i32_2 = arith.constant 0 : i32
    return %get3A_0, %c0_i32, %c0_i32_1 : i32, i32, i32
  }
  func.func @transform_3(%arg0: i32, %arg1: memref<320xi32, #tpu.memory_space<smem>>) -> (i32, i32) {
    %c0_i32 = arith.constant 0 : i32
    %c0_i32_0 = arith.constant 0 : i32
    return %arg0, %c0_i32 : i32, i32
  }
}

</mosaic_0001>

<sc_bundles>
// kernel: kernel.5.cloned.1.call-start
scs
__scs_entry_jumppad:
0x0: {  	(pc) =	sbr.rel $0x88, $3  }
0x1: {  	(tag) =	ssettag $0x0;
	lr =	simm.s32 $0x1  }
0x2: {  	[smem:$0x3F9B] =	sst lr;
	_ =	strace $0xD0000000  }
0x3: {  	_ = 	snop  }
0x4: {  	_ = 	snop  }
0x5: {  	_ = 	snop  }
0x6: {  	_ = 	snop  }
0x7: {  	_ = 	snop  }
__scs_overlays_trampoline_lowered:
0x8: {  	[smem:$0x3FAA] =	sst s0  }
0x9: {  	[smem:$0x3FAB] =	sst s1  }
0xa: {  	[smem:$0x3FAC] =	sst s2  }
0xb: {  	[smem:$0x3FAD] =	sst s3  }
0xc: {  	[smem:$0x3FAE] =	sst s4  }
0xd: {  	[smem:$0x3FAF] =	sst s5  }
0xe: {  	[smem:$0x3FB0] =	sst s6  }
0xf: {  	[smem:$0x3FB1] =	sst s7  }
0x10: {  	[smem:$0x3FB2] =	sst s8  }
0x11: {  	[smem:$0x3FB3] =	sst s9;
	s0 =	simm.s32 @!p0 $0x0  }
0x12: {  	s1 =	sld [smem:$0x3F99];
	s0 =	simm.s32 @p0 $0x1  }
0x13: {  	[smem:$0x3FB4] =	sst s0;
	s0 =	simm.s32 @!p1 $0x0  }
0x14: {  	s2 =	sld [smem:$0x3F98];
	s0 =	simm.s32 @p1 $0x1  }
0x15: {  	[smem:$0x3FB5] =	sst s0;
	s0 =	simm.s32 @!p2 $0x0  }
0x16: {  	s3 =	sld [smem:$0x3FDB];
	s0 =	simm.s32 @p2 $0x1  }
0x17: {  	s4 =	simm.s32 $0x1BF5;
	[smem:$0x3FB7] =	sst s0  }
0x18: {  	s0 =	sld [smem:$0x3F9A];
	_ =	swait.ge [sflag:s4], $0x0  }
0x19: {  	s7 =	sld [smem:$0x3F9B]  }
0x1a: {  	s8 =	sadd.s32 $0xFFFFE003, lr  }
0x1b: {  	s9 =	sadd.s32 $0xFFFFFEF7, lr;
	s5 =	simm.s32 $0xFFFFFFFF;
	p2 =	slt.u32 s8, $0xFFFFF086  }
0x1c: {  	p1 =	slt.u32 s9, $0xF7A;
	s5 =	simm.s32 @!p2 $0x0  }
0x1d: {  	s5 =	simm.s32 @p1 $0x1;
	p0 =	seq.s32 s7, s2  }
0x1e: {  	s7 =	smul.u32 @!p0 $0xF7A, s2;
	p2 =	seq.s32 @!p0 s5, $0x0  }
0x1f: {  	s9 =	smul.u32 $0xF7A, s1;
	s8 =	simm.s32 @!p0 $0x1BF5;
	p2 =	por !p2, p0  }
0x20: {  	[sflag:s8] =	ssyncset.s32 @!p0 $0xFFFFF086;
	s6 =	sadd.s32 @!p0 s3, s7;
	s7 =	simm.s32 @!p0 $0x108  }
0x21: {  	s3 =	sadd.s32 s3, s9;
	s6 =	sadd.s32 @!p0 $0x88, s6;
	s7 =	simm.s32 @p2 $0x1082  }
0x22: {  	[simem:s7], [sflag:s8] =	dma.local @!p0 [hbm:s6], $0xF7A  }
0x23: {  	s9 =	sor.u32 $0xD0000000, s2;
	s6 =	simm.s32 $0x108;
	_ =	swait.ge @!p0 [sflag:s8], $0x0  }
0x24: {  	s3 =	sadd.s32 $0x88, s3;
	s6 =	simm.s32 @!p1 $0x1082;
	[sflag:s4] =	ssyncset.s32 $0xFFFFF086  }
0x25: {  	[simem:s6], [sflag:s4] =	dma.local [hbm:s3], $0xF7A  }
0x26: {  	[smem:$0x3F9B] =	sst s1;
	(tag) =	ssettag s2;
	_ =	strace s9  }
0x27: {  	s1 =	sld [smem:$0x3FAB]  }
0x28: {  	s2 =	sld [smem:$0x3FAC]  }
0x29: {  	s4 =	sld [smem:$0x3FAE]  }
0x2a: {  	p0 =	seq.s32 s5, $0x0;
	s5 =	sld [smem:$0x3FAF]  }
0x2b: {  	s6 =	sld [smem:$0x3FB0]  }
0x2c: {  	s7 =	sld [smem:$0x3FB1]  }
0x2d: {  	s3 =	simm.s32 $0x108;
	s8 =	sld [smem:$0x3FB2]  }
0x2e: {  	s3 =	simm.s32 @!p0 $0x1082;
	s9 =	sld [smem:$0x3FB3]  }
0x2f: {  	lr =	sadd.s32 s0, s3;
	s0 =	sld [smem:$0x3FAA]  }
0x30: {  	s3 =	sld [smem:$0x3FAD]  }
0x31: {  	[smem:$0x3FB6] =	sst s10  }
0x32: {  	s10 =	sld [smem:$0x3FB4];
	_ =	sdelay $0x3  }
0x33: {  	p0 =	seq.s32 s10, $0x1;
	s10 =	sld [smem:$0x3FB6];
	_ =	sdelay $0x3  }
0x34: {  	[smem:$0x3FB6] =	sst s10  }
0x35: {  	s10 =	sld [smem:$0x3FB5];
	_ =	sdelay $0x3  }
0x36: {  	p1 =	seq.s32 s10, $0x1;
	s10 =	sld [smem:$0x3FB6];
	_ =	sdelay $0x3  }
0x37: {  	[smem:$0x3FB6] =	sst s10  }
0x38: {  	s10 =	sld [smem:$0x3FB7]  }
0x39: {  	_ = 	snop;
	(pc) =	sbr.ind lr, $3  }
0x3a: {  	_ = 	snop  }
0x3b: {  	_ = 	snop  }
0x3c: {  	p2 =	seq.s32 s10, $0x1;
	s10 =	sld [smem:$0x3FB6]  }
0x3d: {  	_ =	shalt  }
0x3e: {  	_ =	shalt  }
0x3f: {  	_ =	shalt  }
0x40: {  	_ =	shalt  }
0x41: {  	_ =	shalt  }
0x42: {  	_ =	shalt  }
0x43: {  	_ =	shalt  }
0x44: {  	_ =	shalt  }
0x45: {  	_ =	shalt  }
0x46: {  	_ =	shalt  }
0x47: {  	_ =	shalt  }
0x48: {  	_ =	shalt  }
0x49: {  	_ =	shalt  }
0x4a: {  	_ =	shalt  }
0x4b: {  	_ =	shalt  }
0x4c: {  	_ =	shalt  }
0x4d: {  	_ =	shalt  }
0x4e: {  	_ =	shalt  }
0x4f: {  	_ =	shalt  }
0x50: {  	_ =	shalt  }
0x51: {  	_ =	shalt  }
0x52: {  	_ =	shalt  }
0x53: {  	_ =	shalt  }
0x54: {  	_ =	shalt  }
0x55: {  	_ =	shalt  }
0x56: {  	_ =	shalt  }
0x57: {  	_ =	shalt  }
0x58: {  	_ =	shalt  }
0x59: {  	_ =	shalt  }
0x5a: {  	_ =	shalt  }
0x5b: {  	_ =	shalt  }
0x5c: {  	_ =	shalt  }
0x5d: {  	_ =	shalt  }
0x5e: {  	_ =	shalt  }
0x5f: {  	_ =	shalt  }
0x60: {  	_ =	shalt  }
0x61: {  	_ =	shalt  }
0x62: {  	_ =	shalt  }
0x63: {  	_ =	shalt  }
0x64: {  	_ =	shalt  }
0x65: {  	_ =	shalt  }
0x66: {  	_ =	shalt  }
0x67: {  	_ =	shalt  }
0x68: {  	_ =	shalt  }
0x69: {  	_ =	shalt  }
0x6a: {  	_ =	shalt  }
0x6b: {  	_ =	shalt  }
0x6c: {  	_ =	shalt  }
0x6d: {  	_ =	shalt  }
0x6e: {  	_ =	shalt  }
0x6f: {  	_ =	shalt  }
0x70: {  	_ =	shalt  }
0x71: {  	_ =	shalt  }
0x72: {  	_ =	shalt  }
0x73: {  	_ =	shalt  }
0x74: {  	_ =	shalt  }
0x75: {  	_ =	shalt  }
0x76: {  	_ =	shalt  }
0x77: {  	_ =	shalt  }
0x78: {  	_ =	shalt  }
0x79: {  	_ =	shalt  }
0x7a: {  	_ =	shalt  }
0x7b: {  	_ =	shalt  }
0x7c: {  	_ =	shalt  }
0x7d: {  	_ =	shalt  }
0x7e: {  	_ =	shalt  }
0x7f: {  	_ =	shalt  }
0x80: {  	_ =	shalt  }
0x81: {  	_ =	shalt  }
0x82: {  	_ =	shalt  }
0x83: {  	_ =	shalt  }
0x84: {  	_ =	shalt  }
0x85: {  	_ =	shalt  }
0x86: {  	_ =	shalt  }
0x87: {  	_ =	shalt  }
.Lfunc_end0:
.L_simem_size_0:
called_computation_lowered:
.L_overlay_start_0:
0x88: {  	s2 =	sld [smem:$0x3FD9]  }
0x89: {  	s3 =	sld [smem:$0x3FFE];
	_ =	sdelay $0x1  }
0x8a: {  	s1 =	srdreg.scid  }
0x8b: {  	s0 =	sand.u32 $0x1, s1  }
0x8c: {  	s17 =	sshll.u32 s0, $0xA;
	s2 =	sadd.s32 s3, s2  }
0x8d: {  	s2 =	sadd.s32 s2, s17  }
0x8e: {  	[smem:$0x3FC2] =	sst s2  }
0x8f: {  	_ = 	snop  }
0x90: {  	s2 =	sld [smem:$0x3FC9];
	(tm) =	ssettm $0x1  }
0x91: {  	s18 =	sld [smem:$0x3FFB];
	_ =	sdelay $0x3  }
0x92: {  	_ =	strace s18  }
0x93: {  	s3 =	sld [smem:$0x3FFC];
	_ =	sdelay $0x3  }
0x94: {  	_ =	strace s3  }
0x95: {  	s3 =	sld [smem:$0x3FFD];
	_ =	sdelay $0x3  }
0x96: {  	_ =	strace s3  }
0x97: {  	_ =	strace $0x8FFFFFFF  }
0x98: {  	s19 =	sld [smem:$0x3FDB];
	_ =	sdelay $0x1  }
0x99: {  	s4 =	simm.s32 $_scs_section_size  }
0x9a: {  	s5 =	simm.s32 $_size__tile_overlayer_lowered;
	s6 =	simm.s32 $_tile_overlayer_lowered  }
0x9b: {  	s22 =	simm.s32 $0x1BFF;
	s21 =	sshll.u32 s6, $0x1;
	s3 =	sadd.s32 s4, s19  }
0x9c: {  	s7 =	simm.s32 $0x0;
	s20 =	sshll.u32 s5, $0x1;
	s5 =	sadd.s32 s21, s3  }
0x9d: {  	[timem:s7], [sflag:s22] =	dma.local [hbm:s5], s20  }
0x9e: {  	_ =	swait.ge [sflag:s22], s20  }
0x9f: {  	s4 =	ssub.s32 $0x0, s20;
	[sflag:s22] =	ssyncset.done $0x0  }
0xa0: {  	[sflag:s22] =	ssyncadd.s32 s4;
	_ =	sdelay $0x1  }
0xa1: {  	s23 =	simm.s32 $0x1B8B  }
0xa2: {  	_ =	swait.ge [sflag:s23], $0x1  }
0xa3: {  	[sflag:s23] =	ssyncset.done $0x0  }
0xa4: {  	s25 =	simm.s32 $0x1B8E;
	s24 =	sld [smem:$0x3FFE];
	[sflag:s23] =	ssyncadd.s32 $0xFFFFFFFF  }
0xa5: {  	s26 =	simm.s32 $execute0_lowered;
	[smem:$0x3FD2] =	sst s25  }
0xa6: {  	s5 =	sshll.u32 s26, $0x1;
	_ =	strace $0x80000046;
	[dreg:$0x1] =	wrdreg $0xFFFFFFFF  }
0xa7: {  	s28 =	simm.s32 $_size_execute0_lowered;
	s3 =	sadd.s32 s3, s5;
	[dreg:$0x0] =	wrdreg $0x0  }
0xa8: {  	s5 =	sshll.u32 s28, $0x1;
	[dreg:$0x2] =	wrdreg s3  }
0xa9: {  	[dreg:$0x3] =	wrdreg s5  }
0xaa: {  	[dreg:$0x4] =	wrdreg $0xC0  }
0xab: {  	_ =	task [dreg:s7], $0x5FFFF  }
0xac: {  	[dreg:$0x1] =	wrdreg $0xFFFFFFFF  }
0xad: {  	[dreg:$0x0] =	wrdreg $0x60  }
0xae: {  	[dreg:$0x2] =	wrdreg s2  }
0xaf: {  	[dreg:$0x3] =	wrdreg s24  }
0xb0: {  	[dreg:$0x4] =	wrdreg $0x9  }
0xb1: {  	_ =	task.clear_ibuf [dreg:s7], $0x5FFFF;
	_ =	strace $0x90000046  }
0xb2: {  	s29 =	simm.s32 $0x9;
	_ =	strace $0x80000048  }
0xb3: {  	_ =	swait.ge [sflag:s29], $0x1  }
0xb4: {  	[sflag:s29] =	ssyncadd.s32 $0xFFFFFFFF  }
0xb5: {  	_ =	strace $0x90000048  }
0xb6: {  	_ =	sfence  }
0xb7: {  	s30 =	sld [smem:$0x0];
	_ =	sdelay $0x2  }
0xb8: {  	s31 =	sshll.u32 s1, $0xD;
	s1 =	sshrl.u32 s1, $0x2  }
0xb9: {  	s3 =	sand.u32 $0x4000, s31;
	s1 =	sadd.s32 s1, s30  }
0xba: {  	s0 =	sor.u32 s3, s0;
	s1 =	sshll.u32 s1, $0x11  }
0xbb: {  	s0 =	sor.u32 s1, s0  }
0xbc: {  	s0 =	sadd.s32 $0x8F2B, s0  }
0xbd: {  	[sflag:s0] =	ssyncadd.remote.s32 $0x1  }
0xbe: {  	_ =	sfence.sel $0xFFFF  }
0xbf: {  	[dreg:$0x0] =	wrdreg $0xFFFFFFFF;
	(pc) =	sbr.abs _section_cstart, $3  }
0xc0: {  	[dreg:$0x1] =	wrdreg $0xFFFFFFFF  }
0xc1: {  	_ =	task.clear_ibuf [dreg:s7], $0x2FFFF;
	_ =	strace $0x9FFFFFFF  }
0xc2: {  	(tm) =	ssettm $0x7FFFFFFF  }
0xc3: {  	_ =	shalt  }
tec
execute0_lowered:
.L_overlay_start_1:
0x0: {  	(tag) =	ssettag $0x1  }
0x1: {  	s0 =	rddreg [dreg:$0x0]  }
0x2: {  	s1 =	rddreg [dreg:$0x1];
	s3 =	srdreg.scid  }
0x3: {  	s2 =	simm.s32 $0x0;
	s10 =	stileid.u32;
	s22 =	simm.s32 $0x2000  }
0x4: {  	s28 =	simm.s32 $0x2800;
	s30 =	simm.s32 $0x3000;
	s11 =	simm.s32 $0x0  }
0x5: {  	s31 =	simm.s32 $0x7800;
	s29 =	simm.s32 $0x9000;
	s20 =	simm.s32 $0x9800  }
0x6: {  	s4 =	sand.u32 $0x1, s3;
	[smem:$0x7FF] =	sst s2;
	s23 =	sshll.u32 s10, $0xB  }
0x7: {  	s3 =	sadd.s32 $0x10200, s1;
	s25 =	sshll.u32 s10, $0x12;
	s5 =	sshll.u32 s4, $0xA  }
0x8: {  	_ =	strace $0x80000047;
	s6 =	ssub.s32 $0x2, s4;
	s5 =	sor.u32 s5, s23  }
0x9: {  	s4 =	sshll.u32 s4, $0x11;
	s8 =	sshrl.u32 s6, $0x1;
	s7 =	sadd.s32 s5, s1  }
0xa: {  	s9 =	ssub.s32 s6, s8;
	s5 =	sshll.u32 s5, $0x7;
	s6 =	sadd.s32 $0x10300, s1  }
0xb: {  	s8 =	sadd.s32 $0x10500, s1;
	s24 =	sadd.s32 $0x8200, s7;
	s5 =	sadd.s32 s0, s5  }
0xc: {  	s7 =	sadd.s32 $0x10400, s1;
	s0 =	sadd.s32 s25, s0;
	s26 =	smax.u32 s9, $0x1  }
0xd: {  	s25 =	simm.s32 $0x1;
	s9 =	simm.s32 $0xA000;
	[dreg:$0x3] =	wrdreg s24  }
0xe: {  	v2 =	vlaneseq.u32;
	s1 =	simm.s32 $0x3800;
	[dreg:$0x4] =	wrdreg s5;
	s0 =	sadd.s32 s4, s0  }
0xf: {  	vm0 =	vmmov $0xffff;
	v1 =	vshrl.u32 v2, $0x3;
	[dreg:$0x5] =	wrdreg s26;
	s4 =	simm.s32 $0x4000;
	s0 =	sadd.s32 $0x2000, s0  }
0x10: {  	v0 =	vand.u32 $0x7, v2;
	v2 =	vor.u32 $0x8, v2;
	v1 =	vmul.u32 $0x8, v1;
	s5 =	simm.s32 $0x4800;
	[dreg:$0x6] =	wrdreg s0;
	s0 =	simm.s32 $0x3  }
.LBB2_1:
0x11: {  	[dreg:$0x7] =	wrdreg s11  }
0x12: {  	s21 =	rddreg [dreg:$0x3];
	s24 =	simm.s32 $0x5  }
0x13: {  	[tilespmem:s2], [sflag:$0x5] =	stream.linear.gather [hbm4b:s21+s2], $0x2000, $0x38;
	[tilespmem:$0x12000] =	vst v63  }
0x14: {  	p0 =	por $0x0, $0x0;
	s13 =	simm.s32 $0x0;
	_ =	swait.ge [sflag:s24], $0x2000  }
0x15: {  	s23 =	simm.s32 $0x0;
	[sflag:s24] =	ssyncset.done $0x0;
	s26 =	rddreg [dreg:$0x4]  }
0x16: {  	s21 =	simm.s32 $0x0;
	[sflag:s24] =	ssyncadd.s32 $0xFFFFE000;
	s24 =	rddreg [dreg:$0x6]  }
0x17: {  	[tilespmem:s22], [sflag:$0x1] =	stream.linear.gather [hbm4b:s26+s2], $0x8000, $0x38;
	[tilespmem:$0x12000] =	vst v63  }
.LBB2_2:
0x18: {  	_ =	swait.ge [sflag:s25], $0x8000  }
0x19: {  	p1 =	seq.s32 s23, $0x0;
	[sflag:s25] =	ssyncset.done $0x0  }
0x1a: {  	[sflag:s25] =	ssyncadd.s32 $0xFFFF8000;
	s25 =	simm.s32 @!p1 $0x4  }
0x1b: {  	_ =	swait.ge @!p1 [sflag:s25], $0x8000  }
0x1c: {  	[sflag:s25] =	ssyncset.done @!p1 $0x0  }
0x1d: {  	[sflag:s25] =	ssyncadd.s32 @!p1 $0xFFFF8000  }
0x1e: {  	_ =	swait.ge @!p1 [sflag:s25], $0x8000  }
0x1f: {  	[sflag:s25] =	ssyncset.done @!p1 $0x0  }
0x20: {  	[sflag:s25] =	ssyncadd.s32 @!p1 $0xFFFF8000  }
0x21: {  	_ =	swait.ge @!p1 [sflag:s25], $0x8000  }
0x22: {  	[sflag:s25] =	ssyncset.done @!p1 $0x0  }
0x23: {  	[sflag:s25] =	ssyncadd.s32 @!p1 $0xFFFF8000  }
0x24: {  	_ =	swait.ge @!p1 [sflag:s25], $0x8000  }
0x25: {  	[sflag:s25] =	ssyncset.done @!p1 $0x0  }
0x26: {  	[sflag:s25] =	ssyncadd.s32 @!p1 $0xFFFF8000  }
0x27: {  	_ =	swait.ge @!p1 [sflag:s25], $0x8000  }
0x28: {  	[sflag:s25] =	ssyncset.done @!p1 $0x0  }
0x29: {  	[sflag:s25] =	ssyncadd.s32 @!p1 $0xFFFF8000  }
0x2a: {  	_ =	swait.ge @!p1 [sflag:s25], $0x8000  }
0x2b: {  	[sflag:s25] =	ssyncset.done @!p1 $0x0  }
0x2c: {  	[sflag:s25] =	ssyncadd.s32 @!p1 $0xFFFF8000  }
0x2d: {  	_ =	swait.ge @!p1 [sflag:s25], $0x8000  }
0x2e: {  	[sflag:s25] =	ssyncset.done @!p1 $0x0  }
0x2f: {  	[sflag:s25] =	ssyncadd.s32 @!p1 $0xFFFF8000  }
0x30: {  	_ =	swait.ge @!p1 [sflag:s25], $0x8000  }
0x31: {  	s14 =	sadd.s32 $0xFFFFF000, s24;
	[sflag:s25] =	ssyncset.done @!p1 $0x0  }
0x32: {  	s26 =	sand.u32 $0x40, s21;
	[sflag:s25] =	ssyncadd.s32 @!p1 $0xFFFF8000;
	s25 =	sand.u32 $0x1C00, s23  }
0x33: {  	[tilespmem:s9], [sflag:$0x2] =	stream.linear.gather [hbm4b:s14+s2], $0x8000, $0x38;
	[tilespmem:$0x12000] =	vst v63  }
0x34: {  	s26 =	sor.u32 s26, s25  }
0x35: {  	v3 =	vld [tilespmem:s26+$0x0];
	_ =	sdelay $0x4  }
0x36: {  	v4 =	vshll.u32 v3, $0x3  }
0x37: {  	v3 =	vand.u32 $0x7, v3;
	v4 =	vand.u32 $0xFFFFFFC0, v4  }
0x38: {  	v3 =	vor.u32 v3, v4  }
0x39: {  	v4 =	vperm.xlane v3, v0;
	_ =	sdelay $0x1  }
0x3a: {  	v4 =	vadd.s32 v1, v4;
	_ =	sdelay $0x3  }
0x3b: {  	s22 =	simm.s32 $0x2000  }
0x3c: {  	[hbm4b:s3+s2] =	stream.indirect_vreg.scatter [tilespmem:s22], [sflag:$0x3], $0x80, v4, vm0, $0xb8;
	[tilespmem:$0x12000] =	vst v63  }
0x3d: {  	v3 =	vperm.xlane v3, v2  }
0x3e: {  	[hbm4b:s6+s2] =	stream.indirect_vreg.scatter [tilespmem:s28], [sflag:$0x3], $0x80, v4, vm0, $0xb8;
	[tilespmem:$0x12000] =	vst v63  }
0x3f: {  	v3 =	vadd.s32 v1, v3  }
0x40: {  	[hbm4b:s7+s2] =	stream.indirect_vreg.scatter [tilespmem:s30], [sflag:$0x3], $0x80, v4, vm0, $0xb8;
	[tilespmem:$0x12000] =	vst v63  }
0x41: {  	_ = 	snop  }
0x42: {  	[hbm4b:s8+s2] =	stream.indirect_vreg.scatter [tilespmem:s1], [sflag:$0x3], $0x80, v4, vm0, $0xb8;
	[tilespmem:$0x12000] =	vst v63  }
0x43: {  	_ = 	snop  }
0x44: {  	[hbm4b:s3+s2] =	stream.indirect_vreg.scatter [tilespmem:s4], [sflag:$0x3], $0x80, v3, vm0, $0xb8;
	[tilespmem:$0x12000] =	vst v63  }
0x45: {  	_ = 	snop  }
0x46: {  	[hbm4b:s6+s2] =	stream.indirect_vreg.scatter [tilespmem:s5], [sflag:$0x3], $0x80, v3, vm0, $0xb8;
	[tilespmem:$0x12000] =	vst v63  }
0x47: {  	s18 =	simm.s32 $0x5000  }
0x48: {  	[hbm4b:s7+s2] =	stream.indirect_vreg.scatter [tilespmem:s18], [sflag:$0x3], $0x80, v3, vm0, $0xb8;
	[tilespmem:$0x12000] =	vst v63  }
0x49: {  	s17 =	simm.s32 $0x5800  }
0x4a: {  	[hbm4b:s8+s2] =	stream.indirect_vreg.scatter [tilespmem:s17], [sflag:$0x3], $0x80, v3, vm0, $0xb8;
	[tilespmem:$0x12000] =	vst v63  }
0x4b: {  	v3 =	vld [tilespmem:s26+$0x10];
	_ =	sdelay $0x4  }
0x4c: {  	v33 =	vshll.u32 v3, $0x3  }
0x4d: {  	v3 =	vand.u32 $0x7, v3;
	v4 =	vand.u32 $0xFFFFFFC0, v33  }
0x4e: {  	v3 =	vor.u32 v3, v4  }
0x4f: {  	v4 =	vperm.xlane v3, v0;
	_ =	sdelay $0x1  }
0x50: {  	v4 =	vadd.s32 v1, v4;
	_ =	sdelay $0x3  }
0x51: {  	s16 =	simm.s32 $0x6000  }
0x52: {  	[hbm4b:s3+s2] =	stream.indirect_vreg.scatter [tilespmem:s16], [sflag:$0x3], $0x80, v4, vm0, $0xb8;
	[tilespmem:$0x12000] =	vst v63  }
0x53: {  	s15 =	simm.s32 $0x6800;
	v3 =	vperm.xlane v3, v2  }
0x54: {  	[hbm4b:s6+s2] =	stream.indirect_vreg.scatter [tilespmem:s15], [sflag:$0x3], $0x80, v4, vm0, $0xb8;
	[tilespmem:$0x12000] =	vst v63  }
0x55: {  	s12 =	simm.s32 $0x7000;
	v3 =	vadd.s32 v1, v3  }
0x56: {  	[hbm4b:s7+s2] =	stream.indirect_vreg.scatter [tilespmem:s12], [sflag:$0x3], $0x80, v4, vm0, $0xb8;
	[tilespmem:$0x12000] =	vst v63  }
0x57: {  	_ = 	snop  }
0x58: {  	[hbm4b:s8+s2] =	stream.indirect_vreg.scatter [tilespmem:s31], [sflag:$0x3], $0x80, v4, vm0, $0xb8;
	[tilespmem:$0x12000] =	vst v63  }
0x59: {  	s9 =	smov.u32 s13;
	s13 =	simm.s32 $0x8000  }
0x5a: {  	[hbm4b:s3+s2] =	stream.indirect_vreg.scatter [tilespmem:s13], [sflag:$0x3], $0x80, v3, vm0, $0xb8;
	[tilespmem:$0x12000] =	vst v63  }
0x5b: {  	s11 =	simm.s32 $0x8800  }
0x5c: {  	[hbm4b:s6+s2] =	stream.indirect_vreg.scatter [tilespmem:s11], [sflag:$0x3], $0x80, v3, vm0, $0xb8;
	[tilespmem:$0x12000] =	vst v63  }
0x5d: {  	_ = 	snop  }
0x5e: {  	[hbm4b:s7+s2] =	stream.indirect_vreg.scatter [tilespmem:s29], [sflag:$0x3], $0x80, v3, vm0, $0xb8;
	[tilespmem:$0x12000] =	vst v63  }
0x5f: {  	_ = 	snop  }
0x60: {  	[hbm4b:s8+s2] =	stream.indirect_vreg.scatter [tilespmem:s20], [sflag:$0x3], $0x80, v3, vm0, $0xb8;
	[tilespmem:$0x12000] =	vst v63  }
0x61: {  	v3 =	vld [tilespmem:s26+$0x80];
	_ =	sdelay $0x4  }
0x62: {  	v34 =	vshll.u32 v3, $0x3  }
0x63: {  	v3 =	vand.u32 $0x7, v3;
	v4 =	vand.u32 $0xFFFFFFC0, v34  }
0x64: {  	v3 =	vor.u32 v3, v4  }
0x65: {  	v4 =	vperm.xlane v3, v0;
	_ =	sdelay $0x1  }
0x66: {  	v4 =	vadd.s32 v1, v4;
	_ =	sdelay $0x4  }
0x67: {  	[hbm4b:s3+s2] =	stream.indirect_vreg.scatter [tilespmem:s22], [sflag:$0x3], $0x80, v4, vm0, $0xb8;
	[tilespmem:$0x12000] =	vst v63  }
0x68: {  	v3 =	vperm.xlane v3, v2  }
0x69: {  	[hbm4b:s6+s2] =	stream.indirect_vreg.scatter [tilespmem:s28], [sflag:$0x3], $0x80, v4, vm0, $0xb8;
	[tilespmem:$0x12000] =	vst v63  }
0x6a: {  	v3 =	vadd.s32 v1, v3  }
0x6b: {  	[hbm4b:s7+s2] =	stream.indirect_vreg.scatter [tilespmem:s30], [sflag:$0x3], $0x80, v4, vm0, $0xb8;
	[tilespmem:$0x12000] =	vst v63  }
0x6c: {  	_ = 	snop  }
0x6d: {  	[hbm4b:s8+s2] =	stream.indirect_vreg.scatter [tilespmem:s1], [sflag:$0x3], $0x80, v4, vm0, $0xb8;
	[tilespmem:$0x12000] =	vst v63  }
0x6e: {  	_ = 	snop  }
0x6f: {  	[hbm4b:s3+s2] =	stream.indirect_vreg.scatter [tilespmem:s4], [sflag:$0x3], $0x80, v3, vm0, $0xb8;
	[tilespmem:$0x12000] =	vst v63  }
0x70: {  	_ = 	snop  }
0x71: {  	[hbm4b:s6+s2] =	stream.indirect_vreg.scatter [tilespmem:s5], [sflag:$0x3], $0x80, v3, vm0, $0xb8;
	[tilespmem:$0x12000] =	vst v63  }
0x72: {  	_ = 	snop  }
0x73: {  	[hbm4b:s7+s2] =	stream.indirect_vreg.scatter [tilespmem:s18], [sflag:$0x3], $0x80, v3, vm0, $0xb8;
	[tilespmem:$0x12000] =	vst v63  }
0x74: {  	_ = 	snop  }
0x75: {  	[hbm4b:s8+s2] =	stream.indirect_vreg.scatter [tilespmem:s17], [sflag:$0x3], $0x80, v3, vm0, $0xb8;
	[tilespmem:$0x12000] =	vst v63  }
0x76: {  	v3 =	vld [tilespmem:s26+$0x90];
	_ =	sdelay $0x4  }
0x77: {  	v35 =	vshll.u32 v3, $0x3  }
0x78: {  	v3 =	vand.u32 $0x7, v3;
	v4 =	vand.u32 $0xFFFFFFC0, v35  }
0x79: {  	v3 =	vor.u32 v3, v4  }
0x7a: {  	v4 =	vperm.xlane v3, v0;
	_ =	sdelay $0x1  }
0x7b: {  	v4 =	vadd.s32 v1, v4;
	_ =	sdelay $0x4  }
0x7c: {  	[hbm4b:s3+s2] =	stream.indirect_vreg.scatter [tilespmem:s16], [sflag:$0x3], $0x80, v4, vm0, $0xb8;
	[tilespmem:$0x12000] =	vst v63  }
0x7d: {  	v3 =	vperm.xlane v3, v2  }
0x7e: {  	[hbm4b:s6+s2] =	stream.indirect_vreg.scatter [tilespmem:s15], [sflag:$0x3], $0x80, v4, vm0, $0xb8;
	[tilespmem:$0x12000] =	vst v63  }
0x7f: {  	v3 =	vadd.s32 v1, v3  }
0x80: {  	[hbm4b:s7+s2] =	stream.indirect_vreg.scatter [tilespmem:s12], [sflag:$0x3], $0x80, v4, vm0, $0xb8;
	[tilespmem:$0x12000] =	vst v63  }
0x81: {  	_ = 	snop  }
0x82: {  	[hbm4b:s8+s2] =	stream.indirect_vreg.scatter [tilespmem:s31], [sflag:$0x3], $0x80, v4, vm0, $0xb8;
	[tilespmem:$0x12000] =	vst v63  }
0x83: {  	_ = 	snop  }
0x84: {  	[hbm4b:s3+s2] =	stream.indirect_vreg.scatter [tilespmem:s13], [sflag:$0x3], $0x80, v3, vm0, $0xb8;
	[tilespmem:$0x12000] =	vst v63  }
0x85: {  	_ = 	snop  }
0x86: {  	[hbm4b:s6+s2] =	stream.indirect_vreg.scatter [tilespmem:s11], [sflag:$0x3], $0x80, v3, vm0, $0xb8;
	[tilespmem:$0x12000] =	vst v63  }
0x87: {  	_ = 	snop  }
0x88: {  	[hbm4b:s7+s2] =	stream.indirect_vreg.scatter [tilespmem:s29], [sflag:$0x3], $0x80, v3, vm0, $0xb8;
	[tilespmem:$0x12000] =	vst v63  }
0x89: {  	_ = 	snop  }
0x8a: {  	[hbm4b:s8+s2] =	stream.indirect_vreg.scatter [tilespmem:s20], [sflag:$0x3], $0x80, v3, vm0, $0xb8;
	[tilespmem:$0x12000] =	vst v63  }
0x8b: {  	v3 =	vld [tilespmem:s26+$0x100];
	_ =	sdelay $0x4  }
0x8c: {  	v36 =	vshll.u32 v3, $0x3  }
0x8d: {  	v3 =	vand.u32 $0x7, v3;
	v4 =	vand.u32 $0xFFFFFFC0, v36  }
0x8e: {  	v3 =	vor.u32 v3, v4  }
0x8f: {  	v4 =	vperm.xlane v3, v0;
	_ =	sdelay $0x1  }
0x90: {  	v4 =	vadd.s32 v1, v4;
	_ =	sdelay $0x4  }
0x91: {  	[hbm4b:s3+s2] =	stream.indirect_vreg.scatter [tilespmem:s22], [sflag:$0x3], $0x80, v4, vm0, $0xb8;
	[tilespmem:$0x12000] =	vst v63  }
0x92: {  	v3 =	vperm.xlane v3, v2  }
0x93: {  	[hbm4b:s6+s2] =	stream.indirect_vreg.scatter [tilespmem:s28], [sflag:$0x3], $0x80, v4, vm0, $0xb8;
	[tilespmem:$0x12000] =	vst v63  }
0x94: {  	v3 =	vadd.s32 v1, v3  }
0x95: {  	[hbm4b:s7+s2] =	stream.indirect_vreg.scatter [tilespmem:s30], [sflag:$0x3], $0x80, v4, vm0, $0xb8;
	[tilespmem:$0x12000] =	vst v63  }
0x96: {  	_ = 	snop  }
0x97: {  	[hbm4b:s8+s2] =	stream.indirect_vreg.scatter [tilespmem:s1], [sflag:$0x3], $0x80, v4, vm0, $0xb8;
	[tilespmem:$0x12000] =	vst v63  }
0x98: {  	_ = 	snop  }
0x99: {  	[hbm4b:s3+s2] =	stream.indirect_vreg.scatter [tilespmem:s4], [sflag:$0x3], $0x80, v3, vm0, $0xb8;
	[tilespmem:$0x12000] =	vst v63  }
0x9a: {  	_ = 	snop  }
0x9b: {  	[hbm4b:s6+s2] =	stream.indirect_vreg.scatter [tilespmem:s5], [sflag:$0x3], $0x80, v3, vm0, $0xb8;
	[tilespmem:$0x12000] =	vst v63  }
0x9c: {  	_ = 	snop  }
0x9d: {  	[hbm4b:s7+s2] =	stream.indirect_vreg.scatter [tilespmem:s18], [sflag:$0x3], $0x80, v3, vm0, $0xb8;
	[tilespmem:$0x12000] =	vst v63  }
0x9e: {  	_ = 	snop  }
0x9f: {  	[hbm4b:s8+s2] =	stream.indirect_vreg.scatter [tilespmem:s17], [sflag:$0x3], $0x80, v3, vm0, $0xb8;
	[tilespmem:$0x12000] =	vst v63  }
0xa0: {  	v3 =	vld [tilespmem:s26+$0x110];
	_ =	sdelay $0x4  }
0xa1: {  	v37 =	vshll.u32 v3, $0x3  }
0xa2: {  	v3 =	vand.u32 $0x7, v3;
	v4 =	vand.u32 $0xFFFFFFC0, v37  }
0xa3: {  	v3 =	vor.u32 v3, v4  }
0xa4: {  	v4 =	vperm.xlane v3, v0;
	_ =	sdelay $0x1  }
0xa5: {  	v4 =	vadd.s32 v1, v4;
	_ =	sdelay $0x4  }
0xa6: {  	[hbm4b:s3+s2] =	stream.indirect_vreg.scatter [tilespmem:s16], [sflag:$0x3], $0x80, v4, vm0, $0xb8;
	[tilespmem:$0x12000] =	vst v63  }
0xa7: {  	v3 =	vperm.xlane v3, v2  }
0xa8: {  	[hbm4b:s6+s2] =	stream.indirect_vreg.scatter [tilespmem:s15], [sflag:$0x3], $0x80, v4, vm0, $0xb8;
	[tilespmem:$0x12000] =	vst v63  }
0xa9: {  	v3 =	vadd.s32 v1, v3  }
0xaa: {  	[hbm4b:s7+s2] =	stream.indirect_vreg.scatter [tilespmem:s12], [sflag:$0x3], $0x80, v4, vm0, $0xb8;
	[tilespmem:$0x12000] =	vst v63  }
0xab: {  	_ = 	snop  }
0xac: {  	[hbm4b:s8+s2] =	stream.indirect_vreg.scatter [tilespmem:s31], [sflag:$0x3], $0x80, v4, vm0, $0xb8;
	[tilespmem:$0x12000] =	vst v63  }
0xad: {  	_ = 	snop  }
0xae: {  	[hbm4b:s3+s2] =	stream.indirect_vreg.scatter [tilespmem:s13], [sflag:$0x3], $0x80, v3, vm0, $0xb8;
	[tilespmem:$0x12000] =	vst v63  }
0xaf: {  	_ = 	snop  }
0xb0: {  	[hbm4b:s6+s2] =	stream.indirect_vreg.scatter [tilespmem:s11], [sflag:$0x3], $0x80, v3, vm0, $0xb8;
	[tilespmem:$0x12000] =	vst v63  }
0xb1: {  	_ = 	snop  }
0xb2: {  	[hbm4b:s7+s2] =	stream.indirect_vreg.scatter [tilespmem:s29], [sflag:$0x3], $0x80, v3, vm0, $0xb8;
	[tilespmem:$0x12000] =	vst v63  }
0xb3: {  	_ = 	snop  }
0xb4: {  	[hbm4b:s8+s2] =	stream.indirect_vreg.scatter [tilespmem:s20], [sflag:$0x3], $0x80, v3, vm0, $0xb8;
	[tilespmem:$0x12000] =	vst v63  }
0xb5: {  	v3 =	vld [tilespmem:s26+$0x180];
	_ =	sdelay $0x4  }
0xb6: {  	v38 =	vshll.u32 v3, $0x3  }
0xb7: {  	v3 =	vand.u32 $0x7, v3;
	v4 =	vand.u32 $0xFFFFFFC0, v38  }
0xb8: {  	v3 =	vor.u32 v3, v4  }
0xb9: {  	v4 =	vperm.xlane v3, v0;
	_ =	sdelay $0x1  }
0xba: {  	v4 =	vadd.s32 v1, v4;
	_ =	sdelay $0x4  }
0xbb: {  	[hbm4b:s3+s2] =	stream.indirect_vreg.scatter [tilespmem:s22], [sflag:$0x3], $0x80, v4, vm0, $0xb8;
	[tilespmem:$0x12000] =	vst v63  }
0xbc: {  	v3 =	vperm.xlane v3, v2  }
0xbd: {  	[hbm4b:s6+s2] =	stream.indirect_vreg.scatter [tilespmem:s28], [sflag:$0x3], $0x80, v4, vm0, $0xb8;
	[tilespmem:$0x12000] =	vst v63  }
0xbe: {  	v3 =	vadd.s32 v1, v3  }
0xbf: {  	[hbm4b:s7+s2] =	stream.indirect_vreg.scatter [tilespmem:s30], [sflag:$0x3], $0x80, v4, vm0, $0xb8;
	[tilespmem:$0x12000] =	vst v63  }
0xc0: {  	_ = 	snop  }
0xc1: {  	[hbm4b:s8+s2] =	stream.indirect_vreg.scatter [tilespmem:s1], [sflag:$0x3], $0x80, v4, vm0, $0xb8;
	[tilespmem:$0x12000] =	vst v63  }
0xc2: {  	_ = 	snop  }
0xc3: {  	[hbm4b:s3+s2] =	stream.indirect_vreg.scatter [tilespmem:s4], [sflag:$0x3], $0x80, v3, vm0, $0xb8;
	[tilespmem:$0x12000] =	vst v63  }
0xc4: {  	_ = 	snop  }
0xc5: {  	[hbm4b:s6+s2] =	stream.indirect_vreg.scatter [tilespmem:s5], [sflag:$0x3], $0x80, v3, vm0, $0xb8;
	[tilespmem:$0x12000] =	vst v63  }
0xc6: {  	_ = 	snop  }
0xc7: {  	[hbm4b:s7+s2] =	stream.indirect_vreg.scatter [tilespmem:s18], [sflag:$0x3], $0x80, v3, vm0, $0xb8;
	[tilespmem:$0x12000] =	vst v63  }
0xc8: {  	_ = 	snop  }
0xc9: {  	[hbm4b:s8+s2] =	stream.indirect_vreg.scatter [tilespmem:s17], [sflag:$0x3], $0x80, v3, vm0, $0xb8;
	[tilespmem:$0x12000] =	vst v63  }
0xca: {  	v3 =	vld [tilespmem:s26+$0x190];
	_ =	sdelay $0x4  }
0xcb: {  	v39 =	vshll.u32 v3, $0x3  }
0xcc: {  	v3 =	vand.u32 $0x7, v3;
	v4 =	vand.u32 $0xFFFFFFC0, v39  }
0xcd: {  	v3 =	vor.u32 v3, v4  }
0xce: {  	v4 =	vperm.xlane v3, v0;
	_ =	sdelay $0x1  }
0xcf: {  	v4 =	vadd.s32 v1, v4;
	_ =	sdelay $0x4  }
0xd0: {  	[hbm4b:s3+s2] =	stream.indirect_vreg.scatter [tilespmem:s16], [sflag:$0x3], $0x80, v4, vm0, $0xb8;
	[tilespmem:$0x12000] =	vst v63  }
0xd1: {  	v3 =	vperm.xlane v3, v2  }
0xd2: {  	[hbm4b:s6+s2] =	stream.indirect_vreg.scatter [tilespmem:s15], [sflag:$0x3], $0x80, v4, vm0, $0xb8;
	[tilespmem:$0x12000] =	vst v63  }
0xd3: {  	v3 =	vadd.s32 v1, v3  }
0xd4: {  	[hbm4b:s7+s2] =	stream.indirect_vreg.scatter [tilespmem:s12], [sflag:$0x3], $0x80, v4, vm0, $0xb8;
	[tilespmem:$0x12000] =	vst v63  }
0xd5: {  	s26 =	simm.s32 $0x1  }
0xd6: {  	[hbm4b:s8+s2] =	stream.indirect_vreg.scatter [tilespmem:s31], [sflag:$0x3], $0x80, v4, vm0, $0xb8;
	[tilespmem:$0x12000] =	vst v63  }
0xd7: {  	s26 =	simm.s32 @!p0 $0x0  }
0xd8: {  	[hbm4b:s3+s2] =	stream.indirect_vreg.scatter [tilespmem:s13], [sflag:$0x3], $0x80, v3, vm0, $0xb8;
	[tilespmem:$0x12000] =	vst v63  }
0xd9: {  	s26 =	sshll.u32 s26, $0x6  }
0xda: {  	[hbm4b:s6+s2] =	stream.indirect_vreg.scatter [tilespmem:s11], [sflag:$0x3], $0x80, v3, vm0, $0xb8;
	[tilespmem:$0x12000] =	vst v63  }
0xdb: {  	s26 =	sadd.s32 s26, s23  }
0xdc: {  	[hbm4b:s7+s2] =	stream.indirect_vreg.scatter [tilespmem:s29], [sflag:$0x3], $0x80, v3, vm0, $0xb8;
	[tilespmem:$0x12000] =	vst v63  }
0xdd: {  	s28 =	sor.u32 $0x200, s26  }
0xde: {  	[hbm4b:s8+s2] =	stream.indirect_vreg.scatter [tilespmem:s20], [sflag:$0x3], $0x80, v3, vm0, $0xb8;
	[tilespmem:$0x12000] =	vst v63  }
0xdf: {  	v3 =	vld [tilespmem:s28+$0x0];
	_ =	sdelay $0x4  }
0xe0: {  	v40 =	vshll.u32 v3, $0x3  }
0xe1: {  	v3 =	vand.u32 $0x7, v3;
	v4 =	vand.u32 $0xFFFFFFC0, v40  }
0xe2: {  	v3 =	vor.u32 v3, v4  }
0xe3: {  	v4 =	vperm.xlane v3, v0;
	_ =	sdelay $0x1  }
0xe4: {  	v4 =	vadd.s32 v1, v4;
	_ =	sdelay $0x4  }
0xe5: {  	[hbm4b:s3+s2] =	stream.indirect_vreg.scatter [tilespmem:s22], [sflag:$0x3], $0x80, v4, vm0, $0xb8;
	[tilespmem:$0x12000] =	vst v63  }
0xe6: {  	s30 =	simm.s32 $0x2800;
	v3 =	vperm.xlane v3, v2  }
0xe7: {  	[hbm4b:s6+s2] =	stream.indirect_vreg.scatter [tilespmem:s30], [sflag:$0x3], $0x80, v4, vm0, $0xb8;
	[tilespmem:$0x12000] =	vst v63  }
0xe8: {  	s1 =	simm.s32 $0x3000;
	v3 =	vadd.s32 v1, v3  }
0xe9: {  	[hbm4b:s7+s2] =	stream.indirect_vreg.scatter [tilespmem:s1], [sflag:$0x3], $0x80, v4, vm0, $0xb8;
	[tilespmem:$0x12000] =	vst v63  }
0xea: {  	s4 =	simm.s32 $0x3800  }
0xeb: {  	[hbm4b:s8+s2] =	stream.indirect_vreg.scatter [tilespmem:s4], [sflag:$0x3], $0x80, v4, vm0, $0xb8;
	[tilespmem:$0x12000] =	vst v63  }
0xec: {  	s5 =	simm.s32 $0x4000  }
0xed: {  	[hbm4b:s3+s2] =	stream.indirect_vreg.scatter [tilespmem:s5], [sflag:$0x3], $0x80, v3, vm0, $0xb8;
	[tilespmem:$0x12000] =	vst v63  }
0xee: {  	s5 =	simm.s32 $0x4800  }
0xef: {  	[hbm4b:s6+s2] =	stream.indirect_vreg.scatter [tilespmem:s5], [sflag:$0x3], $0x80, v3, vm0, $0xb8;
	[tilespmem:$0x12000] =	vst v63  }
0xf0: {  	_ = 	snop  }
0xf1: {  	[hbm4b:s7+s2] =	stream.indirect_vreg.scatter [tilespmem:s18], [sflag:$0x3], $0x80, v3, vm0, $0xb8;
	[tilespmem:$0x12000] =	vst v63  }
0xf2: {  	_ = 	snop  }
0xf3: {  	[hbm4b:s8+s2] =	stream.indirect_vreg.scatter [tilespmem:s17], [sflag:$0x3], $0x80, v3, vm0, $0xb8;
	[tilespmem:$0x12000] =	vst v63  }
0xf4: {  	v3 =	vld [tilespmem:s28+$0x10];
	_ =	sdelay $0x4  }
0xf5: {  	v41 =	vshll.u32 v3, $0x3  }
0xf6: {  	v3 =	vand.u32 $0x7, v3;
	v4 =	vand.u32 $0xFFFFFFC0, v41  }
0xf7: {  	v3 =	vor.u32 v3, v4  }
0xf8: {  	v4 =	vperm.xlane v3, v0;
	_ =	sdelay $0x1  }
0xf9: {  	v4 =	vadd.s32 v1, v4;
	_ =	sdelay $0x4  }
0xfa: {  	[hbm4b:s3+s2] =	stream.indirect_vreg.scatter [tilespmem:s16], [sflag:$0x3], $0x80, v4, vm0, $0xb8;
	[tilespmem:$0x12000] =	vst v63  }
0xfb: {  	v3 =	vperm.xlane v3, v2  }
0xfc: {  	[hbm4b:s6+s2] =	stream.indirect_vreg.scatter [tilespmem:s15], [sflag:$0x3], $0x80, v4, vm0, $0xb8;
	[tilespmem:$0x12000] =	vst v63  }
0xfd: {  	v3 =	vadd.s32 v1, v3  }
0xfe: {  	[hbm4b:s7+s2] =	stream.indirect_vreg.scatter [tilespmem:s12], [sflag:$0x3], $0x80, v4, vm0, $0xb8;
	[tilespmem:$0x12000] =	vst v63  }
0xff: {  	_ = 	snop  }
0x100: {  	[hbm4b:s8+s2] =	stream.indirect_vreg.scatter [tilespmem:s31], [sflag:$0x3], $0x80, v4, vm0, $0xb8;
	[tilespmem:$0x12000] =	vst v63  }
0x101: {  	_ = 	snop  }
0x102: {  	[hbm4b:s3+s2] =	stream.indirect_vreg.scatter [tilespmem:s13], [sflag:$0x3], $0x80, v3, vm0, $0xb8;
	[tilespmem:$0x12000] =	vst v63  }
0x103: {  	_ = 	snop  }
0x104: {  	[hbm4b:s6+s2] =	stream.indirect_vreg.scatter [tilespmem:s11], [sflag:$0x3], $0x80, v3, vm0, $0xb8;
	[tilespmem:$0x12000] =	vst v63  }
0x105: {  	_ = 	snop  }
0x106: {  	[hbm4b:s7+s2] =	stream.indirect_vreg.scatter [tilespmem:s29], [sflag:$0x3], $0x80, v3, vm0, $0xb8;
	[tilespmem:$0x12000] =	vst v63  }
0x107: {  	s28 =	sor.u32 $0x280, s26  }
0x108: {  	[hbm4b:s8+s2] =	stream.indirect_vreg.scatter [tilespmem:s20], [sflag:$0x3], $0x80, v3, vm0, $0xb8;
	[tilespmem:$0x12000] =	vst v63  }
0x109: {  	v3 =	vld [tilespmem:s28+$0x0];
	_ =	sdelay $0x4  }
0x10a: {  	v42 =	vshll.u32 v3, $0x3  }
0x10b: {  	v3 =	vand.u32 $0x7, v3;
	v4 =	vand.u32 $0xFFFFFFC0, v42  }
0x10c: {  	v3 =	vor.u32 v3, v4  }
0x10d: {  	v4 =	vperm.xlane v3, v0;
	_ =	sdelay $0x1  }
0x10e: {  	v4 =	vadd.s32 v1, v4;
	_ =	sdelay $0x4  }
0x10f: {  	[hbm4b:s3+s2] =	stream.indirect_vreg.scatter [tilespmem:s22], [sflag:$0x3], $0x80, v4, vm0, $0xb8;
	[tilespmem:$0x12000] =	vst v63  }
0x110: {  	v3 =	vperm.xlane v3, v2  }
0x111: {  	[hbm4b:s6+s2] =	stream.indirect_vreg.scatter [tilespmem:s30], [sflag:$0x3], $0x80, v4, vm0, $0xb8;
	[tilespmem:$0x12000] =	vst v63  }
0x112: {  	v3 =	vadd.s32 v1, v3  }
0x113: {  	[hbm4b:s7+s2] =	stream.indirect_vreg.scatter [tilespmem:s1], [sflag:$0x3], $0x80, v4, vm0, $0xb8;
	[tilespmem:$0x12000] =	vst v63  }
0x114: {  	_ = 	snop  }
0x115: {  	[hbm4b:s8+s2] =	stream.indirect_vreg.scatter [tilespmem:s4], [sflag:$0x3], $0x80, v4, vm0, $0xb8;
	[tilespmem:$0x12000] =	vst v63  }
0x116: {  	s4 =	simm.s32 $0x4000  }
0x117: {  	[hbm4b:s3+s2] =	stream.indirect_vreg.scatter [tilespmem:s4], [sflag:$0x3], $0x80, v3, vm0, $0xb8;
	[tilespmem:$0x12000] =	vst v63  }
0x118: {  	_ = 	snop  }
0x119: {  	[hbm4b:s6+s2] =	stream.indirect_vreg.scatter [tilespmem:s5], [sflag:$0x3], $0x80, v3, vm0, $0xb8;
	[tilespmem:$0x12000] =	vst v63  }
0x11a: {  	_ = 	snop  }
0x11b: {  	[hbm4b:s7+s2] =	stream.indirect_vreg.scatter [tilespmem:s18], [sflag:$0x3], $0x80, v3, vm0, $0xb8;
	[tilespmem:$0x12000] =	vst v63  }
0x11c: {  	_ = 	snop  }
0x11d: {  	[hbm4b:s8+s2] =	stream.indirect_vreg.scatter [tilespmem:s17], [sflag:$0x3], $0x80, v3, vm0, $0xb8;
	[tilespmem:$0x12000] =	vst v63  }
0x11e: {  	v3 =	vld [tilespmem:s28+$0x10];
	_ =	sdelay $0x4  }
0x11f: {  	v43 =	vshll.u32 v3, $0x3  }
0x120: {  	v3 =	vand.u32 $0x7, v3;
	v4 =	vand.u32 $0xFFFFFFC0, v43  }
0x121: {  	v3 =	vor.u32 v3, v4  }
0x122: {  	v4 =	vperm.xlane v3, v0;
	_ =	sdelay $0x1  }
0x123: {  	v4 =	vadd.s32 v1, v4;
	_ =	sdelay $0x4  }
0x124: {  	[hbm4b:s3+s2] =	stream.indirect_vreg.scatter [tilespmem:s16], [sflag:$0x3], $0x80, v4, vm0, $0xb8;
	[tilespmem:$0x12000] =	vst v63  }
0x125: {  	v3 =	vperm.xlane v3, v2  }
0x126: {  	[hbm4b:s6+s2] =	stream.indirect_vreg.scatter [tilespmem:s15], [sflag:$0x3], $0x80, v4, vm0, $0xb8;
	[tilespmem:$0x12000] =	vst v63  }
0x127: {  	v3 =	vadd.s32 v1, v3  }
0x128: {  	[hbm4b:s7+s2] =	stream.indirect_vreg.scatter [tilespmem:s12], [sflag:$0x3], $0x80, v4, vm0, $0xb8;
	[tilespmem:$0x12000] =	vst v63  }
0x129: {  	_ = 	snop  }
0x12a: {  	[hbm4b:s8+s2] =	stream.indirect_vreg.scatter [tilespmem:s31], [sflag:$0x3], $0x80, v4, vm0, $0xb8;
	[tilespmem:$0x12000] =	vst v63  }
0x12b: {  	_ = 	snop  }
0x12c: {  	[hbm4b:s3+s2] =	stream.indirect_vreg.scatter [tilespmem:s13], [sflag:$0x3], $0x80, v3, vm0, $0xb8;
	[tilespmem:$0x12000] =	vst v63  }
0x12d: {  	_ = 	snop  }
0x12e: {  	[hbm4b:s6+s2] =	stream.indirect_vreg.scatter [tilespmem:s11], [sflag:$0x3], $0x80, v3, vm0, $0xb8;
	[tilespmem:$0x12000] =	vst v63  }
0x12f: {  	_ = 	snop  }
0x130: {  	[hbm4b:s7+s2] =	stream.indirect_vreg.scatter [tilespmem:s29], [sflag:$0x3], $0x80, v3, vm0, $0xb8;
	[tilespmem:$0x12000] =	vst v63  }
0x131: {  	s26 =	sor.u32 $0x300, s26  }
0x132: {  	[hbm4b:s8+s2] =	stream.indirect_vreg.scatter [tilespmem:s20], [sflag:$0x3], $0x80, v3, vm0, $0xb8;
	[tilespmem:$0x12000] =	vst v63  }
0x133: {  	v3 =	vld [tilespmem:s26+$0x0];
	_ =	sdelay $0x4  }
0x134: {  	v44 =	vshll.u32 v3, $0x3  }
0x135: {  	v3 =	vand.u32 $0x7, v3;
	v4 =	vand.u32 $0xFFFFFFC0, v44  }
0x136: {  	v3 =	vor.u32 v3, v4  }
0x137: {  	v4 =	vperm.xlane v3, v0;
	_ =	sdelay $0x1  }
0x138: {  	v4 =	vadd.s32 v1, v4;
	_ =	sdelay $0x4  }
0x139: {  	[hbm4b:s3+s2] =	stream.indirect_vreg.scatter [tilespmem:s22], [sflag:$0x3], $0x80, v4, vm0, $0xb8;
	[tilespmem:$0x12000] =	vst v63  }
0x13a: {  	v3 =	vperm.xlane v3, v2  }
0x13b: {  	[hbm4b:s6+s2] =	stream.indirect_vreg.scatter [tilespmem:s30], [sflag:$0x3], $0x80, v4, vm0, $0xb8;
	[tilespmem:$0x12000] =	vst v63  }
0x13c: {  	v3 =	vadd.s32 v1, v3  }
0x13d: {  	[hbm4b:s7+s2] =	stream.indirect_vreg.scatter [tilespmem:s1], [sflag:$0x3], $0x80, v4, vm0, $0xb8;
	[tilespmem:$0x12000] =	vst v63  }
0x13e: {  	s1 =	simm.s32 $0x3800  }
0x13f: {  	[hbm4b:s8+s2] =	stream.indirect_vreg.scatter [tilespmem:s1], [sflag:$0x3], $0x80, v4, vm0, $0xb8;
	[tilespmem:$0x12000] =	vst v63  }
0x140: {  	_ = 	snop  }
0x141: {  	[hbm4b:s3+s2] =	stream.indirect_vreg.scatter [tilespmem:s4], [sflag:$0x3], $0x80, v3, vm0, $0xb8;
	[tilespmem:$0x12000] =	vst v63  }
0x142: {  	_ = 	snop  }
0x143: {  	[hbm4b:s6+s2] =	stream.indirect_vreg.scatter [tilespmem:s5], [sflag:$0x3], $0x80, v3, vm0, $0xb8;
	[tilespmem:$0x12000] =	vst v63  }
0x144: {  	_ = 	snop  }
0x145: {  	[hbm4b:s7+s2] =	stream.indirect_vreg.scatter [tilespmem:s18], [sflag:$0x3], $0x80, v3, vm0, $0xb8;
	[tilespmem:$0x12000] =	vst v63  }
0x146: {  	_ = 	snop  }
0x147: {  	[hbm4b:s8+s2] =	stream.indirect_vreg.scatter [tilespmem:s17], [sflag:$0x3], $0x80, v3, vm0, $0xb8;
	[tilespmem:$0x12000] =	vst v63  }
0x148: {  	v3 =	vld [tilespmem:s26+$0x10];
	_ =	sdelay $0x4  }
0x149: {  	v45 =	vshll.u32 v3, $0x3  }
0x14a: {  	v3 =	vand.u32 $0x7, v3;
	v4 =	vand.u32 $0xFFFFFFC0, v45  }
0x14b: {  	v3 =	vor.u32 v3, v4  }
0x14c: {  	v4 =	vperm.xlane v3, v0;
	_ =	sdelay $0x1  }
0x14d: {  	v4 =	vadd.s32 v1, v4;
	_ =	sdelay $0x4  }
0x14e: {  	[hbm4b:s3+s2] =	stream.indirect_vreg.scatter [tilespmem:s16], [sflag:$0x3], $0x80, v4, vm0, $0xb8;
	[tilespmem:$0x12000] =	vst v63  }
0x14f: {  	v3 =	vperm.xlane v3, v2  }
0x150: {  	[hbm4b:s6+s2] =	stream.indirect_vreg.scatter [tilespmem:s15], [sflag:$0x3], $0x80, v4, vm0, $0xb8;
	[tilespmem:$0x12000] =	vst v63  }
0x151: {  	v3 =	vadd.s32 v1, v3  }
0x152: {  	[hbm4b:s7+s2] =	stream.indirect_vreg.scatter [tilespmem:s12], [sflag:$0x3], $0x80, v4, vm0, $0xb8;
	[tilespmem:$0x12000] =	vst v63  }
0x153: {  	_ = 	snop  }
0x154: {  	[hbm4b:s8+s2] =	stream.indirect_vreg.scatter [tilespmem:s31], [sflag:$0x3], $0x80, v4, vm0, $0xb8;
	[tilespmem:$0x12000] =	vst v63  }
0x155: {  	_ = 	snop  }
0x156: {  	[hbm4b:s3+s2] =	stream.indirect_vreg.scatter [tilespmem:s13], [sflag:$0x3], $0x80, v3, vm0, $0xb8;
	[tilespmem:$0x12000] =	vst v63  }
0x157: {  	_ = 	snop  }
0x158: {  	[hbm4b:s6+s2] =	stream.indirect_vreg.scatter [tilespmem:s11], [sflag:$0x3], $0x80, v3, vm0, $0xb8;
	[tilespmem:$0x12000] =	vst v63  }
0x159: {  	s26 =	sor.u32 s23, s21  }
0x15a: {  	[hbm4b:s7+s2] =	stream.indirect_vreg.scatter [tilespmem:s29], [sflag:$0x3], $0x80, v3, vm0, $0xb8;
	[tilespmem:$0x12000] =	vst v63  }
0x15b: {  	s26 =	sor.u32 $0x380, s26  }
0x15c: {  	[hbm4b:s8+s2] =	stream.indirect_vreg.scatter [tilespmem:s20], [sflag:$0x3], $0x80, v3, vm0, $0xb8;
	[tilespmem:$0x12000] =	vst v63  }
0x15d: {  	v3 =	vld [tilespmem:s26+$0x0];
	_ =	sdelay $0x4  }
0x15e: {  	v46 =	vshll.u32 v3, $0x3  }
0x15f: {  	v3 =	vand.u32 $0x7, v3;
	v4 =	vand.u32 $0xFFFFFFC0, v46  }
0x160: {  	v3 =	vor.u32 v3, v4  }
0x161: {  	v4 =	vperm.xlane v3, v0;
	_ =	sdelay $0x1  }
0x162: {  	v4 =	vadd.s32 v1, v4;
	_ =	sdelay $0x4  }
0x163: {  	[hbm4b:s3+s2] =	stream.indirect_vreg.scatter [tilespmem:s22], [sflag:$0x3], $0x80, v4, vm0, $0xb8;
	[tilespmem:$0x12000] =	vst v63  }
0x164: {  	v3 =	vperm.xlane v3, v2  }
0x165: {  	[hbm4b:s6+s2] =	stream.indirect_vreg.scatter [tilespmem:s30], [sflag:$0x3], $0x80, v4, vm0, $0xb8;
	[tilespmem:$0x12000] =	vst v63  }
0x166: {  	v3 =	vadd.s32 v1, v3;
	s30 =	simm.s32 $0x3000  }
0x167: {  	[hbm4b:s7+s2] =	stream.indirect_vreg.scatter [tilespmem:s30], [sflag:$0x3], $0x80, v4, vm0, $0xb8;
	[tilespmem:$0x12000] =	vst v63  }
0x168: {  	_ = 	snop  }
0x169: {  	[hbm4b:s8+s2] =	stream.indirect_vreg.scatter [tilespmem:s1], [sflag:$0x3], $0x80, v4, vm0, $0xb8;
	[tilespmem:$0x12000] =	vst v63  }
0x16a: {  	_ = 	snop  }
0x16b: {  	[hbm4b:s3+s2] =	stream.indirect_vreg.scatter [tilespmem:s4], [sflag:$0x3], $0x80, v3, vm0, $0xb8;
	[tilespmem:$0x12000] =	vst v63  }
0x16c: {  	_ = 	snop  }
0x16d: {  	[hbm4b:s6+s2] =	stream.indirect_vreg.scatter [tilespmem:s5], [sflag:$0x3], $0x80, v3, vm0, $0xb8;
	[tilespmem:$0x12000] =	vst v63  }
0x16e: {  	_ = 	snop  }
0x16f: {  	[hbm4b:s7+s2] =	stream.indirect_vreg.scatter [tilespmem:s18], [sflag:$0x3], $0x80, v3, vm0, $0xb8;
	[tilespmem:$0x12000] =	vst v63  }
0x170: {  	_ = 	snop  }
0x171: {  	[hbm4b:s8+s2] =	stream.indirect_vreg.scatter [tilespmem:s17], [sflag:$0x3], $0x80, v3, vm0, $0xb8;
	[tilespmem:$0x12000] =	vst v63  }
0x172: {  	v3 =	vld [tilespmem:s26+$0x10];
	_ =	sdelay $0x4  }
0x173: {  	v47 =	vshll.u32 v3, $0x3  }
0x174: {  	v3 =	vand.u32 $0x7, v3;
	v4 =	vand.u32 $0xFFFFFFC0, v47  }
0x175: {  	v3 =	vor.u32 v3, v4  }
0x176: {  	v4 =	vperm.xlane v3, v0;
	_ =	sdelay $0x1  }
0x177: {  	v4 =	vadd.s32 v1, v4;
	_ =	sdelay $0x4  }
0x178: {  	[hbm4b:s3+s2] =	stream.indirect_vreg.scatter [tilespmem:s16], [sflag:$0x3], $0x80, v4, vm0, $0xb8;
	[tilespmem:$0x12000] =	vst v63  }
0x179: {  	v3 =	vperm.xlane v3, v2  }
0x17a: {  	[hbm4b:s6+s2] =	stream.indirect_vreg.scatter [tilespmem:s15], [sflag:$0x3], $0x80, v4, vm0, $0xb8;
	[tilespmem:$0x12000] =	vst v63  }
0x17b: {  	v3 =	vadd.s32 v1, v3  }
0x17c: {  	[hbm4b:s7+s2] =	stream.indirect_vreg.scatter [tilespmem:s12], [sflag:$0x3], $0x80, v4, vm0, $0xb8;
	[tilespmem:$0x12000] =	vst v63  }
0x17d: {  	_ = 	snop  }
0x17e: {  	[hbm4b:s8+s2] =	stream.indirect_vreg.scatter [tilespmem:s31], [sflag:$0x3], $0x80, v4, vm0, $0xb8;
	[tilespmem:$0x12000] =	vst v63  }
0x17f: {  	_ = 	snop  }
0x180: {  	[hbm4b:s3+s2] =	stream.indirect_vreg.scatter [tilespmem:s13], [sflag:$0x3], $0x80, v3, vm0, $0xb8;
	[tilespmem:$0x12000] =	vst v63  }
0x181: {  	_ = 	snop  }
0x182: {  	[hbm4b:s6+s2] =	stream.indirect_vreg.scatter [tilespmem:s11], [sflag:$0x3], $0x80, v3, vm0, $0xb8;
	[tilespmem:$0x12000] =	vst v63  }
0x183: {  	_ = 	snop  }
0x184: {  	[hbm4b:s7+s2] =	stream.indirect_vreg.scatter [tilespmem:s29], [sflag:$0x3], $0x80, v3, vm0, $0xb8;
	[tilespmem:$0x12000] =	vst v63  }
0x185: {  	s15 =	simm.s32 $0x2  }
0x186: {  	[hbm4b:s8+s2] =	stream.indirect_vreg.scatter [tilespmem:s20], [sflag:$0x3], $0x80, v3, vm0, $0xb8;
	[tilespmem:$0x12000] =	vst v63  }
0x187: {  	_ =	swait.ge [sflag:s15], $0x8000  }
0x188: {  	[sflag:s15] =	ssyncset.done $0x0  }
0x189: {  	[sflag:s15] =	ssyncadd.s32 $0xFFFF8000  }
0x18a: {  	_ =	swait.ge [sflag:s0], $0x8000  }
0x18b: {  	[sflag:s0] =	ssyncset.done $0x0  }
0x18c: {  	[sflag:s0] =	ssyncadd.s32 $0xFFFF8000  }
0x18d: {  	_ =	swait.ge [sflag:s0], $0x8000  }
0x18e: {  	[sflag:s0] =	ssyncset.done $0x0  }
0x18f: {  	[sflag:s0] =	ssyncadd.s32 $0xFFFF8000  }
0x190: {  	_ =	swait.ge [sflag:s0], $0x8000  }
0x191: {  	[sflag:s0] =	ssyncset.done $0x0  }
0x192: {  	[sflag:s0] =	ssyncadd.s32 $0xFFFF8000  }
0x193: {  	_ =	swait.ge [sflag:s0], $0x8000  }
0x194: {  	[sflag:s0] =	ssyncset.done $0x0  }
0x195: {  	[sflag:s0] =	ssyncadd.s32 $0xFFFF8000  }
0x196: {  	_ =	swait.ge [sflag:s0], $0x8000  }
0x197: {  	[sflag:s0] =	ssyncset.done $0x0  }
0x198: {  	[sflag:s0] =	ssyncadd.s32 $0xFFFF8000  }
0x199: {  	_ =	swait.ge [sflag:s0], $0x8000  }
0x19a: {  	[sflag:s0] =	ssyncset.done $0x0  }
0x19b: {  	[sflag:s0] =	ssyncadd.s32 $0xFFFF8000  }
0x19c: {  	_ =	swait.ge [sflag:s0], $0x8000  }
0x19d: {  	[sflag:s0] =	ssyncset.done $0x0  }
0x19e: {  	[sflag:s0] =	ssyncadd.s32 $0xFFFF8000  }
0x19f: {  	p1 =	seq.s32 s23, $0x1E00;
	_ =	swait.ge [sflag:s0], $0x8000  }
0x1a0: {  	s28 =	simm.s32 @!p1 $0x2000;
	[sflag:s0] =	ssyncset.done $0x0  }
0x1a1: {  	s26 =	simm.s32 @!p1 $0x0;
	s16 =	sadd.s32 $0x20, s21;
	[sflag:s0] =	ssyncadd.s32 $0xFFFF8000  }
0x1a2: {  	[tilespmem:s28], [sflag:$0x1] =	stream.linear.gather @!p1 [hbm4b:s24+s26], $0x8000, $0x38;
	[tilespmem:$0x12000] =	vst v63  }
0x1a3: {  	s26 =	sand.u32 $0x60, s16  }
0x1a4: {  	s25 =	sadd.s32 s26, s25  }
0x1a5: {  	v3 =	vld [tilespmem:s25+$0x0];
	_ =	sdelay $0x4  }
0x1a6: {  	v48 =	vshll.u32 v3, $0x3  }
0x1a7: {  	v3 =	vand.u32 $0x7, v3;
	v4 =	vand.u32 $0xFFFFFFC0, v48  }
0x1a8: {  	v3 =	vor.u32 v3, v4  }
0x1a9: {  	v4 =	vperm.xlane v3, v0;
	_ =	sdelay $0x1  }
0x1aa: {  	v4 =	vadd.s32 v1, v4;
	_ =	sdelay $0x3  }
0x1ab: {  	s10 =	simm.s32 $0xA000  }
0x1ac: {  	[hbm4b:s3+s2] =	stream.indirect_vreg.scatter [tilespmem:s10], [sflag:$0x4], $0x80, v4, vm0, $0xb8;
	[tilespmem:$0x12000] =	vst v63  }
0x1ad: {  	s19 =	simm.s32 $0xA800;
	v3 =	vperm.xlane v3, v2  }
0x1ae: {  	[hbm4b:s6+s2] =	stream.indirect_vreg.scatter [tilespmem:s19], [sflag:$0x4], $0x80, v4, vm0, $0xb8;
	[tilespmem:$0x12000] =	vst v63  }
0x1af: {  	s14 =	simm.s32 $0xB000;
	v3 =	vadd.s32 v1, v3  }
0x1b0: {  	[hbm4b:s7+s2] =	stream.indirect_vreg.scatter [tilespmem:s14], [sflag:$0x4], $0x80, v4, vm0, $0xb8;
	[tilespmem:$0x12000] =	vst v63  }
0x1b1: {  	s17 =	simm.s32 $0xB800  }
0x1b2: {  	[hbm4b:s8+s2] =	stream.indirect_vreg.scatter [tilespmem:s17], [sflag:$0x4], $0x80, v4, vm0, $0xb8;
	[tilespmem:$0x12000] =	vst v63  }
0x1b3: {  	s18 =	simm.s32 $0xC000  }
0x1b4: {  	[hbm4b:s3+s2] =	stream.indirect_vreg.scatter [tilespmem:s18], [sflag:$0x4], $0x80, v3, vm0, $0xb8;
	[tilespmem:$0x12000] =	vst v63  }
0x1b5: {  	s22 =	simm.s32 $0xC800  }
0x1b6: {  	[hbm4b:s6+s2] =	stream.indirect_vreg.scatter [tilespmem:s22], [sflag:$0x4], $0x80, v3, vm0, $0xb8;
	[tilespmem:$0x12000] =	vst v63  }
0x1b7: {  	s26 =	simm.s32 $0xD000  }
0x1b8: {  	[hbm4b:s7+s2] =	stream.indirect_vreg.scatter [tilespmem:s26], [sflag:$0x4], $0x80, v3, vm0, $0xb8;
	[tilespmem:$0x12000] =	vst v63  }
0x1b9: {  	s13 =	smov.u32 s9;
	s9 =	simm.s32 $0xD800  }
0x1ba: {  	[hbm4b:s8+s2] =	stream.indirect_vreg.scatter [tilespmem:s9], [sflag:$0x4], $0x80, v3, vm0, $0xb8;
	[tilespmem:$0x12000] =	vst v63  }
0x1bb: {  	v3 =	vld [tilespmem:s25+$0x10];
	_ =	sdelay $0x4  }
0x1bc: {  	v49 =	vshll.u32 v3, $0x3  }
0x1bd: {  	v3 =	vand.u32 $0x7, v3;
	v4 =	vand.u32 $0xFFFFFFC0, v49  }
0x1be: {  	v3 =	vor.u32 v3, v4  }
0x1bf: {  	v4 =	vperm.xlane v3, v0;
	_ =	sdelay $0x1  }
0x1c0: {  	v4 =	vadd.s32 v1, v4;
	_ =	sdelay $0x3  }
0x1c1: {  	s11 =	simm.s32 $0xE000  }
0x1c2: {  	[hbm4b:s3+s2] =	stream.indirect_vreg.scatter [tilespmem:s11], [sflag:$0x4], $0x80, v4, vm0, $0xb8;
	[tilespmem:$0x12000] =	vst v63  }
0x1c3: {  	s12 =	simm.s32 $0xE800;
	v3 =	vperm.xlane v3, v2  }
0x1c4: {  	[hbm4b:s6+s2] =	stream.indirect_vreg.scatter [tilespmem:s12], [sflag:$0x4], $0x80, v4, vm0, $0xb8;
	[tilespmem:$0x12000] =	vst v63  }
0x1c5: {  	s15 =	simm.s32 $0xF000;
	v3 =	vadd.s32 v1, v3  }
0x1c6: {  	[hbm4b:s7+s2] =	stream.indirect_vreg.scatter [tilespmem:s15], [sflag:$0x4], $0x80, v4, vm0, $0xb8;
	[tilespmem:$0x12000] =	vst v63  }
0x1c7: {  	s16 =	simm.s32 $0xF800  }
0x1c8: {  	[hbm4b:s8+s2] =	stream.indirect_vreg.scatter [tilespmem:s16], [sflag:$0x4], $0x80, v4, vm0, $0xb8;
	[tilespmem:$0x12000] =	vst v63  }
0x1c9: {  	s17 =	simm.s32 $0x10000  }
0x1ca: {  	[hbm4b:s3+s2] =	stream.indirect_vreg.scatter [tilespmem:s17], [sflag:$0x4], $0x80, v3, vm0, $0xb8;
	[tilespmem:$0x12000] =	vst v63  }
0x1cb: {  	s18 =	simm.s32 $0x10800  }
0x1cc: {  	[hbm4b:s6+s2] =	stream.indirect_vreg.scatter [tilespmem:s18], [sflag:$0x4], $0x80, v3, vm0, $0xb8;
	[tilespmem:$0x12000] =	vst v63  }
0x1cd: {  	s22 =	simm.s32 $0x11000  }
0x1ce: {  	[hbm4b:s7+s2] =	stream.indirect_vreg.scatter [tilespmem:s22], [sflag:$0x4], $0x80, v3, vm0, $0xb8;
	[tilespmem:$0x12000] =	vst v63  }
0x1cf: {  	s9 =	simm.s32 $0x11800  }
0x1d0: {  	[hbm4b:s8+s2] =	stream.indirect_vreg.scatter [tilespmem:s9], [sflag:$0x4], $0x80, v3, vm0, $0xb8;
	[tilespmem:$0x12000] =	vst v63  }
0x1d1: {  	v3 =	vld [tilespmem:s25+$0x80];
	_ =	sdelay $0x4  }
0x1d2: {  	v50 =	vshll.u32 v3, $0x3  }
0x1d3: {  	v3 =	vand.u32 $0x7, v3;
	v4 =	vand.u32 $0xFFFFFFC0, v50  }
0x1d4: {  	v3 =	vor.u32 v3, v4  }
0x1d5: {  	v4 =	vperm.xlane v3, v0;
	_ =	sdelay $0x1  }
0x1d6: {  	v4 =	vadd.s32 v1, v4;
	_ =	sdelay $0x4  }
0x1d7: {  	[hbm4b:s3+s2] =	stream.indirect_vreg.scatter [tilespmem:s10], [sflag:$0x4], $0x80, v4, vm0, $0xb8;
	[tilespmem:$0x12000] =	vst v63  }
0x1d8: {  	v3 =	vperm.xlane v3, v2  }
0x1d9: {  	[hbm4b:s6+s2] =	stream.indirect_vreg.scatter [tilespmem:s19], [sflag:$0x4], $0x80, v4, vm0, $0xb8;
	[tilespmem:$0x12000] =	vst v63  }
0x1da: {  	v3 =	vadd.s32 v1, v3  }
0x1db: {  	[hbm4b:s7+s2] =	stream.indirect_vreg.scatter [tilespmem:s14], [sflag:$0x4], $0x80, v4, vm0, $0xb8;
	[tilespmem:$0x12000] =	vst v63  }
0x1dc: {  	s11 =	simm.s32 $0xB800  }
0x1dd: {  	[hbm4b:s8+s2] =	stream.indirect_vreg.scatter [tilespmem:s11], [sflag:$0x4], $0x80, v4, vm0, $0xb8;
	[tilespmem:$0x12000] =	vst v63  }
0x1de: {  	s12 =	simm.s32 $0xC000  }
0x1df: {  	[hbm4b:s3+s2] =	stream.indirect_vreg.scatter [tilespmem:s12], [sflag:$0x4], $0x80, v3, vm0, $0xb8;
	[tilespmem:$0x12000] =	vst v63  }
0x1e0: {  	s15 =	simm.s32 $0xC800  }
0x1e1: {  	[hbm4b:s6+s2] =	stream.indirect_vreg.scatter [tilespmem:s15], [sflag:$0x4], $0x80, v3, vm0, $0xb8;
	[tilespmem:$0x12000] =	vst v63  }
0x1e2: {  	s16 =	simm.s32 $0xD000  }
0x1e3: {  	[hbm4b:s7+s2] =	stream.indirect_vreg.scatter [tilespmem:s16], [sflag:$0x4], $0x80, v3, vm0, $0xb8;
	[tilespmem:$0x12000] =	vst v63  }
0x1e4: {  	s17 =	simm.s32 $0xD800  }
0x1e5: {  	[hbm4b:s8+s2] =	stream.indirect_vreg.scatter [tilespmem:s17], [sflag:$0x4], $0x80, v3, vm0, $0xb8;
	[tilespmem:$0x12000] =	vst v63  }
0x1e6: {  	v3 =	vld [tilespmem:s25+$0x90];
	_ =	sdelay $0x4  }
0x1e7: {  	v51 =	vshll.u32 v3, $0x3  }
0x1e8: {  	v3 =	vand.u32 $0x7, v3;
	v4 =	vand.u32 $0xFFFFFFC0, v51  }
0x1e9: {  	v3 =	vor.u32 v3, v4  }
0x1ea: {  	v4 =	vperm.xlane v3, v0;
	_ =	sdelay $0x1  }
0x1eb: {  	v4 =	vadd.s32 v1, v4;
	_ =	sdelay $0x3  }
0x1ec: {  	s18 =	simm.s32 $0xE000  }
0x1ed: {  	[hbm4b:s3+s2] =	stream.indirect_vreg.scatter [tilespmem:s18], [sflag:$0x4], $0x80, v4, vm0, $0xb8;
	[tilespmem:$0x12000] =	vst v63  }
0x1ee: {  	s22 =	simm.s32 $0xE800;
	v3 =	vperm.xlane v3, v2  }
0x1ef: {  	[hbm4b:s6+s2] =	stream.indirect_vreg.scatter [tilespmem:s22], [sflag:$0x4], $0x80, v4, vm0, $0xb8;
	[tilespmem:$0x12000] =	vst v63  }
0x1f0: {  	s26 =	simm.s32 $0xF000;
	v3 =	vadd.s32 v1, v3  }
0x1f1: {  	[hbm4b:s7+s2] =	stream.indirect_vreg.scatter [tilespmem:s26], [sflag:$0x4], $0x80, v4, vm0, $0xb8;
	[tilespmem:$0x12000] =	vst v63  }
0x1f2: {  	s9 =	simm.s32 $0xF800  }
0x1f3: {  	[hbm4b:s8+s2] =	stream.indirect_vreg.scatter [tilespmem:s9], [sflag:$0x4], $0x80, v4, vm0, $0xb8;
	[tilespmem:$0x12000] =	vst v63  }
0x1f4: {  	s11 =	simm.s32 $0x10000  }
0x1f5: {  	[hbm4b:s3+s2] =	stream.indirect_vreg.scatter [tilespmem:s11], [sflag:$0x4], $0x80, v3, vm0, $0xb8;
	[tilespmem:$0x12000] =	vst v63  }
0x1f6: {  	s12 =	simm.s32 $0x10800  }
0x1f7: {  	[hbm4b:s6+s2] =	stream.indirect_vreg.scatter [tilespmem:s12], [sflag:$0x4], $0x80, v3, vm0, $0xb8;
	[tilespmem:$0x12000] =	vst v63  }
0x1f8: {  	s15 =	simm.s32 $0x11000  }
0x1f9: {  	[hbm4b:s7+s2] =	stream.indirect_vreg.scatter [tilespmem:s15], [sflag:$0x4], $0x80, v3, vm0, $0xb8;
	[tilespmem:$0x12000] =	vst v63  }
0x1fa: {  	s16 =	simm.s32 $0x11800  }
0x1fb: {  	[hbm4b:s8+s2] =	stream.indirect_vreg.scatter [tilespmem:s16], [sflag:$0x4], $0x80, v3, vm0, $0xb8;
	[tilespmem:$0x12000] =	vst v63  }
0x1fc: {  	v3 =	vld [tilespmem:s25+$0x100];
	_ =	sdelay $0x4  }
0x1fd: {  	v52 =	vshll.u32 v3, $0x3  }
0x1fe: {  	v3 =	vand.u32 $0x7, v3;
	v4 =	vand.u32 $0xFFFFFFC0, v52  }
0x1ff: {  	v3 =	vor.u32 v3, v4  }
0x200: {  	v4 =	vperm.xlane v3, v0;
	_ =	sdelay $0x1  }
0x201: {  	v4 =	vadd.s32 v1, v4;
	_ =	sdelay $0x4  }
0x202: {  	[hbm4b:s3+s2] =	stream.indirect_vreg.scatter [tilespmem:s10], [sflag:$0x4], $0x80, v4, vm0, $0xb8;
	[tilespmem:$0x12000] =	vst v63  }
0x203: {  	v3 =	vperm.xlane v3, v2  }
0x204: {  	[hbm4b:s6+s2] =	stream.indirect_vreg.scatter [tilespmem:s19], [sflag:$0x4], $0x80, v4, vm0, $0xb8;
	[tilespmem:$0x12000] =	vst v63  }
0x205: {  	v3 =	vadd.s32 v1, v3  }
0x206: {  	[hbm4b:s7+s2] =	stream.indirect_vreg.scatter [tilespmem:s14], [sflag:$0x4], $0x80, v4, vm0, $0xb8;
	[tilespmem:$0x12000] =	vst v63  }
0x207: {  	s17 =	simm.s32 $0xB800  }
0x208: {  	[hbm4b:s8+s2] =	stream.indirect_vreg.scatter [tilespmem:s17], [sflag:$0x4], $0x80, v4, vm0, $0xb8;
	[tilespmem:$0x12000] =	vst v63  }
0x209: {  	s18 =	simm.s32 $0xC000  }
0x20a: {  	[hbm4b:s3+s2] =	stream.indirect_vreg.scatter [tilespmem:s18], [sflag:$0x4], $0x80, v3, vm0, $0xb8;
	[tilespmem:$0x12000] =	vst v63  }
0x20b: {  	s22 =	simm.s32 $0xC800  }
0x20c: {  	[hbm4b:s6+s2] =	stream.indirect_vreg.scatter [tilespmem:s22], [sflag:$0x4], $0x80, v3, vm0, $0xb8;
	[tilespmem:$0x12000] =	vst v63  }
0x20d: {  	s26 =	simm.s32 $0xD000  }
0x20e: {  	[hbm4b:s7+s2] =	stream.indirect_vreg.scatter [tilespmem:s26], [sflag:$0x4], $0x80, v3, vm0, $0xb8;
	[tilespmem:$0x12000] =	vst v63  }
0x20f: {  	s9 =	simm.s32 $0xD800  }
0x210: {  	[hbm4b:s8+s2] =	stream.indirect_vreg.scatter [tilespmem:s9], [sflag:$0x4], $0x80, v3, vm0, $0xb8;
	[tilespmem:$0x12000] =	vst v63  }
0x211: {  	v3 =	vld [tilespmem:s25+$0x110];
	_ =	sdelay $0x4  }
0x212: {  	v53 =	vshll.u32 v3, $0x3  }
0x213: {  	v3 =	vand.u32 $0x7, v3;
	v4 =	vand.u32 $0xFFFFFFC0, v53  }
0x214: {  	v3 =	vor.u32 v3, v4  }
0x215: {  	v4 =	vperm.xlane v3, v0;
	_ =	sdelay $0x1  }
0x216: {  	v4 =	vadd.s32 v1, v4;
	_ =	sdelay $0x3  }
0x217: {  	s11 =	simm.s32 $0xE000  }
0x218: {  	[hbm4b:s3+s2] =	stream.indirect_vreg.scatter [tilespmem:s11], [sflag:$0x4], $0x80, v4, vm0, $0xb8;
	[tilespmem:$0x12000] =	vst v63  }
0x219: {  	s12 =	simm.s32 $0xE800;
	v3 =	vperm.xlane v3, v2  }
0x21a: {  	[hbm4b:s6+s2] =	stream.indirect_vreg.scatter [tilespmem:s12], [sflag:$0x4], $0x80, v4, vm0, $0xb8;
	[tilespmem:$0x12000] =	vst v63  }
0x21b: {  	s15 =	simm.s32 $0xF000;
	v3 =	vadd.s32 v1, v3  }
0x21c: {  	[hbm4b:s7+s2] =	stream.indirect_vreg.scatter [tilespmem:s15], [sflag:$0x4], $0x80, v4, vm0, $0xb8;
	[tilespmem:$0x12000] =	vst v63  }
0x21d: {  	s16 =	simm.s32 $0xF800  }
0x21e: {  	[hbm4b:s8+s2] =	stream.indirect_vreg.scatter [tilespmem:s16], [sflag:$0x4], $0x80, v4, vm0, $0xb8;
	[tilespmem:$0x12000] =	vst v63  }
0x21f: {  	s17 =	simm.s32 $0x10000  }
0x220: {  	[hbm4b:s3+s2] =	stream.indirect_vreg.scatter [tilespmem:s17], [sflag:$0x4], $0x80, v3, vm0, $0xb8;
	[tilespmem:$0x12000] =	vst v63  }
0x221: {  	s18 =	simm.s32 $0x10800  }
0x222: {  	[hbm4b:s6+s2] =	stream.indirect_vreg.scatter [tilespmem:s18], [sflag:$0x4], $0x80, v3, vm0, $0xb8;
	[tilespmem:$0x12000] =	vst v63  }
0x223: {  	s22 =	simm.s32 $0x11000  }
0x224: {  	[hbm4b:s7+s2] =	stream.indirect_vreg.scatter [tilespmem:s22], [sflag:$0x4], $0x80, v3, vm0, $0xb8;
	[tilespmem:$0x12000] =	vst v63  }
0x225: {  	s9 =	simm.s32 $0x11800  }
0x226: {  	[hbm4b:s8+s2] =	stream.indirect_vreg.scatter [tilespmem:s9], [sflag:$0x4], $0x80, v3, vm0, $0xb8;
	[tilespmem:$0x12000] =	vst v63  }
0x227: {  	v3 =	vld [tilespmem:s25+$0x180];
	_ =	sdelay $0x4  }
0x228: {  	v54 =	vshll.u32 v3, $0x3  }
0x229: {  	v3 =	vand.u32 $0x7, v3;
	v4 =	vand.u32 $0xFFFFFFC0, v54  }
0x22a: {  	v3 =	vor.u32 v3, v4  }
0x22b: {  	v4 =	vperm.xlane v3, v0;
	_ =	sdelay $0x1  }
0x22c: {  	v4 =	vadd.s32 v1, v4;
	_ =	sdelay $0x4  }
0x22d: {  	[hbm4b:s3+s2] =	stream.indirect_vreg.scatter [tilespmem:s10], [sflag:$0x4], $0x80, v4, vm0, $0xb8;
	[tilespmem:$0x12000] =	vst v63  }
0x22e: {  	v3 =	vperm.xlane v3, v2  }
0x22f: {  	[hbm4b:s6+s2] =	stream.indirect_vreg.scatter [tilespmem:s19], [sflag:$0x4], $0x80, v4, vm0, $0xb8;
	[tilespmem:$0x12000] =	vst v63  }
0x230: {  	v3 =	vadd.s32 v1, v3  }
0x231: {  	[hbm4b:s7+s2] =	stream.indirect_vreg.scatter [tilespmem:s14], [sflag:$0x4], $0x80, v4, vm0, $0xb8;
	[tilespmem:$0x12000] =	vst v63  }
0x232: {  	s11 =	simm.s32 $0xB800  }
0x233: {  	[hbm4b:s8+s2] =	stream.indirect_vreg.scatter [tilespmem:s11], [sflag:$0x4], $0x80, v4, vm0, $0xb8;
	[tilespmem:$0x12000] =	vst v63  }
0x234: {  	s12 =	simm.s32 $0xC000  }
0x235: {  	[hbm4b:s3+s2] =	stream.indirect_vreg.scatter [tilespmem:s12], [sflag:$0x4], $0x80, v3, vm0, $0xb8;
	[tilespmem:$0x12000] =	vst v63  }
0x236: {  	s15 =	simm.s32 $0xC800  }
0x237: {  	[hbm4b:s6+s2] =	stream.indirect_vreg.scatter [tilespmem:s15], [sflag:$0x4], $0x80, v3, vm0, $0xb8;
	[tilespmem:$0x12000] =	vst v63  }
0x238: {  	s16 =	simm.s32 $0xD000  }
0x239: {  	[hbm4b:s7+s2] =	stream.indirect_vreg.scatter [tilespmem:s16], [sflag:$0x4], $0x80, v3, vm0, $0xb8;
	[tilespmem:$0x12000] =	vst v63  }
0x23a: {  	s17 =	simm.s32 $0xD800  }
0x23b: {  	[hbm4b:s8+s2] =	stream.indirect_vreg.scatter [tilespmem:s17], [sflag:$0x4], $0x80, v3, vm0, $0xb8;
	[tilespmem:$0x12000] =	vst v63  }
0x23c: {  	v3 =	vld [tilespmem:s25+$0x190];
	_ =	sdelay $0x4  }
0x23d: {  	v55 =	vshll.u32 v3, $0x3  }
0x23e: {  	v3 =	vand.u32 $0x7, v3;
	v4 =	vand.u32 $0xFFFFFFC0, v55  }
0x23f: {  	v3 =	vor.u32 v3, v4  }
0x240: {  	v4 =	vperm.xlane v3, v0;
	_ =	sdelay $0x1  }
0x241: {  	v4 =	vadd.s32 v1, v4;
	_ =	sdelay $0x3  }
0x242: {  	s18 =	simm.s32 $0xE000  }
0x243: {  	[hbm4b:s3+s2] =	stream.indirect_vreg.scatter [tilespmem:s18], [sflag:$0x4], $0x80, v4, vm0, $0xb8;
	[tilespmem:$0x12000] =	vst v63  }
0x244: {  	s22 =	simm.s32 $0xE800;
	v3 =	vperm.xlane v3, v2  }
0x245: {  	[hbm4b:s6+s2] =	stream.indirect_vreg.scatter [tilespmem:s22], [sflag:$0x4], $0x80, v4, vm0, $0xb8;
	[tilespmem:$0x12000] =	vst v63  }
0x246: {  	s25 =	simm.s32 $0xF000;
	v3 =	vadd.s32 v1, v3  }
0x247: {  	[hbm4b:s7+s2] =	stream.indirect_vreg.scatter [tilespmem:s25], [sflag:$0x4], $0x80, v4, vm0, $0xb8;
	[tilespmem:$0x12000] =	vst v63  }
0x248: {  	s26 =	simm.s32 $0xF800;
	s11 =	sand.u32 $0x3, s13  }
0x249: {  	[hbm4b:s8+s2] =	stream.indirect_vreg.scatter [tilespmem:s26], [sflag:$0x4], $0x80, v4, vm0, $0xb8;
	[tilespmem:$0x12000] =	vst v63  }
0x24a: {  	s9 =	simm.s32 $0x10000;
	s25 =	sshll.u32 s11, $0x5  }
0x24b: {  	[hbm4b:s3+s2] =	stream.indirect_vreg.scatter [tilespmem:s9], [sflag:$0x4], $0x80, v3, vm0, $0xb8;
	[tilespmem:$0x12000] =	vst v63  }
0x24c: {  	s12 =	simm.s32 $0x10800;
	s25 =	sadd.s32 $0x20, s25  }
0x24d: {  	[hbm4b:s6+s2] =	stream.indirect_vreg.scatter [tilespmem:s12], [sflag:$0x4], $0x80, v3, vm0, $0xb8;
	[tilespmem:$0x12000] =	vst v63  }
0x24e: {  	s15 =	simm.s32 $0x11000;
	s25 =	sadd.s32 s25, s23  }
0x24f: {  	[hbm4b:s7+s2] =	stream.indirect_vreg.scatter [tilespmem:s15], [sflag:$0x4], $0x80, v3, vm0, $0xb8;
	[tilespmem:$0x12000] =	vst v63  }
0x250: {  	s16 =	simm.s32 $0x11800;
	s17 =	sor.u32 $0x200, s25  }
0x251: {  	[hbm4b:s8+s2] =	stream.indirect_vreg.scatter [tilespmem:s16], [sflag:$0x4], $0x80, v3, vm0, $0xb8;
	[tilespmem:$0x12000] =	vst v63  }
0x252: {  	v3 =	vld [tilespmem:s17+$0x0];
	_ =	sdelay $0x4  }
0x253: {  	v56 =	vshll.u32 v3, $0x3  }
0x254: {  	v3 =	vand.u32 $0x7, v3;
	v4 =	vand.u32 $0xFFFFFFC0, v56  }
0x255: {  	v3 =	vor.u32 v3, v4  }
0x256: {  	v4 =	vperm.xlane v3, v0;
	_ =	sdelay $0x1  }
0x257: {  	v4 =	vadd.s32 v1, v4;
	_ =	sdelay $0x4  }
0x258: {  	[hbm4b:s3+s2] =	stream.indirect_vreg.scatter [tilespmem:s10], [sflag:$0x4], $0x80, v4, vm0, $0xb8;
	[tilespmem:$0x12000] =	vst v63  }
0x259: {  	v3 =	vperm.xlane v3, v2  }
0x25a: {  	[hbm4b:s6+s2] =	stream.indirect_vreg.scatter [tilespmem:s19], [sflag:$0x4], $0x80, v4, vm0, $0xb8;
	[tilespmem:$0x12000] =	vst v63  }
0x25b: {  	v3 =	vadd.s32 v1, v3  }
0x25c: {  	[hbm4b:s7+s2] =	stream.indirect_vreg.scatter [tilespmem:s14], [sflag:$0x4], $0x80, v4, vm0, $0xb8;
	[tilespmem:$0x12000] =	vst v63  }
0x25d: {  	s18 =	simm.s32 $0xB800  }
0x25e: {  	[hbm4b:s8+s2] =	stream.indirect_vreg.scatter [tilespmem:s18], [sflag:$0x4], $0x80, v4, vm0, $0xb8;
	[tilespmem:$0x12000] =	vst v63  }
0x25f: {  	s22 =	simm.s32 $0xC000  }
0x260: {  	[hbm4b:s3+s2] =	stream.indirect_vreg.scatter [tilespmem:s22], [sflag:$0x4], $0x80, v3, vm0, $0xb8;
	[tilespmem:$0x12000] =	vst v63  }
0x261: {  	s9 =	simm.s32 $0xC800  }
0x262: {  	[hbm4b:s6+s2] =	stream.indirect_vreg.scatter [tilespmem:s9], [sflag:$0x4], $0x80, v3, vm0, $0xb8;
	[tilespmem:$0x12000] =	vst v63  }
0x263: {  	s11 =	simm.s32 $0xD000  }
0x264: {  	[hbm4b:s7+s2] =	stream.indirect_vreg.scatter [tilespmem:s11], [sflag:$0x4], $0x80, v3, vm0, $0xb8;
	[tilespmem:$0x12000] =	vst v63  }
0x265: {  	s15 =	simm.s32 $0xD800  }
0x266: {  	[hbm4b:s8+s2] =	stream.indirect_vreg.scatter [tilespmem:s15], [sflag:$0x4], $0x80, v3, vm0, $0xb8;
	[tilespmem:$0x12000] =	vst v63  }
0x267: {  	v3 =	vld [tilespmem:s17+$0x10];
	_ =	sdelay $0x4  }
0x268: {  	v57 =	vshll.u32 v3, $0x3  }
0x269: {  	v3 =	vand.u32 $0x7, v3;
	v4 =	vand.u32 $0xFFFFFFC0, v57  }
0x26a: {  	v3 =	vor.u32 v3, v4  }
0x26b: {  	v4 =	vperm.xlane v3, v0;
	_ =	sdelay $0x1  }
0x26c: {  	v4 =	vadd.s32 v1, v4;
	_ =	sdelay $0x3  }
0x26d: {  	s16 =	simm.s32 $0xE000  }
0x26e: {  	[hbm4b:s3+s2] =	stream.indirect_vreg.scatter [tilespmem:s16], [sflag:$0x4], $0x80, v4, vm0, $0xb8;
	[tilespmem:$0x12000] =	vst v63  }
0x26f: {  	s17 =	simm.s32 $0xE800;
	v3 =	vperm.xlane v3, v2  }
0x270: {  	[hbm4b:s6+s2] =	stream.indirect_vreg.scatter [tilespmem:s17], [sflag:$0x4], $0x80, v4, vm0, $0xb8;
	[tilespmem:$0x12000] =	vst v63  }
0x271: {  	s18 =	simm.s32 $0xF000;
	v3 =	vadd.s32 v1, v3  }
0x272: {  	[hbm4b:s7+s2] =	stream.indirect_vreg.scatter [tilespmem:s18], [sflag:$0x4], $0x80, v4, vm0, $0xb8;
	[tilespmem:$0x12000] =	vst v63  }
0x273: {  	s22 =	simm.s32 $0xF800  }
0x274: {  	[hbm4b:s8+s2] =	stream.indirect_vreg.scatter [tilespmem:s22], [sflag:$0x4], $0x80, v4, vm0, $0xb8;
	[tilespmem:$0x12000] =	vst v63  }
0x275: {  	s26 =	simm.s32 $0x10000  }
0x276: {  	[hbm4b:s3+s2] =	stream.indirect_vreg.scatter [tilespmem:s26], [sflag:$0x4], $0x80, v3, vm0, $0xb8;
	[tilespmem:$0x12000] =	vst v63  }
0x277: {  	s9 =	simm.s32 $0x10800  }
0x278: {  	[hbm4b:s6+s2] =	stream.indirect_vreg.scatter [tilespmem:s9], [sflag:$0x4], $0x80, v3, vm0, $0xb8;
	[tilespmem:$0x12000] =	vst v63  }
0x279: {  	s11 =	simm.s32 $0x11000  }
0x27a: {  	[hbm4b:s7+s2] =	stream.indirect_vreg.scatter [tilespmem:s11], [sflag:$0x4], $0x80, v3, vm0, $0xb8;
	[tilespmem:$0x12000] =	vst v63  }
0x27b: {  	s12 =	simm.s32 $0x11800;
	s26 =	sor.u32 $0x280, s25  }
0x27c: {  	[hbm4b:s8+s2] =	stream.indirect_vreg.scatter [tilespmem:s12], [sflag:$0x4], $0x80, v3, vm0, $0xb8;
	[tilespmem:$0x12000] =	vst v63  }
0x27d: {  	v3 =	vld [tilespmem:s26+$0x0];
	_ =	sdelay $0x4  }
0x27e: {  	v58 =	vshll.u32 v3, $0x3  }
0x27f: {  	v3 =	vand.u32 $0x7, v3;
	v4 =	vand.u32 $0xFFFFFFC0, v58  }
0x280: {  	v3 =	vor.u32 v3, v4  }
0x281: {  	v4 =	vperm.xlane v3, v0;
	_ =	sdelay $0x1  }
0x282: {  	v4 =	vadd.s32 v1, v4;
	_ =	sdelay $0x4  }
0x283: {  	[hbm4b:s3+s2] =	stream.indirect_vreg.scatter [tilespmem:s10], [sflag:$0x4], $0x80, v4, vm0, $0xb8;
	[tilespmem:$0x12000] =	vst v63  }
0x284: {  	v3 =	vperm.xlane v3, v2  }
0x285: {  	[hbm4b:s6+s2] =	stream.indirect_vreg.scatter [tilespmem:s19], [sflag:$0x4], $0x80, v4, vm0, $0xb8;
	[tilespmem:$0x12000] =	vst v63  }
0x286: {  	v3 =	vadd.s32 v1, v3  }
0x287: {  	[hbm4b:s7+s2] =	stream.indirect_vreg.scatter [tilespmem:s14], [sflag:$0x4], $0x80, v4, vm0, $0xb8;
	[tilespmem:$0x12000] =	vst v63  }
0x288: {  	s15 =	simm.s32 $0xB800  }
0x289: {  	[hbm4b:s8+s2] =	stream.indirect_vreg.scatter [tilespmem:s15], [sflag:$0x4], $0x80, v4, vm0, $0xb8;
	[tilespmem:$0x12000] =	vst v63  }
0x28a: {  	s16 =	simm.s32 $0xC000  }
0x28b: {  	[hbm4b:s3+s2] =	stream.indirect_vreg.scatter [tilespmem:s16], [sflag:$0x4], $0x80, v3, vm0, $0xb8;
	[tilespmem:$0x12000] =	vst v63  }
0x28c: {  	s17 =	simm.s32 $0xC800  }
0x28d: {  	[hbm4b:s6+s2] =	stream.indirect_vreg.scatter [tilespmem:s17], [sflag:$0x4], $0x80, v3, vm0, $0xb8;
	[tilespmem:$0x12000] =	vst v63  }
0x28e: {  	s18 =	simm.s32 $0xD000  }
0x28f: {  	[hbm4b:s7+s2] =	stream.indirect_vreg.scatter [tilespmem:s18], [sflag:$0x4], $0x80, v3, vm0, $0xb8;
	[tilespmem:$0x12000] =	vst v63  }
0x290: {  	s22 =	simm.s32 $0xD800  }
0x291: {  	[hbm4b:s8+s2] =	stream.indirect_vreg.scatter [tilespmem:s22], [sflag:$0x4], $0x80, v3, vm0, $0xb8;
	[tilespmem:$0x12000] =	vst v63  }
0x292: {  	v3 =	vld [tilespmem:s26+$0x10];
	_ =	sdelay $0x4  }
0x293: {  	v59 =	vshll.u32 v3, $0x3  }
0x294: {  	v3 =	vand.u32 $0x7, v3;
	v4 =	vand.u32 $0xFFFFFFC0, v59  }
0x295: {  	v3 =	vor.u32 v3, v4  }
0x296: {  	v4 =	vperm.xlane v3, v0;
	_ =	sdelay $0x1  }
0x297: {  	v4 =	vadd.s32 v1, v4;
	_ =	sdelay $0x3  }
0x298: {  	s26 =	simm.s32 $0xE000  }
0x299: {  	[hbm4b:s3+s2] =	stream.indirect_vreg.scatter [tilespmem:s26], [sflag:$0x4], $0x80, v4, vm0, $0xb8;
	[tilespmem:$0x12000] =	vst v63  }
0x29a: {  	s9 =	simm.s32 $0xE800;
	v3 =	vperm.xlane v3, v2  }
0x29b: {  	[hbm4b:s6+s2] =	stream.indirect_vreg.scatter [tilespmem:s9], [sflag:$0x4], $0x80, v4, vm0, $0xb8;
	[tilespmem:$0x12000] =	vst v63  }
0x29c: {  	s11 =	simm.s32 $0xF000;
	v3 =	vadd.s32 v1, v3  }
0x29d: {  	[hbm4b:s7+s2] =	stream.indirect_vreg.scatter [tilespmem:s11], [sflag:$0x4], $0x80, v4, vm0, $0xb8;
	[tilespmem:$0x12000] =	vst v63  }
0x29e: {  	s12 =	simm.s32 $0xF800  }
0x29f: {  	[hbm4b:s8+s2] =	stream.indirect_vreg.scatter [tilespmem:s12], [sflag:$0x4], $0x80, v4, vm0, $0xb8;
	[tilespmem:$0x12000] =	vst v63  }
0x2a0: {  	s15 =	simm.s32 $0x10000  }
0x2a1: {  	[hbm4b:s3+s2] =	stream.indirect_vreg.scatter [tilespmem:s15], [sflag:$0x4], $0x80, v3, vm0, $0xb8;
	[tilespmem:$0x12000] =	vst v63  }
0x2a2: {  	s16 =	simm.s32 $0x10800  }
0x2a3: {  	[hbm4b:s6+s2] =	stream.indirect_vreg.scatter [tilespmem:s16], [sflag:$0x4], $0x80, v3, vm0, $0xb8;
	[tilespmem:$0x12000] =	vst v63  }
0x2a4: {  	s17 =	simm.s32 $0x11000  }
0x2a5: {  	[hbm4b:s7+s2] =	stream.indirect_vreg.scatter [tilespmem:s17], [sflag:$0x4], $0x80, v3, vm0, $0xb8;
	[tilespmem:$0x12000] =	vst v63  }
0x2a6: {  	s18 =	simm.s32 $0x11800;
	s22 =	sor.u32 $0x300, s25  }
0x2a7: {  	[hbm4b:s8+s2] =	stream.indirect_vreg.scatter [tilespmem:s18], [sflag:$0x4], $0x80, v3, vm0, $0xb8;
	[tilespmem:$0x12000] =	vst v63  }
0x2a8: {  	v3 =	vld [tilespmem:s22+$0x0];
	_ =	sdelay $0x4  }
0x2a9: {  	v60 =	vshll.u32 v3, $0x3  }
0x2aa: {  	v3 =	vand.u32 $0x7, v3;
	v4 =	vand.u32 $0xFFFFFFC0, v60  }
0x2ab: {  	v3 =	vor.u32 v3, v4  }
0x2ac: {  	v4 =	vperm.xlane v3, v0;
	_ =	sdelay $0x1  }
0x2ad: {  	v4 =	vadd.s32 v1, v4;
	_ =	sdelay $0x4  }
0x2ae: {  	[hbm4b:s3+s2] =	stream.indirect_vreg.scatter [tilespmem:s10], [sflag:$0x4], $0x80, v4, vm0, $0xb8;
	[tilespmem:$0x12000] =	vst v63  }
0x2af: {  	v3 =	vperm.xlane v3, v2  }
0x2b0: {  	[hbm4b:s6+s2] =	stream.indirect_vreg.scatter [tilespmem:s19], [sflag:$0x4], $0x80, v4, vm0, $0xb8;
	[tilespmem:$0x12000] =	vst v63  }
0x2b1: {  	v3 =	vadd.s32 v1, v3  }
0x2b2: {  	[hbm4b:s7+s2] =	stream.indirect_vreg.scatter [tilespmem:s14], [sflag:$0x4], $0x80, v4, vm0, $0xb8;
	[tilespmem:$0x12000] =	vst v63  }
0x2b3: {  	s11 =	simm.s32 $0xB800  }
0x2b4: {  	[hbm4b:s8+s2] =	stream.indirect_vreg.scatter [tilespmem:s11], [sflag:$0x4], $0x80, v4, vm0, $0xb8;
	[tilespmem:$0x12000] =	vst v63  }
0x2b5: {  	s12 =	simm.s32 $0xC000  }
0x2b6: {  	[hbm4b:s3+s2] =	stream.indirect_vreg.scatter [tilespmem:s12], [sflag:$0x4], $0x80, v3, vm0, $0xb8;
	[tilespmem:$0x12000] =	vst v63  }
0x2b7: {  	s14 =	simm.s32 $0xC800  }
0x2b8: {  	[hbm4b:s6+s2] =	stream.indirect_vreg.scatter [tilespmem:s14], [sflag:$0x4], $0x80, v3, vm0, $0xb8;
	[tilespmem:$0x12000] =	vst v63  }
0x2b9: {  	s15 =	simm.s32 $0xD000  }
0x2ba: {  	[hbm4b:s7+s2] =	stream.indirect_vreg.scatter [tilespmem:s15], [sflag:$0x4], $0x80, v3, vm0, $0xb8;
	[tilespmem:$0x12000] =	vst v63  }
0x2bb: {  	s16 =	simm.s32 $0xD800  }
0x2bc: {  	[hbm4b:s8+s2] =	stream.indirect_vreg.scatter [tilespmem:s16], [sflag:$0x4], $0x80, v3, vm0, $0xb8;
	[tilespmem:$0x12000] =	vst v63  }
0x2bd: {  	v3 =	vld [tilespmem:s22+$0x10];
	_ =	sdelay $0x4  }
0x2be: {  	v61 =	vshll.u32 v3, $0x3  }
0x2bf: {  	v3 =	vand.u32 $0x7, v3;
	v4 =	vand.u32 $0xFFFFFFC0, v61  }
0x2c0: {  	v3 =	vor.u32 v3, v4  }
0x2c1: {  	v4 =	vperm.xlane v3, v0;
	_ =	sdelay $0x1  }
0x2c2: {  	v4 =	vadd.s32 v1, v4;
	_ =	sdelay $0x3  }
0x2c3: {  	s18 =	simm.s32 $0xE000  }
0x2c4: {  	[hbm4b:s3+s2] =	stream.indirect_vreg.scatter [tilespmem:s18], [sflag:$0x4], $0x80, v4, vm0, $0xb8;
	[tilespmem:$0x12000] =	vst v63  }
0x2c5: {  	s22 =	simm.s32 $0xE800;
	v3 =	vperm.xlane v3, v2  }
0x2c6: {  	[hbm4b:s6+s2] =	stream.indirect_vreg.scatter [tilespmem:s22], [sflag:$0x4], $0x80, v4, vm0, $0xb8;
	[tilespmem:$0x12000] =	vst v63  }
0x2c7: {  	s26 =	simm.s32 $0xF000;
	v3 =	vadd.s32 v1, v3  }
0x2c8: {  	[hbm4b:s7+s2] =	stream.indirect_vreg.scatter [tilespmem:s26], [sflag:$0x4], $0x80, v4, vm0, $0xb8;
	[tilespmem:$0x12000] =	vst v63  }
0x2c9: {  	s11 =	simm.s32 $0xF800  }
0x2ca: {  	[hbm4b:s8+s2] =	stream.indirect_vreg.scatter [tilespmem:s11], [sflag:$0x4], $0x80, v4, vm0, $0xb8;
	[tilespmem:$0x12000] =	vst v63  }
0x2cb: {  	s12 =	simm.s32 $0x10000  }
0x2cc: {  	[hbm4b:s3+s2] =	stream.indirect_vreg.scatter [tilespmem:s12], [sflag:$0x4], $0x80, v3, vm0, $0xb8;
	[tilespmem:$0x12000] =	vst v63  }
0x2cd: {  	s14 =	simm.s32 $0x10800  }
0x2ce: {  	[hbm4b:s6+s2] =	stream.indirect_vreg.scatter [tilespmem:s14], [sflag:$0x4], $0x80, v3, vm0, $0xb8;
	[tilespmem:$0x12000] =	vst v63  }
0x2cf: {  	s15 =	simm.s32 $0x11000  }
0x2d0: {  	[hbm4b:s7+s2] =	stream.indirect_vreg.scatter [tilespmem:s15], [sflag:$0x4], $0x80, v3, vm0, $0xb8;
	[tilespmem:$0x12000] =	vst v63  }
0x2d1: {  	s25 =	sor.u32 $0x380, s25;
	s16 =	simm.s32 $0x11800  }
0x2d2: {  	[hbm4b:s8+s2] =	stream.indirect_vreg.scatter [tilespmem:s16], [sflag:$0x4], $0x80, v3, vm0, $0xb8;
	[tilespmem:$0x12000] =	vst v63  }
0x2d3: {  	v3 =	vld [tilespmem:s25+$0x0];
	_ =	sdelay $0x4  }
0x2d4: {  	v62 =	vshll.u32 v3, $0x3  }
0x2d5: {  	v3 =	vand.u32 $0x7, v3;
	v4 =	vand.u32 $0xFFFFFFC0, v62  }
0x2d6: {  	v3 =	vor.u32 v3, v4  }
0x2d7: {  	v4 =	vperm.xlane v3, v0;
	_ =	sdelay $0x1  }
0x2d8: {  	v4 =	vadd.s32 v1, v4;
	_ =	sdelay $0x3  }
0x2d9: {  	s9 =	simm.s32 $0xA000  }
0x2da: {  	[hbm4b:s3+s2] =	stream.indirect_vreg.scatter [tilespmem:s9], [sflag:$0x4], $0x80, v4, vm0, $0xb8;
	[tilespmem:$0x12000] =	vst v63  }
0x2db: {  	s17 =	simm.s32 $0xA800;
	v3 =	vperm.xlane v3, v2  }
0x2dc: {  	[hbm4b:s6+s2] =	stream.indirect_vreg.scatter [tilespmem:s17], [sflag:$0x4], $0x80, v4, vm0, $0xb8;
	[tilespmem:$0x12000] =	vst v63  }
0x2dd: {  	v3 =	vadd.s32 v1, v3;
	s17 =	simm.s32 $0xB000  }
0x2de: {  	[hbm4b:s7+s2] =	stream.indirect_vreg.scatter [tilespmem:s17], [sflag:$0x4], $0x80, v4, vm0, $0xb8;
	[tilespmem:$0x12000] =	vst v63  }
0x2df: {  	s18 =	simm.s32 $0xB800  }
0x2e0: {  	[hbm4b:s8+s2] =	stream.indirect_vreg.scatter [tilespmem:s18], [sflag:$0x4], $0x80, v4, vm0, $0xb8;
	[tilespmem:$0x12000] =	vst v63  }
0x2e1: {  	s22 =	simm.s32 $0xC000  }
0x2e2: {  	[hbm4b:s3+s2] =	stream.indirect_vreg.scatter [tilespmem:s22], [sflag:$0x4], $0x80, v3, vm0, $0xb8;
	[tilespmem:$0x12000] =	vst v63  }
0x2e3: {  	s26 =	simm.s32 $0xC800  }
0x2e4: {  	[hbm4b:s6+s2] =	stream.indirect_vreg.scatter [tilespmem:s26], [sflag:$0x4], $0x80, v3, vm0, $0xb8;
	[tilespmem:$0x12000] =	vst v63  }
0x2e5: {  	s11 =	simm.s32 $0xD000  }
0x2e6: {  	[hbm4b:s7+s2] =	stream.indirect_vreg.scatter [tilespmem:s11], [sflag:$0x4], $0x80, v3, vm0, $0xb8;
	[tilespmem:$0x12000] =	vst v63  }
0x2e7: {  	s12 =	simm.s32 $0xD800  }
0x2e8: {  	[hbm4b:s8+s2] =	stream.indirect_vreg.scatter [tilespmem:s12], [sflag:$0x4], $0x80, v3, vm0, $0xb8;
	[tilespmem:$0x12000] =	vst v63  }
0x2e9: {  	v3 =	vld [tilespmem:s25+$0x10];
	_ =	sdelay $0x4  }
0x2ea: {  	v63 =	vshll.u32 v3, $0x3  }
0x2eb: {  	v3 =	vand.u32 $0x7, v3;
	v4 =	vand.u32 $0xFFFFFFC0, v63  }
0x2ec: {  	v3 =	vor.u32 v3, v4  }
0x2ed: {  	v4 =	vperm.xlane v3, v0;
	_ =	sdelay $0x1  }
0x2ee: {  	v4 =	vadd.s32 v1, v4;
	_ =	sdelay $0x3  }
0x2ef: {  	s14 =	simm.s32 $0xE000  }
0x2f0: {  	[hbm4b:s3+s2] =	stream.indirect_vreg.scatter [tilespmem:s14], [sflag:$0x4], $0x80, v4, vm0, $0xb8;
	[tilespmem:$0x12000] =	vst v63  }
0x2f1: {  	s15 =	simm.s32 $0xE800;
	v3 =	vperm.xlane v3, v2  }
0x2f2: {  	[hbm4b:s6+s2] =	stream.indirect_vreg.scatter [tilespmem:s15], [sflag:$0x4], $0x80, v4, vm0, $0xb8;
	[tilespmem:$0x12000] =	vst v63  }
0x2f3: {  	s16 =	simm.s32 $0xF000;
	v3 =	vadd.s32 v1, v3  }
0x2f4: {  	[hbm4b:s7+s2] =	stream.indirect_vreg.scatter [tilespmem:s16], [sflag:$0x4], $0x80, v4, vm0, $0xb8;
	[tilespmem:$0x12000] =	vst v63  }
0x2f5: {  	s17 =	simm.s32 $0xF800  }
0x2f6: {  	[hbm4b:s8+s2] =	stream.indirect_vreg.scatter [tilespmem:s17], [sflag:$0x4], $0x80, v4, vm0, $0xb8;
	[tilespmem:$0x12000] =	vst v63  }
0x2f7: {  	s23 =	sadd.s32 $0x200, s23;
	s18 =	simm.s32 $0x10000  }
0x2f8: {  	[hbm4b:s3+s2] =	stream.indirect_vreg.scatter [tilespmem:s18], [sflag:$0x4], $0x80, v3, vm0, $0xb8;
	[tilespmem:$0x12000] =	vst v63  }
0x2f9: {  	p1 =	sne.s32 s23, $0x2000;
	s19 =	simm.s32 $0x10800  }
0x2fa: {  	[hbm4b:s6+s2] =	stream.indirect_vreg.scatter [tilespmem:s19], [sflag:$0x4], $0x80, v3, vm0, $0xb8;
	[tilespmem:$0x12000] =	vst v63  }
.Ltmp0:
0x2fb: {  	p0 =	por !p0, !p0;
	s21 =	sadd.s32 $0x40, s21;
	(pc) =	sbr.rel @p1 .LBB2_2-.Ltmp0, $4  }
0x2fc: {  	s28 =	simm.s32 $0x2800;
	s24 =	sadd.s32 $0x2000, s24;
	s22 =	simm.s32 $0x11000  }
0x2fd: {  	[hbm4b:s7+s2] =	stream.indirect_vreg.scatter [tilespmem:s22], [sflag:$0x4], $0x80, v3, vm0, $0xb8;
	[tilespmem:$0x12000] =	vst v63  }
0x2fe: {  	s13 =	sadd.s32 $0x2, s13;
	s26 =	simm.s32 $0x11800;
	s25 =	simm.s32 $0x1  }
0x2ff: {  	[hbm4b:s8+s2] =	stream.indirect_vreg.scatter [tilespmem:s26], [sflag:$0x4], $0x80, v3, vm0, $0xb8;
	[tilespmem:$0x12000] =	vst v63  }
0x300: {  	s10 =	simm.s32 $0x4  }
0x301: {  	_ =	swait.ge [sflag:s10], $0x8000  }
0x302: {  	[sflag:s10] =	ssyncset.done $0x0  }
0x303: {  	[sflag:s10] =	ssyncadd.s32 $0xFFFF8000  }
0x304: {  	_ =	swait.ge [sflag:s10], $0x8000  }
0x305: {  	[sflag:s10] =	ssyncset.done $0x0  }
0x306: {  	[sflag:s10] =	ssyncadd.s32 $0xFFFF8000  }
0x307: {  	_ =	swait.ge [sflag:s10], $0x8000  }
0x308: {  	[sflag:s10] =	ssyncset.done $0x0  }
0x309: {  	[sflag:s10] =	ssyncadd.s32 $0xFFFF8000  }
0x30a: {  	_ =	swait.ge [sflag:s10], $0x8000  }
0x30b: {  	[sflag:s10] =	ssyncset.done $0x0  }
0x30c: {  	[sflag:s10] =	ssyncadd.s32 $0xFFFF8000  }
0x30d: {  	_ =	swait.ge [sflag:s10], $0x8000  }
0x30e: {  	[sflag:s10] =	ssyncset.done $0x0  }
0x30f: {  	[sflag:s10] =	ssyncadd.s32 $0xFFFF8000  }
0x310: {  	_ =	swait.ge [sflag:s10], $0x8000  }
0x311: {  	[sflag:s10] =	ssyncset.done $0x0  }
0x312: {  	[sflag:s10] =	ssyncadd.s32 $0xFFFF8000  }
0x313: {  	_ =	swait.ge [sflag:s10], $0x8000  }
0x314: {  	[sflag:s10] =	ssyncset.done $0x0  }
0x315: {  	[sflag:s10] =	ssyncadd.s32 $0xFFFF8000  }
0x316: {  	_ =	swait.ge [sflag:s10], $0x8000  }
0x317: {  	s11 =	rddreg [dreg:$0x7]  }
0x318: {  	s21 =	rddreg [dreg:$0x5];
	s11 =	sadd.s32 $0x1, s11  }
0x319: {  	p0 =	sne.s32 s11, s21  }
.Ltmp1:
0x31a: {  	_ = 	snop;
	(pc) =	sbr.rel @p0 .LBB2_1-.Ltmp1, $3  }
0x31b: {  	_ =	sdelay $0x1  }
0x31c: {  	[sflag:s10] =	ssyncset.done $0x0  }
0x31d: {  	s22 =	simm.s32 $0x2000;
	[sflag:s10] =	ssyncadd.s32 $0xFFFF8000  }
0x31e: {  	_ =	sfence.sel $0x180000  }
0x31f: {  	[bflag:$0x0] =	sbarrier.arrive $0xFFFF  }
0x320: {  	_ =	strace $0x90000047  }
0x321: {  	s0 =	stileid.u32;
	[bflag:$0x2] =	sbarrier.arrive $0xFFFF  }
0x322: {  	p0 =	sne.s32 s0, $0x0;
	s0 =	rddreg [dreg:$0x2]  }
0x323: {  	s0 =	sadd.s32 @!p0 $0x100000, s0  }
0x324: {  	[sflag:s0] =	ssyncadd.tile.s32 @!p0 $0x1;
	_ =	shalt  }
.Lfunc_end2:
_tile_overlayer_lowered:
.L_overlay_start_2:
0x325: {  	(tag) =	ssettag $0x2  }
0x326: {  	s0 =	rddreg [dreg:$0x0];
	s2 =	stileid.u32  }
0x327: {  	s1 =	rddreg [dreg:$0x1];
	p0 =	sne.s32 s2, $0x0  }
0x328: {  	s3 =	rddreg [dreg:$0x2];
	[bflag:$0x3] =	sbarrier.arrive $0xFFFF;
	s2 =	simm.s32 @!p0 $0x1C05  }
0x329: {  	[timem:s3], [sflag:s2] =	dma.local @!p0 [hbm:s0], s1  }
0x32a: {  	s0 =	simm.s32 @!p0 $0x5  }
0x32b: {  	_ =	swait.ge @!p0 [sflag:s0], s1  }
0x32c: {  	s1 =	ssub.s32 @!p0 $0x0, s1;
	[sflag:s0] =	ssyncset.done @!p0 $0x0  }
0x32d: {  	[sflag:s0] =	ssyncadd.s32 @!p0 s1  }
0x32e: {  	[bflag:$0x3] =	sbarrier.arrive $0xFFFF  }
0x32f: {  	_ =	shalt  }

// kernel: kernel.8.cloned.1.call-start
scs
__scs_entry_jumppad:
0x0: {  	(pc) =	sbr.rel $0x88, $3  }
0x1: {  	(tag) =	ssettag $0x0;
	lr =	simm.s32 $0x1  }
0x2: {  	[smem:$0x3F9B] =	sst lr;
	_ =	strace $0xD0000000  }
0x3: {  	_ = 	snop  }
0x4: {  	_ = 	snop  }
0x5: {  	_ = 	snop  }
0x6: {  	_ = 	snop  }
0x7: {  	_ = 	snop  }
__scs_overlays_trampoline_lowered:
0x8: {  	[smem:$0x3FAA] =	sst s0  }
0x9: {  	[smem:$0x3FAB] =	sst s1  }
0xa: {  	[smem:$0x3FAC] =	sst s2  }
0xb: {  	[smem:$0x3FAD] =	sst s3  }
0xc: {  	[smem:$0x3FAE] =	sst s4  }
0xd: {  	[smem:$0x3FAF] =	sst s5  }
0xe: {  	[smem:$0x3FB0] =	sst s6  }
0xf: {  	[smem:$0x3FB1] =	sst s7  }
0x10: {  	[smem:$0x3FB2] =	sst s8  }
0x11: {  	[smem:$0x3FB3] =	sst s9;
	s0 =	simm.s32 @!p0 $0x0  }
0x12: {  	s1 =	sld [smem:$0x3F99];
	s0 =	simm.s32 @p0 $0x1  }
0x13: {  	[smem:$0x3FB4] =	sst s0;
	s0 =	simm.s32 @!p1 $0x0  }
0x14: {  	s2 =	sld [smem:$0x3F98];
	s0 =	simm.s32 @p1 $0x1  }
0x15: {  	[smem:$0x3FB5] =	sst s0;
	s0 =	simm.s32 @!p2 $0x0  }
0x16: {  	s3 =	sld [smem:$0x3FDB];
	s0 =	simm.s32 @p2 $0x1  }
0x17: {  	s4 =	simm.s32 $0x1BF5;
	[smem:$0x3FB7] =	sst s0  }
0x18: {  	s0 =	sld [smem:$0x3F9A];
	_ =	swait.ge [sflag:s4], $0x0  }
0x19: {  	s7 =	sld [smem:$0x3F9B]  }
0x1a: {  	s8 =	sadd.s32 $0xFFFFE003, lr  }
0x1b: {  	s9 =	sadd.s32 $0xFFFFFEF7, lr;
	s5 =	simm.s32 $0xFFFFFFFF;
	p2 =	slt.u32 s8, $0xFFFFF086  }
0x1c: {  	p1 =	slt.u32 s9, $0xF7A;
	s5 =	simm.s32 @!p2 $0x0  }
0x1d: {  	s5 =	simm.s32 @p1 $0x1;
	p0 =	seq.s32 s7, s2  }
0x1e: {  	s7 =	smul.u32 @!p0 $0xF7A, s2;
	p2 =	seq.s32 @!p0 s5, $0x0  }
0x1f: {  	s9 =	smul.u32 $0xF7A, s1;
	s8 =	simm.s32 @!p0 $0x1BF5;
	p2 =	por !p2, p0  }
0x20: {  	[sflag:s8] =	ssyncset.s32 @!p0 $0xFFFFF086;
	s6 =	sadd.s32 @!p0 s3, s7;
	s7 =	simm.s32 @!p0 $0x108  }
0x21: {  	s3 =	sadd.s32 s3, s9;
	s6 =	sadd.s32 @!p0 $0x88, s6;
	s7 =	simm.s32 @p2 $0x1082  }
0x22: {  	[simem:s7], [sflag:s8] =	dma.local @!p0 [hbm:s6], $0xF7A  }
0x23: {  	s9 =	sor.u32 $0xD0000000, s2;
	s6 =	simm.s32 $0x108;
	_ =	swait.ge @!p0 [sflag:s8], $0x0  }
0x24: {  	s3 =	sadd.s32 $0x88, s3;
	s6 =	simm.s32 @!p1 $0x1082;
	[sflag:s4] =	ssyncset.s32 $0xFFFFF086  }
0x25: {  	[simem:s6], [sflag:s4] =	dma.local [hbm:s3], $0xF7A  }
0x26: {  	[smem:$0x3F9B] =	sst s1;
	(tag) =	ssettag s2;
	_ =	strace s9  }
0x27: {  	s1 =	sld [smem:$0x3FAB]  }
0x28: {  	s2 =	sld [smem:$0x3FAC]  }
0x29: {  	s4 =	sld [smem:$0x3FAE]  }
0x2a: {  	p0 =	seq.s32 s5, $0x0;
	s5 =	sld [smem:$0x3FAF]  }
0x2b: {  	s6 =	sld [smem:$0x3FB0]  }
0x2c: {  	s7 =	sld [smem:$0x3FB1]  }
0x2d: {  	s3 =	simm.s32 $0x108;
	s8 =	sld [smem:$0x3FB2]  }
0x2e: {  	s3 =	simm.s32 @!p0 $0x1082;
	s9 =	sld [smem:$0x3FB3]  }
0x2f: {  	lr =	sadd.s32 s0, s3;
	s0 =	sld [smem:$0x3FAA]  }
0x30: {  	s3 =	sld [smem:$0x3FAD]  }
0x31: {  	[smem:$0x3FB6] =	sst s10  }
0x32: {  	s10 =	sld [smem:$0x3FB4];
	_ =	sdelay $0x3  }
0x33: {  	p0 =	seq.s32 s10, $0x1;
	s10 =	sld [smem:$0x3FB6];
	_ =	sdelay $0x3  }
0x34: {  	[smem:$0x3FB6] =	sst s10  }
0x35: {  	s10 =	sld [smem:$0x3FB5];
	_ =	sdelay $0x3  }
0x36: {  	p1 =	seq.s32 s10, $0x1;
	s10 =	sld [smem:$0x3FB6];
	_ =	sdelay $0x3  }
0x37: {  	[smem:$0x3FB6] =	sst s10  }
0x38: {  	s10 =	sld [smem:$0x3FB7]  }
0x39: {  	_ = 	snop;
	(pc) =	sbr.ind lr, $3  }
0x3a: {  	_ = 	snop  }
0x3b: {  	_ = 	snop  }
0x3c: {  	p2 =	seq.s32 s10, $0x1;
	s10 =	sld [smem:$0x3FB6]  }
0x3d: {  	_ =	shalt  }
0x3e: {  	_ =	shalt  }
0x3f: {  	_ =	shalt  }
0x40: {  	_ =	shalt  }
0x41: {  	_ =	shalt  }
0x42: {  	_ =	shalt  }
0x43: {  	_ =	shalt  }
0x44: {  	_ =	shalt  }
0x45: {  	_ =	shalt  }
0x46: {  	_ =	shalt  }
0x47: {  	_ =	shalt  }
0x48: {  	_ =	shalt  }
0x49: {  	_ =	shalt  }
0x4a: {  	_ =	shalt  }
0x4b: {  	_ =	shalt  }
0x4c: {  	_ =	shalt  }
0x4d: {  	_ =	shalt  }
0x4e: {  	_ =	shalt  }
0x4f: {  	_ =	shalt  }
0x50: {  	_ =	shalt  }
0x51: {  	_ =	shalt  }
0x52: {  	_ =	shalt  }
0x53: {  	_ =	shalt  }
0x54: {  	_ =	shalt  }
0x55: {  	_ =	shalt  }
0x56: {  	_ =	shalt  }
0x57: {  	_ =	shalt  }
0x58: {  	_ =	shalt  }
0x59: {  	_ =	shalt  }
0x5a: {  	_ =	shalt  }
0x5b: {  	_ =	shalt  }
0x5c: {  	_ =	shalt  }
0x5d: {  	_ =	shalt  }
0x5e: {  	_ =	shalt  }
0x5f: {  	_ =	shalt  }
0x60: {  	_ =	shalt  }
0x61: {  	_ =	shalt  }
0x62: {  	_ =	shalt  }
0x63: {  	_ =	shalt  }
0x64: {  	_ =	shalt  }
0x65: {  	_ =	shalt  }
0x66: {  	_ =	shalt  }
0x67: {  	_ =	shalt  }
0x68: {  	_ =	shalt  }
0x69: {  	_ =	shalt  }
0x6a: {  	_ =	shalt  }
0x6b: {  	_ =	shalt  }
0x6c: {  	_ =	shalt  }
0x6d: {  	_ =	shalt  }
0x6e: {  	_ =	shalt  }
0x6f: {  	_ =	shalt  }
0x70: {  	_ =	shalt  }
0x71: {  	_ =	shalt  }
0x72: {  	_ =	shalt  }
0x73: {  	_ =	shalt  }
0x74: {  	_ =	shalt  }
0x75: {  	_ =	shalt  }
0x76: {  	_ =	shalt  }
0x77: {  	_ =	shalt  }
0x78: {  	_ =	shalt  }
0x79: {  	_ =	shalt  }
0x7a: {  	_ =	shalt  }
0x7b: {  	_ =	shalt  }
0x7c: {  	_ =	shalt  }
0x7d: {  	_ =	shalt  }
0x7e: {  	_ =	shalt  }
0x7f: {  	_ =	shalt  }
0x80: {  	_ =	shalt  }
0x81: {  	_ =	shalt  }
0x82: {  	_ =	shalt  }
0x83: {  	_ =	shalt  }
0x84: {  	_ =	shalt  }
0x85: {  	_ =	shalt  }
0x86: {  	_ =	shalt  }
0x87: {  	_ =	shalt  }
.Lfunc_end0:
.L_simem_size_0:
called_computation.1_lowered:
.L_overlay_start_0:
0x88: {  	s2 =	sld [smem:$0x3FD9]  }
0x89: {  	s3 =	sld [smem:$0x3FFE];
	_ =	sdelay $0x1  }
0x8a: {  	s1 =	srdreg.scid  }
0x8b: {  	s0 =	sand.u32 $0x1, s1  }
0x8c: {  	s17 =	sshll.u32 s0, $0xA;
	s2 =	sadd.s32 s3, s2  }
0x8d: {  	s2 =	sadd.s32 s2, s17  }
0x8e: {  	[smem:$0x3FC2] =	sst s2  }
0x8f: {  	_ = 	snop  }
0x90: {  	s2 =	sld [smem:$0x3FD0];
	(tm) =	ssettm $0x1  }
0x91: {  	s18 =	sld [smem:$0x3FFB];
	_ =	sdelay $0x3  }
0x92: {  	_ =	strace s18  }
0x93: {  	s3 =	sld [smem:$0x3FFC];
	_ =	sdelay $0x3  }
0x94: {  	_ =	strace s3  }
0x95: {  	s3 =	sld [smem:$0x3FFD];
	_ =	sdelay $0x3  }
0x96: {  	_ =	strace s3  }
0x97: {  	_ =	strace $0x8FFFFFFF  }
0x98: {  	s19 =	sld [smem:$0x3FDB];
	_ =	sdelay $0x1  }
0x99: {  	s4 =	simm.s32 $_scs_section_size  }
0x9a: {  	s5 =	simm.s32 $_size__tile_overlayer_lowered;
	s6 =	simm.s32 $_tile_overlayer_lowered  }
0x9b: {  	s22 =	simm.s32 $0x1BFF;
	s21 =	sshll.u32 s6, $0x1;
	s3 =	sadd.s32 s4, s19  }
0x9c: {  	s7 =	simm.s32 $0x0;
	s20 =	sshll.u32 s5, $0x1;
	s5 =	sadd.s32 s21, s3  }
0x9d: {  	[timem:s7], [sflag:s22] =	dma.local [hbm:s5], s20  }
0x9e: {  	_ =	swait.ge [sflag:s22], s20  }
0x9f: {  	s4 =	ssub.s32 $0x0, s20;
	[sflag:s22] =	ssyncset.done $0x0  }
0xa0: {  	[sflag:s22] =	ssyncadd.s32 s4;
	_ =	sdelay $0x1  }
0xa1: {  	s23 =	simm.s32 $0x1B8B  }
0xa2: {  	_ =	swait.ge [sflag:s23], $0x1  }
0xa3: {  	[sflag:s23] =	ssyncset.done $0x0  }
0xa4: {  	s25 =	simm.s32 $0x1B8E;
	s24 =	sld [smem:$0x3FFE];
	[sflag:s23] =	ssyncadd.s32 $0xFFFFFFFF  }
0xa5: {  	s26 =	simm.s32 $execute0_lowered;
	[smem:$0x3FD2] =	sst s25  }
0xa6: {  	s5 =	sshll.u32 s26, $0x1;
	_ =	strace $0x80000049;
	[dreg:$0x1] =	wrdreg $0xFFFFFFFF  }
0xa7: {  	s28 =	simm.s32 $_size_execute0_lowered;
	s3 =	sadd.s32 s3, s5;
	[dreg:$0x0] =	wrdreg $0x0  }
0xa8: {  	s5 =	sshll.u32 s28, $0x1;
	[dreg:$0x2] =	wrdreg s3  }
0xa9: {  	[dreg:$0x3] =	wrdreg s5  }
0xaa: {  	[dreg:$0x4] =	wrdreg $0xC0  }
0xab: {  	_ =	task [dreg:s7], $0x5FFFF  }
0xac: {  	[dreg:$0x1] =	wrdreg $0xFFFFFFFF  }
0xad: {  	[dreg:$0x0] =	wrdreg $0x60  }
0xae: {  	[dreg:$0x2] =	wrdreg s24  }
0xaf: {  	[dreg:$0x3] =	wrdreg s2  }
0xb0: {  	[dreg:$0x4] =	wrdreg $0x9  }
0xb1: {  	_ =	task.clear_ibuf [dreg:s7], $0x5FFFF;
	_ =	strace $0x90000049  }
0xb2: {  	s29 =	simm.s32 $0x9;
	_ =	strace $0x8000004B  }
0xb3: {  	_ =	swait.ge [sflag:s29], $0x1  }
0xb4: {  	[sflag:s29] =	ssyncadd.s32 $0xFFFFFFFF  }
0xb5: {  	_ =	strace $0x9000004B  }
0xb6: {  	_ =	sfence  }
0xb7: {  	s30 =	sld [smem:$0x0];
	_ =	sdelay $0x2  }
0xb8: {  	s31 =	sshll.u32 s1, $0xD;
	s1 =	sshrl.u32 s1, $0x2  }
0xb9: {  	s3 =	sand.u32 $0x4000, s31;
	s1 =	sadd.s32 s1, s30  }
0xba: {  	s0 =	sor.u32 s3, s0;
	s1 =	sshll.u32 s1, $0x11  }
0xbb: {  	s0 =	sor.u32 s1, s0  }
0xbc: {  	s0 =	sadd.s32 $0x8F2B, s0  }
0xbd: {  	[sflag:s0] =	ssyncadd.remote.s32 $0x1  }
0xbe: {  	_ =	sfence.sel $0xFFFF  }
0xbf: {  	[dreg:$0x0] =	wrdreg $0xFFFFFFFF;
	(pc) =	sbr.abs _section_cstart, $3  }
0xc0: {  	[dreg:$0x1] =	wrdreg $0xFFFFFFFF  }
0xc1: {  	_ =	task.clear_ibuf [dreg:s7], $0x2FFFF;
	_ =	strace $0x9FFFFFFF  }
0xc2: {  	(tm) =	ssettm $0x7FFFFFFF  }
0xc3: {  	_ =	shalt  }
tec
execute0_lowered:
.L_overlay_start_1:
0x0: {  	(tag) =	ssettag $0x1  }
0x1: {  	s0 =	rddreg [dreg:$0x0]  }
0x2: {  	s1 =	srdreg.scid;
	s2 =	stileid.u32  }
0x3: {  	s5 =	rddreg [dreg:$0x1];
	s3 =	simm.s32 $0x0;
	s1 =	sand.u32 $0x1, s1  }
0x4: {  	s2 =	sshll.u32 s2, $0x1;
	[smem:$0x7FF] =	sst s3;
	s4 =	sadd.s32 $0x2A18200, s0  }
0x5: {  	s26 =	sadd.s32 $0x2A18300, s0;
	_ =	strace $0x8000004A;
	[dreg:$0x3] =	wrdreg s4  }
0x6: {  	v2 =	vlaneseq.u32;
	s28 =	sadd.s32 $0x2A18400, s0;
	s30 =	sadd.s32 $0x40, s5;
	[dreg:$0x5] =	wrdreg s26  }
0x7: {  	vm0 =	vmmov $0xffff;
	v3 =	vimm.s32 $0x0;
	v4 =	vimm.s32 $0x1;
	s2 =	sor.u32 s1, s2;
	s1 =	ssub.s32 $0x2, s1;
	[dreg:$0x6] =	wrdreg s28  }
0x8: {  	v5 =	vimm.s32 $0x2;
	v6 =	vimm.s32 $0x3;
	v7 =	vimm.s32 $0x4;
	[dreg:$0xa] =	wrdreg s30;
	s24 =	sshll.u32 s2, $0xA;
	s29 =	sshll.u32 s2, $0x11  }
0x9: {  	v8 =	vimm.s32 $0x5;
	v9 =	vimm.s32 $0x6;
	v10 =	vimm.s32 $0x7;
	s3 =	sadd.s32 s24, s0;
	s0 =	sadd.s32 $0x2A18500, s0;
	[dreg:$0x9] =	wrdreg s29  }
0xa: {  	v11 =	vimm.s32 $0x8;
	v12 =	vimm.s32 $0x9;
	v13 =	vimm.s32 $0xA;
	s25 =	sshrl.u32 s1, $0x1;
	s6 =	sadd.s32 $0x2A10200, s3;
	[dreg:$0x8] =	wrdreg s0  }
0xb: {  	v14 =	vimm.s32 $0xB;
	v15 =	vimm.s32 $0xC;
	v16 =	vimm.s32 $0xD;
	s1 =	ssub.s32 s1, s25;
	s3 =	sadd.s32 $0x200, s3;
	[dreg:$0x4] =	wrdreg s6  }
0xc: {  	v17 =	vimm.s32 $0xE;
	v18 =	vimm.s32 $0xF;
	v1 =	vshrl.u32 v2, $0x3;
	s31 =	smax.u32 s1, $0x1;
	[dreg:$0x7] =	wrdreg s3  }
0xd: {  	v0 =	vand.u32 $0x7, v2;
	v2 =	vor.u32 $0x8, v2;
	v1 =	vmul.u32 $0x8, v1;
	s2 =	simm.s32 $0x0;
	[dreg:$0xb] =	wrdreg s31  }
.LBB2_1:
0xe: {  	[dreg:$0xc] =	wrdreg s2  }
0xf: {  	s0 =	simm.s32 $0x0;
	s1 =	rddreg [dreg:$0x7];
	s11 =	simm.s32 $0x5  }
0x10: {  	[tilespmem:s0], [sflag:$0x5] =	stream.linear.gather [hbm4b:s1+s0], $0x2000, $0x38;
	[tilespmem:$0x16000] =	vst v63  }
0x11: {  	_ =	swait.ge [sflag:s11], $0x2000  }
0x12: {  	[sflag:s11] =	ssyncset.done $0x0  }
0x13: {  	s3 =	simm.s32 $0x2000;
	s12 =	rddreg [dreg:$0x4];
	[sflag:s11] =	ssyncadd.s32 $0xFFFFE000  }
0x14: {  	[tilespmem:s3], [sflag:$0x5] =	stream.linear.gather [hbm4b:s12+s0], $0x2000, $0x38;
	[tilespmem:$0x16000] =	vst v63  }
0x15: {  	_ =	swait.ge [sflag:s11], $0x2000  }
0x16: {  	[sflag:s11] =	ssyncset.done $0x0  }
0x17: {  	[sflag:s11] =	ssyncadd.s32 $0xFFFFE000  }
0x18: {  	v19 =	vld [tilespmem:$0x0];
	_ =	sdelay $0x4  }
0x19: {  	v20 =	vshll.u32 v19, $0x3  }
0x1a: {  	v19 =	vand.u32 $0x7, v19;
	v20 =	vand.u32 $0xFFFFFFC0, v20  }
0x1b: {  	v19 =	vor.u32 v19, v20  }
0x1c: {  	v20 =	vperm.xlane v19, v0;
	_ =	sdelay $0x1  }
0x1d: {  	v20 =	vadd.s32 v1, v20;
	_ =	sdelay $0x3  }
0x1e: {  	s14 =	simm.s32 $0x4000;
	s13 =	rddreg [dreg:$0x3]  }
0x1f: {  	[tilespmem:s14], [sflag:$0x1] =	stream.indirect_vreg.gather [hbm4b:s13+s0], $0x80, v20, vm0, $0xb8;
	[tilespmem:$0x16000] =	vst v63  }
0x20: {  	s16 =	simm.s32 $0x4800;
	s15 =	rddreg [dreg:$0x5];
	v19 =	vperm.xlane v19, v2  }
0x21: {  	[tilespmem:s16], [sflag:$0x1] =	stream.indirect_vreg.gather [hbm4b:s15+s0], $0x80, v20, vm0, $0xb8;
	[tilespmem:$0x16000] =	vst v63  }
0x22: {  	s4 =	simm.s32 $0x5000;
	s17 =	rddreg [dreg:$0x6];
	v19 =	vadd.s32 v1, v19  }
0x23: {  	[tilespmem:s4], [sflag:$0x1] =	stream.indirect_vreg.gather [hbm4b:s17+s0], $0x80, v20, vm0, $0xb8;
	[tilespmem:$0x16000] =	vst v63  }
0x24: {  	s5 =	simm.s32 $0x5800;
	s18 =	rddreg [dreg:$0x8]  }
0x25: {  	[tilespmem:s5], [sflag:$0x1] =	stream.indirect_vreg.gather [hbm4b:s18+s0], $0x80, v20, vm0, $0xb8;
	[tilespmem:$0x16000] =	vst v63  }
0x26: {  	s19 =	simm.s32 $0x6000  }
0x27: {  	[tilespmem:s19], [sflag:$0x1] =	stream.indirect_vreg.gather [hbm4b:s13+s0], $0x80, v19, vm0, $0xb8;
	[tilespmem:$0x16000] =	vst v63  }
0x28: {  	s20 =	simm.s32 $0x6800  }
0x29: {  	[tilespmem:s20], [sflag:$0x1] =	stream.indirect_vreg.gather [hbm4b:s15+s0], $0x80, v19, vm0, $0xb8;
	[tilespmem:$0x16000] =	vst v63  }
0x2a: {  	s21 =	simm.s32 $0x7000  }
0x2b: {  	[tilespmem:s21], [sflag:$0x1] =	stream.indirect_vreg.gather [hbm4b:s17+s0], $0x80, v19, vm0, $0xb8;
	[tilespmem:$0x16000] =	vst v63  }
0x2c: {  	s22 =	simm.s32 $0x7800  }
0x2d: {  	[tilespmem:s22], [sflag:$0x1] =	stream.indirect_vreg.gather [hbm4b:s18+s0], $0x80, v19, vm0, $0xb8;
	[tilespmem:$0x16000] =	vst v63  }
0x2e: {  	v19 =	vld [tilespmem:$0x10];
	_ =	sdelay $0x4  }
0x2f: {  	v20 =	vshll.u32 v19, $0x3  }
0x30: {  	v19 =	vand.u32 $0x7, v19;
	v20 =	vand.u32 $0xFFFFFFC0, v20  }
0x31: {  	v19 =	vor.u32 v19, v20  }
0x32: {  	v20 =	vperm.xlane v19, v0;
	_ =	sdelay $0x1  }
0x33: {  	v20 =	vadd.s32 v1, v20;
	_ =	sdelay $0x3  }
0x34: {  	s23 =	simm.s32 $0x8000  }
0x35: {  	[tilespmem:s23], [sflag:$0x1] =	stream.indirect_vreg.gather [hbm4b:s13+s0], $0x80, v20, vm0, $0xb8;
	[tilespmem:$0x16000] =	vst v63  }
0x36: {  	s24 =	simm.s32 $0x8800;
	v19 =	vperm.xlane v19, v2  }
0x37: {  	[tilespmem:s24], [sflag:$0x1] =	stream.indirect_vreg.gather [hbm4b:s15+s0], $0x80, v20, vm0, $0xb8;
	[tilespmem:$0x16000] =	vst v63  }
0x38: {  	s25 =	simm.s32 $0x9000;
	v19 =	vadd.s32 v1, v19  }
0x39: {  	[tilespmem:s25], [sflag:$0x1] =	stream.indirect_vreg.gather [hbm4b:s17+s0], $0x80, v20, vm0, $0xb8;
	[tilespmem:$0x16000] =	vst v63  }
0x3a: {  	s26 =	simm.s32 $0x9800  }
0x3b: {  	[tilespmem:s26], [sflag:$0x1] =	stream.indirect_vreg.gather [hbm4b:s18+s0], $0x80, v20, vm0, $0xb8;
	[tilespmem:$0x16000] =	vst v63  }
0x3c: {  	s28 =	simm.s32 $0xA000  }
0x3d: {  	[tilespmem:s28], [sflag:$0x1] =	stream.indirect_vreg.gather [hbm4b:s13+s0], $0x80, v19, vm0, $0xb8;
	[tilespmem:$0x16000] =	vst v63  }
0x3e: {  	s29 =	simm.s32 $0xA800  }
0x3f: {  	[tilespmem:s29], [sflag:$0x1] =	stream.indirect_vreg.gather [hbm4b:s15+s0], $0x80, v19, vm0, $0xb8;
	[tilespmem:$0x16000] =	vst v63  }
0x40: {  	s30 =	simm.s32 $0xB000  }
0x41: {  	[tilespmem:s30], [sflag:$0x1] =	stream.indirect_vreg.gather [hbm4b:s17+s0], $0x80, v19, vm0, $0xb8;
	[tilespmem:$0x16000] =	vst v63  }
0x42: {  	s31 =	simm.s32 $0xB800;
	s6 =	simm.s32 $0x0  }
0x43: {  	[tilespmem:s31], [sflag:$0x1] =	stream.indirect_vreg.gather [hbm4b:s18+s0], $0x80, v19, vm0, $0xb8;
	[tilespmem:$0x16000] =	vst v63  }
.LBB2_2:
0x44: {  	s1 =	simm.s32 $0x1  }
0x45: {  	s8 =	sshll.u32 s6, $0x8;
	_ =	swait.ge [sflag:s1], $0x8000  }
0x46: {  	s0 =	sor.u32 $0x80, s8;
	[sflag:s1] =	ssyncset.done $0x0  }
0x47: {  	s7 =	sshra.s32 s0, $0x2;
	[sflag:s1] =	ssyncadd.s32 $0xFFFF8000  }
0x48: {  	v19 =	vld [tilespmem:s7+$0x0];
	_ =	sdelay $0x4  }
0x49: {  	v20 =	vshll.u32 v19, $0x3  }
0x4a: {  	v19 =	vand.u32 $0x7, v19;
	v20 =	vand.u32 $0xFFFFFFC0, v20  }
0x4b: {  	v19 =	vor.u32 v19, v20  }
0x4c: {  	v20 =	vperm.xlane v19, v0;
	_ =	sdelay $0x1  }
0x4d: {  	v20 =	vadd.s32 v1, v20;
	_ =	sdelay $0x3  }
0x4e: {  	s13 =	simm.s32 $0x0;
	s2 =	simm.s32 $0xC000;
	s14 =	rddreg [dreg:$0x3]  }
0x4f: {  	[tilespmem:s2], [sflag:$0x2] =	stream.indirect_vreg.gather [hbm4b:s14+s13], $0x80, v20, vm0, $0xb8;
	[tilespmem:$0x16000] =	vst v63  }
0x50: {  	s3 =	simm.s32 $0xC800;
	s15 =	rddreg [dreg:$0x5];
	v19 =	vperm.xlane v19, v2  }
0x51: {  	[tilespmem:s3], [sflag:$0x2] =	stream.indirect_vreg.gather [hbm4b:s15+s13], $0x80, v20, vm0, $0xb8;
	[tilespmem:$0x16000] =	vst v63  }
0x52: {  	s4 =	simm.s32 $0xD000;
	s16 =	rddreg [dreg:$0x6];
	v19 =	vadd.s32 v1, v19  }
0x53: {  	[tilespmem:s4], [sflag:$0x2] =	stream.indirect_vreg.gather [hbm4b:s16+s13], $0x80, v20, vm0, $0xb8;
	[tilespmem:$0x16000] =	vst v63  }
0x54: {  	s5 =	simm.s32 $0xD800;
	s17 =	rddreg [dreg:$0x8]  }
0x55: {  	[tilespmem:s5], [sflag:$0x2] =	stream.indirect_vreg.gather [hbm4b:s17+s13], $0x80, v20, vm0, $0xb8;
	[tilespmem:$0x16000] =	vst v63  }
0x56: {  	s18 =	simm.s32 $0xE000  }
0x57: {  	[tilespmem:s18], [sflag:$0x2] =	stream.indirect_vreg.gather [hbm4b:s14+s13], $0x80, v19, vm0, $0xb8;
	[tilespmem:$0x16000] =	vst v63  }
0x58: {  	s19 =	simm.s32 $0xE800  }
0x59: {  	[tilespmem:s19], [sflag:$0x2] =	stream.indirect_vreg.gather [hbm4b:s15+s13], $0x80, v19, vm0, $0xb8;
	[tilespmem:$0x16000] =	vst v63  }
0x5a: {  	s20 =	simm.s32 $0xF000  }
0x5b: {  	[tilespmem:s20], [sflag:$0x2] =	stream.indirect_vreg.gather [hbm4b:s16+s13], $0x80, v19, vm0, $0xb8;
	[tilespmem:$0x16000] =	vst v63  }
0x5c: {  	s21 =	simm.s32 $0xF800  }
0x5d: {  	[tilespmem:s21], [sflag:$0x2] =	stream.indirect_vreg.gather [hbm4b:s17+s13], $0x80, v19, vm0, $0xb8;
	[tilespmem:$0x16000] =	vst v63  }
0x5e: {  	v19 =	vld [tilespmem:s7+$0x10];
	_ =	sdelay $0x4  }
0x5f: {  	v20 =	vshll.u32 v19, $0x3  }
0x60: {  	v19 =	vand.u32 $0x7, v19;
	v20 =	vand.u32 $0xFFFFFFC0, v20  }
0x61: {  	v19 =	vor.u32 v19, v20  }
0x62: {  	v20 =	vperm.xlane v19, v0;
	_ =	sdelay $0x1  }
0x63: {  	v20 =	vadd.s32 v1, v20;
	_ =	sdelay $0x3  }
0x64: {  	s22 =	simm.s32 $0x10000  }
0x65: {  	[tilespmem:s22], [sflag:$0x2] =	stream.indirect_vreg.gather [hbm4b:s14+s13], $0x80, v20, vm0, $0xb8;
	[tilespmem:$0x16000] =	vst v63  }
0x66: {  	s23 =	simm.s32 $0x10800;
	v19 =	vperm.xlane v19, v2  }
0x67: {  	[tilespmem:s23], [sflag:$0x2] =	stream.indirect_vreg.gather [hbm4b:s15+s13], $0x80, v20, vm0, $0xb8;
	[tilespmem:$0x16000] =	vst v63  }
0x68: {  	s24 =	simm.s32 $0x11000;
	v19 =	vadd.s32 v1, v19  }
0x69: {  	[tilespmem:s24], [sflag:$0x2] =	stream.indirect_vreg.gather [hbm4b:s16+s13], $0x80, v20, vm0, $0xb8;
	[tilespmem:$0x16000] =	vst v63  }
0x6a: {  	s25 =	simm.s32 $0x11800  }
0x6b: {  	[tilespmem:s25], [sflag:$0x2] =	stream.indirect_vreg.gather [hbm4b:s17+s13], $0x80, v20, vm0, $0xb8;
	[tilespmem:$0x16000] =	vst v63  }
0x6c: {  	s26 =	simm.s32 $0x12000  }
0x6d: {  	[tilespmem:s26], [sflag:$0x2] =	stream.indirect_vreg.gather [hbm4b:s14+s13], $0x80, v19, vm0, $0xb8;
	[tilespmem:$0x16000] =	vst v63  }
0x6e: {  	s28 =	simm.s32 $0x12800  }
0x6f: {  	[tilespmem:s28], [sflag:$0x2] =	stream.indirect_vreg.gather [hbm4b:s15+s13], $0x80, v19, vm0, $0xb8;
	[tilespmem:$0x16000] =	vst v63  }
0x70: {  	s29 =	simm.s32 $0x13000;
	p0 =	seq.s32 s6, $0x0;
	[dreg:$0xd] =	wrdreg s6  }
0x71: {  	[tilespmem:s29], [sflag:$0x2] =	stream.indirect_vreg.gather [hbm4b:s16+s13], $0x80, v19, vm0, $0xb8;
	[tilespmem:$0x16000] =	vst v63  }
0x72: {  	s30 =	simm.s32 $0x13800;
	s0 =	simm.s32 @!p0 $0x3;
	[dreg:$0xf] =	wrdreg s7  }
0x73: {  	[tilespmem:s30], [sflag:$0x2] =	stream.indirect_vreg.gather [hbm4b:s17+s13], $0x80, v19, vm0, $0xb8;
	[tilespmem:$0x16000] =	vst v63  }
0x74: {  	_ =	swait.ge @!p0 [sflag:s0], $0x1000  }
0x75: {  	[sflag:s0] =	ssyncset.done @!p0 $0x0  }
0x76: {  	s31 =	sshra.s32 s8, $0x2;
	[sflag:s0] =	ssyncadd.s32 @!p0 $0xFFFFF000  }
0x77: {  	v34 =	vld [tilespmem:s31+$0x2000];
	_ =	sdelay $0x4  }
0x78: {  	v19 =	vperm.xlane v34, v3;
	v20 =	vperm.xlane v34, v4  }
0x79: {  	v21 =	vperm.xlane v34, v5;
	v22 =	vperm.xlane v34, v6  }
0x7a: {  	v23 =	vperm.xlane v34, v7;
	v24 =	vperm.xlane v34, v8  }
0x7b: {  	v50 =	vld [tilespmem:s31+$0x2010];
	v25 =	vperm.xlane v34, v9;
	v26 =	vperm.xlane v34, v10  }
0x7c: {  	v27 =	vperm.xlane v34, v11;
	v28 =	vperm.xlane v34, v12  }
0x7d: {  	v29 =	vperm.xlane v34, v13;
	v30 =	vperm.xlane v34, v14  }
0x7e: {  	v31 =	vperm.xlane v34, v15;
	v32 =	vperm.xlane v34, v16  }
0x7f: {  	v33 =	vperm.xlane v34, v17;
	v34 =	vperm.xlane v34, v18  }
0x80: {  	v35 =	vperm.xlane v50, v3;
	v36 =	vperm.xlane v50, v4  }
0x81: {  	v37 =	vperm.xlane v50, v5;
	v38 =	vperm.xlane v50, v6  }
0x82: {  	v39 =	vperm.xlane v50, v7;
	v40 =	vperm.xlane v50, v8  }
0x83: {  	v41 =	vperm.xlane v50, v9;
	v42 =	vperm.xlane v50, v10  }
0x84: {  	v43 =	vperm.xlane v50, v11;
	v44 =	vperm.xlane v50, v12  }
0x85: {  	v45 =	vperm.xlane v50, v13;
	v46 =	vperm.xlane v50, v14  }
0x86: {  	v47 =	vperm.xlane v50, v15;
	v48 =	vperm.xlane v50, v16  }
0x87: {  	s16 =	simm.s32 $0x0;
	[dreg:$0x10] =	wrdreg s8;
	s0 =	simm.s32 $0x0;
	v49 =	vperm.xlane v50, v17;
	v50 =	vperm.xlane v50, v18  }
.LBB2_3:
0x88: {  	s1 =	sshll.u32 s16, $0x9  }
0x89: {  	s31 =	sand.u32 $0x3FFFFC00, s1  }
0x8a: {  	s2 =	sand.u32 $0x40, s0;
	s1 =	sadd.s32 $0x4000, s31  }
0x8b: {  	s3 =	sor.u32 s2, s1  }
0x8c: {  	v51 =	vld [tilespmem:s3+$0x0]  }
0x8d: {  	v52 =	vld [tilespmem:s3+$0x80];
	_ =	sdelay $0x1  }
0x8e: {  	v53 =	vld [tilespmem:s3+$0x100];
	_ =	sdelay $0x1  }
0x8f: {  	v54 =	vld [tilespmem:s3+$0x180]  }
0x90: {  	v51 =	vmul.f32 v51, v19;
	v52 =	vmul.f32 v52, v20  }
0x91: {  	v55 =	vld [tilespmem:s3+$0x200]  }
0x92: {  	v61 =	vmul.f32 v53, v21;
	v51 =	vadd.f32 v52, v51  }
0x93: {  	v62 =	vld [tilespmem:s3+$0x280]  }
0x94: {  	v63 =	vmul.f32 v54, v22;
	v51 =	vadd.f32 v61, v51  }
0x95: {  	v57 =	vld [tilespmem:s3+$0x300]  }
0x96: {  	v58 =	vmul.f32 v55, v23;
	v51 =	vadd.f32 v63, v51  }
0x97: {  	v59 =	vld [tilespmem:s3+$0x380]  }
0x98: {  	v60 =	vmul.f32 v62, v24;
	v51 =	vadd.f32 v58, v51;
	_ =	sdelay $0x1  }
0x99: {  	v61 =	vmul.f32 v57, v25;
	v51 =	vadd.f32 v60, v51;
	_ =	sdelay $0x1  }
0x9a: {  	s8 =	sshll.u32 s16, $0x8;
	v62 =	vmul.f32 v59, v26;
	v51 =	vadd.f32 v61, v51  }
0x9b: {  	s3 =	sand.u32 $0x3FFFFE00, s8  }
0x9c: {  	s8 =	sadd.s32 $0x14000, s3;
	v51 =	vadd.f32 v62, v51  }
0x9d: {  	s13 =	sadd.s32 $0x6000, s31;
	s15 =	sor.u32 s2, s8  }
0x9e: {  	s6 =	sor.u32 s2, s13;
	s3 =	sadd.s32 $0x6080, s31;
	[tilespmem:s15+$0x0] =	vst v51  }
0x9f: {  	s9 =	sor.u32 s2, s3;
	v51 =	vld [tilespmem:s6+$0x0]  }
0xa0: {  	s5 =	sadd.s32 $0x6100, s31;
	v63 =	vld [tilespmem:s9+$0x0]  }
0xa1: {  	s7 =	sor.u32 s2, s5  }
0xa2: {  	s17 =	sadd.s32 $0x6180, s31;
	v57 =	vld [tilespmem:s7+$0x0]  }
0xa3: {  	s10 =	sor.u32 s2, s17  }
0xa4: {  	s11 =	sadd.s32 $0x6200, s31;
	v58 =	vld [tilespmem:s10+$0x0]  }
0xa5: {  	s9 =	sor.u32 s2, s11;
	v51 =	vmul.f32 v51, v27;
	v52 =	vmul.f32 v63, v28  }
0xa6: {  	v59 =	vld [tilespmem:s9+$0x0];
	s9 =	sadd.s32 $0x6280, s31  }
0xa7: {  	s10 =	sor.u32 s2, s9;
	v60 =	vmul.f32 v57, v29;
	v51 =	vadd.f32 v52, v51  }
0xa8: {  	s6 =	sadd.s32 $0x6300, s31;
	v61 =	vld [tilespmem:s10+$0x0]  }
0xa9: {  	[smem:$0x7FC] =	sst s11;
	s11 =	sor.u32 s2, s6;
	v62 =	vmul.f32 v58, v30;
	v51 =	vadd.f32 v60, v51  }
0xaa: {  	s7 =	sadd.s32 $0x6380, s31;
	v63 =	vld [tilespmem:s11+$0x0]  }
0xab: {  	s12 =	sor.u32 s2, s7;
	v57 =	vmul.f32 v59, v31;
	v51 =	vadd.f32 v62, v51  }
0xac: {  	v58 =	vld [tilespmem:s12+$0x0]  }
0xad: {  	v59 =	vmul.f32 v61, v32;
	v51 =	vadd.f32 v57, v51;
	_ =	sdelay $0x1  }
0xae: {  	v60 =	vmul.f32 v63, v33;
	v51 =	vadd.f32 v59, v51;
	_ =	sdelay $0x1  }
0xaf: {  	v61 =	vmul.f32 v58, v34;
	v51 =	vadd.f32 v60, v51;
	_ =	sdelay $0x1  }
0xb0: {  	v51 =	vadd.f32 v61, v51  }
0xb1: {  	s10 =	sadd.s32 $0x8000, s31  }
0xb2: {  	s14 =	sor.u32 s2, s10;
	s11 =	sadd.s32 $0x8080, s31;
	[tilespmem:s15+$0x80] =	vst v51  }
0xb3: {  	s12 =	sor.u32 s2, s11;
	v51 =	vld [tilespmem:s14+$0x0]  }
0xb4: {  	s19 =	sadd.s32 $0x8100, s31;
	v62 =	vld [tilespmem:s12+$0x0]  }
0xb5: {  	s18 =	sor.u32 s2, s19  }
0xb6: {  	v63 =	vld [tilespmem:s18+$0x0];
	s18 =	sadd.s32 $0x8180, s31  }
0xb7: {  	s20 =	sor.u32 s2, s18  }
0xb8: {  	s12 =	sadd.s32 $0x8200, s31;
	v57 =	vld [tilespmem:s20+$0x0]  }
0xb9: {  	s21 =	sor.u32 s2, s12;
	v51 =	vmul.f32 v51, v35;
	v52 =	vmul.f32 v62, v36  }
0xba: {  	v58 =	vld [tilespmem:s21+$0x0];
	s20 =	sadd.s32 $0x8280, s31  }
0xbb: {  	s22 =	sor.u32 s2, s20;
	v59 =	vmul.f32 v63, v37;
	v51 =	vadd.f32 v52, v51  }
0xbc: {  	s21 =	sadd.s32 $0x8300, s31;
	v60 =	vld [tilespmem:s22+$0x0]  }
0xbd: {  	s23 =	sor.u32 s2, s21;
	v61 =	vmul.f32 v57, v38;
	v51 =	vadd.f32 v59, v51  }
0xbe: {  	s22 =	sadd.s32 $0x8380, s31;
	v62 =	vld [tilespmem:s23+$0x0]  }
0xbf: {  	s24 =	sor.u32 s2, s22;
	v63 =	vmul.f32 v58, v39;
	v51 =	vadd.f32 v61, v51  }
0xc0: {  	v57 =	vld [tilespmem:s24+$0x0]  }
0xc1: {  	v58 =	vmul.f32 v60, v40;
	v51 =	vadd.f32 v63, v51;
	_ =	sdelay $0x1  }
0xc2: {  	v59 =	vmul.f32 v62, v41;
	v51 =	vadd.f32 v58, v51;
	_ =	sdelay $0x1  }
0xc3: {  	v60 =	vmul.f32 v57, v42;
	v51 =	vadd.f32 v59, v51;
	_ =	sdelay $0x1  }
0xc4: {  	v51 =	vadd.f32 v60, v51  }
0xc5: {  	s23 =	sadd.s32 $0xA000, s31  }
0xc6: {  	s25 =	sor.u32 s2, s23;
	s24 =	sadd.s32 $0xA080, s31;
	[tilespmem:s15+$0x100] =	vst v51  }
0xc7: {  	s26 =	sor.u32 s2, s24;
	v51 =	vld [tilespmem:s25+$0x0]  }
0xc8: {  	v61 =	vld [tilespmem:s26+$0x0];
	s25 =	sadd.s32 $0xA100, s31  }
0xc9: {  	s28 =	sor.u32 s2, s25  }
0xca: {  	v62 =	vld [tilespmem:s28+$0x0];
	s28 =	sadd.s32 $0xA180, s31  }
0xcb: {  	s29 =	sor.u32 s2, s28  }
0xcc: {  	s26 =	sadd.s32 $0xA200, s31;
	v63 =	vld [tilespmem:s29+$0x0]  }
0xcd: {  	s30 =	sor.u32 s2, s26;
	v51 =	vmul.f32 v51, v43;
	v52 =	vmul.f32 v61, v44  }
0xce: {  	v57 =	vld [tilespmem:s30+$0x0];
	s29 =	sadd.s32 $0xA280, s31  }
0xcf: {  	[dreg:$0x1b] =	wrdreg s0;
	s0 =	sor.u32 s2, s29;
	v51 =	vadd.f32 v52, v51;
	v58 =	vmul.f32 v62, v45  }
0xd0: {  	s30 =	sadd.s32 $0xA300, s31;
	v59 =	vld [tilespmem:s0+$0x0]  }
0xd1: {  	s4 =	sor.u32 s2, s30;
	v51 =	vadd.f32 v58, v51;
	v60 =	vmul.f32 v63, v46  }
0xd2: {  	s31 =	sadd.s32 $0xA380, s31;
	v61 =	vld [tilespmem:s4+$0x0]  }
0xd3: {  	s0 =	sor.u32 s2, s31;
	v62 =	vmul.f32 v57, v47;
	v51 =	vadd.f32 v60, v51  }
0xd4: {  	v63 =	vld [tilespmem:s0+$0x0]  }
0xd5: {  	v57 =	vmul.f32 v59, v48;
	v51 =	vadd.f32 v62, v51;
	_ =	sdelay $0x1  }
0xd6: {  	v58 =	vmul.f32 v61, v49;
	v51 =	vadd.f32 v57, v51;
	_ =	sdelay $0x1  }
0xd7: {  	v59 =	vmul.f32 v63, v50;
	v51 =	vadd.f32 v58, v51;
	_ =	sdelay $0x1  }
0xd8: {  	v51 =	vadd.f32 v59, v51  }
0xd9: {  	s14 =	sor.u32 $0x10, s2  }
0xda: {  	s4 =	sor.u32 s14, s1;
	[tilespmem:s15+$0x180] =	vst v51  }
0xdb: {  	v51 =	vld [tilespmem:s4+$0x0]  }
0xdc: {  	v60 =	vld [tilespmem:s4+$0x80];
	_ =	sdelay $0x1  }
0xdd: {  	v61 =	vld [tilespmem:s4+$0x100];
	_ =	sdelay $0x1  }
0xde: {  	v62 =	vld [tilespmem:s4+$0x180]  }
0xdf: {  	v51 =	vmul.f32 v51, v19;
	v52 =	vmul.f32 v60, v20  }
0xe0: {  	v63 =	vld [tilespmem:s4+$0x200]  }
0xe1: {  	v56 =	vmul.f32 v61, v21;
	v51 =	vadd.f32 v52, v51  }
0xe2: {  	v57 =	vld [tilespmem:s4+$0x280]  }
0xe3: {  	v58 =	vmul.f32 v62, v22;
	v51 =	vadd.f32 v56, v51  }
0xe4: {  	v59 =	vld [tilespmem:s4+$0x300]  }
0xe5: {  	v60 =	vmul.f32 v63, v23;
	v51 =	vadd.f32 v58, v51  }
0xe6: {  	v61 =	vld [tilespmem:s4+$0x380]  }
0xe7: {  	v62 =	vmul.f32 v57, v24;
	v51 =	vadd.f32 v60, v51;
	_ =	sdelay $0x1  }
0xe8: {  	v63 =	vmul.f32 v59, v25;
	v51 =	vadd.f32 v62, v51;
	_ =	sdelay $0x1  }
0xe9: {  	v56 =	vmul.f32 v61, v26;
	v51 =	vadd.f32 v63, v51;
	_ =	sdelay $0x1  }
0xea: {  	v51 =	vadd.f32 v56, v51  }
0xeb: {  	s15 =	sor.u32 s14, s8  }
0xec: {  	s4 =	smov.u32 s13;
	s13 =	sor.u32 s14, s13;
	[tilespmem:s15+$0x0] =	vst v51  }
0xed: {  	v51 =	vld [tilespmem:s13+$0x0];
	s13 =	sor.u32 s14, s3  }
0xee: {  	v57 =	vld [tilespmem:s13+$0x0];
	s13 =	sor.u32 s14, s5  }
0xef: {  	v58 =	vld [tilespmem:s13+$0x0];
	s13 =	smov.u32 s17;
	s17 =	sor.u32 s14, s17  }
0xf0: {  	v59 =	vld [tilespmem:s17+$0x0];
	s17 =	sld [smem:$0x7FC];
	_ =	sdelay $0x2  }
0xf1: {  	s0 =	smov.u32 s1;
	v51 =	vmul.f32 v51, v27;
	v52 =	vmul.f32 v57, v28;
	s1 =	sor.u32 s14, s17  }
0xf2: {  	v60 =	vld [tilespmem:s1+$0x0]  }
0xf3: {  	v61 =	vmul.f32 v58, v29;
	s1 =	sor.u32 s14, s9;
	v51 =	vadd.f32 v52, v51  }
0xf4: {  	v62 =	vld [tilespmem:s1+$0x0]  }
0xf5: {  	v63 =	vmul.f32 v59, v30;
	s1 =	sor.u32 s14, s6;
	v51 =	vadd.f32 v61, v51  }
0xf6: {  	v57 =	vld [tilespmem:s1+$0x0]  }
0xf7: {  	s1 =	sor.u32 s14, s7;
	v51 =	vadd.f32 v63, v51;
	v58 =	vmul.f32 v60, v31  }
0xf8: {  	v59 =	vld [tilespmem:s1+$0x0]  }
0xf9: {  	v60 =	vmul.f32 v62, v32;
	v51 =	vadd.f32 v58, v51;
	_ =	sdelay $0x1  }
0xfa: {  	v61 =	vmul.f32 v57, v33;
	v51 =	vadd.f32 v60, v51;
	_ =	sdelay $0x1  }
0xfb: {  	v62 =	vmul.f32 v59, v34;
	v51 =	vadd.f32 v61, v51;
	_ =	sdelay $0x1  }
0xfc: {  	v51 =	vadd.f32 v62, v51;
	_ =	sdelay $0x1  }
0xfd: {  	s1 =	sor.u32 s14, s10;
	[tilespmem:s15+$0x80] =	vst v51  }
0xfe: {  	v51 =	vld [tilespmem:s1+$0x0];
	s1 =	sor.u32 s14, s11  }
0xff: {  	v63 =	vld [tilespmem:s1+$0x0]  }
0x100: {  	s1 =	sor.u32 s14, s19  }
0x101: {  	v57 =	vld [tilespmem:s1+$0x0]  }
0x102: {  	s1 =	sor.u32 s14, s18  }
0x103: {  	v58 =	vld [tilespmem:s1+$0x0]  }
0x104: {  	s1 =	sor.u32 s14, s12;
	v51 =	vmul.f32 v51, v35;
	v52 =	vmul.f32 v63, v36  }
0x105: {  	v59 =	vld [tilespmem:s1+$0x0]  }
0x106: {  	s1 =	sor.u32 s14, s20;
	v60 =	vmul.f32 v57, v37;
	v51 =	vadd.f32 v52, v51  }
0x107: {  	v61 =	vld [tilespmem:s1+$0x0]  }
0x108: {  	s1 =	sor.u32 s14, s21;
	v62 =	vmul.f32 v58, v38;
	v51 =	vadd.f32 v60, v51  }
0x109: {  	v63 =	vld [tilespmem:s1+$0x0]  }
0x10a: {  	s1 =	sor.u32 s14, s22;
	v57 =	vmul.f32 v59, v39;
	v51 =	vadd.f32 v62, v51  }
0x10b: {  	v58 =	vld [tilespmem:s1+$0x0]  }
0x10c: {  	v59 =	vmul.f32 v61, v40;
	v51 =	vadd.f32 v57, v51;
	_ =	sdelay $0x1  }
0x10d: {  	v60 =	vmul.f32 v63, v41;
	v51 =	vadd.f32 v59, v51;
	_ =	sdelay $0x1  }
0x10e: {  	v61 =	vmul.f32 v58, v42;
	v51 =	vadd.f32 v60, v51;
	_ =	sdelay $0x1  }
0x10f: {  	v51 =	vadd.f32 v61, v51;
	_ =	sdelay $0x1  }
0x110: {  	s1 =	sor.u32 s14, s23;
	[tilespmem:s15+$0x100] =	vst v51  }
0x111: {  	v51 =	vld [tilespmem:s1+$0x0];
	s1 =	sor.u32 s14, s24  }
0x112: {  	v62 =	vld [tilespmem:s1+$0x0]  }
0x113: {  	s1 =	sor.u32 s14, s25  }
0x114: {  	v63 =	vld [tilespmem:s1+$0x0]  }
0x115: {  	s1 =	sor.u32 s14, s28  }
0x116: {  	v57 =	vld [tilespmem:s1+$0x0]  }
0x117: {  	s1 =	sor.u32 s14, s26;
	v51 =	vmul.f32 v51, v43;
	v52 =	vmul.f32 v62, v44  }
0x118: {  	v58 =	vld [tilespmem:s1+$0x0]  }
0x119: {  	s1 =	sor.u32 s14, s29;
	v59 =	vmul.f32 v63, v45;
	v51 =	vadd.f32 v52, v51  }
0x11a: {  	v60 =	vld [tilespmem:s1+$0x0]  }
0x11b: {  	s1 =	sor.u32 s14, s30;
	v61 =	vmul.f32 v57, v46;
	v51 =	vadd.f32 v59, v51  }
0x11c: {  	v62 =	vld [tilespmem:s1+$0x0]  }
0x11d: {  	s14 =	sor.u32 s14, s31;
	v63 =	vmul.f32 v58, v47;
	v51 =	vadd.f32 v61, v51  }
0x11e: {  	v57 =	vld [tilespmem:s14+$0x0]  }
0x11f: {  	v58 =	vmul.f32 v60, v48;
	v51 =	vadd.f32 v63, v51;
	_ =	sdelay $0x1  }
0x120: {  	v59 =	vmul.f32 v62, v49;
	v51 =	vadd.f32 v58, v51;
	_ =	sdelay $0x1  }
0x121: {  	v60 =	vmul.f32 v57, v50;
	v51 =	vadd.f32 v59, v51;
	_ =	sdelay $0x1  }
0x122: {  	v51 =	vadd.f32 v60, v51  }
0x123: {  	s14 =	sor.u32 $0x20, s2  }
0x124: {  	[tilespmem:s15+$0x180] =	vst v51;
	s15 =	sor.u32 s14, s0  }
0x125: {  	v51 =	vld [tilespmem:s15+$0x0]  }
0x126: {  	v61 =	vld [tilespmem:s15+$0x80];
	_ =	sdelay $0x1  }
0x127: {  	v62 =	vld [tilespmem:s15+$0x100];
	_ =	sdelay $0x1  }
0x128: {  	v63 =	vld [tilespmem:s15+$0x180]  }
0x129: {  	v51 =	vmul.f32 v51, v19;
	v52 =	vmul.f32 v61, v20  }
0x12a: {  	v57 =	vld [tilespmem:s15+$0x200]  }
0x12b: {  	v58 =	vmul.f32 v62, v21;
	v51 =	vadd.f32 v52, v51  }
0x12c: {  	v59 =	vld [tilespmem:s15+$0x280]  }
0x12d: {  	v60 =	vmul.f32 v63, v22;
	v51 =	vadd.f32 v58, v51  }
0x12e: {  	v61 =	vld [tilespmem:s15+$0x300]  }
0x12f: {  	v62 =	vmul.f32 v57, v23;
	v51 =	vadd.f32 v60, v51  }
0x130: {  	v63 =	vld [tilespmem:s15+$0x380]  }
0x131: {  	v57 =	vmul.f32 v59, v24;
	v51 =	vadd.f32 v62, v51;
	_ =	sdelay $0x1  }
0x132: {  	v58 =	vmul.f32 v61, v25;
	v51 =	vadd.f32 v57, v51;
	_ =	sdelay $0x1  }
0x133: {  	v59 =	vmul.f32 v63, v26;
	v51 =	vadd.f32 v58, v51;
	_ =	sdelay $0x1  }
0x134: {  	v51 =	vadd.f32 v59, v51  }
0x135: {  	s15 =	sor.u32 s14, s8  }
0x136: {  	s1 =	sor.u32 s14, s4;
	[tilespmem:s15+$0x0] =	vst v51  }
0x137: {  	[smem:$0x7FD] =	sst s3;
	s3 =	sor.u32 s14, s3;
	v51 =	vld [tilespmem:s1+$0x0]  }
0x138: {  	v60 =	vld [tilespmem:s3+$0x0]  }
0x139: {  	s3 =	sor.u32 s14, s5  }
0x13a: {  	v61 =	vld [tilespmem:s3+$0x0]  }
0x13b: {  	s3 =	sor.u32 s14, s13  }
0x13c: {  	v62 =	vld [tilespmem:s3+$0x0]  }
0x13d: {  	s3 =	sor.u32 s14, s17;
	v51 =	vmul.f32 v51, v27;
	v52 =	vmul.f32 v60, v28  }
0x13e: {  	v63 =	vld [tilespmem:s3+$0x0]  }
0x13f: {  	s3 =	sor.u32 s14, s9;
	v56 =	vmul.f32 v61, v29;
	v51 =	vadd.f32 v52, v51  }
0x140: {  	v57 =	vld [tilespmem:s3+$0x0]  }
0x141: {  	s3 =	sor.u32 s14, s6;
	v58 =	vmul.f32 v62, v30;
	v51 =	vadd.f32 v56, v51  }
0x142: {  	v59 =	vld [tilespmem:s3+$0x0]  }
0x143: {  	s3 =	sor.u32 s14, s7;
	v60 =	vmul.f32 v63, v31;
	v51 =	vadd.f32 v58, v51  }
0x144: {  	v61 =	vld [tilespmem:s3+$0x0]  }
0x145: {  	v62 =	vmul.f32 v57, v32;
	v51 =	vadd.f32 v60, v51;
	_ =	sdelay $0x1  }
0x146: {  	v63 =	vmul.f32 v59, v33;
	v51 =	vadd.f32 v62, v51;
	_ =	sdelay $0x1  }
0x147: {  	v56 =	vmul.f32 v61, v34;
	v51 =	vadd.f32 v63, v51;
	_ =	sdelay $0x1  }
0x148: {  	v51 =	vadd.f32 v56, v51;
	_ =	sdelay $0x1  }
0x149: {  	s3 =	sor.u32 s14, s10;
	[tilespmem:s15+$0x80] =	vst v51  }
0x14a: {  	v51 =	vld [tilespmem:s3+$0x0];
	s3 =	sor.u32 s14, s11  }
0x14b: {  	v57 =	vld [tilespmem:s3+$0x0]  }
0x14c: {  	s3 =	sor.u32 s14, s19  }
0x14d: {  	v58 =	vld [tilespmem:s3+$0x0]  }
0x14e: {  	s3 =	sor.u32 s14, s18  }
0x14f: {  	v59 =	vld [tilespmem:s3+$0x0]  }
0x150: {  	s3 =	sor.u32 s14, s12;
	v51 =	vmul.f32 v51, v35;
	v52 =	vmul.f32 v57, v36  }
0x151: {  	v60 =	vld [tilespmem:s3+$0x0]  }
0x152: {  	s3 =	sor.u32 s14, s20;
	v61 =	vmul.f32 v58, v37;
	v51 =	vadd.f32 v52, v51  }
0x153: {  	v62 =	vld [tilespmem:s3+$0x0]  }
0x154: {  	s3 =	sor.u32 s14, s21;
	v63 =	vmul.f32 v59, v38;
	v51 =	vadd.f32 v61, v51  }
0x155: {  	v57 =	vld [tilespmem:s3+$0x0]  }
0x156: {  	s3 =	sor.u32 s14, s22;
	v58 =	vmul.f32 v60, v39;
	v51 =	vadd.f32 v63, v51  }
0x157: {  	v59 =	vld [tilespmem:s3+$0x0]  }
0x158: {  	v60 =	vmul.f32 v62, v40;
	v51 =	vadd.f32 v58, v51;
	_ =	sdelay $0x1  }
0x159: {  	v61 =	vmul.f32 v57, v41;
	v51 =	vadd.f32 v60, v51;
	_ =	sdelay $0x1  }
0x15a: {  	v62 =	vmul.f32 v59, v42;
	v51 =	vadd.f32 v61, v51;
	_ =	sdelay $0x1  }
0x15b: {  	v51 =	vadd.f32 v62, v51;
	_ =	sdelay $0x1  }
0x15c: {  	s3 =	sor.u32 s14, s23;
	[tilespmem:s15+$0x100] =	vst v51  }
0x15d: {  	v51 =	vld [tilespmem:s3+$0x0];
	s3 =	sor.u32 s14, s24  }
0x15e: {  	v63 =	vld [tilespmem:s3+$0x0]  }
0x15f: {  	s3 =	sor.u32 s14, s25  }
0x160: {  	v57 =	vld [tilespmem:s3+$0x0]  }
0x161: {  	s3 =	sor.u32 s14, s28  }
0x162: {  	v58 =	vld [tilespmem:s3+$0x0]  }
0x163: {  	s3 =	sor.u32 s14, s26;
	v51 =	vmul.f32 v51, v43;
	v52 =	vmul.f32 v63, v44  }
0x164: {  	v59 =	vld [tilespmem:s3+$0x0]  }
0x165: {  	s3 =	sor.u32 s14, s29;
	v60 =	vmul.f32 v57, v45;
	v51 =	vadd.f32 v52, v51  }
0x166: {  	v61 =	vld [tilespmem:s3+$0x0]  }
0x167: {  	s3 =	sor.u32 s14, s30;
	v62 =	vmul.f32 v58, v46;
	v51 =	vadd.f32 v60, v51  }
0x168: {  	v63 =	vld [tilespmem:s3+$0x0]  }
0x169: {  	s14 =	sor.u32 s14, s31;
	v57 =	vmul.f32 v59, v47;
	v51 =	vadd.f32 v62, v51  }
0x16a: {  	v58 =	vld [tilespmem:s14+$0x0]  }
0x16b: {  	v59 =	vmul.f32 v61, v48;
	v51 =	vadd.f32 v57, v51;
	_ =	sdelay $0x1  }
0x16c: {  	v60 =	vmul.f32 v63, v49;
	v51 =	vadd.f32 v59, v51;
	_ =	sdelay $0x1  }
0x16d: {  	v61 =	vmul.f32 v58, v50;
	v51 =	vadd.f32 v60, v51;
	_ =	sdelay $0x1  }
0x16e: {  	v51 =	vadd.f32 v61, v51  }
0x16f: {  	s2 =	sor.u32 $0x30, s2  }
0x170: {  	s3 =	sor.u32 s2, s0;
	[tilespmem:s15+$0x180] =	vst v51  }
0x171: {  	v51 =	vld [tilespmem:s3+$0x0]  }
0x172: {  	v62 =	vld [tilespmem:s3+$0x80];
	_ =	sdelay $0x1  }
0x173: {  	v63 =	vld [tilespmem:s3+$0x100];
	_ =	sdelay $0x1  }
0x174: {  	v57 =	vld [tilespmem:s3+$0x180]  }
0x175: {  	v51 =	vmul.f32 v51, v19;
	v52 =	vmul.f32 v62, v20  }
0x176: {  	v58 =	vld [tilespmem:s3+$0x200]  }
0x177: {  	v59 =	vmul.f32 v63, v21;
	v51 =	vadd.f32 v52, v51  }
0x178: {  	v60 =	vld [tilespmem:s3+$0x280]  }
0x179: {  	v61 =	vmul.f32 v57, v22;
	v51 =	vadd.f32 v59, v51  }
0x17a: {  	v62 =	vld [tilespmem:s3+$0x300]  }
0x17b: {  	v63 =	vmul.f32 v58, v23;
	v51 =	vadd.f32 v61, v51  }
0x17c: {  	v57 =	vld [tilespmem:s3+$0x380]  }
0x17d: {  	v58 =	vmul.f32 v60, v24;
	v51 =	vadd.f32 v63, v51;
	_ =	sdelay $0x1  }
0x17e: {  	v59 =	vmul.f32 v62, v25;
	v51 =	vadd.f32 v58, v51;
	_ =	sdelay $0x1  }
0x17f: {  	v60 =	vmul.f32 v57, v26;
	v51 =	vadd.f32 v59, v51;
	_ =	sdelay $0x1  }
0x180: {  	s1 =	sor.u32 s2, s8;
	s8 =	sld [smem:$0x7FD];
	v51 =	vadd.f32 v60, v51;
	_ =	sdelay $0x1  }
0x181: {  	s4 =	sor.u32 s2, s4;
	[tilespmem:s1+$0x0] =	vst v51  }
0x182: {  	s3 =	sor.u32 s2, s8;
	v51 =	vld [tilespmem:s4+$0x0]  }
0x183: {  	v61 =	vld [tilespmem:s3+$0x0]  }
0x184: {  	s14 =	sor.u32 s2, s5  }
0x185: {  	v62 =	vld [tilespmem:s14+$0x0]  }
0x186: {  	s15 =	sor.u32 s2, s13  }
0x187: {  	v63 =	vld [tilespmem:s15+$0x0]  }
0x188: {  	s4 =	sor.u32 s2, s17;
	v51 =	vmul.f32 v51, v27;
	v52 =	vmul.f32 v61, v28  }
0x189: {  	v57 =	vld [tilespmem:s4+$0x0]  }
0x18a: {  	s5 =	sor.u32 s2, s9;
	v58 =	vmul.f32 v62, v29;
	v51 =	vadd.f32 v52, v51  }
0x18b: {  	v59 =	vld [tilespmem:s5+$0x0]  }
0x18c: {  	s8 =	sor.u32 s2, s6;
	v60 =	vmul.f32 v63, v30;
	v51 =	vadd.f32 v58, v51  }
0x18d: {  	v61 =	vld [tilespmem:s8+$0x0]  }
0x18e: {  	s9 =	sor.u32 s2, s7;
	v62 =	vmul.f32 v57, v31;
	v51 =	vadd.f32 v60, v51  }
0x18f: {  	v63 =	vld [tilespmem:s9+$0x0]  }
0x190: {  	v57 =	vmul.f32 v59, v32;
	v51 =	vadd.f32 v62, v51;
	_ =	sdelay $0x1  }
0x191: {  	v58 =	vmul.f32 v61, v33;
	v51 =	vadd.f32 v57, v51;
	_ =	sdelay $0x1  }
0x192: {  	v59 =	vmul.f32 v63, v34;
	v51 =	vadd.f32 v58, v51;
	_ =	sdelay $0x1  }
0x193: {  	v51 =	vadd.f32 v59, v51;
	_ =	sdelay $0x1  }
0x194: {  	s13 =	sor.u32 s2, s10;
	[tilespmem:s1+$0x80] =	vst v51  }
0x195: {  	s14 =	sor.u32 s2, s11;
	v51 =	vld [tilespmem:s13+$0x0]  }
0x196: {  	v60 =	vld [tilespmem:s14+$0x0]  }
0x197: {  	s15 =	sor.u32 s2, s19  }
0x198: {  	v61 =	vld [tilespmem:s15+$0x0]  }
0x199: {  	s17 =	sor.u32 s2, s18  }
0x19a: {  	v62 =	vld [tilespmem:s17+$0x0]  }
0x19b: {  	s18 =	sor.u32 s2, s12;
	v51 =	vmul.f32 v51, v35;
	v52 =	vmul.f32 v60, v36  }
0x19c: {  	v63 =	vld [tilespmem:s18+$0x0]  }
0x19d: {  	s19 =	sor.u32 s2, s20;
	v57 =	vmul.f32 v61, v37;
	v51 =	vadd.f32 v52, v51  }
0x19e: {  	v58 =	vld [tilespmem:s19+$0x0]  }
0x19f: {  	s20 =	sor.u32 s2, s21;
	v59 =	vmul.f32 v62, v38;
	v51 =	vadd.f32 v57, v51  }
0x1a0: {  	v60 =	vld [tilespmem:s20+$0x0]  }
0x1a1: {  	s21 =	sor.u32 s2, s22;
	v61 =	vmul.f32 v63, v39;
	v51 =	vadd.f32 v59, v51  }
0x1a2: {  	v62 =	vld [tilespmem:s21+$0x0]  }
0x1a3: {  	v63 =	vmul.f32 v58, v40;
	v51 =	vadd.f32 v61, v51;
	_ =	sdelay $0x1  }
0x1a4: {  	v56 =	vmul.f32 v60, v41;
	v51 =	vadd.f32 v63, v51;
	_ =	sdelay $0x1  }
0x1a5: {  	v57 =	vmul.f32 v62, v42;
	v51 =	vadd.f32 v56, v51;
	_ =	sdelay $0x1  }
0x1a6: {  	v51 =	vadd.f32 v57, v51;
	_ =	sdelay $0x1  }
0x1a7: {  	s22 =	sor.u32 s2, s23;
	[tilespmem:s1+$0x100] =	vst v51  }
0x1a8: {  	s23 =	sor.u32 s2, s24;
	v51 =	vld [tilespmem:s22+$0x0]  }
0x1a9: {  	v58 =	vld [tilespmem:s23+$0x0]  }
0x1aa: {  	s24 =	sor.u32 s2, s25  }
0x1ab: {  	v59 =	vld [tilespmem:s24+$0x0]  }
0x1ac: {  	s25 =	sor.u32 s2, s28  }
0x1ad: {  	v60 =	vld [tilespmem:s25+$0x0]  }
0x1ae: {  	s28 =	sor.u32 s2, s26;
	v51 =	vmul.f32 v51, v43;
	v52 =	vmul.f32 v58, v44  }
0x1af: {  	v61 =	vld [tilespmem:s28+$0x0]  }
0x1b0: {  	s29 =	sor.u32 s2, s29;
	v62 =	vmul.f32 v59, v45;
	v51 =	vadd.f32 v52, v51  }
0x1b1: {  	v63 =	vld [tilespmem:s29+$0x0]  }
0x1b2: {  	s30 =	sor.u32 s2, s30;
	v57 =	vmul.f32 v60, v46;
	v51 =	vadd.f32 v62, v51  }
0x1b3: {  	v58 =	vld [tilespmem:s30+$0x0]  }
0x1b4: {  	s2 =	sor.u32 s2, s31;
	v59 =	vmul.f32 v61, v47;
	v51 =	vadd.f32 v57, v51  }
0x1b5: {  	v60 =	vld [tilespmem:s2+$0x0]  }
0x1b6: {  	v61 =	vmul.f32 v63, v48;
	v51 =	vadd.f32 v59, v51;
	_ =	sdelay $0x1  }
0x1b7: {  	v62 =	vmul.f32 v58, v49;
	v51 =	vadd.f32 v61, v51  }
0x1b8: {  	p0 =	sne.s32 s16, $0xF  }
.Ltmp0:
0x1b9: {  	v63 =	vmul.f32 v60, v50;
	v51 =	vadd.f32 v62, v51;
	(pc) =	sbr.rel @p0 .LBB2_3-.Ltmp0, $4  }
0x1ba: {  	_ = 	snop  }
0x1bb: {  	v51 =	vadd.f32 v63, v51  }
0x1bc: {  	s0 =	rddreg [dreg:$0x1b]  }
0x1bd: {  	s16 =	sadd.s32 $0x1, s16;
	s0 =	sadd.s32 $0x40, s0;
	[tilespmem:s1+$0x180] =	vst v51  }
0x1be: {  	s7 =	rddreg [dreg:$0xd]  }
0x1bf: {  	s1 =	rddreg [dreg:$0x9]  }
0x1c0: {  	s28 =	rddreg [dreg:$0x1];
	s29 =	simm.s32 $0x200;
	s0 =	sshll.u32 s7, $0xA  }
0x1c1: {  	s2 =	simm.s32 $0x400;
	s3 =	simm.s32 $0x14000;
	s1 =	sadd.s32 s1, s0  }
0x1c2: {  	s30 =	simm.s32 $0x2;
	[dreg:$0xe] =	wrdreg s1;
	s0 =	sadd.s32 s28, s1  }
0x1c3: {  	[hbm4b:s0+s29] =	stream.strided.scatter [tilespmem:s3], [sflag:$0x3], $0x1000, s2, s29, $0x38;
	[tilespmem:$0x16000] =	vst v63  }
0x1c4: {  	_ =	swait.ge [sflag:s30], $0x8000  }
0x1c5: {  	p0 =	seq.s32 s7, $0x7F;
	[sflag:s30] =	ssyncset.done $0x0;
	s0 =	rddreg [dreg:$0x10]  }
0x1c6: {  	[sflag:s30] =	ssyncadd.s32 $0xFFFF8000;
	s0 =	sshra.s32 @!p0 s0, $0x2  }
0x1c7: {  	v19 =	vld @!p0 [tilespmem:s0+$0x40];
	_ =	sdelay $0x4  }
0x1c8: {  	v20 =	vshll.u32 @!p0 v19, $0x3  }
0x1c9: {  	v21 =	vlaneseq.u32 @!p0;
	v19 =	vand.u32 @!p0 $0x7, v19;
	v20 =	vand.u32 @!p0 $0xFFFFFFC0, v20  }
0x1ca: {  	v22 =	vshrl.u32 @!p0 v21, $0x3;
	v19 =	vor.u32 @!p0 v19, v20;
	v20 =	vand.u32 @!p0 $0x7, v21  }
0x1cb: {  	v22 =	vmul.u32 @!p0 $0x8, v22;
	v23 =	vperm.xlane @!p0 v19, v20;
	_ =	sdelay $0x1  }
0x1cc: {  	v23 =	vadd.s32 @!p0 v22, v23;
	_ =	sdelay $0x3  }
0x1cd: {  	vm1 =	vmmov @!p0 $0xffff;
	s1 =	simm.s32 @!p0 $0x0;
	s2 =	simm.s32 @!p0 $0x4000;
	s3 =	rddreg [dreg:$0x3]  }
0x1ce: {  	v21 =	vor.u32 @!p0 $0x8, v21;
	[tilespmem:s2], [sflag:$0x1] =	stream.indirect_vreg.gather @!p0 [hbm4b:s3+s1], $0x80, v23, vm1, $0xb8;
	[tilespmem:$0x16000] =	vst v63  }
0x1cf: {  	s4 =	rddreg [dreg:$0x5];
	v19 =	vperm.xlane @!p0 v19, v21;
	s2 =	simm.s32 @!p0 $0x4800  }
0x1d0: {  	[tilespmem:s2], [sflag:$0x1] =	stream.indirect_vreg.gather @!p0 [hbm4b:s4+s1], $0x80, v23, vm1, $0xb8;
	[tilespmem:$0x16000] =	vst v63  }
0x1d1: {  	s5 =	rddreg [dreg:$0x6];
	v19 =	vadd.s32 @!p0 v22, v19;
	s2 =	simm.s32 @!p0 $0x5000  }
0x1d2: {  	[tilespmem:s2], [sflag:$0x1] =	stream.indirect_vreg.gather @!p0 [hbm4b:s5+s1], $0x80, v23, vm1, $0xb8;
	[tilespmem:$0x16000] =	vst v63  }
0x1d3: {  	s6 =	rddreg [dreg:$0x8];
	s2 =	simm.s32 @!p0 $0x5800  }
0x1d4: {  	[tilespmem:s2], [sflag:$0x1] =	stream.indirect_vreg.gather @!p0 [hbm4b:s6+s1], $0x80, v23, vm1, $0xb8;
	[tilespmem:$0x16000] =	vst v63  }
0x1d5: {  	s2 =	simm.s32 @!p0 $0x6000  }
0x1d6: {  	[tilespmem:s2], [sflag:$0x1] =	stream.indirect_vreg.gather @!p0 [hbm4b:s3+s1], $0x80, v19, vm1, $0xb8;
	[tilespmem:$0x16000] =	vst v63  }
0x1d7: {  	s2 =	simm.s32 @!p0 $0x6800  }
0x1d8: {  	[tilespmem:s2], [sflag:$0x1] =	stream.indirect_vreg.gather @!p0 [hbm4b:s4+s1], $0x80, v19, vm1, $0xb8;
	[tilespmem:$0x16000] =	vst v63  }
0x1d9: {  	s2 =	simm.s32 @!p0 $0x7000  }
0x1da: {  	[tilespmem:s2], [sflag:$0x1] =	stream.indirect_vreg.gather @!p0 [hbm4b:s5+s1], $0x80, v19, vm1, $0xb8;
	[tilespmem:$0x16000] =	vst v63  }
0x1db: {  	s2 =	simm.s32 @!p0 $0x7800  }
0x1dc: {  	[tilespmem:s2], [sflag:$0x1] =	stream.indirect_vreg.gather @!p0 [hbm4b:s6+s1], $0x80, v19, vm1, $0xb8;
	[tilespmem:$0x16000] =	vst v63  }
0x1dd: {  	v19 =	vld @!p0 [tilespmem:s0+$0x50];
	_ =	sdelay $0x4  }
0x1de: {  	v23 =	vshll.u32 @!p0 v19, $0x3  }
0x1df: {  	v19 =	vand.u32 @!p0 $0x7, v19;
	v23 =	vand.u32 @!p0 $0xFFFFFFC0, v23  }
0x1e0: {  	v19 =	vor.u32 @!p0 v19, v23  }
0x1e1: {  	v20 =	vperm.xlane @!p0 v19, v20;
	_ =	sdelay $0x1  }
0x1e2: {  	v20 =	vadd.s32 @!p0 v22, v20;
	_ =	sdelay $0x3  }
0x1e3: {  	s0 =	simm.s32 @!p0 $0x8000  }
0x1e4: {  	[tilespmem:s0], [sflag:$0x1] =	stream.indirect_vreg.gather @!p0 [hbm4b:s3+s1], $0x80, v20, vm1, $0xb8;
	[tilespmem:$0x16000] =	vst v63  }
0x1e5: {  	v19 =	vperm.xlane @!p0 v19, v21;
	s0 =	simm.s32 @!p0 $0x8800  }
0x1e6: {  	[tilespmem:s0], [sflag:$0x1] =	stream.indirect_vreg.gather @!p0 [hbm4b:s4+s1], $0x80, v20, vm1, $0xb8;
	[tilespmem:$0x16000] =	vst v63  }
0x1e7: {  	v19 =	vadd.s32 @!p0 v22, v19;
	s0 =	simm.s32 @!p0 $0x9000  }
0x1e8: {  	[tilespmem:s0], [sflag:$0x1] =	stream.indirect_vreg.gather @!p0 [hbm4b:s5+s1], $0x80, v20, vm1, $0xb8;
	[tilespmem:$0x16000] =	vst v63  }
0x1e9: {  	s0 =	simm.s32 @!p0 $0x9800  }
0x1ea: {  	[tilespmem:s0], [sflag:$0x1] =	stream.indirect_vreg.gather @!p0 [hbm4b:s6+s1], $0x80, v20, vm1, $0xb8;
	[tilespmem:$0x16000] =	vst v63  }
0x1eb: {  	s0 =	simm.s32 @!p0 $0xA000  }
0x1ec: {  	[tilespmem:s0], [sflag:$0x1] =	stream.indirect_vreg.gather @!p0 [hbm4b:s3+s1], $0x80, v19, vm1, $0xb8;
	[tilespmem:$0x16000] =	vst v63  }
0x1ed: {  	s0 =	simm.s32 @!p0 $0xA800  }
0x1ee: {  	[tilespmem:s0], [sflag:$0x1] =	stream.indirect_vreg.gather @!p0 [hbm4b:s4+s1], $0x80, v19, vm1, $0xb8;
	[tilespmem:$0x16000] =	vst v63  }
0x1ef: {  	s0 =	simm.s32 @!p0 $0xB000  }
0x1f0: {  	[tilespmem:s0], [sflag:$0x1] =	stream.indirect_vreg.gather @!p0 [hbm4b:s5+s1], $0x80, v19, vm1, $0xb8;
	[tilespmem:$0x16000] =	vst v63  }
0x1f1: {  	p1 =	seq.s32 @!p0 s7, $0x0;
	s0 =	simm.s32 @!p0 $0xB800  }
0x1f2: {  	[tilespmem:s0], [sflag:$0x1] =	stream.indirect_vreg.gather @!p0 [hbm4b:s6+s1], $0x80, v19, vm1, $0xb8;
	[tilespmem:$0x16000] =	vst v63  }
0x1f3: {  	p0 =	por p0, !p1  }
0x1f4: {  	s0 =	simm.s32 @p0 $0x4  }
0x1f5: {  	_ =	swait.ge @p0 [sflag:s0], $0x1000  }
0x1f6: {  	[sflag:s0] =	ssyncset.done @p0 $0x0  }
0x1f7: {  	s31 =	rddreg [dreg:$0xf];
	[sflag:s0] =	ssyncadd.s32 @p0 $0xFFFFF000  }
0x1f8: {  	v34 =	vld [tilespmem:s31+$0x2000];
	_ =	sdelay $0x4  }
0x1f9: {  	v19 =	vperm.xlane v34, v3;
	v20 =	vperm.xlane v34, v4  }
0x1fa: {  	v21 =	vperm.xlane v34, v5;
	v22 =	vperm.xlane v34, v6  }
0x1fb: {  	v23 =	vperm.xlane v34, v7;
	v24 =	vperm.xlane v34, v8  }
0x1fc: {  	v50 =	vld [tilespmem:s31+$0x2010];
	v25 =	vperm.xlane v34, v9;
	v26 =	vperm.xlane v34, v10  }
0x1fd: {  	v27 =	vperm.xlane v34, v11;
	v28 =	vperm.xlane v34, v12  }
0x1fe: {  	v29 =	vperm.xlane v34, v13;
	v30 =	vperm.xlane v34, v14  }
0x1ff: {  	v31 =	vperm.xlane v34, v15;
	v32 =	vperm.xlane v34, v16  }
0x200: {  	v33 =	vperm.xlane v34, v17;
	v34 =	vperm.xlane v34, v18  }
0x201: {  	v35 =	vperm.xlane v50, v3;
	v36 =	vperm.xlane v50, v4  }
0x202: {  	v37 =	vperm.xlane v50, v5;
	v38 =	vperm.xlane v50, v6  }
0x203: {  	v39 =	vperm.xlane v50, v7;
	v40 =	vperm.xlane v50, v8  }
0x204: {  	v41 =	vperm.xlane v50, v9;
	v42 =	vperm.xlane v50, v10  }
0x205: {  	v43 =	vperm.xlane v50, v11;
	v44 =	vperm.xlane v50, v12  }
0x206: {  	v45 =	vperm.xlane v50, v13;
	v46 =	vperm.xlane v50, v14  }
0x207: {  	v47 =	vperm.xlane v50, v15;
	v48 =	vperm.xlane v50, v16  }
0x208: {  	s1 =	simm.s32 $0x0;
	s0 =	simm.s32 $0x0;
	v49 =	vperm.xlane v50, v17;
	v50 =	vperm.xlane v50, v18  }
.LBB2_5:
0x209: {  	[dreg:$0x12] =	wrdreg s0  }
0x20a: {  	s0 =	rddreg [dreg:$0x12]  }
0x20b: {  	s0 =	sshll.u32 s0, $0x9  }
0x20c: {  	s22 =	sand.u32 $0x3FFFFC00, s0  }
0x20d: {  	s18 =	sand.u32 $0x40, s1;
	s26 =	sadd.s32 $0xC000, s22  }
0x20e: {  	s28 =	sadd.s32 $0xC080, s22;
	s14 =	sor.u32 s18, s26  }
0x20f: {  	s15 =	sor.u32 s18, s28;
	v51 =	vld [tilespmem:s14+$0x0]  }
0x210: {  	s21 =	sadd.s32 $0xC100, s22;
	v52 =	vld [tilespmem:s15+$0x0]  }
0x211: {  	s16 =	sor.u32 s18, s21  }
0x212: {  	s29 =	sadd.s32 $0xC180, s22;
	v53 =	vld [tilespmem:s16+$0x0]  }
0x213: {  	s17 =	sor.u32 s18, s29  }
0x214: {  	s30 =	sadd.s32 $0xC200, s22;
	v54 =	vld [tilespmem:s17+$0x0]  }
0x215: {  	s19 =	sor.u32 s18, s30;
	v51 =	vmul.f32 v51, v19;
	v52 =	vmul.f32 v52, v20  }
0x216: {  	s31 =	sadd.s32 $0xC280, s22;
	v55 =	vld [tilespmem:s19+$0x0]  }
0x217: {  	s20 =	sor.u32 s18, s31;
	v61 =	vmul.f32 v53, v21;
	v51 =	vadd.f32 v52, v51  }
0x218: {  	s12 =	sadd.s32 $0xC300, s22;
	v62 =	vld [tilespmem:s20+$0x0]  }
0x219: {  	s23 =	sor.u32 s18, s12;
	v63 =	vmul.f32 v54, v22;
	v51 =	vadd.f32 v61, v51  }
0x21a: {  	s10 =	sadd.s32 $0xC380, s22;
	v57 =	vld [tilespmem:s23+$0x0]  }
0x21b: {  	s24 =	sor.u32 s18, s10;
	v58 =	vmul.f32 v55, v23;
	v51 =	vadd.f32 v63, v51  }
0x21c: {  	v59 =	vld [tilespmem:s24+$0x0]  }
0x21d: {  	v60 =	vmul.f32 v62, v24;
	v51 =	vadd.f32 v58, v51;
	_ =	sdelay $0x1  }
0x21e: {  	v61 =	vmul.f32 v57, v25;
	v51 =	vadd.f32 v60, v51  }
0x21f: {  	s25 =	rddreg [dreg:$0x12]  }
0x220: {  	s0 =	sshll.u32 s25, $0x8;
	v62 =	vmul.f32 v59, v26;
	v51 =	vadd.f32 v61, v51  }
0x221: {  	s23 =	sand.u32 $0x3FFFFE00, s0  }
0x222: {  	s9 =	sadd.s32 $0x15000, s23;
	v51 =	vadd.f32 v62, v51  }
0x223: {  	[dreg:$0x11] =	wrdreg s1;
	s6 =	sadd.s32 $0xE000, s22;
	s1 =	sor.u32 s18, s9  }
0x224: {  	s3 =	sadd.s32 $0xE080, s22;
	s2 =	sor.u32 s18, s6;
	[tilespmem:s1+$0x0] =	vst v51  }
0x225: {  	s4 =	sor.u32 s18, s3;
	v51 =	vld [tilespmem:s2+$0x0]  }
0x226: {  	s15 =	sadd.s32 $0xE100, s22;
	v63 =	vld [tilespmem:s4+$0x0]  }
0x227: {  	s5 =	sor.u32 s18, s15  }
0x228: {  	s7 =	sadd.s32 $0xE180, s22;
	v57 =	vld [tilespmem:s5+$0x0]  }
0x229: {  	s0 =	sor.u32 s18, s7  }
0x22a: {  	s16 =	sadd.s32 $0xE200, s22;
	v58 =	vld [tilespmem:s0+$0x0]  }
0x22b: {  	s8 =	sor.u32 s18, s16;
	v51 =	vmul.f32 v51, v27;
	v52 =	vmul.f32 v63, v28  }
0x22c: {  	s20 =	sadd.s32 $0xE280, s22;
	v59 =	vld [tilespmem:s8+$0x0]  }
0x22d: {  	s11 =	sor.u32 s18, s20;
	v60 =	vmul.f32 v57, v29;
	v51 =	vadd.f32 v52, v51  }
0x22e: {  	s19 =	sadd.s32 $0xE300, s22;
	v61 =	vld [tilespmem:s11+$0x0]  }
0x22f: {  	s13 =	sor.u32 s18, s19;
	v62 =	vmul.f32 v58, v30;
	v51 =	vadd.f32 v60, v51  }
0x230: {  	[dreg:$0x1c] =	wrdreg s7;
	s7 =	sadd.s32 $0xE380, s22;
	v63 =	vld [tilespmem:s13+$0x0]  }
0x231: {  	s14 =	sor.u32 s18, s7;
	v57 =	vmul.f32 v59, v31;
	v51 =	vadd.f32 v62, v51  }
0x232: {  	v58 =	vld [tilespmem:s14+$0x0]  }
0x233: {  	v59 =	vmul.f32 v61, v32;
	v51 =	vadd.f32 v57, v51;
	_ =	sdelay $0x1  }
0x234: {  	v60 =	vmul.f32 v63, v33;
	v51 =	vadd.f32 v59, v51;
	_ =	sdelay $0x1  }
0x235: {  	v61 =	vmul.f32 v58, v34;
	v51 =	vadd.f32 v60, v51;
	_ =	sdelay $0x1  }
0x236: {  	s5 =	sadd.s32 $0x15080, s23;
	v51 =	vadd.f32 v61, v51  }
0x237: {  	s2 =	sadd.s32 $0x10000, s22;
	s17 =	sor.u32 s18, s5  }
0x238: {  	s24 =	sor.u32 s18, s2;
	[tilespmem:s17+$0x0] =	vst v51;
	s17 =	sadd.s32 $0x10080, s22  }
0x239: {  	v51 =	vld [tilespmem:s24+$0x0];
	s25 =	sor.u32 s18, s17  }
0x23a: {  	s13 =	sadd.s32 $0x10100, s22;
	v62 =	vld [tilespmem:s25+$0x0]  }
0x23b: {  	s1 =	sor.u32 s18, s13  }
0x23c: {  	s11 =	sadd.s32 $0x10180, s22;
	v63 =	vld [tilespmem:s1+$0x0]  }
0x23d: {  	s4 =	sor.u32 s18, s11  }
0x23e: {  	v57 =	vld [tilespmem:s4+$0x0];
	s4 =	sadd.s32 $0x10200, s22  }
0x23f: {  	s8 =	sor.u32 s18, s4;
	v51 =	vmul.f32 v51, v35;
	v52 =	vmul.f32 v62, v36  }
0x240: {  	v58 =	vld [tilespmem:s8+$0x0];
	s8 =	sadd.s32 $0x10280, s22  }
0x241: {  	s14 =	sor.u32 s18, s8;
	v59 =	vmul.f32 v63, v37;
	v51 =	vadd.f32 v52, v51  }
0x242: {  	s24 =	sadd.s32 $0x10300, s22;
	v60 =	vld [tilespmem:s14+$0x0]  }
0x243: {  	s0 =	sor.u32 s18, s24;
	v61 =	vmul.f32 v57, v38;
	v51 =	vadd.f32 v59, v51  }
0x244: {  	s25 =	sadd.s32 $0x10380, s22;
	v62 =	vld [tilespmem:s0+$0x0]  }
0x245: {  	s0 =	sor.u32 s18, s25;
	v63 =	vmul.f32 v58, v39;
	v51 =	vadd.f32 v61, v51  }
0x246: {  	v57 =	vld [tilespmem:s0+$0x0]  }
0x247: {  	v58 =	vmul.f32 v60, v40;
	v51 =	vadd.f32 v63, v51;
	_ =	sdelay $0x1  }
0x248: {  	v59 =	vmul.f32 v62, v41;
	v51 =	vadd.f32 v58, v51;
	_ =	sdelay $0x1  }
0x249: {  	v60 =	vmul.f32 v57, v42;
	v51 =	vadd.f32 v59, v51;
	_ =	sdelay $0x1  }
0x24a: {  	s1 =	sadd.s32 $0x15100, s23;
	v51 =	vadd.f32 v60, v51  }
0x24b: {  	[dreg:$0x1d] =	wrdreg s24;
	s14 =	sadd.s32 $0x12000, s22;
	s0 =	sor.u32 s18, s1  }
0x24c: {  	[dreg:$0x1e] =	wrdreg s25;
	s24 =	sor.u32 s18, s14;
	s25 =	sadd.s32 $0x12080, s22;
	[tilespmem:s0+$0x0] =	vst v51  }
0x24d: {  	[smem:$0x7EF] =	sst s14;
	s14 =	sor.u32 s18, s25;
	v51 =	vld [tilespmem:s24+$0x0]  }
0x24e: {  	v61 =	vld [tilespmem:s14+$0x0];
	s24 =	sadd.s32 $0x12100, s22  }
0x24f: {  	s0 =	sor.u32 s18, s24  }
0x250: {  	[dreg:$0x13] =	wrdreg s25;
	s25 =	sadd.s32 $0x12180, s22;
	v62 =	vld [tilespmem:s0+$0x0]  }
0x251: {  	s0 =	sor.u32 s18, s25  }
0x252: {  	s14 =	sadd.s32 $0x12200, s22;
	v63 =	vld [tilespmem:s0+$0x0]  }
0x253: {  	[dreg:$0x14] =	wrdreg s24;
	s24 =	sor.u32 s18, s14;
	v51 =	vmul.f32 v51, v43;
	v52 =	vmul.f32 v61, v44  }
0x254: {  	[dreg:$0x15] =	wrdreg s25;
	v57 =	vld [tilespmem:s24+$0x0];
	s25 =	sadd.s32 $0x12280, s22  }
0x255: {  	[dreg:$0x16] =	wrdreg s14;
	s14 =	sor.u32 s18, s25;
	v51 =	vadd.f32 v52, v51;
	v58 =	vmul.f32 v62, v45  }
0x256: {  	[dreg:$0x1f] =	wrdreg s1;
	s1 =	sadd.s32 $0x12300, s22;
	v59 =	vld [tilespmem:s14+$0x0]  }
0x257: {  	s24 =	sor.u32 s18, s1;
	v60 =	vmul.f32 v63, v46;
	v51 =	vadd.f32 v58, v51  }
0x258: {  	s14 =	sadd.s32 $0x12380, s22;
	v61 =	vld [tilespmem:s24+$0x0]  }
0x259: {  	s22 =	sor.u32 s18, s14;
	v62 =	vmul.f32 v57, v47;
	v51 =	vadd.f32 v60, v51  }
0x25a: {  	v63 =	vld [tilespmem:s22+$0x0]  }
0x25b: {  	v57 =	vmul.f32 v59, v48;
	v51 =	vadd.f32 v62, v51;
	_ =	sdelay $0x1  }
0x25c: {  	v58 =	vmul.f32 v61, v49;
	v51 =	vadd.f32 v57, v51;
	_ =	sdelay $0x1  }
0x25d: {  	v59 =	vmul.f32 v63, v50;
	v51 =	vadd.f32 v58, v51;
	_ =	sdelay $0x1  }
0x25e: {  	[dreg:$0x17] =	wrdreg s25;
	s25 =	sadd.s32 $0x15180, s23;
	v51 =	vadd.f32 v59, v51  }
0x25f: {  	[dreg:$0x1a] =	wrdreg s25;
	s25 =	sor.u32 s18, s25;
	s24 =	sor.u32 $0x10, s18  }
0x260: {  	[dreg:$0x18] =	wrdreg s1;
	s1 =	sor.u32 s24, s26;
	[tilespmem:s25+$0x0] =	vst v51  }
0x261: {  	[dreg:$0x19] =	wrdreg s14;
	s14 =	sor.u32 s24, s28;
	v51 =	vld [tilespmem:s1+$0x0]  }
0x262: {  	v60 =	vld [tilespmem:s14+$0x0]  }
0x263: {  	s22 =	sor.u32 s24, s21  }
0x264: {  	v61 =	vld [tilespmem:s22+$0x0]  }
0x265: {  	s23 =	sor.u32 s24, s29  }
0x266: {  	v62 =	vld [tilespmem:s23+$0x0]  }
0x267: {  	s0 =	sor.u32 s24, s30;
	v51 =	vmul.f32 v51, v19;
	v52 =	vmul.f32 v60, v20  }
0x268: {  	v63 =	vld [tilespmem:s0+$0x0]  }
0x269: {  	s1 =	sor.u32 s24, s31;
	v56 =	vmul.f32 v61, v21;
	v51 =	vadd.f32 v52, v51  }
0x26a: {  	v57 =	vld [tilespmem:s1+$0x0]  }
0x26b: {  	s14 =	sor.u32 s24, s12;
	v58 =	vmul.f32 v62, v22;
	v51 =	vadd.f32 v56, v51  }
0x26c: {  	v59 =	vld [tilespmem:s14+$0x0]  }
0x26d: {  	s22 =	sor.u32 s24, s10;
	v60 =	vmul.f32 v63, v23;
	v51 =	vadd.f32 v58, v51  }
0x26e: {  	v61 =	vld [tilespmem:s22+$0x0]  }
0x26f: {  	v62 =	vmul.f32 v57, v24;
	v51 =	vadd.f32 v60, v51;
	_ =	sdelay $0x1  }
0x270: {  	v63 =	vmul.f32 v59, v25;
	v51 =	vadd.f32 v62, v51;
	_ =	sdelay $0x1  }
0x271: {  	v56 =	vmul.f32 v61, v26;
	v51 =	vadd.f32 v63, v51;
	_ =	sdelay $0x1  }
0x272: {  	v51 =	vadd.f32 v56, v51  }
0x273: {  	s23 =	sor.u32 s24, s9  }
0x274: {  	s0 =	sor.u32 s24, s6;
	[tilespmem:s23+$0x0] =	vst v51  }
0x275: {  	s1 =	sor.u32 s24, s3;
	v51 =	vld [tilespmem:s0+$0x0]  }
0x276: {  	v57 =	vld [tilespmem:s1+$0x0]  }
0x277: {  	s14 =	sor.u32 s24, s15  }
0x278: {  	v58 =	vld [tilespmem:s14+$0x0];
	s1 =	rddreg [dreg:$0x1c]  }
0x279: {  	[smem:$0x7F5] =	sst s15;
	s0 =	smov.u32 s15;
	s15 =	sor.u32 s24, s1  }
0x27a: {  	v59 =	vld [tilespmem:s15+$0x0]  }
0x27b: {  	s22 =	sor.u32 s24, s16;
	v51 =	vmul.f32 v51, v27;
	v52 =	vmul.f32 v57, v28  }
0x27c: {  	v60 =	vld [tilespmem:s22+$0x0]  }
0x27d: {  	s23 =	sor.u32 s24, s20;
	v61 =	vmul.f32 v58, v29;
	v51 =	vadd.f32 v52, v51  }
0x27e: {  	v62 =	vld [tilespmem:s23+$0x0]  }
0x27f: {  	s14 =	sor.u32 s24, s19;
	v63 =	vmul.f32 v59, v30;
	v51 =	vadd.f32 v61, v51  }
0x280: {  	v57 =	vld [tilespmem:s14+$0x0]  }
0x281: {  	s15 =	sor.u32 s24, s7;
	v58 =	vmul.f32 v60, v31;
	v51 =	vadd.f32 v63, v51  }
0x282: {  	v59 =	vld [tilespmem:s15+$0x0]  }
0x283: {  	v60 =	vmul.f32 v62, v32;
	v51 =	vadd.f32 v58, v51;
	_ =	sdelay $0x1  }
0x284: {  	v61 =	vmul.f32 v57, v33;
	v51 =	vadd.f32 v60, v51;
	_ =	sdelay $0x1  }
0x285: {  	v62 =	vmul.f32 v59, v34;
	v51 =	vadd.f32 v61, v51;
	_ =	sdelay $0x1  }
0x286: {  	v51 =	vadd.f32 v62, v51  }
0x287: {  	s22 =	sor.u32 s24, s5  }
0x288: {  	s23 =	sor.u32 s24, s2;
	[tilespmem:s22+$0x0] =	vst v51  }
0x289: {  	s14 =	sor.u32 s24, s17;
	v51 =	vld [tilespmem:s23+$0x0]  }
0x28a: {  	v63 =	vld [tilespmem:s14+$0x0]  }
0x28b: {  	s15 =	sor.u32 s24, s13  }
0x28c: {  	v57 =	vld [tilespmem:s15+$0x0]  }
0x28d: {  	s22 =	sor.u32 s24, s11  }
0x28e: {  	v58 =	vld [tilespmem:s22+$0x0]  }
0x28f: {  	s23 =	sor.u32 s24, s4;
	v51 =	vmul.f32 v51, v35;
	v52 =	vmul.f32 v63, v36  }
0x290: {  	v59 =	vld [tilespmem:s23+$0x0]  }
0x291: {  	s14 =	sor.u32 s24, s8;
	v60 =	vmul.f32 v57, v37;
	v51 =	vadd.f32 v52, v51  }
0x292: {  	v61 =	vld [tilespmem:s14+$0x0];
	s14 =	rddreg [dreg:$0x1d]  }
0x293: {  	s15 =	sor.u32 s24, s14;
	v62 =	vmul.f32 v58, v38;
	v51 =	vadd.f32 v60, v51  }
0x294: {  	v63 =	vld [tilespmem:s15+$0x0];
	s15 =	rddreg [dreg:$0x1e]  }
0x295: {  	v57 =	vmul.f32 v59, v39;
	s22 =	sor.u32 s24, s15;
	v51 =	vadd.f32 v62, v51  }
0x296: {  	v58 =	vld [tilespmem:s22+$0x0]  }
0x297: {  	v59 =	vmul.f32 v61, v40;
	v51 =	vadd.f32 v57, v51;
	_ =	sdelay $0x1  }
0x298: {  	v60 =	vmul.f32 v63, v41;
	v51 =	vadd.f32 v59, v51;
	_ =	sdelay $0x1  }
0x299: {  	v61 =	vmul.f32 v58, v42;
	v51 =	vadd.f32 v60, v51;
	_ =	sdelay $0x1  }
0x29a: {  	s22 =	rddreg [dreg:$0x1f];
	v51 =	vadd.f32 v61, v51  }
0x29b: {  	s23 =	sor.u32 s24, s22  }
0x29c: {  	[tilespmem:s23+$0x0] =	vst v51;
	s23 =	sld [smem:$0x7EF];
	_ =	sdelay $0x2  }
0x29d: {  	s25 =	sor.u32 s24, s23  }
0x29e: {  	v51 =	vld [tilespmem:s25+$0x0];
	s25 =	rddreg [dreg:$0x13]  }
0x29f: {  	s25 =	sor.u32 s24, s25  }
0x2a0: {  	v62 =	vld [tilespmem:s25+$0x0];
	s25 =	rddreg [dreg:$0x14]  }
0x2a1: {  	s25 =	sor.u32 s24, s25  }
0x2a2: {  	v63 =	vld [tilespmem:s25+$0x0];
	s25 =	rddreg [dreg:$0x15]  }
0x2a3: {  	s25 =	sor.u32 s24, s25  }
0x2a4: {  	v57 =	vld [tilespmem:s25+$0x0];
	s25 =	rddreg [dreg:$0x16]  }
0x2a5: {  	v51 =	vmul.f32 v51, v43;
	v52 =	vmul.f32 v62, v44;
	s25 =	sor.u32 s24, s25  }
0x2a6: {  	v58 =	vld [tilespmem:s25+$0x0];
	s25 =	rddreg [dreg:$0x17]  }
0x2a7: {  	v51 =	vadd.f32 v52, v51;
	v59 =	vmul.f32 v63, v45;
	s25 =	sor.u32 s24, s25  }
0x2a8: {  	v60 =	vld [tilespmem:s25+$0x0];
	s25 =	rddreg [dreg:$0x18]  }
0x2a9: {  	v51 =	vadd.f32 v59, v51;
	v61 =	vmul.f32 v57, v46;
	s25 =	sor.u32 s24, s25  }
0x2aa: {  	v62 =	vld [tilespmem:s25+$0x0];
	s25 =	rddreg [dreg:$0x19]  }
0x2ab: {  	v51 =	vadd.f32 v61, v51;
	v63 =	vmul.f32 v58, v47;
	s25 =	sor.u32 s24, s25  }
0x2ac: {  	v57 =	vld [tilespmem:s25+$0x0]  }
0x2ad: {  	v51 =	vadd.f32 v63, v51;
	v58 =	vmul.f32 v60, v48;
	_ =	sdelay $0x1  }
0x2ae: {  	v51 =	vadd.f32 v58, v51;
	v59 =	vmul.f32 v62, v49;
	_ =	sdelay $0x1  }
0x2af: {  	v51 =	vadd.f32 v59, v51;
	v60 =	vmul.f32 v57, v50;
	_ =	sdelay $0x1  }
0x2b0: {  	s25 =	rddreg [dreg:$0x1a];
	v51 =	vadd.f32 v60, v51  }
0x2b1: {  	s25 =	sor.u32 s24, s25;
	s24 =	sor.u32 $0x20, s18  }
0x2b2: {  	[tilespmem:s25+$0x0] =	vst v51;
	s25 =	sor.u32 s24, s26  }
0x2b3: {  	v51 =	vld [tilespmem:s25+$0x0];
	s25 =	sor.u32 s24, s28  }
0x2b4: {  	v61 =	vld [tilespmem:s25+$0x0]  }
0x2b5: {  	s25 =	sor.u32 s24, s21  }
0x2b6: {  	v62 =	vld [tilespmem:s25+$0x0]  }
0x2b7: {  	s25 =	sor.u32 s24, s29  }
0x2b8: {  	v63 =	vld [tilespmem:s25+$0x0]  }
0x2b9: {  	s25 =	sor.u32 s24, s30;
	v51 =	vmul.f32 v51, v19;
	v52 =	vmul.f32 v61, v20  }
0x2ba: {  	v57 =	vld [tilespmem:s25+$0x0]  }
0x2bb: {  	s25 =	sor.u32 s24, s31;
	v58 =	vmul.f32 v62, v21;
	v51 =	vadd.f32 v52, v51  }
0x2bc: {  	v59 =	vld [tilespmem:s25+$0x0]  }
0x2bd: {  	[smem:$0x7F0] =	sst s12;
	s12 =	sor.u32 s24, s12;
	v60 =	vmul.f32 v63, v22;
	v51 =	vadd.f32 v58, v51  }
0x2be: {  	v61 =	vld [tilespmem:s12+$0x0]  }
0x2bf: {  	[smem:$0x7F1] =	sst s10;
	s10 =	sor.u32 s24, s10;
	v62 =	vmul.f32 v57, v23;
	v51 =	vadd.f32 v60, v51  }
0x2c0: {  	v63 =	vld [tilespmem:s10+$0x0]  }
0x2c1: {  	v57 =	vmul.f32 v59, v24;
	v51 =	vadd.f32 v62, v51;
	_ =	sdelay $0x1  }
0x2c2: {  	v58 =	vmul.f32 v61, v25;
	v51 =	vadd.f32 v57, v51;
	_ =	sdelay $0x1  }
0x2c3: {  	v59 =	vmul.f32 v63, v26;
	v51 =	vadd.f32 v58, v51;
	_ =	sdelay $0x1  }
0x2c4: {  	v51 =	vadd.f32 v59, v51  }
0x2c5: {  	s12 =	sor.u32 s24, s9  }
0x2c6: {  	[smem:$0x7F3] =	sst s6;
	s6 =	sor.u32 s24, s6;
	[tilespmem:s12+$0x0] =	vst v51  }
0x2c7: {  	[smem:$0x7F2] =	sst s9;
	s9 =	sor.u32 s24, s3;
	v51 =	vld [tilespmem:s6+$0x0]  }
0x2c8: {  	v60 =	vld [tilespmem:s9+$0x0]  }
0x2c9: {  	s10 =	sor.u32 s24, s0  }
0x2ca: {  	v61 =	vld [tilespmem:s10+$0x0]  }
0x2cb: {  	s12 =	sor.u32 s24, s1  }
0x2cc: {  	v62 =	vld [tilespmem:s12+$0x0]  }
0x2cd: {  	s0 =	sor.u32 s24, s16;
	v51 =	vmul.f32 v51, v27;
	v52 =	vmul.f32 v60, v28  }
0x2ce: {  	v63 =	vld [tilespmem:s0+$0x0]  }
0x2cf: {  	s1 =	sor.u32 s24, s20;
	v56 =	vmul.f32 v61, v29;
	v51 =	vadd.f32 v52, v51  }
0x2d0: {  	v57 =	vld [tilespmem:s1+$0x0]  }
0x2d1: {  	[smem:$0x7F4] =	sst s3;
	s3 =	sor.u32 s24, s19;
	v58 =	vmul.f32 v62, v30;
	v51 =	vadd.f32 v56, v51  }
0x2d2: {  	v59 =	vld [tilespmem:s3+$0x0]  }
0x2d3: {  	s6 =	sor.u32 s24, s7;
	v60 =	vmul.f32 v63, v31;
	v51 =	vadd.f32 v58, v51  }
0x2d4: {  	v61 =	vld [tilespmem:s6+$0x0]  }
0x2d5: {  	v62 =	vmul.f32 v57, v32;
	v51 =	vadd.f32 v60, v51;
	_ =	sdelay $0x1  }
0x2d6: {  	v63 =	vmul.f32 v59, v33;
	v51 =	vadd.f32 v62, v51;
	_ =	sdelay $0x1  }
0x2d7: {  	v56 =	vmul.f32 v61, v34;
	v51 =	vadd.f32 v63, v51;
	_ =	sdelay $0x1  }
0x2d8: {  	v51 =	vadd.f32 v56, v51  }
0x2d9: {  	s9 =	sor.u32 s24, s5  }
0x2da: {  	s10 =	sor.u32 s24, s2;
	[tilespmem:s9+$0x0] =	vst v51  }
0x2db: {  	s12 =	sor.u32 s24, s17;
	v51 =	vld [tilespmem:s10+$0x0]  }
0x2dc: {  	v57 =	vld [tilespmem:s12+$0x0]  }
0x2dd: {  	[smem:$0x7F9] =	sst s13;
	s13 =	sor.u32 s24, s13  }
0x2de: {  	v58 =	vld [tilespmem:s13+$0x0]  }
0x2df: {  	[smem:$0x7F8] =	sst s17;
	s17 =	sor.u32 s24, s11  }
0x2e0: {  	v59 =	vld [tilespmem:s17+$0x0]  }
0x2e1: {  	[smem:$0x7F7] =	sst s19;
	s19 =	sor.u32 s24, s4;
	v51 =	vmul.f32 v51, v35;
	v52 =	vmul.f32 v57, v36  }
0x2e2: {  	v60 =	vld [tilespmem:s19+$0x0]  }
0x2e3: {  	[smem:$0x7F6] =	sst s20;
	s20 =	sor.u32 s24, s8;
	v61 =	vmul.f32 v58, v37;
	v51 =	vadd.f32 v52, v51  }
0x2e4: {  	v62 =	vld [tilespmem:s20+$0x0]  }
0x2e5: {  	s0 =	sor.u32 s24, s14;
	v63 =	vmul.f32 v59, v38;
	v51 =	vadd.f32 v61, v51  }
0x2e6: {  	v57 =	vld [tilespmem:s0+$0x0]  }
0x2e7: {  	s1 =	sor.u32 s24, s15;
	v58 =	vmul.f32 v60, v39;
	v51 =	vadd.f32 v63, v51  }
0x2e8: {  	v59 =	vld [tilespmem:s1+$0x0]  }
0x2e9: {  	v60 =	vmul.f32 v62, v40;
	v51 =	vadd.f32 v58, v51;
	_ =	sdelay $0x1  }
0x2ea: {  	v61 =	vmul.f32 v57, v41;
	v51 =	vadd.f32 v60, v51;
	_ =	sdelay $0x1  }
0x2eb: {  	v62 =	vmul.f32 v59, v42;
	v51 =	vadd.f32 v61, v51;
	_ =	sdelay $0x1  }
0x2ec: {  	v51 =	vadd.f32 v62, v51  }
0x2ed: {  	s3 =	sor.u32 s24, s22  }
0x2ee: {  	s6 =	sor.u32 s24, s23;
	s0 =	rddreg [dreg:$0x13];
	[tilespmem:s3+$0x0] =	vst v51  }
0x2ef: {  	[smem:$0x7FB] =	sst s8;
	s8 =	sor.u32 s24, s0;
	v51 =	vld [tilespmem:s6+$0x0]  }
0x2f0: {  	s1 =	rddreg [dreg:$0x14];
	v63 =	vld [tilespmem:s8+$0x0]  }
0x2f1: {  	s9 =	sor.u32 s24, s1  }
0x2f2: {  	s3 =	rddreg [dreg:$0x15];
	v57 =	vld [tilespmem:s9+$0x0]  }
0x2f3: {  	s10 =	sor.u32 s24, s3  }
0x2f4: {  	s6 =	rddreg [dreg:$0x16];
	v58 =	vld [tilespmem:s10+$0x0]  }
0x2f5: {  	[smem:$0x7FA] =	sst s11;
	s11 =	sor.u32 s24, s6;
	v51 =	vmul.f32 v51, v43;
	v52 =	vmul.f32 v63, v44  }
0x2f6: {  	s9 =	rddreg [dreg:$0x17];
	v59 =	vld [tilespmem:s11+$0x0]  }
0x2f7: {  	s12 =	sor.u32 s24, s9;
	v60 =	vmul.f32 v57, v45;
	v51 =	vadd.f32 v52, v51  }
0x2f8: {  	s10 =	rddreg [dreg:$0x18];
	v61 =	vld [tilespmem:s12+$0x0]  }
0x2f9: {  	s13 =	sor.u32 s24, s10;
	v62 =	vmul.f32 v58, v46;
	v51 =	vadd.f32 v60, v51  }
0x2fa: {  	s12 =	rddreg [dreg:$0x19];
	v63 =	vld [tilespmem:s13+$0x0]  }
0x2fb: {  	s17 =	sor.u32 s24, s12;
	v57 =	vmul.f32 v59, v47;
	v51 =	vadd.f32 v62, v51  }
0x2fc: {  	v58 =	vld [tilespmem:s17+$0x0]  }
0x2fd: {  	v59 =	vmul.f32 v61, v48;
	v51 =	vadd.f32 v57, v51;
	_ =	sdelay $0x1  }
0x2fe: {  	v60 =	vmul.f32 v63, v49;
	v51 =	vadd.f32 v59, v51;
	_ =	sdelay $0x1  }
0x2ff: {  	v61 =	vmul.f32 v58, v50;
	v51 =	vadd.f32 v60, v51;
	_ =	sdelay $0x1  }
0x300: {  	s25 =	rddreg [dreg:$0x1a];
	v51 =	vadd.f32 v61, v51  }
0x301: {  	s18 =	sor.u32 $0x30, s18;
	s24 =	sor.u32 s24, s25  }
0x302: {  	s19 =	sor.u32 s18, s26;
	[tilespmem:s24+$0x0] =	vst v51  }
0x303: {  	s20 =	sor.u32 s18, s28;
	v51 =	vld [tilespmem:s19+$0x0]  }
0x304: {  	v62 =	vld [tilespmem:s20+$0x0]  }
0x305: {  	s26 =	sor.u32 s18, s21  }
0x306: {  	v63 =	vld [tilespmem:s26+$0x0]  }
0x307: {  	s28 =	sor.u32 s18, s29  }
0x308: {  	v57 =	vld [tilespmem:s28+$0x0]  }
0x309: {  	s29 =	sor.u32 s18, s30;
	v51 =	vmul.f32 v51, v19;
	v52 =	vmul.f32 v62, v20  }
0x30a: {  	s30 =	sor.u32 s18, s31;
	s31 =	sld [smem:$0x7F0];
	v58 =	vld [tilespmem:s29+$0x0]  }
0x30b: {  	v59 =	vmul.f32 v63, v21;
	v51 =	vadd.f32 v52, v51  }
0x30c: {  	s11 =	sld [smem:$0x7F1];
	v60 =	vld [tilespmem:s30+$0x0]  }
0x30d: {  	s8 =	sor.u32 s18, s31;
	v61 =	vmul.f32 v57, v22;
	v51 =	vadd.f32 v59, v51  }
0x30e: {  	v62 =	vld [tilespmem:s8+$0x0]  }
0x30f: {  	s13 =	sor.u32 s18, s11;
	v63 =	vmul.f32 v58, v23;
	v51 =	vadd.f32 v61, v51  }
0x310: {  	v57 =	vld [tilespmem:s13+$0x0]  }
0x311: {  	v58 =	vmul.f32 v60, v24;
	v51 =	vadd.f32 v63, v51;
	_ =	sdelay $0x1  }
0x312: {  	v59 =	vmul.f32 v62, v25;
	v51 =	vadd.f32 v58, v51;
	_ =	sdelay $0x1  }
0x313: {  	s17 =	sld [smem:$0x7F2];
	v60 =	vmul.f32 v57, v26;
	v51 =	vadd.f32 v59, v51  }
0x314: {  	s20 =	sld [smem:$0x7F3]  }
0x315: {  	s26 =	sld [smem:$0x7F4];
	v51 =	vadd.f32 v60, v51  }
0x316: {  	s19 =	sor.u32 s18, s17  }
0x317: {  	s29 =	sld [smem:$0x7F5];
	s21 =	sor.u32 s18, s20;
	[tilespmem:s19+$0x0] =	vst v51  }
0x318: {  	s28 =	sor.u32 s18, s26;
	v51 =	vld [tilespmem:s21+$0x0]  }
0x319: {  	v61 =	vld [tilespmem:s28+$0x0]  }
0x31a: {  	s30 =	sor.u32 s18, s29  }
0x31b: {  	s31 =	rddreg [dreg:$0x1c];
	v62 =	vld [tilespmem:s30+$0x0]  }
0x31c: {  	s8 =	sor.u32 s18, s31  }
0x31d: {  	s13 =	sld [smem:$0x7F6];
	v63 =	vld [tilespmem:s8+$0x0]  }
0x31e: {  	s11 =	sor.u32 s18, s16;
	v51 =	vmul.f32 v51, v27;
	v52 =	vmul.f32 v61, v28  }
0x31f: {  	s17 =	sld [smem:$0x7F7];
	v57 =	vld [tilespmem:s11+$0x0]  }
0x320: {  	s16 =	sor.u32 s18, s13;
	v58 =	vmul.f32 v62, v29;
	v51 =	vadd.f32 v52, v51  }
0x321: {  	v59 =	vld [tilespmem:s16+$0x0]  }
0x322: {  	s19 =	sor.u32 s18, s17;
	v60 =	vmul.f32 v63, v30;
	v51 =	vadd.f32 v58, v51  }
0x323: {  	v61 =	vld [tilespmem:s19+$0x0]  }
0x324: {  	s20 =	sor.u32 s18, s7;
	v62 =	vmul.f32 v57, v31;
	v51 =	vadd.f32 v60, v51  }
0x325: {  	v63 =	vld [tilespmem:s20+$0x0]  }
0x326: {  	v57 =	vmul.f32 v59, v32;
	v51 =	vadd.f32 v62, v51;
	_ =	sdelay $0x1  }
0x327: {  	v58 =	vmul.f32 v61, v33;
	v51 =	vadd.f32 v57, v51;
	_ =	sdelay $0x1  }
0x328: {  	v59 =	vmul.f32 v63, v34;
	v51 =	vadd.f32 v58, v51;
	_ =	sdelay $0x1  }
0x329: {  	s26 =	sld [smem:$0x7F8];
	v51 =	vadd.f32 v59, v51  }
0x32a: {  	s21 =	sor.u32 s18, s5  }
0x32b: {  	s24 =	sor.u32 s18, s2;
	s29 =	sld [smem:$0x7F9];
	[tilespmem:s21+$0x0] =	vst v51  }
0x32c: {  	s28 =	sor.u32 s18, s26;
	v51 =	vld [tilespmem:s24+$0x0]  }
0x32d: {  	s31 =	sld [smem:$0x7FA];
	v60 =	vld [tilespmem:s28+$0x0]  }
0x32e: {  	s30 =	sor.u32 s18, s29  }
0x32f: {  	v61 =	vld [tilespmem:s30+$0x0]  }
0x330: {  	s5 =	sor.u32 s18, s31  }
0x331: {  	s11 =	sld [smem:$0x7FB];
	v62 =	vld [tilespmem:s5+$0x0]  }
0x332: {  	s7 =	sor.u32 s18, s4;
	v51 =	vmul.f32 v51, v35;
	v52 =	vmul.f32 v60, v36  }
0x333: {  	v63 =	vld [tilespmem:s7+$0x0]  }
0x334: {  	s13 =	sor.u32 s18, s11;
	v57 =	vmul.f32 v61, v37;
	v51 =	vadd.f32 v52, v51  }
0x335: {  	v58 =	vld [tilespmem:s13+$0x0]  }
0x336: {  	s14 =	sor.u32 s18, s14;
	v59 =	vmul.f32 v62, v38;
	v51 =	vadd.f32 v57, v51  }
0x337: {  	v60 =	vld [tilespmem:s14+$0x0]  }
0x338: {  	s15 =	sor.u32 s18, s15;
	v61 =	vmul.f32 v63, v39;
	v51 =	vadd.f32 v59, v51  }
0x339: {  	v62 =	vld [tilespmem:s15+$0x0]  }
0x33a: {  	v63 =	vmul.f32 v58, v40;
	v51 =	vadd.f32 v61, v51;
	_ =	sdelay $0x1  }
0x33b: {  	v56 =	vmul.f32 v60, v41;
	v51 =	vadd.f32 v63, v51;
	_ =	sdelay $0x1  }
0x33c: {  	v57 =	vmul.f32 v62, v42;
	v51 =	vadd.f32 v56, v51;
	_ =	sdelay $0x1  }
0x33d: {  	v51 =	vadd.f32 v57, v51  }
0x33e: {  	s16 =	sor.u32 s18, s22  }
0x33f: {  	s17 =	sor.u32 s18, s23;
	[tilespmem:s16+$0x0] =	vst v51  }
0x340: {  	s19 =	sor.u32 s18, s0;
	v51 =	vld [tilespmem:s17+$0x0]  }
0x341: {  	v58 =	vld [tilespmem:s19+$0x0]  }
0x342: {  	s20 =	sor.u32 s18, s1  }
0x343: {  	v59 =	vld [tilespmem:s20+$0x0]  }
0x344: {  	s21 =	sor.u32 s18, s3  }
0x345: {  	v60 =	vld [tilespmem:s21+$0x0]  }
0x346: {  	s22 =	sor.u32 s18, s6;
	v51 =	vmul.f32 v51, v43;
	v52 =	vmul.f32 v58, v44  }
0x347: {  	v61 =	vld [tilespmem:s22+$0x0]  }
0x348: {  	s23 =	sor.u32 s18, s9;
	v62 =	vmul.f32 v59, v45;
	v51 =	vadd.f32 v52, v51  }
0x349: {  	v63 =	vld [tilespmem:s23+$0x0]  }
0x34a: {  	s26 =	sor.u32 s18, s10;
	v57 =	vmul.f32 v60, v46;
	v51 =	vadd.f32 v62, v51  }
0x34b: {  	v58 =	vld [tilespmem:s26+$0x0]  }
0x34c: {  	s28 =	sor.u32 s18, s12;
	v59 =	vmul.f32 v61, v47;
	v51 =	vadd.f32 v57, v51  }
0x34d: {  	v60 =	vld [tilespmem:s28+$0x0]  }
0x34e: {  	v61 =	vmul.f32 v63, v48;
	v51 =	vadd.f32 v59, v51;
	_ =	sdelay $0x1  }
0x34f: {  	s30 =	rddreg [dreg:$0x12];
	v62 =	vmul.f32 v58, v49;
	v51 =	vadd.f32 v61, v51  }
0x350: {  	p0 =	sne.s32 s30, $0xF  }
.Ltmp1:
0x351: {  	v63 =	vmul.f32 v60, v50;
	v51 =	vadd.f32 v62, v51;
	(pc) =	sbr.rel @p0 .LBB2_5-.Ltmp1, $4  }
0x352: {  	_ = 	snop  }
0x353: {  	s31 =	rddreg [dreg:$0x12];
	v51 =	vadd.f32 v63, v51  }
0x354: {  	s29 =	sor.u32 s18, s25;
	s24 =	rddreg [dreg:$0x11]  }
0x355: {  	s0 =	sadd.s32 $0x1, s31;
	s1 =	sadd.s32 $0x40, s24;
	[tilespmem:s29+$0x0] =	vst v51  }
0x356: {  	s6 =	rddreg [dreg:$0xd]  }
0x357: {  	s6 =	sadd.s32 $0x1, s6  }
0x358: {  	p0 =	sne.s32 s6, $0x80  }
.Ltmp2:
0x359: {  	_ = 	snop;
	(pc) =	sbr.rel @p0 .LBB2_2-.Ltmp2, $4  }
0x35a: {  	s0 =	rddreg [dreg:$0xa]  }
0x35b: {  	s1 =	rddreg [dreg:$0xe];
	s31 =	simm.s32 $0x200  }
0x35c: {  	s2 =	simm.s32 $0x400;
	s3 =	simm.s32 $0x15000;
	s0 =	sadd.s32 s1, s0  }
0x35d: {  	[hbm4b:s0+s31] =	stream.strided.scatter [tilespmem:s3], [sflag:$0x4], $0x1000, s2, s31, $0x38;
	[tilespmem:$0x16000] =	vst v63  }
0x35e: {  	s0 =	simm.s32 $0x3  }
0x35f: {  	_ =	swait.ge [sflag:s0], $0x1000  }
0x360: {  	[sflag:s0] =	ssyncset.done $0x0  }
0x361: {  	s1 =	simm.s32 $0x4;
	[sflag:s0] =	ssyncadd.s32 $0xFFFFF000  }
0x362: {  	_ =	swait.ge [sflag:s1], $0x1000  }
0x363: {  	s2 =	rddreg [dreg:$0xc]  }
0x364: {  	s31 =	rddreg [dreg:$0xb];
	s2 =	sadd.s32 $0x1, s2  }
0x365: {  	p0 =	sne.s32 s2, s31  }
.Ltmp3:
0x366: {  	_ = 	snop;
	(pc) =	sbr.rel @p0 .LBB2_1-.Ltmp3, $3  }
0x367: {  	_ =	sdelay $0x1  }
0x368: {  	[sflag:s1] =	ssyncset.done $0x0  }
0x369: {  	[sflag:s1] =	ssyncadd.s32 $0xFFFFF000  }
0x36a: {  	_ =	sfence.sel $0x180000  }
0x36b: {  	[bflag:$0x0] =	sbarrier.arrive $0xFFFF  }
0x36c: {  	_ =	strace $0x9000004A  }
0x36d: {  	s0 =	stileid.u32;
	[bflag:$0x2] =	sbarrier.arrive $0xFFFF  }
0x36e: {  	p0 =	sne.s32 s0, $0x0;
	s0 =	rddreg [dreg:$0x2]  }
0x36f: {  	s0 =	sadd.s32 @!p0 $0x100000, s0  }
0x370: {  	[sflag:s0] =	ssyncadd.tile.s32 @!p0 $0x1;
	_ =	shalt  }
.Lfunc_end2:
_tile_overlayer_lowered:
.L_overlay_start_2:
0x371: {  	(tag) =	ssettag $0x2  }
0x372: {  	s0 =	rddreg [dreg:$0x0];
	s2 =	stileid.u32  }
0x373: {  	s1 =	rddreg [dreg:$0x1];
	p0 =	sne.s32 s2, $0x0  }
0x374: {  	s3 =	rddreg [dreg:$0x2];
	[bflag:$0x3] =	sbarrier.arrive $0xFFFF;
	s2 =	simm.s32 @!p0 $0x1C05  }
0x375: {  	[timem:s3], [sflag:s2] =	dma.local @!p0 [hbm:s0], s1  }
0x376: {  	s0 =	simm.s32 @!p0 $0x5  }
0x377: {  	_ =	swait.ge @!p0 [sflag:s0], s1  }
0x378: {  	s1 =	ssub.s32 @!p0 $0x0, s1;
	[sflag:s0] =	ssyncset.done @!p0 $0x0  }
0x379: {  	[sflag:s0] =	ssyncadd.s32 @!p0 s1  }
0x37a: {  	[bflag:$0x3] =	sbarrier.arrive $0xFFFF  }
0x37b: {  	_ =	shalt  }

</sc_bundles>
